<compile_context>
chip_gen: v7x
topology: tpu7x:2x2x1
jax: 0.10.2.dev20260603
libtpu: 0.0.44.dev20260713+nightly
codegen_flags: <defaults>
</compile_context>

<pallas_src>
import functools

import jax
import jax.numpy as jnp
from jax import lax
from jax.experimental import pallas as pl
from jax.experimental.pallas import tpu as pltpu
from jax.experimental.pallas import tpu_sc as plsc

_NC = 2
_NS = 16
_NW = _NC * _NS
_LANES = 128
_NBUF = 2


def _make_sc_segment_sum(feat, j_chunks, agg_rows):
  jh = j_chunks // 2
  assert jh % 2 == 0 and jh >= 4
  rows_per_tile = agg_rows // _NS
  n_zero_copies = rows_per_tile // _LANES
  mesh = plsc.VectorSubcoreMesh(core_axis_name="c", subcore_axis_name="s")

  @functools.partial(
      pl.kernel,
      out_type=jax.ShapeDtypeStruct((_NC, agg_rows, feat), jnp.float32),
      mesh=mesh,
      scratch_types=(
          [
              pltpu.VMEM((jh, _LANES), jnp.int32),
              pltpu.VMEM((jh, _LANES), jnp.int32),
              pltpu.VMEM((_LANES, feat), jnp.float32),
              pltpu.VMEM((_LANES, feat), jnp.float32),
              pltpu.VMEM_SHARED((agg_rows, feat), jnp.float32),
          ]
          + [pltpu.SemaphoreType.DMA] * 4
      ),
  )
  def sc_segment_sum(m_hbm, src_hbm, dst_hbm, out_hbm, src_v, dst_v, rows_a,
                     rows_b, agg_sh, *sems):
    rows = (rows_a, rows_b)
    gsem = sems[:2]
    isem = sems[2:]
    c = lax.axis_index("c")
    s = lax.axis_index("s")
    wid = c * _NS + s

    zbuf = rows_a

    def _zrow(i, carry):
      def _zcol(j, carry2):
        zbuf[i, pl.ds(j * 16, 16)] = jnp.zeros((16,), jnp.float32)
        return carry2
      return lax.fori_loop(0, feat // 16, _zcol, carry)
    lax.fori_loop(0, _LANES, _zrow, 0)

    base = s * rows_per_tile
    for t in range(n_zero_copies):
      pltpu.sync_copy(zbuf, agg_sh.at[pl.ds(base + t * _LANES, _LANES)])

    def _idx_copies(half):
      sl = pl.ds(half * jh, jh)
      return (pltpu.async_copy(src_hbm.at[wid].at[sl], src_v, isem[0]),
              pltpu.async_copy(dst_hbm.at[wid].at[sl], dst_v, isem[1]))

    cp0, cp1 = _idx_copies(0)
    cp0.wait()
    cp1.wait()
    plsc.subcore_barrier()

    def _gather_start(j, b):
      pltpu.async_copy(m_hbm.at[src_v.at[j]], rows[b], gsem[b])

    def _gather_wait(b):
      pltpu.make_async_copy(m_hbm.at[pl.ds(0, _LANES)], rows[b],
                            gsem[b]).wait()

    def _scatter(j, b):
      pltpu.sync_copy(rows[b], agg_sh.at[dst_v.at[j]], add=True)

    def _process_half():
      _gather_start(0, 0)

      def _outer(it, carry):
        for b in range(2):
          j = it * 2 + b
          _gather_start(j + 1, 1 - b)
          _gather_wait(b)
          _scatter(j, b)
        return carry
      lax.fori_loop(0, jh // 2 - 1, _outer, 0)

      _gather_start(jh - 1, 1)
      _gather_wait(0)
      _scatter(jh - 2, 0)
      _gather_wait(1)
      _scatter(jh - 1, 1)

    _process_half()
    cp0, cp1 = _idx_copies(1)
    cp0.wait()
    cp1.wait()
    _process_half()
    plsc.subcore_barrier()

    for t in range(n_zero_copies):
      sl = pl.ds(base + t * _LANES, _LANES)
      pltpu.sync_copy(agg_sh.at[sl], out_hbm.at[c].at[sl])

  return sc_segment_sum


def _tc_matmul(h, w, blk):
  n, f = h.shape
  c2 = w.shape[1]

  def body(h_ref, w_ref, o_ref):
    o_ref[...] = jnp.dot(h_ref[...], w_ref[...],
                         preferred_element_type=jnp.float32)

  return pl.pallas_call(
      body,
      grid=(n // blk,),
      in_specs=[
          pl.BlockSpec((blk, f), lambda i: (i, 0)),
          pl.BlockSpec((f, c2), lambda i: (0, 0)),
      ],
      out_specs=pl.BlockSpec((blk, c2), lambda i: (i, 0)),
      out_shape=jax.ShapeDtypeStruct((n, c2), jnp.float32),
  )(h, w)


def _gru_block(p0_ref, p1_ref, h_ref, wih_ref, whh_ref, bih_ref, bhh_ref, c):
  agg = p0_ref[0] + p1_ref[0]
  hh = h_ref[...]
  gi = jnp.dot(agg, wih_ref[...],
               preferred_element_type=jnp.float32) + bih_ref[...]
  gh = jnp.dot(hh, whh_ref[...],
               preferred_element_type=jnp.float32) + bhh_ref[...]
  r = jax.nn.sigmoid(gi[:, :c] + gh[:, :c])
  z = jax.nn.sigmoid(gi[:, c:2 * c] + gh[:, c:2 * c])
  nn = jnp.tanh(gi[:, 2 * c:] + r * gh[:, 2 * c:])
  return (1.0 - z) * nn + z * hh


def _tc_gru_matmul(parts, h, wih_t, whh_t, bih, bhh, w_next, blk):
  n, c = h.shape
  ar = parts.shape[1]
  c2 = w_next.shape[1]

  def body(p0_ref, p1_ref, h_ref, wih_ref, whh_ref, bih_ref, bhh_ref, w_ref,
           oh_ref, om_ref):
    hn = _gru_block(p0_ref, p1_ref, h_ref, wih_ref, whh_ref, bih_ref,
                    bhh_ref, c)
    oh_ref[...] = hn
    om_ref[...] = jnp.dot(hn, w_ref[...], preferred_element_type=jnp.float32)

  return pl.pallas_call(
      body,
      grid=(n // blk,),
      in_specs=[
          pl.BlockSpec((1, blk, c), lambda i: (0, i, 0)),
          pl.BlockSpec((1, blk, c), lambda i: (1, i, 0)),
          pl.BlockSpec((blk, c), lambda i: (i, 0)),
          pl.BlockSpec((c, 3 * c), lambda i: (0, 0)),
          pl.BlockSpec((c, 3 * c), lambda i: (0, 0)),
          pl.BlockSpec((1, 3 * c), lambda i: (0, 0)),
          pl.BlockSpec((1, 3 * c), lambda i: (0, 0)),
          pl.BlockSpec((c, c2), lambda i: (0, 0)),
      ],
      out_specs=[
          pl.BlockSpec((blk, c), lambda i: (i, 0)),
          pl.BlockSpec((blk, c2), lambda i: (i, 0)),
      ],
      out_shape=[
          jax.ShapeDtypeStruct((n, c), jnp.float32),
          jax.ShapeDtypeStruct((n, c2), jnp.float32),
      ],
  )(parts, parts, h, wih_t, whh_t, bih, bhh, w_next)


def _tc_gru_out_logsoftmax(parts, h, wih_t, whh_t, bih, bhh, w_out, blk):
  n, c = h.shape
  k = w_out.shape[1]

  def body(p0_ref, p1_ref, h_ref, wih_ref, whh_ref, bih_ref, bhh_ref, w_ref,
           o_ref):
    hn = _gru_block(p0_ref, p1_ref, h_ref, wih_ref, whh_ref, bih_ref,
                    bhh_ref, c)
    logits = jnp.dot(hn, w_ref[...], preferred_element_type=jnp.float32)
    mx = jnp.max(logits, axis=1, keepdims=True)
    sh = logits - mx
    lse = jnp.log(jnp.sum(jnp.exp(sh), axis=1, keepdims=True))
    o_ref[...] = sh - lse

  return pl.pallas_call(
      body,
      grid=(n // blk,),
      in_specs=[
          pl.BlockSpec((1, blk, c), lambda i: (0, i, 0)),
          pl.BlockSpec((1, blk, c), lambda i: (1, i, 0)),
          pl.BlockSpec((blk, c), lambda i: (i, 0)),
          pl.BlockSpec((c, 3 * c), lambda i: (0, 0)),
          pl.BlockSpec((c, 3 * c), lambda i: (0, 0)),
          pl.BlockSpec((1, 3 * c), lambda i: (0, 0)),
          pl.BlockSpec((1, 3 * c), lambda i: (0, 0)),
          pl.BlockSpec((c, k), lambda i: (0, 0)),
      ],
      out_specs=pl.BlockSpec((blk, k), lambda i: (i, 0)),
      out_shape=jax.ShapeDtypeStruct((n, k), jnp.float32),
  )(parts, parts, h, wih_t, whh_t, bih, bhh, w_out)


def _tc_matmul2(x, w1, w2, blk):
  n, f = x.shape
  c = w1.shape[1]
  c2 = w2.shape[1]

  def body(x_ref, w1_ref, w2_ref, oh_ref, om_ref):
    hh = jnp.dot(x_ref[...], w1_ref[...], preferred_element_type=jnp.float32)
    oh_ref[...] = hh
    om_ref[...] = jnp.dot(hh, w2_ref[...], preferred_element_type=jnp.float32)

  return pl.pallas_call(
      body,
      grid=(n // blk,),
      in_specs=[
          pl.BlockSpec((blk, f), lambda i: (i, 0)),
          pl.BlockSpec((f, c), lambda i: (0, 0)),
          pl.BlockSpec((c, c2), lambda i: (0, 0)),
      ],
      out_specs=[
          pl.BlockSpec((blk, c), lambda i: (i, 0)),
          pl.BlockSpec((blk, c2), lambda i: (i, 0)),
      ],
      out_shape=[
          jax.ShapeDtypeStruct((n, c), jnp.float32),
          jax.ShapeDtypeStruct((n, c2), jnp.float32),
      ],
  )(x, w1, w2)


def _tc_out_logsoftmax(h, w, blk):
  n, c = h.shape
  k = w.shape[1]

  def body(h_ref, w_ref, o_ref):
    logits = jnp.dot(h_ref[...], w_ref[...],
                     preferred_element_type=jnp.float32)
    mx = jnp.max(logits, axis=1, keepdims=True)
    sh = logits - mx
    lse = jnp.log(jnp.sum(jnp.exp(sh), axis=1, keepdims=True))
    o_ref[...] = sh - lse

  return pl.pallas_call(
      body,
      grid=(n // blk,),
      in_specs=[
          pl.BlockSpec((blk, c), lambda i: (i, 0)),
          pl.BlockSpec((c, k), lambda i: (0, 0)),
      ],
      out_specs=pl.BlockSpec((blk, k), lambda i: (i, 0)),
      out_shape=jax.ShapeDtypeStruct((n, k), jnp.float32),
  )(h, w)


def kernel(x, edge_index, weight_in, weight_out, conv_weight, w_ih, w_hh,
           b_ih, b_hh):
  n, f = x.shape
  num_layers = conv_weight.shape[0]
  e = edge_index.shape[1]

  batch = _NW * _LANES * 2 * _NBUF
  ep = ((e + batch - 1) // batch) * batch
  pad = ep - e
  tile_quant = _NS * _LANES
  agg_rows = ((n + 1 + tile_quant - 1) // tile_quant) * tile_quant

  src = jnp.concatenate([edge_index[0], jnp.zeros((pad,), jnp.int32)])
  dst = jnp.concatenate([edge_index[1], jnp.full((pad,), n, jnp.int32)])
  j_chunks = ep // (_NW * _LANES)
  src3 = src.reshape(_NW, j_chunks, _LANES)
  dst3 = dst.reshape(_NW, j_chunks, _LANES)

  sc_segment_sum = _make_sc_segment_sum(f, j_chunks, agg_rows)

  blk = 2000
  wih_t = w_ih.T
  whh_t = w_hh.T
  bih2 = b_ih.reshape(1, -1)
  bhh2 = b_hh.reshape(1, -1)

  h, m = _tc_matmul2(x, weight_in, conv_weight[0], blk)
  for i in range(num_layers - 1):
    parts = sc_segment_sum(m, src3, dst3)
    h, m = _tc_gru_matmul(parts, h, wih_t, whh_t, bih2, bhh2,
                          conv_weight[i + 1], blk)
  parts = sc_segment_sum(m, src3, dst3)
  return _tc_gru_out_logsoftmax(parts, h, wih_t, whh_t, bih2, bhh2,
                                weight_out, blk)

# --- scband reference (transcript-rebuilt; emitter-appended) ---
"""Pipeline reference for scband-ggnn-43568148251382 (READ-ONLY COPY).

The authoritative reference and input builder live on the scoring server;
editing this copy changes nothing except your own understanding.
"""

import jax, jax.numpy as jnp
import numpy as np

N, E, F, C, K, L = 10000, 320000, 128, 128, 128, 3

def _glorot(key, shape):
    fan_in, fan_out = shape[-2], shape[-1]
    limit = float(np.sqrt(6.0 / (fan_in + fan_out)))
    return jax.random.uniform(key, shape, dtype=jnp.float32, minval=-limit, maxval=limit)

def setup_inputs(seed: int = 0):
    key = jax.random.key(seed)
    ks = jax.random.split(key, 9)
    x = jax.random.normal(ks[0], (N, F), dtype=jnp.float32)
    edge_index = jax.random.randint(ks[1], (2, E), 0, N, dtype=jnp.int32)
    weight_in = _glorot(ks[2], (F, C))
    weight_out = _glorot(ks[3], (C, K))
    conv_weight = _glorot(ks[4], (L, C, C))
    s = 1.0 / np.sqrt(C)
    w_ih = jax.random.uniform(ks[5], (3 * C, C), dtype=jnp.float32, minval=-s, maxval=s)
    w_hh = jax.random.uniform(ks[6], (3 * C, C), dtype=jnp.float32, minval=-s, maxval=s)
    b_ih = jax.random.uniform(ks[7], (3 * C,), dtype=jnp.float32, minval=-s, maxval=s)
    b_hh = jax.random.uniform(ks[8], (3 * C,), dtype=jnp.float32, minval=-s, maxval=s)
    return {"x": x, "edge_index": edge_index, "weight_in": weight_in,
            "weight_out": weight_out, "conv_weight": conv_weight,
            "w_ih": w_ih, "w_hh": w_hh, "b_ih": b_ih, "b_hh": b_hh}

def _gru_cell(m, h, w_ih, w_hh, b_ih, b_hh):
    gi = m @ w_ih.T + b_ih
    gh = h @ w_hh.T + b_hh
    i_r, i_z, i_n = jnp.split(gi, 3, axis=1)
    h_r, h_z, h_n = jnp.split(gh, 3, axis=1)
    r = jax.nn.sigmoid(i_r + h_r)
    z = jax.nn.sigmoid(i_z + h_z)
    n = jnp.tanh(i_n + r * h_n)
    return (1.0 - z) * n + z * h

def reference(x, edge_index, weight_in, weight_out, conv_weight, w_ih, w_hh, b_ih, b_hh):
    # input transform
    h = x @ weight_in
    src = edge_index[0]
    dst = edge_index[1]
    num_layers = conv_weight.shape[0]
    # GatedGraphConv: per-layer linear transform, sum-aggregate messages src->dst, GRU update
    for i in range(num_layers):
        m = h @ conv_weight[i]
        agg = jax.ops.segment_sum(jnp.take(m, src, axis=0), dst, num_segments=h.shape[0])
        h = _gru_cell(agg, h, w_ih, w_hh, b_ih, b_hh)
    # output transform
    out = h @ weight_out
    return jax.nn.log_softmax(out, axis=1)

if __name__ == "__main__":
    import jax
    _d = setup_inputs()
    print(jax.jit(kernel)(*tuple(_d.values())))

</pallas_src>

<mosaic_0001>
#map = affine_map<(d0, d1) -> (0, 0)>
#map1 = affine_map<(d0, d1) -> (0, 0, 0)>
module attributes {stable_mosaic.version = 14 : i64} {
  func.func @sc_segment_sum(%arg0: i32, %arg1: i32, %arg2: memref<10000x128xf32, #tpu.memory_space<hbm>>, %arg3: memref<32x80x128xi32, #tpu.memory_space<hbm>>, %arg4: memref<32x80x128xi32, #tpu.memory_space<hbm>>, %arg5: memref<2x10240x128xf32, #tpu.memory_space<hbm>>, %arg6: memref<40x128xi32, #tpu.memory_space<vmem>>, %arg7: memref<40x128xi32, #tpu.memory_space<vmem>>, %arg8: memref<128x128xf32, #tpu.memory_space<vmem>>, %arg9: memref<128x128xf32, #tpu.memory_space<vmem>>, %arg10: memref<10240x128xf32, #tpu.memory_space<vmem_shared>>, %arg11: memref<!tpu.dma_semaphore, #tpu.memory_space<semaphore_mem>>, %arg12: memref<!tpu.dma_semaphore, #tpu.memory_space<semaphore_mem>>, %arg13: memref<!tpu.dma_semaphore, #tpu.memory_space<semaphore_mem>>, %arg14: memref<!tpu.dma_semaphore, #tpu.memory_space<semaphore_mem>>) attributes {dimension_semantics = [#tpu.dimension_semantics<core_parallel>, #tpu.dimension_semantics<subcore_parallel>], iteration_bounds = array<i64: 2, 16>, scalar_prefetch = 0 : i64, scratch_operands = 9 : i64, tpu.core_type = #tpu.core_type<sc_vector_subcore>, window_params = [{transform_indices = #map}, {transform_indices = #map1}, {transform_indices = #map1}, {transform_indices = #map1}]} {
    %mul3A = arith.constant 16 : i32
    %mul3A_0 = arith.muli %arg0, %mul3A : i32
    %add3A = arith.addi %mul3A_0, %arg1 : i32
    %scan3A = arith.constant 0 : i32
    %scan3A_1 = arith.constant 0 : i32
    %scan3A_2 = arith.constant 128 : i32
    %scan3A_3 = arith.addi %scan3A_1, %scan3A_2 : i32
    %scan3A_4 = arith.constant 1 : i32
    scf.for %scan3A_206 = %scan3A_1 to %scan3A_3 step %scan3A_4  : i32 {
      %scan3A_207 = arith.constant 0 : i32
      %scan3A_208 = arith.constant 8 : i32
      %scan3A_209 = arith.addi %scan3A_207, %scan3A_208 : i32
      %scan3A_210 = arith.constant 1 : i32
      scf.for %scan3A_212 = %scan3A_207 to %scan3A_209 step %scan3A_210  : i32 {
        %broadcast_in_dim3A = arith.constant 0.000000e+00 : f32
        %broadcast_in_dim3A_213 = vector.broadcast %broadcast_in_dim3A : f32 to vector<16xf32>
        %mul3A_214 = arith.constant 16 : i32
        %mul3A_215 = arith.muli %scan3A_212, %mul3A_214 : i32
        %swap3A = arith.index_cast %scan3A_206 : i32 to index
        %swap3A_216 = arith.index_cast %mul3A_215 : i32 to index
        %swap3A_217 = tpu.vector_load %arg8[%swap3A, %swap3A_216] {strides = array<i32>} : memref<128x128xf32, #tpu.memory_space<vmem>>, vector<1x16xf32>,
        %swap3A_218 = vector.shape_cast %swap3A_217 : vector<1x16xf32> to vector<16xf32>
        %swap3A_219 = vector.shape_cast %broadcast_in_dim3A_213 : vector<16xf32> to vector<1x16xf32>
        tpu.vector_store %arg8[%swap3A, %swap3A_216], %swap3A_219 {strides = array<i32>} : memref<128x128xf32, #tpu.memory_space<vmem>>, vector<1x16xf32>,
      }
      %scan3A_211 = arith.constant 8 : i32
    }
    %scan3A_5 = arith.constant 128 : i32
    %mul3A_6 = arith.constant 640 : i32
    %mul3A_7 = arith.muli %arg1, %mul3A_6 : i32
    %add3A_8 = arith.constant 0 : i32
    %add3A_9 = arith.addi %mul3A_7, %add3A_8 : i32
    "tpu.region"() ({
      %run_scoped3A_206 = tpu.sem_alloc : memref<!tpu.dma_semaphore, #tpu.memory_space<semaphore_mem>>
      %dma_start3A_207 = arith.constant 0 : i32
      %dma_start3A_208 = tpu.memref_slice %arg10[%add3A_9, %dma_start3A_207] : memref<10240x128xf32, #tpu.memory_space<vmem_shared>> -> memref<128x128xf32, #tpu.memory_space<vmem_shared>>
      %dma_start3A_209 = arith.constant 0 : i32
      %dma_start3A_210 = tpu.memref_slice %arg10[%add3A_9, %dma_start3A_209] : memref<10240x128xf32, #tpu.memory_space<vmem_shared>> -> memref<128x128xf32, #tpu.memory_space<vmem_shared>>
      tpu.enqueue_dma source(%arg8 : memref<128x128xf32, #tpu.memory_space<vmem>>) target(%dma_start3A_210 : memref<128x128xf32, #tpu.memory_space<vmem_shared>>) target_semaphore(%run_scoped3A_206 : memref<!tpu.dma_semaphore, #tpu.memory_space<semaphore_mem>>)
      %dma_wait3A_211 = arith.constant 0 : i32
      %dma_wait3A_212 = tpu.memref_slice %arg10[%add3A_9, %dma_wait3A_211] : memref<10240x128xf32, #tpu.memory_space<vmem_shared>> -> memref<128x128xf32, #tpu.memory_space<vmem_shared>>
      %dma_wait3A_213 = arith.constant 0 : i32
      %dma_wait3A_214 = tpu.memref_slice %arg10[%add3A_9, %dma_wait3A_213] : memref<10240x128xf32, #tpu.memory_space<vmem_shared>> -> memref<128x128xf32, #tpu.memory_space<vmem_shared>>
      tpu.wait_dma2 semaphore(%run_scoped3A_206 : memref<!tpu.dma_semaphore, #tpu.memory_space<semaphore_mem>>) src(%arg8 : memref<128x128xf32, #tpu.memory_space<vmem>>) dst(%dma_wait3A_214 : memref<128x128xf32, #tpu.memory_space<vmem_shared>>)
      tpu.yield
    }) : () -> ()
    %add3A_10 = arith.constant 128 : i32
    %add3A_11 = arith.addi %mul3A_7, %add3A_10 : i32
    "tpu.region"() ({
      %run_scoped3A_206 = tpu.sem_alloc : memref<!tpu.dma_semaphore, #tpu.memory_space<semaphore_mem>>
      %dma_start3A_207 = arith.constant 0 : i32
      %dma_start3A_208 = tpu.memref_slice %arg10[%add3A_11, %dma_start3A_207] : memref<10240x128xf32, #tpu.memory_space<vmem_shared>> -> memref<128x128xf32, #tpu.memory_space<vmem_shared>>
      %dma_start3A_209 = arith.constant 0 : i32
      %dma_start3A_210 = tpu.memref_slice %arg10[%add3A_11, %dma_start3A_209] : memref<10240x128xf32, #tpu.memory_space<vmem_shared>> -> memref<128x128xf32, #tpu.memory_space<vmem_shared>>
      tpu.enqueue_dma source(%arg8 : memref<128x128xf32, #tpu.memory_space<vmem>>) target(%dma_start3A_210 : memref<128x128xf32, #tpu.memory_space<vmem_shared>>) target_semaphore(%run_scoped3A_206 : memref<!tpu.dma_semaphore, #tpu.memory_space<semaphore_mem>>)
      %dma_wait3A_211 = arith.constant 0 : i32
      %dma_wait3A_212 = tpu.memref_slice %arg10[%add3A_11, %dma_wait3A_211] : memref<10240x128xf32, #tpu.memory_space<vmem_shared>> -> memref<128x128xf32, #tpu.memory_space<vmem_shared>>
      %dma_wait3A_213 = arith.constant 0 : i32
      %dma_wait3A_214 = tpu.memref_slice %arg10[%add3A_11, %dma_wait3A_213] : memref<10240x128xf32, #tpu.memory_space<vmem_shared>> -> memref<128x128xf32, #tpu.memory_space<vmem_shared>>
      tpu.wait_dma2 semaphore(%run_scoped3A_206 : memref<!tpu.dma_semaphore, #tpu.memory_space<semaphore_mem>>) src(%arg8 : memref<128x128xf32, #tpu.memory_space<vmem>>) dst(%dma_wait3A_214 : memref<128x128xf32, #tpu.memory_space<vmem_shared>>)
      tpu.yield
    }) : () -> ()
    %add3A_12 = arith.constant 256 : i32
    %add3A_13 = arith.addi %mul3A_7, %add3A_12 : i32
    "tpu.region"() ({
      %run_scoped3A_206 = tpu.sem_alloc : memref<!tpu.dma_semaphore, #tpu.memory_space<semaphore_mem>>
      %dma_start3A_207 = arith.constant 0 : i32
      %dma_start3A_208 = tpu.memref_slice %arg10[%add3A_13, %dma_start3A_207] : memref<10240x128xf32, #tpu.memory_space<vmem_shared>> -> memref<128x128xf32, #tpu.memory_space<vmem_shared>>
      %dma_start3A_209 = arith.constant 0 : i32
      %dma_start3A_210 = tpu.memref_slice %arg10[%add3A_13, %dma_start3A_209] : memref<10240x128xf32, #tpu.memory_space<vmem_shared>> -> memref<128x128xf32, #tpu.memory_space<vmem_shared>>
      tpu.enqueue_dma source(%arg8 : memref<128x128xf32, #tpu.memory_space<vmem>>) target(%dma_start3A_210 : memref<128x128xf32, #tpu.memory_space<vmem_shared>>) target_semaphore(%run_scoped3A_206 : memref<!tpu.dma_semaphore, #tpu.memory_space<semaphore_mem>>)
      %dma_wait3A_211 = arith.constant 0 : i32
      %dma_wait3A_212 = tpu.memref_slice %arg10[%add3A_13, %dma_wait3A_211] : memref<10240x128xf32, #tpu.memory_space<vmem_shared>> -> memref<128x128xf32, #tpu.memory_space<vmem_shared>>
      %dma_wait3A_213 = arith.constant 0 : i32
      %dma_wait3A_214 = tpu.memref_slice %arg10[%add3A_13, %dma_wait3A_213] : memref<10240x128xf32, #tpu.memory_space<vmem_shared>> -> memref<128x128xf32, #tpu.memory_space<vmem_shared>>
      tpu.wait_dma2 semaphore(%run_scoped3A_206 : memref<!tpu.dma_semaphore, #tpu.memory_space<semaphore_mem>>) src(%arg8 : memref<128x128xf32, #tpu.memory_space<vmem>>) dst(%dma_wait3A_214 : memref<128x128xf32, #tpu.memory_space<vmem_shared>>)
      tpu.yield
    }) : () -> ()
    %add3A_14 = arith.constant 384 : i32
    %add3A_15 = arith.addi %mul3A_7, %add3A_14 : i32
    "tpu.region"() ({
      %run_scoped3A_206 = tpu.sem_alloc : memref<!tpu.dma_semaphore, #tpu.memory_space<semaphore_mem>>
      %dma_start3A_207 = arith.constant 0 : i32
      %dma_start3A_208 = tpu.memref_slice %arg10[%add3A_15, %dma_start3A_207] : memref<10240x128xf32, #tpu.memory_space<vmem_shared>> -> memref<128x128xf32, #tpu.memory_space<vmem_shared>>
      %dma_start3A_209 = arith.constant 0 : i32
      %dma_start3A_210 = tpu.memref_slice %arg10[%add3A_15, %dma_start3A_209] : memref<10240x128xf32, #tpu.memory_space<vmem_shared>> -> memref<128x128xf32, #tpu.memory_space<vmem_shared>>
      tpu.enqueue_dma source(%arg8 : memref<128x128xf32, #tpu.memory_space<vmem>>) target(%dma_start3A_210 : memref<128x128xf32, #tpu.memory_space<vmem_shared>>) target_semaphore(%run_scoped3A_206 : memref<!tpu.dma_semaphore, #tpu.memory_space<semaphore_mem>>)
      %dma_wait3A_211 = arith.constant 0 : i32
      %dma_wait3A_212 = tpu.memref_slice %arg10[%add3A_15, %dma_wait3A_211] : memref<10240x128xf32, #tpu.memory_space<vmem_shared>> -> memref<128x128xf32, #tpu.memory_space<vmem_shared>>
      %dma_wait3A_213 = arith.constant 0 : i32
      %dma_wait3A_214 = tpu.memref_slice %arg10[%add3A_15, %dma_wait3A_213] : memref<10240x128xf32, #tpu.memory_space<vmem_shared>> -> memref<128x128xf32, #tpu.memory_space<vmem_shared>>
      tpu.wait_dma2 semaphore(%run_scoped3A_206 : memref<!tpu.dma_semaphore, #tpu.memory_space<semaphore_mem>>) src(%arg8 : memref<128x128xf32, #tpu.memory_space<vmem>>) dst(%dma_wait3A_214 : memref<128x128xf32, #tpu.memory_space<vmem_shared>>)
      tpu.yield
    }) : () -> ()
    %add3A_16 = arith.constant 512 : i32
    %add3A_17 = arith.addi %mul3A_7, %add3A_16 : i32
    "tpu.region"() ({
      %run_scoped3A_206 = tpu.sem_alloc : memref<!tpu.dma_semaphore, #tpu.memory_space<semaphore_mem>>
      %dma_start3A_207 = arith.constant 0 : i32
      %dma_start3A_208 = tpu.memref_slice %arg10[%add3A_17, %dma_start3A_207] : memref<10240x128xf32, #tpu.memory_space<vmem_shared>> -> memref<128x128xf32, #tpu.memory_space<vmem_shared>>
      %dma_start3A_209 = arith.constant 0 : i32
      %dma_start3A_210 = tpu.memref_slice %arg10[%add3A_17, %dma_start3A_209] : memref<10240x128xf32, #tpu.memory_space<vmem_shared>> -> memref<128x128xf32, #tpu.memory_space<vmem_shared>>
      tpu.enqueue_dma source(%arg8 : memref<128x128xf32, #tpu.memory_space<vmem>>) target(%dma_start3A_210 : memref<128x128xf32, #tpu.memory_space<vmem_shared>>) target_semaphore(%run_scoped3A_206 : memref<!tpu.dma_semaphore, #tpu.memory_space<semaphore_mem>>)
      %dma_wait3A_211 = arith.constant 0 : i32
      %dma_wait3A_212 = tpu.memref_slice %arg10[%add3A_17, %dma_wait3A_211] : memref<10240x128xf32, #tpu.memory_space<vmem_shared>> -> memref<128x128xf32, #tpu.memory_space<vmem_shared>>
      %dma_wait3A_213 = arith.constant 0 : i32
      %dma_wait3A_214 = tpu.memref_slice %arg10[%add3A_17, %dma_wait3A_213] : memref<10240x128xf32, #tpu.memory_space<vmem_shared>> -> memref<128x128xf32, #tpu.memory_space<vmem_shared>>
      tpu.wait_dma2 semaphore(%run_scoped3A_206 : memref<!tpu.dma_semaphore, #tpu.memory_space<semaphore_mem>>) src(%arg8 : memref<128x128xf32, #tpu.memory_space<vmem>>) dst(%dma_wait3A_214 : memref<128x128xf32, #tpu.memory_space<vmem_shared>>)
      tpu.yield
    }) : () -> ()
    %dma_start3A = arith.constant 0 : i32
    %dma_start3A_18 = arith.constant 0 : i32
    %dma_start3A_19 = tpu.memref_slice %arg3[%add3A, %dma_start3A, %dma_start3A_18] : memref<32x80x128xi32, #tpu.memory_space<hbm>> -> memref<1x80x128xi32, #tpu.memory_space<hbm>>
    %dma_start3A_20 = tpu.memref_squeeze %dma_start3A_19 : memref<1x80x128xi32, #tpu.memory_space<hbm>> -> memref<80x128xi32, #tpu.memory_space<hbm>>
    %dma_start3A_21 = arith.constant 0 : i32
    %dma_start3A_22 = arith.constant 0 : i32
    %dma_start3A_23 = tpu.memref_slice %dma_start3A_20[%dma_start3A_21, %dma_start3A_22] : memref<80x128xi32, #tpu.memory_space<hbm>> -> memref<40x128xi32, #tpu.memory_space<hbm>>
    %dma_start3A_24 = arith.constant 0 : i32
    %dma_start3A_25 = arith.constant 0 : i32
    %dma_start3A_26 = tpu.memref_slice %arg3[%add3A, %dma_start3A_24, %dma_start3A_25] : memref<32x80x128xi32, #tpu.memory_space<hbm>> -> memref<1x80x128xi32, #tpu.memory_space<hbm>>
    %dma_start3A_27 = tpu.memref_squeeze %dma_start3A_26 : memref<1x80x128xi32, #tpu.memory_space<hbm>> -> memref<80x128xi32, #tpu.memory_space<hbm>>
    %dma_start3A_28 = arith.constant 0 : i32
    %dma_start3A_29 = arith.constant 0 : i32
    %dma_start3A_30 = tpu.memref_slice %dma_start3A_27[%dma_start3A_28, %dma_start3A_29] : memref<80x128xi32, #tpu.memory_space<hbm>> -> memref<40x128xi32, #tpu.memory_space<hbm>>
    tpu.enqueue_dma source(%dma_start3A_30 : memref<40x128xi32, #tpu.memory_space<hbm>>) target(%arg6 : memref<40x128xi32, #tpu.memory_space<vmem>>) target_semaphore(%arg13 : memref<!tpu.dma_semaphore, #tpu.memory_space<semaphore_mem>>)
    %dma_start3A_31 = arith.constant 0 : i32
    %dma_start3A_32 = arith.constant 0 : i32
    %dma_start3A_33 = tpu.memref_slice %arg4[%add3A, %dma_start3A_31, %dma_start3A_32] : memref<32x80x128xi32, #tpu.memory_space<hbm>> -> memref<1x80x128xi32, #tpu.memory_space<hbm>>
    %dma_start3A_34 = tpu.memref_squeeze %dma_start3A_33 : memref<1x80x128xi32, #tpu.memory_space<hbm>> -> memref<80x128xi32, #tpu.memory_space<hbm>>
    %dma_start3A_35 = arith.constant 0 : i32
    %dma_start3A_36 = arith.constant 0 : i32
    %dma_start3A_37 = tpu.memref_slice %dma_start3A_34[%dma_start3A_35, %dma_start3A_36] : memref<80x128xi32, #tpu.memory_space<hbm>> -> memref<40x128xi32, #tpu.memory_space<hbm>>
    %dma_start3A_38 = arith.constant 0 : i32
    %dma_start3A_39 = arith.constant 0 : i32
    %dma_start3A_40 = tpu.memref_slice %arg4[%add3A, %dma_start3A_38, %dma_start3A_39] : memref<32x80x128xi32, #tpu.memory_space<hbm>> -> memref<1x80x128xi32, #tpu.memory_space<hbm>>
    %dma_start3A_41 = tpu.memref_squeeze %dma_start3A_40 : memref<1x80x128xi32, #tpu.memory_space<hbm>> -> memref<80x128xi32, #tpu.memory_space<hbm>>
    %dma_start3A_42 = arith.constant 0 : i32
    %dma_start3A_43 = arith.constant 0 : i32
    %dma_start3A_44 = tpu.memref_slice %dma_start3A_41[%dma_start3A_42, %dma_start3A_43] : memref<80x128xi32, #tpu.memory_space<hbm>> -> memref<40x128xi32, #tpu.memory_space<hbm>>
    tpu.enqueue_dma source(%dma_start3A_44 : memref<40x128xi32, #tpu.memory_space<hbm>>) target(%arg7 : memref<40x128xi32, #tpu.memory_space<vmem>>) target_semaphore(%arg14 : memref<!tpu.dma_semaphore, #tpu.memory_space<semaphore_mem>>)
    %dma_wait3A = arith.constant 0 : i32
    %dma_wait3A_45 = arith.constant 0 : i32
    %dma_wait3A_46 = tpu.memref_slice %arg3[%add3A, %dma_wait3A, %dma_wait3A_45] : memref<32x80x128xi32, #tpu.memory_space<hbm>> -> memref<1x80x128xi32, #tpu.memory_space<hbm>>
    %dma_wait3A_47 = tpu.memref_squeeze %dma_wait3A_46 : memref<1x80x128xi32, #tpu.memory_space<hbm>> -> memref<80x128xi32, #tpu.memory_space<hbm>>
    %dma_wait3A_48 = arith.constant 0 : i32
    %dma_wait3A_49 = arith.constant 0 : i32
    %dma_wait3A_50 = tpu.memref_slice %dma_wait3A_47[%dma_wait3A_48, %dma_wait3A_49] : memref<80x128xi32, #tpu.memory_space<hbm>> -> memref<40x128xi32, #tpu.memory_space<hbm>>
    %dma_wait3A_51 = arith.constant 0 : i32
    %dma_wait3A_52 = arith.constant 0 : i32
    %dma_wait3A_53 = tpu.memref_slice %arg3[%add3A, %dma_wait3A_51, %dma_wait3A_52] : memref<32x80x128xi32, #tpu.memory_space<hbm>> -> memref<1x80x128xi32, #tpu.memory_space<hbm>>
    %dma_wait3A_54 = tpu.memref_squeeze %dma_wait3A_53 : memref<1x80x128xi32, #tpu.memory_space<hbm>> -> memref<80x128xi32, #tpu.memory_space<hbm>>
    %dma_wait3A_55 = arith.constant 0 : i32
    %dma_wait3A_56 = arith.constant 0 : i32
    %dma_wait3A_57 = tpu.memref_slice %dma_wait3A_54[%dma_wait3A_55, %dma_wait3A_56] : memref<80x128xi32, #tpu.memory_space<hbm>> -> memref<40x128xi32, #tpu.memory_space<hbm>>
    tpu.wait_dma2 semaphore(%arg13 : memref<!tpu.dma_semaphore, #tpu.memory_space<semaphore_mem>>) src(%dma_wait3A_57 : memref<40x128xi32, #tpu.memory_space<hbm>>) dst(%arg6 : memref<40x128xi32, #tpu.memory_space<vmem>>)
    %dma_wait3A_58 = arith.constant 0 : i32
    %dma_wait3A_59 = arith.constant 0 : i32
    %dma_wait3A_60 = tpu.memref_slice %arg4[%add3A, %dma_wait3A_58, %dma_wait3A_59] : memref<32x80x128xi32, #tpu.memory_space<hbm>> -> memref<1x80x128xi32, #tpu.memory_space<hbm>>
    %dma_wait3A_61 = tpu.memref_squeeze %dma_wait3A_60 : memref<1x80x128xi32, #tpu.memory_space<hbm>> -> memref<80x128xi32, #tpu.memory_space<hbm>>
    %dma_wait3A_62 = arith.constant 0 : i32
    %dma_wait3A_63 = arith.constant 0 : i32
    %dma_wait3A_64 = tpu.memref_slice %dma_wait3A_61[%dma_wait3A_62, %dma_wait3A_63] : memref<80x128xi32, #tpu.memory_space<hbm>> -> memref<40x128xi32, #tpu.memory_space<hbm>>
    %dma_wait3A_65 = arith.constant 0 : i32
    %dma_wait3A_66 = arith.constant 0 : i32
    %dma_wait3A_67 = tpu.memref_slice %arg4[%add3A, %dma_wait3A_65, %dma_wait3A_66] : memref<32x80x128xi32, #tpu.memory_space<hbm>> -> memref<1x80x128xi32, #tpu.memory_space<hbm>>
    %dma_wait3A_68 = tpu.memref_squeeze %dma_wait3A_67 : memref<1x80x128xi32, #tpu.memory_space<hbm>> -> memref<80x128xi32, #tpu.memory_space<hbm>>
    %dma_wait3A_69 = arith.constant 0 : i32
    %dma_wait3A_70 = arith.constant 0 : i32
    %dma_wait3A_71 = tpu.memref_slice %dma_wait3A_68[%dma_wait3A_69, %dma_wait3A_70] : memref<80x128xi32, #tpu.memory_space<hbm>> -> memref<40x128xi32, #tpu.memory_space<hbm>>
    tpu.wait_dma2 semaphore(%arg14 : memref<!tpu.dma_semaphore, #tpu.memory_space<semaphore_mem>>) src(%dma_wait3A_71 : memref<40x128xi32, #tpu.memory_space<hbm>>) dst(%arg7 : memref<40x128xi32, #tpu.memory_space<vmem>>)
    %barrier3A = arith.constant 0 : index
    tpu.barrier barrier_id(%barrier3A)
    %dma_start3A_72 = arith.constant 0 : i32
    %dma_start3A_73 = arith.constant 0 : i32
    %dma_start3A_74 = tpu.memref_slice %arg6[%dma_start3A_72, %dma_start3A_73] : memref<40x128xi32, #tpu.memory_space<vmem>> -> memref<1x128xi32, #tpu.memory_space<vmem>>
    %dma_start3A_75 = tpu.memref_squeeze %dma_start3A_74 : memref<1x128xi32, #tpu.memory_space<vmem>> -> memref<128xi32, #tpu.memory_space<vmem>>
    %dma_start3A_76 = arith.constant 0 : i32
    %dma_start3A_77 = arith.constant 0 : i32
    %dma_start3A_78 = tpu.memref_slice %arg2[%dma_start3A_76, %dma_start3A_77] : memref<10000x128xf32, #tpu.memory_space<hbm>> -> memref<10000x128xf32, #tpu.memory_space<hbm>>
    tpu.enqueue_indirect_dma source(%dma_start3A_78 : memref<10000x128xf32, #tpu.memory_space<hbm>>) target(%arg8 : memref<128x128xf32, #tpu.memory_space<vmem>>) offsets(%dma_start3A_75 : memref<128xi32, #tpu.memory_space<vmem>>) semaphore(%arg11 : memref<!tpu.dma_semaphore, #tpu.memory_space<semaphore_mem>>)
    %scan3A_79 = arith.constant 0 : i32
    %scan3A_80 = arith.constant 0 : i32
    %scan3A_81 = arith.constant 19 : i32
    %scan3A_82 = arith.addi %scan3A_80, %scan3A_81 : i32
    %scan3A_83 = arith.constant 1 : i32
    scf.for %scan3A_206 = %scan3A_80 to %scan3A_82 step %scan3A_83  : i32 {
      %mul3A_207 = arith.constant 2 : i32
      %mul3A_208 = arith.muli %scan3A_206, %mul3A_207 : i32
      %add3A_209 = arith.constant 0 : i32
      %add3A_210 = arith.addi %mul3A_208, %add3A_209 : i32
      %add3A_211 = arith.constant 1 : i32
      %add3A_212 = arith.addi %add3A_210, %add3A_211 : i32
      %dma_start3A_213 = arith.constant 0 : i32
      %dma_start3A_214 = tpu.memref_slice %arg6[%add3A_212, %dma_start3A_213] : memref<40x128xi32, #tpu.memory_space<vmem>> -> memref<1x128xi32, #tpu.memory_space<vmem>>
      %dma_start3A_215 = tpu.memref_squeeze %dma_start3A_214 : memref<1x128xi32, #tpu.memory_space<vmem>> -> memref<128xi32, #tpu.memory_space<vmem>>
      %dma_start3A_216 = arith.constant 0 : i32
      %dma_start3A_217 = arith.constant 0 : i32
      %dma_start3A_218 = tpu.memref_slice %arg2[%dma_start3A_216, %dma_start3A_217] : memref<10000x128xf32, #tpu.memory_space<hbm>> -> memref<10000x128xf32, #tpu.memory_space<hbm>>
      tpu.enqueue_indirect_dma source(%dma_start3A_218 : memref<10000x128xf32, #tpu.memory_space<hbm>>) target(%arg9 : memref<128x128xf32, #tpu.memory_space<vmem>>) offsets(%dma_start3A_215 : memref<128xi32, #tpu.memory_space<vmem>>) semaphore(%arg12 : memref<!tpu.dma_semaphore, #tpu.memory_space<semaphore_mem>>)
      %dma_wait3A_219 = arith.constant 0 : i32
      %dma_wait3A_220 = arith.constant 0 : i32
      %dma_wait3A_221 = tpu.memref_slice %arg2[%dma_wait3A_219, %dma_wait3A_220] : memref<10000x128xf32, #tpu.memory_space<hbm>> -> memref<128x128xf32, #tpu.memory_space<hbm>>
      %dma_wait3A_222 = arith.constant 0 : i32
      %dma_wait3A_223 = arith.constant 0 : i32
      %dma_wait3A_224 = tpu.memref_slice %arg2[%dma_wait3A_222, %dma_wait3A_223] : memref<10000x128xf32, #tpu.memory_space<hbm>> -> memref<128x128xf32, #tpu.memory_space<hbm>>
      tpu.wait_dma2 semaphore(%arg11 : memref<!tpu.dma_semaphore, #tpu.memory_space<semaphore_mem>>) src(%dma_wait3A_224 : memref<128x128xf32, #tpu.memory_space<hbm>>) dst(%arg8 : memref<128x128xf32, #tpu.memory_space<vmem>>)
      "tpu.region"() ({
        %run_scoped3A_243 = tpu.sem_alloc : memref<!tpu.dma_semaphore, #tpu.memory_space<semaphore_mem>>
        %dma_start3A_244 = arith.constant 0 : i32
        %dma_start3A_245 = tpu.memref_slice %arg7[%add3A_210, %dma_start3A_244] : memref<40x128xi32, #tpu.memory_space<vmem>> -> memref<1x128xi32, #tpu.memory_space<vmem>>
        %dma_start3A_246 = tpu.memref_squeeze %dma_start3A_245 : memref<1x128xi32, #tpu.memory_space<vmem>> -> memref<128xi32, #tpu.memory_space<vmem>>
        %dma_start3A_247 = arith.constant 0 : i32
        %dma_start3A_248 = arith.constant 0 : i32
        %dma_start3A_249 = tpu.memref_slice %arg10[%dma_start3A_247, %dma_start3A_248] : memref<10240x128xf32, #tpu.memory_space<vmem_shared>> -> memref<10240x128xf32, #tpu.memory_space<vmem_shared>>
        tpu.enqueue_indirect_dma source(%arg8 : memref<128x128xf32, #tpu.memory_space<vmem>>) target(%dma_start3A_249 : memref<10240x128xf32, #tpu.memory_space<vmem_shared>>) offsets(%dma_start3A_246 : memref<128xi32, #tpu.memory_space<vmem>>) semaphore(%run_scoped3A_243 : memref<!tpu.dma_semaphore, #tpu.memory_space<semaphore_mem>>) {add = true}
        %dma_wait3A_250 = arith.constant 0 : i32
        %dma_wait3A_251 = tpu.memref_slice %arg7[%add3A_210, %dma_wait3A_250] : memref<40x128xi32, #tpu.memory_space<vmem>> -> memref<1x128xi32, #tpu.memory_space<vmem>>
        %dma_wait3A_252 = tpu.memref_squeeze %dma_wait3A_251 : memref<1x128xi32, #tpu.memory_space<vmem>> -> memref<128xi32, #tpu.memory_space<vmem>>
        %dma_wait3A_253 = arith.constant 0 : i32
        %dma_wait3A_254 = arith.constant 0 : i32
        %dma_wait3A_255 = tpu.memref_slice %arg10[%dma_wait3A_253, %dma_wait3A_254] : memref<10240x128xf32, #tpu.memory_space<vmem_shared>> -> memref<10240x128xf32, #tpu.memory_space<vmem_shared>>
        tpu.wait_indirect_dma semaphore(%run_scoped3A_243 : memref<!tpu.dma_semaphore, #tpu.memory_space<semaphore_mem>>) src(%arg8 : memref<128x128xf32, #tpu.memory_space<vmem>>) dst(%dma_wait3A_255 : memref<10240x128xf32, #tpu.memory_space<vmem_shared>>)
        tpu.yield
      }) : () -> ()
      %mul3A_225 = arith.constant 2 : i32
      %mul3A_226 = arith.muli %scan3A_206, %mul3A_225 : i32
      %add3A_227 = arith.constant 1 : i32
      %add3A_228 = arith.addi %mul3A_226, %add3A_227 : i32
      %add3A_229 = arith.constant 1 : i32
      %add3A_230 = arith.addi %add3A_228, %add3A_229 : i32
      %dma_start3A_231 = arith.constant 0 : i32
      %dma_start3A_232 = tpu.memref_slice %arg6[%add3A_230, %dma_start3A_231] : memref<40x128xi32, #tpu.memory_space<vmem>> -> memref<1x128xi32, #tpu.memory_space<vmem>>
      %dma_start3A_233 = tpu.memref_squeeze %dma_start3A_232 : memref<1x128xi32, #tpu.memory_space<vmem>> -> memref<128xi32, #tpu.memory_space<vmem>>
      %dma_start3A_234 = arith.constant 0 : i32
      %dma_start3A_235 = arith.constant 0 : i32
      %dma_start3A_236 = tpu.memref_slice %arg2[%dma_start3A_234, %dma_start3A_235] : memref<10000x128xf32, #tpu.memory_space<hbm>> -> memref<10000x128xf32, #tpu.memory_space<hbm>>
      tpu.enqueue_indirect_dma source(%dma_start3A_236 : memref<10000x128xf32, #tpu.memory_space<hbm>>) target(%arg8 : memref<128x128xf32, #tpu.memory_space<vmem>>) offsets(%dma_start3A_233 : memref<128xi32, #tpu.memory_space<vmem>>) semaphore(%arg11 : memref<!tpu.dma_semaphore, #tpu.memory_space<semaphore_mem>>)
      %dma_wait3A_237 = arith.constant 0 : i32
      %dma_wait3A_238 = arith.constant 0 : i32
      %dma_wait3A_239 = tpu.memref_slice %arg2[%dma_wait3A_237, %dma_wait3A_238] : memref<10000x128xf32, #tpu.memory_space<hbm>> -> memref<128x128xf32, #tpu.memory_space<hbm>>
      %dma_wait3A_240 = arith.constant 0 : i32
      %dma_wait3A_241 = arith.constant 0 : i32
      %dma_wait3A_242 = tpu.memref_slice %arg2[%dma_wait3A_240, %dma_wait3A_241] : memref<10000x128xf32, #tpu.memory_space<hbm>> -> memref<128x128xf32, #tpu.memory_space<hbm>>
      tpu.wait_dma2 semaphore(%arg12 : memref<!tpu.dma_semaphore, #tpu.memory_space<semaphore_mem>>) src(%dma_wait3A_242 : memref<128x128xf32, #tpu.memory_space<hbm>>) dst(%arg9 : memref<128x128xf32, #tpu.memory_space<vmem>>)
      "tpu.region"() ({
        %run_scoped3A_243 = tpu.sem_alloc : memref<!tpu.dma_semaphore, #tpu.memory_space<semaphore_mem>>
        %dma_start3A_244 = arith.constant 0 : i32
        %dma_start3A_245 = tpu.memref_slice %arg7[%add3A_228, %dma_start3A_244] : memref<40x128xi32, #tpu.memory_space<vmem>> -> memref<1x128xi32, #tpu.memory_space<vmem>>
        %dma_start3A_246 = tpu.memref_squeeze %dma_start3A_245 : memref<1x128xi32, #tpu.memory_space<vmem>> -> memref<128xi32, #tpu.memory_space<vmem>>
        %dma_start3A_247 = arith.constant 0 : i32
        %dma_start3A_248 = arith.constant 0 : i32
        %dma_start3A_249 = tpu.memref_slice %arg10[%dma_start3A_247, %dma_start3A_248] : memref<10240x128xf32, #tpu.memory_space<vmem_shared>> -> memref<10240x128xf32, #tpu.memory_space<vmem_shared>>
        tpu.enqueue_indirect_dma source(%arg9 : memref<128x128xf32, #tpu.memory_space<vmem>>) target(%dma_start3A_249 : memref<10240x128xf32, #tpu.memory_space<vmem_shared>>) offsets(%dma_start3A_246 : memref<128xi32, #tpu.memory_space<vmem>>) semaphore(%run_scoped3A_243 : memref<!tpu.dma_semaphore, #tpu.memory_space<semaphore_mem>>) {add = true}
        %dma_wait3A_250 = arith.constant 0 : i32
        %dma_wait3A_251 = tpu.memref_slice %arg7[%add3A_228, %dma_wait3A_250] : memref<40x128xi32, #tpu.memory_space<vmem>> -> memref<1x128xi32, #tpu.memory_space<vmem>>
        %dma_wait3A_252 = tpu.memref_squeeze %dma_wait3A_251 : memref<1x128xi32, #tpu.memory_space<vmem>> -> memref<128xi32, #tpu.memory_space<vmem>>
        %dma_wait3A_253 = arith.constant 0 : i32
        %dma_wait3A_254 = arith.constant 0 : i32
        %dma_wait3A_255 = tpu.memref_slice %arg10[%dma_wait3A_253, %dma_wait3A_254] : memref<10240x128xf32, #tpu.memory_space<vmem_shared>> -> memref<10240x128xf32, #tpu.memory_space<vmem_shared>>
        tpu.wait_indirect_dma semaphore(%run_scoped3A_243 : memref<!tpu.dma_semaphore, #tpu.memory_space<semaphore_mem>>) src(%arg9 : memref<128x128xf32, #tpu.memory_space<vmem>>) dst(%dma_wait3A_255 : memref<10240x128xf32, #tpu.memory_space<vmem_shared>>)
        tpu.yield
      }) : () -> ()
    }
    %scan3A_84 = arith.constant 19 : i32
    %dma_start3A_85 = arith.constant 39 : i32
    %dma_start3A_86 = arith.constant 0 : i32
    %dma_start3A_87 = tpu.memref_slice %arg6[%dma_start3A_85, %dma_start3A_86] : memref<40x128xi32, #tpu.memory_space<vmem>> -> memref<1x128xi32, #tpu.memory_space<vmem>>
    %dma_start3A_88 = tpu.memref_squeeze %dma_start3A_87 : memref<1x128xi32, #tpu.memory_space<vmem>> -> memref<128xi32, #tpu.memory_space<vmem>>
    %dma_start3A_89 = arith.constant 0 : i32
    %dma_start3A_90 = arith.constant 0 : i32
    %dma_start3A_91 = tpu.memref_slice %arg2[%dma_start3A_89, %dma_start3A_90] : memref<10000x128xf32, #tpu.memory_space<hbm>> -> memref<10000x128xf32, #tpu.memory_space<hbm>>
    tpu.enqueue_indirect_dma source(%dma_start3A_91 : memref<10000x128xf32, #tpu.memory_space<hbm>>) target(%arg9 : memref<128x128xf32, #tpu.memory_space<vmem>>) offsets(%dma_start3A_88 : memref<128xi32, #tpu.memory_space<vmem>>) semaphore(%arg12 : memref<!tpu.dma_semaphore, #tpu.memory_space<semaphore_mem>>)
    %dma_wait3A_92 = arith.constant 0 : i32
    %dma_wait3A_93 = arith.constant 0 : i32
    %dma_wait3A_94 = tpu.memref_slice %arg2[%dma_wait3A_92, %dma_wait3A_93] : memref<10000x128xf32, #tpu.memory_space<hbm>> -> memref<128x128xf32, #tpu.memory_space<hbm>>
    %dma_wait3A_95 = arith.constant 0 : i32
    %dma_wait3A_96 = arith.constant 0 : i32
    %dma_wait3A_97 = tpu.memref_slice %arg2[%dma_wait3A_95, %dma_wait3A_96] : memref<10000x128xf32, #tpu.memory_space<hbm>> -> memref<128x128xf32, #tpu.memory_space<hbm>>
    tpu.wait_dma2 semaphore(%arg11 : memref<!tpu.dma_semaphore, #tpu.memory_space<semaphore_mem>>) src(%dma_wait3A_97 : memref<128x128xf32, #tpu.memory_space<hbm>>) dst(%arg8 : memref<128x128xf32, #tpu.memory_space<vmem>>)
    %run_scoped3A = arith.constant 38 : i32
    "tpu.region"() ({
      %run_scoped3A_206 = tpu.sem_alloc : memref<!tpu.dma_semaphore, #tpu.memory_space<semaphore_mem>>
      %dma_start3A_207 = arith.constant 0 : i32
      %dma_start3A_208 = tpu.memref_slice %arg7[%run_scoped3A, %dma_start3A_207] : memref<40x128xi32, #tpu.memory_space<vmem>> -> memref<1x128xi32, #tpu.memory_space<vmem>>
      %dma_start3A_209 = tpu.memref_squeeze %dma_start3A_208 : memref<1x128xi32, #tpu.memory_space<vmem>> -> memref<128xi32, #tpu.memory_space<vmem>>
      %dma_start3A_210 = arith.constant 0 : i32
      %dma_start3A_211 = arith.constant 0 : i32
      %dma_start3A_212 = tpu.memref_slice %arg10[%dma_start3A_210, %dma_start3A_211] : memref<10240x128xf32, #tpu.memory_space<vmem_shared>> -> memref<10240x128xf32, #tpu.memory_space<vmem_shared>>
      tpu.enqueue_indirect_dma source(%arg8 : memref<128x128xf32, #tpu.memory_space<vmem>>) target(%dma_start3A_212 : memref<10240x128xf32, #tpu.memory_space<vmem_shared>>) offsets(%dma_start3A_209 : memref<128xi32, #tpu.memory_space<vmem>>) semaphore(%run_scoped3A_206 : memref<!tpu.dma_semaphore, #tpu.memory_space<semaphore_mem>>) {add = true}
      %dma_wait3A_213 = arith.constant 0 : i32
      %dma_wait3A_214 = tpu.memref_slice %arg7[%run_scoped3A, %dma_wait3A_213] : memref<40x128xi32, #tpu.memory_space<vmem>> -> memref<1x128xi32, #tpu.memory_space<vmem>>
      %dma_wait3A_215 = tpu.memref_squeeze %dma_wait3A_214 : memref<1x128xi32, #tpu.memory_space<vmem>> -> memref<128xi32, #tpu.memory_space<vmem>>
      %dma_wait3A_216 = arith.constant 0 : i32
      %dma_wait3A_217 = arith.constant 0 : i32
      %dma_wait3A_218 = tpu.memref_slice %arg10[%dma_wait3A_216, %dma_wait3A_217] : memref<10240x128xf32, #tpu.memory_space<vmem_shared>> -> memref<10240x128xf32, #tpu.memory_space<vmem_shared>>
      tpu.wait_indirect_dma semaphore(%run_scoped3A_206 : memref<!tpu.dma_semaphore, #tpu.memory_space<semaphore_mem>>) src(%arg8 : memref<128x128xf32, #tpu.memory_space<vmem>>) dst(%dma_wait3A_218 : memref<10240x128xf32, #tpu.memory_space<vmem_shared>>)
      tpu.yield
    }) : () -> ()
    %dma_wait3A_98 = arith.constant 0 : i32
    %dma_wait3A_99 = arith.constant 0 : i32
    %dma_wait3A_100 = tpu.memref_slice %arg2[%dma_wait3A_98, %dma_wait3A_99] : memref<10000x128xf32, #tpu.memory_space<hbm>> -> memref<128x128xf32, #tpu.memory_space<hbm>>
    %dma_wait3A_101 = arith.constant 0 : i32
    %dma_wait3A_102 = arith.constant 0 : i32
    %dma_wait3A_103 = tpu.memref_slice %arg2[%dma_wait3A_101, %dma_wait3A_102] : memref<10000x128xf32, #tpu.memory_space<hbm>> -> memref<128x128xf32, #tpu.memory_space<hbm>>
    tpu.wait_dma2 semaphore(%arg12 : memref<!tpu.dma_semaphore, #tpu.memory_space<semaphore_mem>>) src(%dma_wait3A_103 : memref<128x128xf32, #tpu.memory_space<hbm>>) dst(%arg9 : memref<128x128xf32, #tpu.memory_space<vmem>>)
    %run_scoped3A_104 = arith.constant 39 : i32
    "tpu.region"() ({
      %run_scoped3A_206 = tpu.sem_alloc : memref<!tpu.dma_semaphore, #tpu.memory_space<semaphore_mem>>
      %dma_start3A_207 = arith.constant 0 : i32
      %dma_start3A_208 = tpu.memref_slice %arg7[%run_scoped3A_104, %dma_start3A_207] : memref<40x128xi32, #tpu.memory_space<vmem>> -> memref<1x128xi32, #tpu.memory_space<vmem>>
      %dma_start3A_209 = tpu.memref_squeeze %dma_start3A_208 : memref<1x128xi32, #tpu.memory_space<vmem>> -> memref<128xi32, #tpu.memory_space<vmem>>
      %dma_start3A_210 = arith.constant 0 : i32
      %dma_start3A_211 = arith.constant 0 : i32
      %dma_start3A_212 = tpu.memref_slice %arg10[%dma_start3A_210, %dma_start3A_211] : memref<10240x128xf32, #tpu.memory_space<vmem_shared>> -> memref<10240x128xf32, #tpu.memory_space<vmem_shared>>
      tpu.enqueue_indirect_dma source(%arg9 : memref<128x128xf32, #tpu.memory_space<vmem>>) target(%dma_start3A_212 : memref<10240x128xf32, #tpu.memory_space<vmem_shared>>) offsets(%dma_start3A_209 : memref<128xi32, #tpu.memory_space<vmem>>) semaphore(%run_scoped3A_206 : memref<!tpu.dma_semaphore, #tpu.memory_space<semaphore_mem>>) {add = true}
      %dma_wait3A_213 = arith.constant 0 : i32
      %dma_wait3A_214 = tpu.memref_slice %arg7[%run_scoped3A_104, %dma_wait3A_213] : memref<40x128xi32, #tpu.memory_space<vmem>> -> memref<1x128xi32, #tpu.memory_space<vmem>>
      %dma_wait3A_215 = tpu.memref_squeeze %dma_wait3A_214 : memref<1x128xi32, #tpu.memory_space<vmem>> -> memref<128xi32, #tpu.memory_space<vmem>>
      %dma_wait3A_216 = arith.constant 0 : i32
      %dma_wait3A_217 = arith.constant 0 : i32
      %dma_wait3A_218 = tpu.memref_slice %arg10[%dma_wait3A_216, %dma_wait3A_217] : memref<10240x128xf32, #tpu.memory_space<vmem_shared>> -> memref<10240x128xf32, #tpu.memory_space<vmem_shared>>
      tpu.wait_indirect_dma semaphore(%run_scoped3A_206 : memref<!tpu.dma_semaphore, #tpu.memory_space<semaphore_mem>>) src(%arg9 : memref<128x128xf32, #tpu.memory_space<vmem>>) dst(%dma_wait3A_218 : memref<10240x128xf32, #tpu.memory_space<vmem_shared>>)
      tpu.yield
    }) : () -> ()
    %dma_start3A_105 = arith.constant 0 : i32
    %dma_start3A_106 = arith.constant 0 : i32
    %dma_start3A_107 = tpu.memref_slice %arg3[%add3A, %dma_start3A_105, %dma_start3A_106] : memref<32x80x128xi32, #tpu.memory_space<hbm>> -> memref<1x80x128xi32, #tpu.memory_space<hbm>>
    %dma_start3A_108 = tpu.memref_squeeze %dma_start3A_107 : memref<1x80x128xi32, #tpu.memory_space<hbm>> -> memref<80x128xi32, #tpu.memory_space<hbm>>
    %dma_start3A_109 = arith.constant 40 : i32
    %dma_start3A_110 = arith.constant 0 : i32
    %dma_start3A_111 = tpu.memref_slice %dma_start3A_108[%dma_start3A_109, %dma_start3A_110] : memref<80x128xi32, #tpu.memory_space<hbm>> -> memref<40x128xi32, #tpu.memory_space<hbm>>
    %dma_start3A_112 = arith.constant 0 : i32
    %dma_start3A_113 = arith.constant 0 : i32
    %dma_start3A_114 = tpu.memref_slice %arg3[%add3A, %dma_start3A_112, %dma_start3A_113] : memref<32x80x128xi32, #tpu.memory_space<hbm>> -> memref<1x80x128xi32, #tpu.memory_space<hbm>>
    %dma_start3A_115 = tpu.memref_squeeze %dma_start3A_114 : memref<1x80x128xi32, #tpu.memory_space<hbm>> -> memref<80x128xi32, #tpu.memory_space<hbm>>
    %dma_start3A_116 = arith.constant 40 : i32
    %dma_start3A_117 = arith.constant 0 : i32
    %dma_start3A_118 = tpu.memref_slice %dma_start3A_115[%dma_start3A_116, %dma_start3A_117] : memref<80x128xi32, #tpu.memory_space<hbm>> -> memref<40x128xi32, #tpu.memory_space<hbm>>
    tpu.enqueue_dma source(%dma_start3A_118 : memref<40x128xi32, #tpu.memory_space<hbm>>) target(%arg6 : memref<40x128xi32, #tpu.memory_space<vmem>>) target_semaphore(%arg13 : memref<!tpu.dma_semaphore, #tpu.memory_space<semaphore_mem>>)
    %dma_start3A_119 = arith.constant 0 : i32
    %dma_start3A_120 = arith.constant 0 : i32
    %dma_start3A_121 = tpu.memref_slice %arg4[%add3A, %dma_start3A_119, %dma_start3A_120] : memref<32x80x128xi32, #tpu.memory_space<hbm>> -> memref<1x80x128xi32, #tpu.memory_space<hbm>>
    %dma_start3A_122 = tpu.memref_squeeze %dma_start3A_121 : memref<1x80x128xi32, #tpu.memory_space<hbm>> -> memref<80x128xi32, #tpu.memory_space<hbm>>
    %dma_start3A_123 = arith.constant 40 : i32
    %dma_start3A_124 = arith.constant 0 : i32
    %dma_start3A_125 = tpu.memref_slice %dma_start3A_122[%dma_start3A_123, %dma_start3A_124] : memref<80x128xi32, #tpu.memory_space<hbm>> -> memref<40x128xi32, #tpu.memory_space<hbm>>
    %dma_start3A_126 = arith.constant 0 : i32
    %dma_start3A_127 = arith.constant 0 : i32
    %dma_start3A_128 = tpu.memref_slice %arg4[%add3A, %dma_start3A_126, %dma_start3A_127] : memref<32x80x128xi32, #tpu.memory_space<hbm>> -> memref<1x80x128xi32, #tpu.memory_space<hbm>>
    %dma_start3A_129 = tpu.memref_squeeze %dma_start3A_128 : memref<1x80x128xi32, #tpu.memory_space<hbm>> -> memref<80x128xi32, #tpu.memory_space<hbm>>
    %dma_start3A_130 = arith.constant 40 : i32
    %dma_start3A_131 = arith.constant 0 : i32
    %dma_start3A_132 = tpu.memref_slice %dma_start3A_129[%dma_start3A_130, %dma_start3A_131] : memref<80x128xi32, #tpu.memory_space<hbm>> -> memref<40x128xi32, #tpu.memory_space<hbm>>
    tpu.enqueue_dma source(%dma_start3A_132 : memref<40x128xi32, #tpu.memory_space<hbm>>) target(%arg7 : memref<40x128xi32, #tpu.memory_space<vmem>>) target_semaphore(%arg14 : memref<!tpu.dma_semaphore, #tpu.memory_space<semaphore_mem>>)
    %dma_wait3A_133 = arith.constant 0 : i32
    %dma_wait3A_134 = arith.constant 0 : i32
    %dma_wait3A_135 = tpu.memref_slice %arg3[%add3A, %dma_wait3A_133, %dma_wait3A_134] : memref<32x80x128xi32, #tpu.memory_space<hbm>> -> memref<1x80x128xi32, #tpu.memory_space<hbm>>
    %dma_wait3A_136 = tpu.memref_squeeze %dma_wait3A_135 : memref<1x80x128xi32, #tpu.memory_space<hbm>> -> memref<80x128xi32, #tpu.memory_space<hbm>>
    %dma_wait3A_137 = arith.constant 40 : i32
    %dma_wait3A_138 = arith.constant 0 : i32
    %dma_wait3A_139 = tpu.memref_slice %dma_wait3A_136[%dma_wait3A_137, %dma_wait3A_138] : memref<80x128xi32, #tpu.memory_space<hbm>> -> memref<40x128xi32, #tpu.memory_space<hbm>>
    %dma_wait3A_140 = arith.constant 0 : i32
    %dma_wait3A_141 = arith.constant 0 : i32
    %dma_wait3A_142 = tpu.memref_slice %arg3[%add3A, %dma_wait3A_140, %dma_wait3A_141] : memref<32x80x128xi32, #tpu.memory_space<hbm>> -> memref<1x80x128xi32, #tpu.memory_space<hbm>>
    %dma_wait3A_143 = tpu.memref_squeeze %dma_wait3A_142 : memref<1x80x128xi32, #tpu.memory_space<hbm>> -> memref<80x128xi32, #tpu.memory_space<hbm>>
    %dma_wait3A_144 = arith.constant 40 : i32
    %dma_wait3A_145 = arith.constant 0 : i32
    %dma_wait3A_146 = tpu.memref_slice %dma_wait3A_143[%dma_wait3A_144, %dma_wait3A_145] : memref<80x128xi32, #tpu.memory_space<hbm>> -> memref<40x128xi32, #tpu.memory_space<hbm>>
    tpu.wait_dma2 semaphore(%arg13 : memref<!tpu.dma_semaphore, #tpu.memory_space<semaphore_mem>>) src(%dma_wait3A_146 : memref<40x128xi32, #tpu.memory_space<hbm>>) dst(%arg6 : memref<40x128xi32, #tpu.memory_space<vmem>>)
    %dma_wait3A_147 = arith.constant 0 : i32
    %dma_wait3A_148 = arith.constant 0 : i32
    %dma_wait3A_149 = tpu.memref_slice %arg4[%add3A, %dma_wait3A_147, %dma_wait3A_148] : memref<32x80x128xi32, #tpu.memory_space<hbm>> -> memref<1x80x128xi32, #tpu.memory_space<hbm>>
    %dma_wait3A_150 = tpu.memref_squeeze %dma_wait3A_149 : memref<1x80x128xi32, #tpu.memory_space<hbm>> -> memref<80x128xi32, #tpu.memory_space<hbm>>
    %dma_wait3A_151 = arith.constant 40 : i32
    %dma_wait3A_152 = arith.constant 0 : i32
    %dma_wait3A_153 = tpu.memref_slice %dma_wait3A_150[%dma_wait3A_151, %dma_wait3A_152] : memref<80x128xi32, #tpu.memory_space<hbm>> -> memref<40x128xi32, #tpu.memory_space<hbm>>
    %dma_wait3A_154 = arith.constant 0 : i32
    %dma_wait3A_155 = arith.constant 0 : i32
    %dma_wait3A_156 = tpu.memref_slice %arg4[%add3A, %dma_wait3A_154, %dma_wait3A_155] : memref<32x80x128xi32, #tpu.memory_space<hbm>> -> memref<1x80x128xi32, #tpu.memory_space<hbm>>
    %dma_wait3A_157 = tpu.memref_squeeze %dma_wait3A_156 : memref<1x80x128xi32, #tpu.memory_space<hbm>> -> memref<80x128xi32, #tpu.memory_space<hbm>>
    %dma_wait3A_158 = arith.constant 40 : i32
    %dma_wait3A_159 = arith.constant 0 : i32
    %dma_wait3A_160 = tpu.memref_slice %dma_wait3A_157[%dma_wait3A_158, %dma_wait3A_159] : memref<80x128xi32, #tpu.memory_space<hbm>> -> memref<40x128xi32, #tpu.memory_space<hbm>>
    tpu.wait_dma2 semaphore(%arg14 : memref<!tpu.dma_semaphore, #tpu.memory_space<semaphore_mem>>) src(%dma_wait3A_160 : memref<40x128xi32, #tpu.memory_space<hbm>>) dst(%arg7 : memref<40x128xi32, #tpu.memory_space<vmem>>)
    %dma_start3A_161 = arith.constant 0 : i32
    %dma_start3A_162 = arith.constant 0 : i32
    %dma_start3A_163 = tpu.memref_slice %arg6[%dma_start3A_161, %dma_start3A_162] : memref<40x128xi32, #tpu.memory_space<vmem>> -> memref<1x128xi32, #tpu.memory_space<vmem>>
    %dma_start3A_164 = tpu.memref_squeeze %dma_start3A_163 : memref<1x128xi32, #tpu.memory_space<vmem>> -> memref<128xi32, #tpu.memory_space<vmem>>
    %dma_start3A_165 = arith.constant 0 : i32
    %dma_start3A_166 = arith.constant 0 : i32
    %dma_start3A_167 = tpu.memref_slice %arg2[%dma_start3A_165, %dma_start3A_166] : memref<10000x128xf32, #tpu.memory_space<hbm>> -> memref<10000x128xf32, #tpu.memory_space<hbm>>
    tpu.enqueue_indirect_dma source(%dma_start3A_167 : memref<10000x128xf32, #tpu.memory_space<hbm>>) target(%arg8 : memref<128x128xf32, #tpu.memory_space<vmem>>) offsets(%dma_start3A_164 : memref<128xi32, #tpu.memory_space<vmem>>) semaphore(%arg11 : memref<!tpu.dma_semaphore, #tpu.memory_space<semaphore_mem>>)
    %scan3A_168 = arith.constant 0 : i32
    %scan3A_169 = arith.constant 0 : i32
    %scan3A_170 = arith.constant 19 : i32
    %scan3A_171 = arith.addi %scan3A_169, %scan3A_170 : i32
    %scan3A_172 = arith.constant 1 : i32
    scf.for %scan3A_206 = %scan3A_169 to %scan3A_171 step %scan3A_172  : i32 {
      %mul3A_207 = arith.constant 2 : i32
      %mul3A_208 = arith.muli %scan3A_206, %mul3A_207 : i32
      %add3A_209 = arith.constant 0 : i32
      %add3A_210 = arith.addi %mul3A_208, %add3A_209 : i32
      %add3A_211 = arith.constant 1 : i32
      %add3A_212 = arith.addi %add3A_210, %add3A_211 : i32
      %dma_start3A_213 = arith.constant 0 : i32
      %dma_start3A_214 = tpu.memref_slice %arg6[%add3A_212, %dma_start3A_213] : memref<40x128xi32, #tpu.memory_space<vmem>> -> memref<1x128xi32, #tpu.memory_space<vmem>>
      %dma_start3A_215 = tpu.memref_squeeze %dma_start3A_214 : memref<1x128xi32, #tpu.memory_space<vmem>> -> memref<128xi32, #tpu.memory_space<vmem>>
      %dma_start3A_216 = arith.constant 0 : i32
      %dma_start3A_217 = arith.constant 0 : i32
      %dma_start3A_218 = tpu.memref_slice %arg2[%dma_start3A_216, %dma_start3A_217] : memref<10000x128xf32, #tpu.memory_space<hbm>> -> memref<10000x128xf32, #tpu.memory_space<hbm>>
      tpu.enqueue_indirect_dma source(%dma_start3A_218 : memref<10000x128xf32, #tpu.memory_space<hbm>>) target(%arg9 : memref<128x128xf32, #tpu.memory_space<vmem>>) offsets(%dma_start3A_215 : memref<128xi32, #tpu.memory_space<vmem>>) semaphore(%arg12 : memref<!tpu.dma_semaphore, #tpu.memory_space<semaphore_mem>>)
      %dma_wait3A_219 = arith.constant 0 : i32
      %dma_wait3A_220 = arith.constant 0 : i32
      %dma_wait3A_221 = tpu.memref_slice %arg2[%dma_wait3A_219, %dma_wait3A_220] : memref<10000x128xf32, #tpu.memory_space<hbm>> -> memref<128x128xf32, #tpu.memory_space<hbm>>
      %dma_wait3A_222 = arith.constant 0 : i32
      %dma_wait3A_223 = arith.constant 0 : i32
      %dma_wait3A_224 = tpu.memref_slice %arg2[%dma_wait3A_222, %dma_wait3A_223] : memref<10000x128xf32, #tpu.memory_space<hbm>> -> memref<128x128xf32, #tpu.memory_space<hbm>>
      tpu.wait_dma2 semaphore(%arg11 : memref<!tpu.dma_semaphore, #tpu.memory_space<semaphore_mem>>) src(%dma_wait3A_224 : memref<128x128xf32, #tpu.memory_space<hbm>>) dst(%arg8 : memref<128x128xf32, #tpu.memory_space<vmem>>)
      "tpu.region"() ({
        %run_scoped3A_243 = tpu.sem_alloc : memref<!tpu.dma_semaphore, #tpu.memory_space<semaphore_mem>>
        %dma_start3A_244 = arith.constant 0 : i32
        %dma_start3A_245 = tpu.memref_slice %arg7[%add3A_210, %dma_start3A_244] : memref<40x128xi32, #tpu.memory_space<vmem>> -> memref<1x128xi32, #tpu.memory_space<vmem>>
        %dma_start3A_246 = tpu.memref_squeeze %dma_start3A_245 : memref<1x128xi32, #tpu.memory_space<vmem>> -> memref<128xi32, #tpu.memory_space<vmem>>
        %dma_start3A_247 = arith.constant 0 : i32
        %dma_start3A_248 = arith.constant 0 : i32
        %dma_start3A_249 = tpu.memref_slice %arg10[%dma_start3A_247, %dma_start3A_248] : memref<10240x128xf32, #tpu.memory_space<vmem_shared>> -> memref<10240x128xf32, #tpu.memory_space<vmem_shared>>
        tpu.enqueue_indirect_dma source(%arg8 : memref<128x128xf32, #tpu.memory_space<vmem>>) target(%dma_start3A_249 : memref<10240x128xf32, #tpu.memory_space<vmem_shared>>) offsets(%dma_start3A_246 : memref<128xi32, #tpu.memory_space<vmem>>) semaphore(%run_scoped3A_243 : memref<!tpu.dma_semaphore, #tpu.memory_space<semaphore_mem>>) {add = true}
        %dma_wait3A_250 = arith.constant 0 : i32
        %dma_wait3A_251 = tpu.memref_slice %arg7[%add3A_210, %dma_wait3A_250] : memref<40x128xi32, #tpu.memory_space<vmem>> -> memref<1x128xi32, #tpu.memory_space<vmem>>
        %dma_wait3A_252 = tpu.memref_squeeze %dma_wait3A_251 : memref<1x128xi32, #tpu.memory_space<vmem>> -> memref<128xi32, #tpu.memory_space<vmem>>
        %dma_wait3A_253 = arith.constant 0 : i32
        %dma_wait3A_254 = arith.constant 0 : i32
        %dma_wait3A_255 = tpu.memref_slice %arg10[%dma_wait3A_253, %dma_wait3A_254] : memref<10240x128xf32, #tpu.memory_space<vmem_shared>> -> memref<10240x128xf32, #tpu.memory_space<vmem_shared>>
        tpu.wait_indirect_dma semaphore(%run_scoped3A_243 : memref<!tpu.dma_semaphore, #tpu.memory_space<semaphore_mem>>) src(%arg8 : memref<128x128xf32, #tpu.memory_space<vmem>>) dst(%dma_wait3A_255 : memref<10240x128xf32, #tpu.memory_space<vmem_shared>>)
        tpu.yield
      }) : () -> ()
      %mul3A_225 = arith.constant 2 : i32
      %mul3A_226 = arith.muli %scan3A_206, %mul3A_225 : i32
      %add3A_227 = arith.constant 1 : i32
      %add3A_228 = arith.addi %mul3A_226, %add3A_227 : i32
      %add3A_229 = arith.constant 1 : i32
      %add3A_230 = arith.addi %add3A_228, %add3A_229 : i32
      %dma_start3A_231 = arith.constant 0 : i32
      %dma_start3A_232 = tpu.memref_slice %arg6[%add3A_230, %dma_start3A_231] : memref<40x128xi32, #tpu.memory_space<vmem>> -> memref<1x128xi32, #tpu.memory_space<vmem>>
      %dma_start3A_233 = tpu.memref_squeeze %dma_start3A_232 : memref<1x128xi32, #tpu.memory_space<vmem>> -> memref<128xi32, #tpu.memory_space<vmem>>
      %dma_start3A_234 = arith.constant 0 : i32
      %dma_start3A_235 = arith.constant 0 : i32
      %dma_start3A_236 = tpu.memref_slice %arg2[%dma_start3A_234, %dma_start3A_235] : memref<10000x128xf32, #tpu.memory_space<hbm>> -> memref<10000x128xf32, #tpu.memory_space<hbm>>
      tpu.enqueue_indirect_dma source(%dma_start3A_236 : memref<10000x128xf32, #tpu.memory_space<hbm>>) target(%arg8 : memref<128x128xf32, #tpu.memory_space<vmem>>) offsets(%dma_start3A_233 : memref<128xi32, #tpu.memory_space<vmem>>) semaphore(%arg11 : memref<!tpu.dma_semaphore, #tpu.memory_space<semaphore_mem>>)
      %dma_wait3A_237 = arith.constant 0 : i32
      %dma_wait3A_238 = arith.constant 0 : i32
      %dma_wait3A_239 = tpu.memref_slice %arg2[%dma_wait3A_237, %dma_wait3A_238] : memref<10000x128xf32, #tpu.memory_space<hbm>> -> memref<128x128xf32, #tpu.memory_space<hbm>>
      %dma_wait3A_240 = arith.constant 0 : i32
      %dma_wait3A_241 = arith.constant 0 : i32
      %dma_wait3A_242 = tpu.memref_slice %arg2[%dma_wait3A_240, %dma_wait3A_241] : memref<10000x128xf32, #tpu.memory_space<hbm>> -> memref<128x128xf32, #tpu.memory_space<hbm>>
      tpu.wait_dma2 semaphore(%arg12 : memref<!tpu.dma_semaphore, #tpu.memory_space<semaphore_mem>>) src(%dma_wait3A_242 : memref<128x128xf32, #tpu.memory_space<hbm>>) dst(%arg9 : memref<128x128xf32, #tpu.memory_space<vmem>>)
      "tpu.region"() ({
        %run_scoped3A_243 = tpu.sem_alloc : memref<!tpu.dma_semaphore, #tpu.memory_space<semaphore_mem>>
        %dma_start3A_244 = arith.constant 0 : i32
        %dma_start3A_245 = tpu.memref_slice %arg7[%add3A_228, %dma_start3A_244] : memref<40x128xi32, #tpu.memory_space<vmem>> -> memref<1x128xi32, #tpu.memory_space<vmem>>
        %dma_start3A_246 = tpu.memref_squeeze %dma_start3A_245 : memref<1x128xi32, #tpu.memory_space<vmem>> -> memref<128xi32, #tpu.memory_space<vmem>>
        %dma_start3A_247 = arith.constant 0 : i32
        %dma_start3A_248 = arith.constant 0 : i32
        %dma_start3A_249 = tpu.memref_slice %arg10[%dma_start3A_247, %dma_start3A_248] : memref<10240x128xf32, #tpu.memory_space<vmem_shared>> -> memref<10240x128xf32, #tpu.memory_space<vmem_shared>>
        tpu.enqueue_indirect_dma source(%arg9 : memref<128x128xf32, #tpu.memory_space<vmem>>) target(%dma_start3A_249 : memref<10240x128xf32, #tpu.memory_space<vmem_shared>>) offsets(%dma_start3A_246 : memref<128xi32, #tpu.memory_space<vmem>>) semaphore(%run_scoped3A_243 : memref<!tpu.dma_semaphore, #tpu.memory_space<semaphore_mem>>) {add = true}
        %dma_wait3A_250 = arith.constant 0 : i32
        %dma_wait3A_251 = tpu.memref_slice %arg7[%add3A_228, %dma_wait3A_250] : memref<40x128xi32, #tpu.memory_space<vmem>> -> memref<1x128xi32, #tpu.memory_space<vmem>>
        %dma_wait3A_252 = tpu.memref_squeeze %dma_wait3A_251 : memref<1x128xi32, #tpu.memory_space<vmem>> -> memref<128xi32, #tpu.memory_space<vmem>>
        %dma_wait3A_253 = arith.constant 0 : i32
        %dma_wait3A_254 = arith.constant 0 : i32
        %dma_wait3A_255 = tpu.memref_slice %arg10[%dma_wait3A_253, %dma_wait3A_254] : memref<10240x128xf32, #tpu.memory_space<vmem_shared>> -> memref<10240x128xf32, #tpu.memory_space<vmem_shared>>
        tpu.wait_indirect_dma semaphore(%run_scoped3A_243 : memref<!tpu.dma_semaphore, #tpu.memory_space<semaphore_mem>>) src(%arg9 : memref<128x128xf32, #tpu.memory_space<vmem>>) dst(%dma_wait3A_255 : memref<10240x128xf32, #tpu.memory_space<vmem_shared>>)
        tpu.yield
      }) : () -> ()
    }
    %scan3A_173 = arith.constant 19 : i32
    %dma_start3A_174 = arith.constant 39 : i32
    %dma_start3A_175 = arith.constant 0 : i32
    %dma_start3A_176 = tpu.memref_slice %arg6[%dma_start3A_174, %dma_start3A_175] : memref<40x128xi32, #tpu.memory_space<vmem>> -> memref<1x128xi32, #tpu.memory_space<vmem>>
    %dma_start3A_177 = tpu.memref_squeeze %dma_start3A_176 : memref<1x128xi32, #tpu.memory_space<vmem>> -> memref<128xi32, #tpu.memory_space<vmem>>
    %dma_start3A_178 = arith.constant 0 : i32
    %dma_start3A_179 = arith.constant 0 : i32
    %dma_start3A_180 = tpu.memref_slice %arg2[%dma_start3A_178, %dma_start3A_179] : memref<10000x128xf32, #tpu.memory_space<hbm>> -> memref<10000x128xf32, #tpu.memory_space<hbm>>
    tpu.enqueue_indirect_dma source(%dma_start3A_180 : memref<10000x128xf32, #tpu.memory_space<hbm>>) target(%arg9 : memref<128x128xf32, #tpu.memory_space<vmem>>) offsets(%dma_start3A_177 : memref<128xi32, #tpu.memory_space<vmem>>) semaphore(%arg12 : memref<!tpu.dma_semaphore, #tpu.memory_space<semaphore_mem>>)
    %dma_wait3A_181 = arith.constant 0 : i32
    %dma_wait3A_182 = arith.constant 0 : i32
    %dma_wait3A_183 = tpu.memref_slice %arg2[%dma_wait3A_181, %dma_wait3A_182] : memref<10000x128xf32, #tpu.memory_space<hbm>> -> memref<128x128xf32, #tpu.memory_space<hbm>>
    %dma_wait3A_184 = arith.constant 0 : i32
    %dma_wait3A_185 = arith.constant 0 : i32
    %dma_wait3A_186 = tpu.memref_slice %arg2[%dma_wait3A_184, %dma_wait3A_185] : memref<10000x128xf32, #tpu.memory_space<hbm>> -> memref<128x128xf32, #tpu.memory_space<hbm>>
    tpu.wait_dma2 semaphore(%arg11 : memref<!tpu.dma_semaphore, #tpu.memory_space<semaphore_mem>>) src(%dma_wait3A_186 : memref<128x128xf32, #tpu.memory_space<hbm>>) dst(%arg8 : memref<128x128xf32, #tpu.memory_space<vmem>>)
    %run_scoped3A_187 = arith.constant 38 : i32
    "tpu.region"() ({
      %run_scoped3A_206 = tpu.sem_alloc : memref<!tpu.dma_semaphore, #tpu.memory_space<semaphore_mem>>
      %dma_start3A_207 = arith.constant 0 : i32
      %dma_start3A_208 = tpu.memref_slice %arg7[%run_scoped3A_187, %dma_start3A_207] : memref<40x128xi32, #tpu.memory_space<vmem>> -> memref<1x128xi32, #tpu.memory_space<vmem>>
      %dma_start3A_209 = tpu.memref_squeeze %dma_start3A_208 : memref<1x128xi32, #tpu.memory_space<vmem>> -> memref<128xi32, #tpu.memory_space<vmem>>
      %dma_start3A_210 = arith.constant 0 : i32
      %dma_start3A_211 = arith.constant 0 : i32
      %dma_start3A_212 = tpu.memref_slice %arg10[%dma_start3A_210, %dma_start3A_211] : memref<10240x128xf32, #tpu.memory_space<vmem_shared>> -> memref<10240x128xf32, #tpu.memory_space<vmem_shared>>
      tpu.enqueue_indirect_dma source(%arg8 : memref<128x128xf32, #tpu.memory_space<vmem>>) target(%dma_start3A_212 : memref<10240x128xf32, #tpu.memory_space<vmem_shared>>) offsets(%dma_start3A_209 : memref<128xi32, #tpu.memory_space<vmem>>) semaphore(%run_scoped3A_206 : memref<!tpu.dma_semaphore, #tpu.memory_space<semaphore_mem>>) {add = true}
      %dma_wait3A_213 = arith.constant 0 : i32
      %dma_wait3A_214 = tpu.memref_slice %arg7[%run_scoped3A_187, %dma_wait3A_213] : memref<40x128xi32, #tpu.memory_space<vmem>> -> memref<1x128xi32, #tpu.memory_space<vmem>>
      %dma_wait3A_215 = tpu.memref_squeeze %dma_wait3A_214 : memref<1x128xi32, #tpu.memory_space<vmem>> -> memref<128xi32, #tpu.memory_space<vmem>>
      %dma_wait3A_216 = arith.constant 0 : i32
      %dma_wait3A_217 = arith.constant 0 : i32
      %dma_wait3A_218 = tpu.memref_slice %arg10[%dma_wait3A_216, %dma_wait3A_217] : memref<10240x128xf32, #tpu.memory_space<vmem_shared>> -> memref<10240x128xf32, #tpu.memory_space<vmem_shared>>
      tpu.wait_indirect_dma semaphore(%run_scoped3A_206 : memref<!tpu.dma_semaphore, #tpu.memory_space<semaphore_mem>>) src(%arg8 : memref<128x128xf32, #tpu.memory_space<vmem>>) dst(%dma_wait3A_218 : memref<10240x128xf32, #tpu.memory_space<vmem_shared>>)
      tpu.yield
    }) : () -> ()
    %dma_wait3A_188 = arith.constant 0 : i32
    %dma_wait3A_189 = arith.constant 0 : i32
    %dma_wait3A_190 = tpu.memref_slice %arg2[%dma_wait3A_188, %dma_wait3A_189] : memref<10000x128xf32, #tpu.memory_space<hbm>> -> memref<128x128xf32, #tpu.memory_space<hbm>>
    %dma_wait3A_191 = arith.constant 0 : i32
    %dma_wait3A_192 = arith.constant 0 : i32
    %dma_wait3A_193 = tpu.memref_slice %arg2[%dma_wait3A_191, %dma_wait3A_192] : memref<10000x128xf32, #tpu.memory_space<hbm>> -> memref<128x128xf32, #tpu.memory_space<hbm>>
    tpu.wait_dma2 semaphore(%arg12 : memref<!tpu.dma_semaphore, #tpu.memory_space<semaphore_mem>>) src(%dma_wait3A_193 : memref<128x128xf32, #tpu.memory_space<hbm>>) dst(%arg9 : memref<128x128xf32, #tpu.memory_space<vmem>>)
    %run_scoped3A_194 = arith.constant 39 : i32
    "tpu.region"() ({
      %run_scoped3A_206 = tpu.sem_alloc : memref<!tpu.dma_semaphore, #tpu.memory_space<semaphore_mem>>
      %dma_start3A_207 = arith.constant 0 : i32
      %dma_start3A_208 = tpu.memref_slice %arg7[%run_scoped3A_194, %dma_start3A_207] : memref<40x128xi32, #tpu.memory_space<vmem>> -> memref<1x128xi32, #tpu.memory_space<vmem>>
      %dma_start3A_209 = tpu.memref_squeeze %dma_start3A_208 : memref<1x128xi32, #tpu.memory_space<vmem>> -> memref<128xi32, #tpu.memory_space<vmem>>
      %dma_start3A_210 = arith.constant 0 : i32
      %dma_start3A_211 = arith.constant 0 : i32
      %dma_start3A_212 = tpu.memref_slice %arg10[%dma_start3A_210, %dma_start3A_211] : memref<10240x128xf32, #tpu.memory_space<vmem_shared>> -> memref<10240x128xf32, #tpu.memory_space<vmem_shared>>
      tpu.enqueue_indirect_dma source(%arg9 : memref<128x128xf32, #tpu.memory_space<vmem>>) target(%dma_start3A_212 : memref<10240x128xf32, #tpu.memory_space<vmem_shared>>) offsets(%dma_start3A_209 : memref<128xi32, #tpu.memory_space<vmem>>) semaphore(%run_scoped3A_206 : memref<!tpu.dma_semaphore, #tpu.memory_space<semaphore_mem>>) {add = true}
      %dma_wait3A_213 = arith.constant 0 : i32
      %dma_wait3A_214 = tpu.memref_slice %arg7[%run_scoped3A_194, %dma_wait3A_213] : memref<40x128xi32, #tpu.memory_space<vmem>> -> memref<1x128xi32, #tpu.memory_space<vmem>>
      %dma_wait3A_215 = tpu.memref_squeeze %dma_wait3A_214 : memref<1x128xi32, #tpu.memory_space<vmem>> -> memref<128xi32, #tpu.memory_space<vmem>>
      %dma_wait3A_216 = arith.constant 0 : i32
      %dma_wait3A_217 = arith.constant 0 : i32
      %dma_wait3A_218 = tpu.memref_slice %arg10[%dma_wait3A_216, %dma_wait3A_217] : memref<10240x128xf32, #tpu.memory_space<vmem_shared>> -> memref<10240x128xf32, #tpu.memory_space<vmem_shared>>
      tpu.wait_indirect_dma semaphore(%run_scoped3A_206 : memref<!tpu.dma_semaphore, #tpu.memory_space<semaphore_mem>>) src(%arg9 : memref<128x128xf32, #tpu.memory_space<vmem>>) dst(%dma_wait3A_218 : memref<10240x128xf32, #tpu.memory_space<vmem_shared>>)
      tpu.yield
    }) : () -> ()
    %barrier3A_195 = arith.constant 0 : index
    tpu.barrier barrier_id(%barrier3A_195)
    %add3A_196 = arith.constant 0 : i32
    %add3A_197 = arith.addi %mul3A_7, %add3A_196 : i32
    "tpu.region"() ({
      %run_scoped3A_206 = tpu.sem_alloc : memref<!tpu.dma_semaphore, #tpu.memory_space<semaphore_mem>>
      %dma_start3A_207 = arith.constant 0 : i32
      %dma_start3A_208 = arith.constant 0 : i32
      %dma_start3A_209 = tpu.memref_slice %arg5[%arg0, %dma_start3A_207, %dma_start3A_208] : memref<2x10240x128xf32, #tpu.memory_space<hbm>> -> memref<1x10240x128xf32, #tpu.memory_space<hbm>>
      %dma_start3A_210 = tpu.memref_squeeze %dma_start3A_209 : memref<1x10240x128xf32, #tpu.memory_space<hbm>> -> memref<10240x128xf32, #tpu.memory_space<hbm>>
      %dma_start3A_211 = arith.constant 0 : i32
      %dma_start3A_212 = tpu.memref_slice %dma_start3A_210[%add3A_197, %dma_start3A_211] : memref<10240x128xf32, #tpu.memory_space<hbm>> -> memref<128x128xf32, #tpu.memory_space<hbm>>
      %dma_start3A_213 = arith.constant 0 : i32
      %dma_start3A_214 = tpu.memref_slice %arg10[%add3A_197, %dma_start3A_213] : memref<10240x128xf32, #tpu.memory_space<vmem_shared>> -> memref<128x128xf32, #tpu.memory_space<vmem_shared>>
      tpu.enqueue_dma source(%dma_start3A_214 : memref<128x128xf32, #tpu.memory_space<vmem_shared>>) target(%dma_start3A_212 : memref<128x128xf32, #tpu.memory_space<hbm>>) target_semaphore(%run_scoped3A_206 : memref<!tpu.dma_semaphore, #tpu.memory_space<semaphore_mem>>)
      %dma_wait3A_215 = arith.constant 0 : i32
      %dma_wait3A_216 = arith.constant 0 : i32
      %dma_wait3A_217 = tpu.memref_slice %arg5[%arg0, %dma_wait3A_215, %dma_wait3A_216] : memref<2x10240x128xf32, #tpu.memory_space<hbm>> -> memref<1x10240x128xf32, #tpu.memory_space<hbm>>
      %dma_wait3A_218 = tpu.memref_squeeze %dma_wait3A_217 : memref<1x10240x128xf32, #tpu.memory_space<hbm>> -> memref<10240x128xf32, #tpu.memory_space<hbm>>
      %dma_wait3A_219 = arith.constant 0 : i32
      %dma_wait3A_220 = tpu.memref_slice %dma_wait3A_218[%add3A_197, %dma_wait3A_219] : memref<10240x128xf32, #tpu.memory_space<hbm>> -> memref<128x128xf32, #tpu.memory_space<hbm>>
      %dma_wait3A_221 = arith.constant 0 : i32
      %dma_wait3A_222 = tpu.memref_slice %arg10[%add3A_197, %dma_wait3A_221] : memref<10240x128xf32, #tpu.memory_space<vmem_shared>> -> memref<128x128xf32, #tpu.memory_space<vmem_shared>>
      tpu.wait_dma2 semaphore(%run_scoped3A_206 : memref<!tpu.dma_semaphore, #tpu.memory_space<semaphore_mem>>) src(%dma_wait3A_222 : memref<128x128xf32, #tpu.memory_space<vmem_shared>>) dst(%dma_wait3A_220 : memref<128x128xf32, #tpu.memory_space<hbm>>)
      tpu.yield
    }) : () -> ()
    %add3A_198 = arith.constant 128 : i32
    %add3A_199 = arith.addi %mul3A_7, %add3A_198 : i32
    "tpu.region"() ({
      %run_scoped3A_206 = tpu.sem_alloc : memref<!tpu.dma_semaphore, #tpu.memory_space<semaphore_mem>>
      %dma_start3A_207 = arith.constant 0 : i32
      %dma_start3A_208 = arith.constant 0 : i32
      %dma_start3A_209 = tpu.memref_slice %arg5[%arg0, %dma_start3A_207, %dma_start3A_208] : memref<2x10240x128xf32, #tpu.memory_space<hbm>> -> memref<1x10240x128xf32, #tpu.memory_space<hbm>>
      %dma_start3A_210 = tpu.memref_squeeze %dma_start3A_209 : memref<1x10240x128xf32, #tpu.memory_space<hbm>> -> memref<10240x128xf32, #tpu.memory_space<hbm>>
      %dma_start3A_211 = arith.constant 0 : i32
      %dma_start3A_212 = tpu.memref_slice %dma_start3A_210[%add3A_199, %dma_start3A_211] : memref<10240x128xf32, #tpu.memory_space<hbm>> -> memref<128x128xf32, #tpu.memory_space<hbm>>
      %dma_start3A_213 = arith.constant 0 : i32
      %dma_start3A_214 = tpu.memref_slice %arg10[%add3A_199, %dma_start3A_213] : memref<10240x128xf32, #tpu.memory_space<vmem_shared>> -> memref<128x128xf32, #tpu.memory_space<vmem_shared>>
      tpu.enqueue_dma source(%dma_start3A_214 : memref<128x128xf32, #tpu.memory_space<vmem_shared>>) target(%dma_start3A_212 : memref<128x128xf32, #tpu.memory_space<hbm>>) target_semaphore(%run_scoped3A_206 : memref<!tpu.dma_semaphore, #tpu.memory_space<semaphore_mem>>)
      %dma_wait3A_215 = arith.constant 0 : i32
      %dma_wait3A_216 = arith.constant 0 : i32
      %dma_wait3A_217 = tpu.memref_slice %arg5[%arg0, %dma_wait3A_215, %dma_wait3A_216] : memref<2x10240x128xf32, #tpu.memory_space<hbm>> -> memref<1x10240x128xf32, #tpu.memory_space<hbm>>
      %dma_wait3A_218 = tpu.memref_squeeze %dma_wait3A_217 : memref<1x10240x128xf32, #tpu.memory_space<hbm>> -> memref<10240x128xf32, #tpu.memory_space<hbm>>
      %dma_wait3A_219 = arith.constant 0 : i32
      %dma_wait3A_220 = tpu.memref_slice %dma_wait3A_218[%add3A_199, %dma_wait3A_219] : memref<10240x128xf32, #tpu.memory_space<hbm>> -> memref<128x128xf32, #tpu.memory_space<hbm>>
      %dma_wait3A_221 = arith.constant 0 : i32
      %dma_wait3A_222 = tpu.memref_slice %arg10[%add3A_199, %dma_wait3A_221] : memref<10240x128xf32, #tpu.memory_space<vmem_shared>> -> memref<128x128xf32, #tpu.memory_space<vmem_shared>>
      tpu.wait_dma2 semaphore(%run_scoped3A_206 : memref<!tpu.dma_semaphore, #tpu.memory_space<semaphore_mem>>) src(%dma_wait3A_222 : memref<128x128xf32, #tpu.memory_space<vmem_shared>>) dst(%dma_wait3A_220 : memref<128x128xf32, #tpu.memory_space<hbm>>)
      tpu.yield
    }) : () -> ()
    %add3A_200 = arith.constant 256 : i32
    %add3A_201 = arith.addi %mul3A_7, %add3A_200 : i32
    "tpu.region"() ({
      %run_scoped3A_206 = tpu.sem_alloc : memref<!tpu.dma_semaphore, #tpu.memory_space<semaphore_mem>>
      %dma_start3A_207 = arith.constant 0 : i32
      %dma_start3A_208 = arith.constant 0 : i32
      %dma_start3A_209 = tpu.memref_slice %arg5[%arg0, %dma_start3A_207, %dma_start3A_208] : memref<2x10240x128xf32, #tpu.memory_space<hbm>> -> memref<1x10240x128xf32, #tpu.memory_space<hbm>>
      %dma_start3A_210 = tpu.memref_squeeze %dma_start3A_209 : memref<1x10240x128xf32, #tpu.memory_space<hbm>> -> memref<10240x128xf32, #tpu.memory_space<hbm>>
      %dma_start3A_211 = arith.constant 0 : i32
      %dma_start3A_212 = tpu.memref_slice %dma_start3A_210[%add3A_201, %dma_start3A_211] : memref<10240x128xf32, #tpu.memory_space<hbm>> -> memref<128x128xf32, #tpu.memory_space<hbm>>
      %dma_start3A_213 = arith.constant 0 : i32
      %dma_start3A_214 = tpu.memref_slice %arg10[%add3A_201, %dma_start3A_213] : memref<10240x128xf32, #tpu.memory_space<vmem_shared>> -> memref<128x128xf32, #tpu.memory_space<vmem_shared>>
      tpu.enqueue_dma source(%dma_start3A_214 : memref<128x128xf32, #tpu.memory_space<vmem_shared>>) target(%dma_start3A_212 : memref<128x128xf32, #tpu.memory_space<hbm>>) target_semaphore(%run_scoped3A_206 : memref<!tpu.dma_semaphore, #tpu.memory_space<semaphore_mem>>)
      %dma_wait3A_215 = arith.constant 0 : i32
      %dma_wait3A_216 = arith.constant 0 : i32
      %dma_wait3A_217 = tpu.memref_slice %arg5[%arg0, %dma_wait3A_215, %dma_wait3A_216] : memref<2x10240x128xf32, #tpu.memory_space<hbm>> -> memref<1x10240x128xf32, #tpu.memory_space<hbm>>
      %dma_wait3A_218 = tpu.memref_squeeze %dma_wait3A_217 : memref<1x10240x128xf32, #tpu.memory_space<hbm>> -> memref<10240x128xf32, #tpu.memory_space<hbm>>
      %dma_wait3A_219 = arith.constant 0 : i32
      %dma_wait3A_220 = tpu.memref_slice %dma_wait3A_218[%add3A_201, %dma_wait3A_219] : memref<10240x128xf32, #tpu.memory_space<hbm>> -> memref<128x128xf32, #tpu.memory_space<hbm>>
      %dma_wait3A_221 = arith.constant 0 : i32
      %dma_wait3A_222 = tpu.memref_slice %arg10[%add3A_201, %dma_wait3A_221] : memref<10240x128xf32, #tpu.memory_space<vmem_shared>> -> memref<128x128xf32, #tpu.memory_space<vmem_shared>>
      tpu.wait_dma2 semaphore(%run_scoped3A_206 : memref<!tpu.dma_semaphore, #tpu.memory_space<semaphore_mem>>) src(%dma_wait3A_222 : memref<128x128xf32, #tpu.memory_space<vmem_shared>>) dst(%dma_wait3A_220 : memref<128x128xf32, #tpu.memory_space<hbm>>)
      tpu.yield
    }) : () -> ()
    %add3A_202 = arith.constant 384 : i32
    %add3A_203 = arith.addi %mul3A_7, %add3A_202 : i32
    "tpu.region"() ({
      %run_scoped3A_206 = tpu.sem_alloc : memref<!tpu.dma_semaphore, #tpu.memory_space<semaphore_mem>>
      %dma_start3A_207 = arith.constant 0 : i32
      %dma_start3A_208 = arith.constant 0 : i32
      %dma_start3A_209 = tpu.memref_slice %arg5[%arg0, %dma_start3A_207, %dma_start3A_208] : memref<2x10240x128xf32, #tpu.memory_space<hbm>> -> memref<1x10240x128xf32, #tpu.memory_space<hbm>>
      %dma_start3A_210 = tpu.memref_squeeze %dma_start3A_209 : memref<1x10240x128xf32, #tpu.memory_space<hbm>> -> memref<10240x128xf32, #tpu.memory_space<hbm>>
      %dma_start3A_211 = arith.constant 0 : i32
      %dma_start3A_212 = tpu.memref_slice %dma_start3A_210[%add3A_203, %dma_start3A_211] : memref<10240x128xf32, #tpu.memory_space<hbm>> -> memref<128x128xf32, #tpu.memory_space<hbm>>
      %dma_start3A_213 = arith.constant 0 : i32
      %dma_start3A_214 = tpu.memref_slice %arg10[%add3A_203, %dma_start3A_213] : memref<10240x128xf32, #tpu.memory_space<vmem_shared>> -> memref<128x128xf32, #tpu.memory_space<vmem_shared>>
      tpu.enqueue_dma source(%dma_start3A_214 : memref<128x128xf32, #tpu.memory_space<vmem_shared>>) target(%dma_start3A_212 : memref<128x128xf32, #tpu.memory_space<hbm>>) target_semaphore(%run_scoped3A_206 : memref<!tpu.dma_semaphore, #tpu.memory_space<semaphore_mem>>)
      %dma_wait3A_215 = arith.constant 0 : i32
      %dma_wait3A_216 = arith.constant 0 : i32
      %dma_wait3A_217 = tpu.memref_slice %arg5[%arg0, %dma_wait3A_215, %dma_wait3A_216] : memref<2x10240x128xf32, #tpu.memory_space<hbm>> -> memref<1x10240x128xf32, #tpu.memory_space<hbm>>
      %dma_wait3A_218 = tpu.memref_squeeze %dma_wait3A_217 : memref<1x10240x128xf32, #tpu.memory_space<hbm>> -> memref<10240x128xf32, #tpu.memory_space<hbm>>
      %dma_wait3A_219 = arith.constant 0 : i32
      %dma_wait3A_220 = tpu.memref_slice %dma_wait3A_218[%add3A_203, %dma_wait3A_219] : memref<10240x128xf32, #tpu.memory_space<hbm>> -> memref<128x128xf32, #tpu.memory_space<hbm>>
      %dma_wait3A_221 = arith.constant 0 : i32
      %dma_wait3A_222 = tpu.memref_slice %arg10[%add3A_203, %dma_wait3A_221] : memref<10240x128xf32, #tpu.memory_space<vmem_shared>> -> memref<128x128xf32, #tpu.memory_space<vmem_shared>>
      tpu.wait_dma2 semaphore(%run_scoped3A_206 : memref<!tpu.dma_semaphore, #tpu.memory_space<semaphore_mem>>) src(%dma_wait3A_222 : memref<128x128xf32, #tpu.memory_space<vmem_shared>>) dst(%dma_wait3A_220 : memref<128x128xf32, #tpu.memory_space<hbm>>)
      tpu.yield
    }) : () -> ()
    %add3A_204 = arith.constant 512 : i32
    %add3A_205 = arith.addi %mul3A_7, %add3A_204 : i32
    "tpu.region"() ({
      %run_scoped3A_206 = tpu.sem_alloc : memref<!tpu.dma_semaphore, #tpu.memory_space<semaphore_mem>>
      %dma_start3A_207 = arith.constant 0 : i32
      %dma_start3A_208 = arith.constant 0 : i32
      %dma_start3A_209 = tpu.memref_slice %arg5[%arg0, %dma_start3A_207, %dma_start3A_208] : memref<2x10240x128xf32, #tpu.memory_space<hbm>> -> memref<1x10240x128xf32, #tpu.memory_space<hbm>>
      %dma_start3A_210 = tpu.memref_squeeze %dma_start3A_209 : memref<1x10240x128xf32, #tpu.memory_space<hbm>> -> memref<10240x128xf32, #tpu.memory_space<hbm>>
      %dma_start3A_211 = arith.constant 0 : i32
      %dma_start3A_212 = tpu.memref_slice %dma_start3A_210[%add3A_205, %dma_start3A_211] : memref<10240x128xf32, #tpu.memory_space<hbm>> -> memref<128x128xf32, #tpu.memory_space<hbm>>
      %dma_start3A_213 = arith.constant 0 : i32
      %dma_start3A_214 = tpu.memref_slice %arg10[%add3A_205, %dma_start3A_213] : memref<10240x128xf32, #tpu.memory_space<vmem_shared>> -> memref<128x128xf32, #tpu.memory_space<vmem_shared>>
      tpu.enqueue_dma source(%dma_start3A_214 : memref<128x128xf32, #tpu.memory_space<vmem_shared>>) target(%dma_start3A_212 : memref<128x128xf32, #tpu.memory_space<hbm>>) target_semaphore(%run_scoped3A_206 : memref<!tpu.dma_semaphore, #tpu.memory_space<semaphore_mem>>)
      %dma_wait3A_215 = arith.constant 0 : i32
      %dma_wait3A_216 = arith.constant 0 : i32
      %dma_wait3A_217 = tpu.memref_slice %arg5[%arg0, %dma_wait3A_215, %dma_wait3A_216] : memref<2x10240x128xf32, #tpu.memory_space<hbm>> -> memref<1x10240x128xf32, #tpu.memory_space<hbm>>
      %dma_wait3A_218 = tpu.memref_squeeze %dma_wait3A_217 : memref<1x10240x128xf32, #tpu.memory_space<hbm>> -> memref<10240x128xf32, #tpu.memory_space<hbm>>
      %dma_wait3A_219 = arith.constant 0 : i32
      %dma_wait3A_220 = tpu.memref_slice %dma_wait3A_218[%add3A_205, %dma_wait3A_219] : memref<10240x128xf32, #tpu.memory_space<hbm>> -> memref<128x128xf32, #tpu.memory_space<hbm>>
      %dma_wait3A_221 = arith.constant 0 : i32
      %dma_wait3A_222 = tpu.memref_slice %arg10[%add3A_205, %dma_wait3A_221] : memref<10240x128xf32, #tpu.memory_space<vmem_shared>> -> memref<128x128xf32, #tpu.memory_space<vmem_shared>>
      tpu.wait_dma2 semaphore(%run_scoped3A_206 : memref<!tpu.dma_semaphore, #tpu.memory_space<semaphore_mem>>) src(%dma_wait3A_222 : memref<128x128xf32, #tpu.memory_space<vmem_shared>>) dst(%dma_wait3A_220 : memref<128x128xf32, #tpu.memory_space<hbm>>)
      tpu.yield
    }) : () -> ()
    return
  }
}

#map = affine_map<(d0, d1) -> (0, 0)>
#map1 = affine_map<(d0, d1) -> (0, 0, 0)>
module attributes {stable_mosaic.version = 14 : i64} {
  func.func @sc_segment_sum(%arg0: i32, %arg1: i32, %arg2: memref<10000x128xf32, #tpu.memory_space<hbm>>, %arg3: memref<32x80x128xi32, #tpu.memory_space<hbm>>, %arg4: memref<32x80x128xi32, #tpu.memory_space<hbm>>, %arg5: memref<2x10240x128xf32, #tpu.memory_space<hbm>>, %arg6: memref<40x128xi32, #tpu.memory_space<vmem>>, %arg7: memref<40x128xi32, #tpu.memory_space<vmem>>, %arg8: memref<128x128xf32, #tpu.memory_space<vmem>>, %arg9: memref<128x128xf32, #tpu.memory_space<vmem>>, %arg10: memref<10240x128xf32, #tpu.memory_space<vmem_shared>>, %arg11: memref<!tpu.dma_semaphore, #tpu.memory_space<semaphore_mem>>, %arg12: memref<!tpu.dma_semaphore, #tpu.memory_space<semaphore_mem>>, %arg13: memref<!tpu.dma_semaphore, #tpu.memory_space<semaphore_mem>>, %arg14: memref<!tpu.dma_semaphore, #tpu.memory_space<semaphore_mem>>) attributes {dimension_semantics = [#tpu.dimension_semantics<core_parallel>, #tpu.dimension_semantics<subcore_parallel>], iteration_bounds = array<i64: 2, 16>, scalar_prefetch = 0 : i64, scratch_operands = 9 : i64, tpu.core_type = #tpu.core_type<sc_vector_subcore>, window_params = [{transform_indices = #map}, {transform_indices = #map1}, {transform_indices = #map1}, {transform_indices = #map1}]} {
    %mul3A = arith.constant 16 : i32
    %mul3A_0 = arith.muli %arg0, %mul3A : i32
    %add3A = arith.addi %mul3A_0, %arg1 : i32
    %scan3A = arith.constant 0 : i32
    %scan3A_1 = arith.constant 0 : i32
    %scan3A_2 = arith.constant 128 : i32
    %scan3A_3 = arith.addi %scan3A_1, %scan3A_2 : i32
    %scan3A_4 = arith.constant 1 : i32
    scf.for %scan3A_206 = %scan3A_1 to %scan3A_3 step %scan3A_4  : i32 {
      %scan3A_207 = arith.constant 0 : i32
      %scan3A_208 = arith.constant 8 : i32
      %scan3A_209 = arith.addi %scan3A_207, %scan3A_208 : i32
      %scan3A_210 = arith.constant 1 : i32
      scf.for %scan3A_212 = %scan3A_207 to %scan3A_209 step %scan3A_210  : i32 {
        %broadcast_in_dim3A = arith.constant 0.000000e+00 : f32
        %broadcast_in_dim3A_213 = vector.broadcast %broadcast_in_dim3A : f32 to vector<16xf32>
        %mul3A_214 = arith.constant 16 : i32
        %mul3A_215 = arith.muli %scan3A_212, %mul3A_214 : i32
        %swap3A = arith.index_cast %scan3A_206 : i32 to index
        %swap3A_216 = arith.index_cast %mul3A_215 : i32 to index
        %swap3A_217 = tpu.vector_load %arg8[%swap3A, %swap3A_216] {strides = array<i32>} : memref<128x128xf32, #tpu.memory_space<vmem>>, vector<1x16xf32>,
        %swap3A_218 = vector.shape_cast %swap3A_217 : vector<1x16xf32> to vector<16xf32>
        %swap3A_219 = vector.shape_cast %broadcast_in_dim3A_213 : vector<16xf32> to vector<1x16xf32>
        tpu.vector_store %arg8[%swap3A, %swap3A_216], %swap3A_219 {strides = array<i32>} : memref<128x128xf32, #tpu.memory_space<vmem>>, vector<1x16xf32>,
      }
      %scan3A_211 = arith.constant 8 : i32
    }
    %scan3A_5 = arith.constant 128 : i32
    %mul3A_6 = arith.constant 640 : i32
    %mul3A_7 = arith.muli %arg1, %mul3A_6 : i32
    %add3A_8 = arith.constant 0 : i32
    %add3A_9 = arith.addi %mul3A_7, %add3A_8 : i32
    "tpu.region"() ({
      %run_scoped3A_206 = tpu.sem_alloc : memref<!tpu.dma_semaphore, #tpu.memory_space<semaphore_mem>>
      %dma_start3A_207 = arith.constant 0 : i32
      %dma_start3A_208 = tpu.memref_slice %arg10[%add3A_9, %dma_start3A_207] : memref<10240x128xf32, #tpu.memory_space<vmem_shared>> -> memref<128x128xf32, #tpu.memory_space<vmem_shared>>
      %dma_start3A_209 = arith.constant 0 : i32
      %dma_start3A_210 = tpu.memref_slice %arg10[%add3A_9, %dma_start3A_209] : memref<10240x128xf32, #tpu.memory_space<vmem_shared>> -> memref<128x128xf32, #tpu.memory_space<vmem_shared>>
      tpu.enqueue_dma source(%arg8 : memref<128x128xf32, #tpu.memory_space<vmem>>) target(%dma_start3A_210 : memref<128x128xf32, #tpu.memory_space<vmem_shared>>) target_semaphore(%run_scoped3A_206 : memref<!tpu.dma_semaphore, #tpu.memory_space<semaphore_mem>>)
      %dma_wait3A_211 = arith.constant 0 : i32
      %dma_wait3A_212 = tpu.memref_slice %arg10[%add3A_9, %dma_wait3A_211] : memref<10240x128xf32, #tpu.memory_space<vmem_shared>> -> memref<128x128xf32, #tpu.memory_space<vmem_shared>>
      %dma_wait3A_213 = arith.constant 0 : i32
      %dma_wait3A_214 = tpu.memref_slice %arg10[%add3A_9, %dma_wait3A_213] : memref<10240x128xf32, #tpu.memory_space<vmem_shared>> -> memref<128x128xf32, #tpu.memory_space<vmem_shared>>
      tpu.wait_dma2 semaphore(%run_scoped3A_206 : memref<!tpu.dma_semaphore, #tpu.memory_space<semaphore_mem>>) src(%arg8 : memref<128x128xf32, #tpu.memory_space<vmem>>) dst(%dma_wait3A_214 : memref<128x128xf32, #tpu.memory_space<vmem_shared>>)
      tpu.yield
    }) : () -> ()
    %add3A_10 = arith.constant 128 : i32
    %add3A_11 = arith.addi %mul3A_7, %add3A_10 : i32
    "tpu.region"() ({
      %run_scoped3A_206 = tpu.sem_alloc : memref<!tpu.dma_semaphore, #tpu.memory_space<semaphore_mem>>
      %dma_start3A_207 = arith.constant 0 : i32
      %dma_start3A_208 = tpu.memref_slice %arg10[%add3A_11, %dma_start3A_207] : memref<10240x128xf32, #tpu.memory_space<vmem_shared>> -> memref<128x128xf32, #tpu.memory_space<vmem_shared>>
      %dma_start3A_209 = arith.constant 0 : i32
      %dma_start3A_210 = tpu.memref_slice %arg10[%add3A_11, %dma_start3A_209] : memref<10240x128xf32, #tpu.memory_space<vmem_shared>> -> memref<128x128xf32, #tpu.memory_space<vmem_shared>>
      tpu.enqueue_dma source(%arg8 : memref<128x128xf32, #tpu.memory_space<vmem>>) target(%dma_start3A_210 : memref<128x128xf32, #tpu.memory_space<vmem_shared>>) target_semaphore(%run_scoped3A_206 : memref<!tpu.dma_semaphore, #tpu.memory_space<semaphore_mem>>)
      %dma_wait3A_211 = arith.constant 0 : i32
      %dma_wait3A_212 = tpu.memref_slice %arg10[%add3A_11, %dma_wait3A_211] : memref<10240x128xf32, #tpu.memory_space<vmem_shared>> -> memref<128x128xf32, #tpu.memory_space<vmem_shared>>
      %dma_wait3A_213 = arith.constant 0 : i32
      %dma_wait3A_214 = tpu.memref_slice %arg10[%add3A_11, %dma_wait3A_213] : memref<10240x128xf32, #tpu.memory_space<vmem_shared>> -> memref<128x128xf32, #tpu.memory_space<vmem_shared>>
      tpu.wait_dma2 semaphore(%run_scoped3A_206 : memref<!tpu.dma_semaphore, #tpu.memory_space<semaphore_mem>>) src(%arg8 : memref<128x128xf32, #tpu.memory_space<vmem>>) dst(%dma_wait3A_214 : memref<128x128xf32, #tpu.memory_space<vmem_shared>>)
      tpu.yield
    }) : () -> ()
    %add3A_12 = arith.constant 256 : i32
    %add3A_13 = arith.addi %mul3A_7, %add3A_12 : i32
    "tpu.region"() ({
      %run_scoped3A_206 = tpu.sem_alloc : memref<!tpu.dma_semaphore, #tpu.memory_space<semaphore_mem>>
      %dma_start3A_207 = arith.constant 0 : i32
      %dma_start3A_208 = tpu.memref_slice %arg10[%add3A_13, %dma_start3A_207] : memref<10240x128xf32, #tpu.memory_space<vmem_shared>> -> memref<128x128xf32, #tpu.memory_space<vmem_shared>>
      %dma_start3A_209 = arith.constant 0 : i32
      %dma_start3A_210 = tpu.memref_slice %arg10[%add3A_13, %dma_start3A_209] : memref<10240x128xf32, #tpu.memory_space<vmem_shared>> -> memref<128x128xf32, #tpu.memory_space<vmem_shared>>
      tpu.enqueue_dma source(%arg8 : memref<128x128xf32, #tpu.memory_space<vmem>>) target(%dma_start3A_210 : memref<128x128xf32, #tpu.memory_space<vmem_shared>>) target_semaphore(%run_scoped3A_206 : memref<!tpu.dma_semaphore, #tpu.memory_space<semaphore_mem>>)
      %dma_wait3A_211 = arith.constant 0 : i32
      %dma_wait3A_212 = tpu.memref_slice %arg10[%add3A_13, %dma_wait3A_211] : memref<10240x128xf32, #tpu.memory_space<vmem_shared>> -> memref<128x128xf32, #tpu.memory_space<vmem_shared>>
      %dma_wait3A_213 = arith.constant 0 : i32
      %dma_wait3A_214 = tpu.memref_slice %arg10[%add3A_13, %dma_wait3A_213] : memref<10240x128xf32, #tpu.memory_space<vmem_shared>> -> memref<128x128xf32, #tpu.memory_space<vmem_shared>>
      tpu.wait_dma2 semaphore(%run_scoped3A_206 : memref<!tpu.dma_semaphore, #tpu.memory_space<semaphore_mem>>) src(%arg8 : memref<128x128xf32, #tpu.memory_space<vmem>>) dst(%dma_wait3A_214 : memref<128x128xf32, #tpu.memory_space<vmem_shared>>)
      tpu.yield
    }) : () -> ()
    %add3A_14 = arith.constant 384 : i32
    %add3A_15 = arith.addi %mul3A_7, %add3A_14 : i32
    "tpu.region"() ({
      %run_scoped3A_206 = tpu.sem_alloc : memref<!tpu.dma_semaphore, #tpu.memory_space<semaphore_mem>>
      %dma_start3A_207 = arith.constant 0 : i32
      %dma_start3A_208 = tpu.memref_slice %arg10[%add3A_15, %dma_start3A_207] : memref<10240x128xf32, #tpu.memory_space<vmem_shared>> -> memref<128x128xf32, #tpu.memory_space<vmem_shared>>
      %dma_start3A_209 = arith.constant 0 : i32
      %dma_start3A_210 = tpu.memref_slice %arg10[%add3A_15, %dma_start3A_209] : memref<10240x128xf32, #tpu.memory_space<vmem_shared>> -> memref<128x128xf32, #tpu.memory_space<vmem_shared>>
      tpu.enqueue_dma source(%arg8 : memref<128x128xf32, #tpu.memory_space<vmem>>) target(%dma_start3A_210 : memref<128x128xf32, #tpu.memory_space<vmem_shared>>) target_semaphore(%run_scoped3A_206 : memref<!tpu.dma_semaphore, #tpu.memory_space<semaphore_mem>>)
      %dma_wait3A_211 = arith.constant 0 : i32
      %dma_wait3A_212 = tpu.memref_slice %arg10[%add3A_15, %dma_wait3A_211] : memref<10240x128xf32, #tpu.memory_space<vmem_shared>> -> memref<128x128xf32, #tpu.memory_space<vmem_shared>>
      %dma_wait3A_213 = arith.constant 0 : i32
      %dma_wait3A_214 = tpu.memref_slice %arg10[%add3A_15, %dma_wait3A_213] : memref<10240x128xf32, #tpu.memory_space<vmem_shared>> -> memref<128x128xf32, #tpu.memory_space<vmem_shared>>
      tpu.wait_dma2 semaphore(%run_scoped3A_206 : memref<!tpu.dma_semaphore, #tpu.memory_space<semaphore_mem>>) src(%arg8 : memref<128x128xf32, #tpu.memory_space<vmem>>) dst(%dma_wait3A_214 : memref<128x128xf32, #tpu.memory_space<vmem_shared>>)
      tpu.yield
    }) : () -> ()
    %add3A_16 = arith.constant 512 : i32
    %add3A_17 = arith.addi %mul3A_7, %add3A_16 : i32
    "tpu.region"() ({
      %run_scoped3A_206 = tpu.sem_alloc : memref<!tpu.dma_semaphore, #tpu.memory_space<semaphore_mem>>
      %dma_start3A_207 = arith.constant 0 : i32
      %dma_start3A_208 = tpu.memref_slice %arg10[%add3A_17, %dma_start3A_207] : memref<10240x128xf32, #tpu.memory_space<vmem_shared>> -> memref<128x128xf32, #tpu.memory_space<vmem_shared>>
      %dma_start3A_209 = arith.constant 0 : i32
      %dma_start3A_210 = tpu.memref_slice %arg10[%add3A_17, %dma_start3A_209] : memref<10240x128xf32, #tpu.memory_space<vmem_shared>> -> memref<128x128xf32, #tpu.memory_space<vmem_shared>>
      tpu.enqueue_dma source(%arg8 : memref<128x128xf32, #tpu.memory_space<vmem>>) target(%dma_start3A_210 : memref<128x128xf32, #tpu.memory_space<vmem_shared>>) target_semaphore(%run_scoped3A_206 : memref<!tpu.dma_semaphore, #tpu.memory_space<semaphore_mem>>)
      %dma_wait3A_211 = arith.constant 0 : i32
      %dma_wait3A_212 = tpu.memref_slice %arg10[%add3A_17, %dma_wait3A_211] : memref<10240x128xf32, #tpu.memory_space<vmem_shared>> -> memref<128x128xf32, #tpu.memory_space<vmem_shared>>
      %dma_wait3A_213 = arith.constant 0 : i32
      %dma_wait3A_214 = tpu.memref_slice %arg10[%add3A_17, %dma_wait3A_213] : memref<10240x128xf32, #tpu.memory_space<vmem_shared>> -> memref<128x128xf32, #tpu.memory_space<vmem_shared>>
      tpu.wait_dma2 semaphore(%run_scoped3A_206 : memref<!tpu.dma_semaphore, #tpu.memory_space<semaphore_mem>>) src(%arg8 : memref<128x128xf32, #tpu.memory_space<vmem>>) dst(%dma_wait3A_214 : memref<128x128xf32, #tpu.memory_space<vmem_shared>>)
      tpu.yield
    }) : () -> ()
    %dma_start3A = arith.constant 0 : i32
    %dma_start3A_18 = arith.constant 0 : i32
    %dma_start3A_19 = tpu.memref_slice %arg3[%add3A, %dma_start3A, %dma_start3A_18] : memref<32x80x128xi32, #tpu.memory_space<hbm>> -> memref<1x80x128xi32, #tpu.memory_space<hbm>>
    %dma_start3A_20 = tpu.memref_squeeze %dma_start3A_19 : memref<1x80x128xi32, #tpu.memory_space<hbm>> -> memref<80x128xi32, #tpu.memory_space<hbm>>
    %dma_start3A_21 = arith.constant 0 : i32
    %dma_start3A_22 = arith.constant 0 : i32
    %dma_start3A_23 = tpu.memref_slice %dma_start3A_20[%dma_start3A_21, %dma_start3A_22] : memref<80x128xi32, #tpu.memory_space<hbm>> -> memref<40x128xi32, #tpu.memory_space<hbm>>
    %dma_start3A_24 = arith.constant 0 : i32
    %dma_start3A_25 = arith.constant 0 : i32
    %dma_start3A_26 = tpu.memref_slice %arg3[%add3A, %dma_start3A_24, %dma_start3A_25] : memref<32x80x128xi32, #tpu.memory_space<hbm>> -> memref<1x80x128xi32, #tpu.memory_space<hbm>>
    %dma_start3A_27 = tpu.memref_squeeze %dma_start3A_26 : memref<1x80x128xi32, #tpu.memory_space<hbm>> -> memref<80x128xi32, #tpu.memory_space<hbm>>
    %dma_start3A_28 = arith.constant 0 : i32
    %dma_start3A_29 = arith.constant 0 : i32
    %dma_start3A_30 = tpu.memref_slice %dma_start3A_27[%dma_start3A_28, %dma_start3A_29] : memref<80x128xi32, #tpu.memory_space<hbm>> -> memref<40x128xi32, #tpu.memory_space<hbm>>
    tpu.enqueue_dma source(%dma_start3A_30 : memref<40x128xi32, #tpu.memory_space<hbm>>) target(%arg6 : memref<40x128xi32, #tpu.memory_space<vmem>>) target_semaphore(%arg13 : memref<!tpu.dma_semaphore, #tpu.memory_space<semaphore_mem>>)
    %dma_start3A_31 = arith.constant 0 : i32
    %dma_start3A_32 = arith.constant 0 : i32
    %dma_start3A_33 = tpu.memref_slice %arg4[%add3A, %dma_start3A_31, %dma_start3A_32] : memref<32x80x128xi32, #tpu.memory_space<hbm>> -> memref<1x80x128xi32, #tpu.memory_space<hbm>>
    %dma_start3A_34 = tpu.memref_squeeze %dma_start3A_33 : memref<1x80x128xi32, #tpu.memory_space<hbm>> -> memref<80x128xi32, #tpu.memory_space<hbm>>
    %dma_start3A_35 = arith.constant 0 : i32
    %dma_start3A_36 = arith.constant 0 : i32
    %dma_start3A_37 = tpu.memref_slice %dma_start3A_34[%dma_start3A_35, %dma_start3A_36] : memref<80x128xi32, #tpu.memory_space<hbm>> -> memref<40x128xi32, #tpu.memory_space<hbm>>
    %dma_start3A_38 = arith.constant 0 : i32
    %dma_start3A_39 = arith.constant 0 : i32
    %dma_start3A_40 = tpu.memref_slice %arg4[%add3A, %dma_start3A_38, %dma_start3A_39] : memref<32x80x128xi32, #tpu.memory_space<hbm>> -> memref<1x80x128xi32, #tpu.memory_space<hbm>>
    %dma_start3A_41 = tpu.memref_squeeze %dma_start3A_40 : memref<1x80x128xi32, #tpu.memory_space<hbm>> -> memref<80x128xi32, #tpu.memory_space<hbm>>
    %dma_start3A_42 = arith.constant 0 : i32
    %dma_start3A_43 = arith.constant 0 : i32
    %dma_start3A_44 = tpu.memref_slice %dma_start3A_41[%dma_start3A_42, %dma_start3A_43] : memref<80x128xi32, #tpu.memory_space<hbm>> -> memref<40x128xi32, #tpu.memory_space<hbm>>
    tpu.enqueue_dma source(%dma_start3A_44 : memref<40x128xi32, #tpu.memory_space<hbm>>) target(%arg7 : memref<40x128xi32, #tpu.memory_space<vmem>>) target_semaphore(%arg14 : memref<!tpu.dma_semaphore, #tpu.memory_space<semaphore_mem>>)
    %dma_wait3A = arith.constant 0 : i32
    %dma_wait3A_45 = arith.constant 0 : i32
    %dma_wait3A_46 = tpu.memref_slice %arg3[%add3A, %dma_wait3A, %dma_wait3A_45] : memref<32x80x128xi32, #tpu.memory_space<hbm>> -> memref<1x80x128xi32, #tpu.memory_space<hbm>>
    %dma_wait3A_47 = tpu.memref_squeeze %dma_wait3A_46 : memref<1x80x128xi32, #tpu.memory_space<hbm>> -> memref<80x128xi32, #tpu.memory_space<hbm>>
    %dma_wait3A_48 = arith.constant 0 : i32
    %dma_wait3A_49 = arith.constant 0 : i32
    %dma_wait3A_50 = tpu.memref_slice %dma_wait3A_47[%dma_wait3A_48, %dma_wait3A_49] : memref<80x128xi32, #tpu.memory_space<hbm>> -> memref<40x128xi32, #tpu.memory_space<hbm>>
    %dma_wait3A_51 = arith.constant 0 : i32
    %dma_wait3A_52 = arith.constant 0 : i32
    %dma_wait3A_53 = tpu.memref_slice %arg3[%add3A, %dma_wait3A_51, %dma_wait3A_52] : memref<32x80x128xi32, #tpu.memory_space<hbm>> -> memref<1x80x128xi32, #tpu.memory_space<hbm>>
    %dma_wait3A_54 = tpu.memref_squeeze %dma_wait3A_53 : memref<1x80x128xi32, #tpu.memory_space<hbm>> -> memref<80x128xi32, #tpu.memory_space<hbm>>
    %dma_wait3A_55 = arith.constant 0 : i32
    %dma_wait3A_56 = arith.constant 0 : i32
    %dma_wait3A_57 = tpu.memref_slice %dma_wait3A_54[%dma_wait3A_55, %dma_wait3A_56] : memref<80x128xi32, #tpu.memory_space<hbm>> -> memref<40x128xi32, #tpu.memory_space<hbm>>
    tpu.wait_dma2 semaphore(%arg13 : memref<!tpu.dma_semaphore, #tpu.memory_space<semaphore_mem>>) src(%dma_wait3A_57 : memref<40x128xi32, #tpu.memory_space<hbm>>) dst(%arg6 : memref<40x128xi32, #tpu.memory_space<vmem>>)
    %dma_wait3A_58 = arith.constant 0 : i32
    %dma_wait3A_59 = arith.constant 0 : i32
    %dma_wait3A_60 = tpu.memref_slice %arg4[%add3A, %dma_wait3A_58, %dma_wait3A_59] : memref<32x80x128xi32, #tpu.memory_space<hbm>> -> memref<1x80x128xi32, #tpu.memory_space<hbm>>
    %dma_wait3A_61 = tpu.memref_squeeze %dma_wait3A_60 : memref<1x80x128xi32, #tpu.memory_space<hbm>> -> memref<80x128xi32, #tpu.memory_space<hbm>>
    %dma_wait3A_62 = arith.constant 0 : i32
    %dma_wait3A_63 = arith.constant 0 : i32
    %dma_wait3A_64 = tpu.memref_slice %dma_wait3A_61[%dma_wait3A_62, %dma_wait3A_63] : memref<80x128xi32, #tpu.memory_space<hbm>> -> memref<40x128xi32, #tpu.memory_space<hbm>>
    %dma_wait3A_65 = arith.constant 0 : i32
    %dma_wait3A_66 = arith.constant 0 : i32
    %dma_wait3A_67 = tpu.memref_slice %arg4[%add3A, %dma_wait3A_65, %dma_wait3A_66] : memref<32x80x128xi32, #tpu.memory_space<hbm>> -> memref<1x80x128xi32, #tpu.memory_space<hbm>>
    %dma_wait3A_68 = tpu.memref_squeeze %dma_wait3A_67 : memref<1x80x128xi32, #tpu.memory_space<hbm>> -> memref<80x128xi32, #tpu.memory_space<hbm>>
    %dma_wait3A_69 = arith.constant 0 : i32
    %dma_wait3A_70 = arith.constant 0 : i32
    %dma_wait3A_71 = tpu.memref_slice %dma_wait3A_68[%dma_wait3A_69, %dma_wait3A_70] : memref<80x128xi32, #tpu.memory_space<hbm>> -> memref<40x128xi32, #tpu.memory_space<hbm>>
    tpu.wait_dma2 semaphore(%arg14 : memref<!tpu.dma_semaphore, #tpu.memory_space<semaphore_mem>>) src(%dma_wait3A_71 : memref<40x128xi32, #tpu.memory_space<hbm>>) dst(%arg7 : memref<40x128xi32, #tpu.memory_space<vmem>>)
    %barrier3A = arith.constant 0 : index
    tpu.barrier barrier_id(%barrier3A)
    %dma_start3A_72 = arith.constant 0 : i32
    %dma_start3A_73 = arith.constant 0 : i32
    %dma_start3A_74 = tpu.memref_slice %arg6[%dma_start3A_72, %dma_start3A_73] : memref<40x128xi32, #tpu.memory_space<vmem>> -> memref<1x128xi32, #tpu.memory_space<vmem>>
    %dma_start3A_75 = tpu.memref_squeeze %dma_start3A_74 : memref<1x128xi32, #tpu.memory_space<vmem>> -> memref<128xi32, #tpu.memory_space<vmem>>
    %dma_start3A_76 = arith.constant 0 : i32
    %dma_start3A_77 = arith.constant 0 : i32
    %dma_start3A_78 = tpu.memref_slice %arg2[%dma_start3A_76, %dma_start3A_77] : memref<10000x128xf32, #tpu.memory_space<hbm>> -> memref<10000x128xf32, #tpu.memory_space<hbm>>
    tpu.enqueue_indirect_dma source(%dma_start3A_78 : memref<10000x128xf32, #tpu.memory_space<hbm>>) target(%arg8 : memref<128x128xf32, #tpu.memory_space<vmem>>) offsets(%dma_start3A_75 : memref<128xi32, #tpu.memory_space<vmem>>) semaphore(%arg11 : memref<!tpu.dma_semaphore, #tpu.memory_space<semaphore_mem>>)
    %scan3A_79 = arith.constant 0 : i32
    %scan3A_80 = arith.constant 0 : i32
    %scan3A_81 = arith.constant 19 : i32
    %scan3A_82 = arith.addi %scan3A_80, %scan3A_81 : i32
    %scan3A_83 = arith.constant 1 : i32
    scf.for %scan3A_206 = %scan3A_80 to %scan3A_82 step %scan3A_83  : i32 {
      %mul3A_207 = arith.constant 2 : i32
      %mul3A_208 = arith.muli %scan3A_206, %mul3A_207 : i32
      %add3A_209 = arith.constant 0 : i32
      %add3A_210 = arith.addi %mul3A_208, %add3A_209 : i32
      %add3A_211 = arith.constant 1 : i32
      %add3A_212 = arith.addi %add3A_210, %add3A_211 : i32
      %dma_start3A_213 = arith.constant 0 : i32
      %dma_start3A_214 = tpu.memref_slice %arg6[%add3A_212, %dma_start3A_213] : memref<40x128xi32, #tpu.memory_space<vmem>> -> memref<1x128xi32, #tpu.memory_space<vmem>>
      %dma_start3A_215 = tpu.memref_squeeze %dma_start3A_214 : memref<1x128xi32, #tpu.memory_space<vmem>> -> memref<128xi32, #tpu.memory_space<vmem>>
      %dma_start3A_216 = arith.constant 0 : i32
      %dma_start3A_217 = arith.constant 0 : i32
      %dma_start3A_218 = tpu.memref_slice %arg2[%dma_start3A_216, %dma_start3A_217] : memref<10000x128xf32, #tpu.memory_space<hbm>> -> memref<10000x128xf32, #tpu.memory_space<hbm>>
      tpu.enqueue_indirect_dma source(%dma_start3A_218 : memref<10000x128xf32, #tpu.memory_space<hbm>>) target(%arg9 : memref<128x128xf32, #tpu.memory_space<vmem>>) offsets(%dma_start3A_215 : memref<128xi32, #tpu.memory_space<vmem>>) semaphore(%arg12 : memref<!tpu.dma_semaphore, #tpu.memory_space<semaphore_mem>>)
      %dma_wait3A_219 = arith.constant 0 : i32
      %dma_wait3A_220 = arith.constant 0 : i32
      %dma_wait3A_221 = tpu.memref_slice %arg2[%dma_wait3A_219, %dma_wait3A_220] : memref<10000x128xf32, #tpu.memory_space<hbm>> -> memref<128x128xf32, #tpu.memory_space<hbm>>
      %dma_wait3A_222 = arith.constant 0 : i32
      %dma_wait3A_223 = arith.constant 0 : i32
      %dma_wait3A_224 = tpu.memref_slice %arg2[%dma_wait3A_222, %dma_wait3A_223] : memref<10000x128xf32, #tpu.memory_space<hbm>> -> memref<128x128xf32, #tpu.memory_space<hbm>>
      tpu.wait_dma2 semaphore(%arg11 : memref<!tpu.dma_semaphore, #tpu.memory_space<semaphore_mem>>) src(%dma_wait3A_224 : memref<128x128xf32, #tpu.memory_space<hbm>>) dst(%arg8 : memref<128x128xf32, #tpu.memory_space<vmem>>)
      "tpu.region"() ({
        %run_scoped3A_243 = tpu.sem_alloc : memref<!tpu.dma_semaphore, #tpu.memory_space<semaphore_mem>>
        %dma_start3A_244 = arith.constant 0 : i32
        %dma_start3A_245 = tpu.memref_slice %arg7[%add3A_210, %dma_start3A_244] : memref<40x128xi32, #tpu.memory_space<vmem>> -> memref<1x128xi32, #tpu.memory_space<vmem>>
        %dma_start3A_246 = tpu.memref_squeeze %dma_start3A_245 : memref<1x128xi32, #tpu.memory_space<vmem>> -> memref<128xi32, #tpu.memory_space<vmem>>
        %dma_start3A_247 = arith.constant 0 : i32
        %dma_start3A_248 = arith.constant 0 : i32
        %dma_start3A_249 = tpu.memref_slice %arg10[%dma_start3A_247, %dma_start3A_248] : memref<10240x128xf32, #tpu.memory_space<vmem_shared>> -> memref<10240x128xf32, #tpu.memory_space<vmem_shared>>
        tpu.enqueue_indirect_dma source(%arg8 : memref<128x128xf32, #tpu.memory_space<vmem>>) target(%dma_start3A_249 : memref<10240x128xf32, #tpu.memory_space<vmem_shared>>) offsets(%dma_start3A_246 : memref<128xi32, #tpu.memory_space<vmem>>) semaphore(%run_scoped3A_243 : memref<!tpu.dma_semaphore, #tpu.memory_space<semaphore_mem>>) {add = true}
        %dma_wait3A_250 = arith.constant 0 : i32
        %dma_wait3A_251 = tpu.memref_slice %arg7[%add3A_210, %dma_wait3A_250] : memref<40x128xi32, #tpu.memory_space<vmem>> -> memref<1x128xi32, #tpu.memory_space<vmem>>
        %dma_wait3A_252 = tpu.memref_squeeze %dma_wait3A_251 : memref<1x128xi32, #tpu.memory_space<vmem>> -> memref<128xi32, #tpu.memory_space<vmem>>
        %dma_wait3A_253 = arith.constant 0 : i32
        %dma_wait3A_254 = arith.constant 0 : i32
        %dma_wait3A_255 = tpu.memref_slice %arg10[%dma_wait3A_253, %dma_wait3A_254] : memref<10240x128xf32, #tpu.memory_space<vmem_shared>> -> memref<10240x128xf32, #tpu.memory_space<vmem_shared>>
        tpu.wait_indirect_dma semaphore(%run_scoped3A_243 : memref<!tpu.dma_semaphore, #tpu.memory_space<semaphore_mem>>) src(%arg8 : memref<128x128xf32, #tpu.memory_space<vmem>>) dst(%dma_wait3A_255 : memref<10240x128xf32, #tpu.memory_space<vmem_shared>>)
        tpu.yield
      }) : () -> ()
      %mul3A_225 = arith.constant 2 : i32
      %mul3A_226 = arith.muli %scan3A_206, %mul3A_225 : i32
      %add3A_227 = arith.constant 1 : i32
      %add3A_228 = arith.addi %mul3A_226, %add3A_227 : i32
      %add3A_229 = arith.constant 1 : i32
      %add3A_230 = arith.addi %add3A_228, %add3A_229 : i32
      %dma_start3A_231 = arith.constant 0 : i32
      %dma_start3A_232 = tpu.memref_slice %arg6[%add3A_230, %dma_start3A_231] : memref<40x128xi32, #tpu.memory_space<vmem>> -> memref<1x128xi32, #tpu.memory_space<vmem>>
      %dma_start3A_233 = tpu.memref_squeeze %dma_start3A_232 : memref<1x128xi32, #tpu.memory_space<vmem>> -> memref<128xi32, #tpu.memory_space<vmem>>
      %dma_start3A_234 = arith.constant 0 : i32
      %dma_start3A_235 = arith.constant 0 : i32
      %dma_start3A_236 = tpu.memref_slice %arg2[%dma_start3A_234, %dma_start3A_235] : memref<10000x128xf32, #tpu.memory_space<hbm>> -> memref<10000x128xf32, #tpu.memory_space<hbm>>
      tpu.enqueue_indirect_dma source(%dma_start3A_236 : memref<10000x128xf32, #tpu.memory_space<hbm>>) target(%arg8 : memref<128x128xf32, #tpu.memory_space<vmem>>) offsets(%dma_start3A_233 : memref<128xi32, #tpu.memory_space<vmem>>) semaphore(%arg11 : memref<!tpu.dma_semaphore, #tpu.memory_space<semaphore_mem>>)
      %dma_wait3A_237 = arith.constant 0 : i32
      %dma_wait3A_238 = arith.constant 0 : i32
      %dma_wait3A_239 = tpu.memref_slice %arg2[%dma_wait3A_237, %dma_wait3A_238] : memref<10000x128xf32, #tpu.memory_space<hbm>> -> memref<128x128xf32, #tpu.memory_space<hbm>>
      %dma_wait3A_240 = arith.constant 0 : i32
      %dma_wait3A_241 = arith.constant 0 : i32
      %dma_wait3A_242 = tpu.memref_slice %arg2[%dma_wait3A_240, %dma_wait3A_241] : memref<10000x128xf32, #tpu.memory_space<hbm>> -> memref<128x128xf32, #tpu.memory_space<hbm>>
      tpu.wait_dma2 semaphore(%arg12 : memref<!tpu.dma_semaphore, #tpu.memory_space<semaphore_mem>>) src(%dma_wait3A_242 : memref<128x128xf32, #tpu.memory_space<hbm>>) dst(%arg9 : memref<128x128xf32, #tpu.memory_space<vmem>>)
      "tpu.region"() ({
        %run_scoped3A_243 = tpu.sem_alloc : memref<!tpu.dma_semaphore, #tpu.memory_space<semaphore_mem>>
        %dma_start3A_244 = arith.constant 0 : i32
        %dma_start3A_245 = tpu.memref_slice %arg7[%add3A_228, %dma_start3A_244] : memref<40x128xi32, #tpu.memory_space<vmem>> -> memref<1x128xi32, #tpu.memory_space<vmem>>
        %dma_start3A_246 = tpu.memref_squeeze %dma_start3A_245 : memref<1x128xi32, #tpu.memory_space<vmem>> -> memref<128xi32, #tpu.memory_space<vmem>>
        %dma_start3A_247 = arith.constant 0 : i32
        %dma_start3A_248 = arith.constant 0 : i32
        %dma_start3A_249 = tpu.memref_slice %arg10[%dma_start3A_247, %dma_start3A_248] : memref<10240x128xf32, #tpu.memory_space<vmem_shared>> -> memref<10240x128xf32, #tpu.memory_space<vmem_shared>>
        tpu.enqueue_indirect_dma source(%arg9 : memref<128x128xf32, #tpu.memory_space<vmem>>) target(%dma_start3A_249 : memref<10240x128xf32, #tpu.memory_space<vmem_shared>>) offsets(%dma_start3A_246 : memref<128xi32, #tpu.memory_space<vmem>>) semaphore(%run_scoped3A_243 : memref<!tpu.dma_semaphore, #tpu.memory_space<semaphore_mem>>) {add = true}
        %dma_wait3A_250 = arith.constant 0 : i32
        %dma_wait3A_251 = tpu.memref_slice %arg7[%add3A_228, %dma_wait3A_250] : memref<40x128xi32, #tpu.memory_space<vmem>> -> memref<1x128xi32, #tpu.memory_space<vmem>>
        %dma_wait3A_252 = tpu.memref_squeeze %dma_wait3A_251 : memref<1x128xi32, #tpu.memory_space<vmem>> -> memref<128xi32, #tpu.memory_space<vmem>>
        %dma_wait3A_253 = arith.constant 0 : i32
        %dma_wait3A_254 = arith.constant 0 : i32
        %dma_wait3A_255 = tpu.memref_slice %arg10[%dma_wait3A_253, %dma_wait3A_254] : memref<10240x128xf32, #tpu.memory_space<vmem_shared>> -> memref<10240x128xf32, #tpu.memory_space<vmem_shared>>
        tpu.wait_indirect_dma semaphore(%run_scoped3A_243 : memref<!tpu.dma_semaphore, #tpu.memory_space<semaphore_mem>>) src(%arg9 : memref<128x128xf32, #tpu.memory_space<vmem>>) dst(%dma_wait3A_255 : memref<10240x128xf32, #tpu.memory_space<vmem_shared>>)
        tpu.yield
      }) : () -> ()
    }
    %scan3A_84 = arith.constant 19 : i32
    %dma_start3A_85 = arith.constant 39 : i32
    %dma_start3A_86 = arith.constant 0 : i32
    %dma_start3A_87 = tpu.memref_slice %arg6[%dma_start3A_85, %dma_start3A_86] : memref<40x128xi32, #tpu.memory_space<vmem>> -> memref<1x128xi32, #tpu.memory_space<vmem>>
    %dma_start3A_88 = tpu.memref_squeeze %dma_start3A_87 : memref<1x128xi32, #tpu.memory_space<vmem>> -> memref<128xi32, #tpu.memory_space<vmem>>
    %dma_start3A_89 = arith.constant 0 : i32
    %dma_start3A_90 = arith.constant 0 : i32
    %dma_start3A_91 = tpu.memref_slice %arg2[%dma_start3A_89, %dma_start3A_90] : memref<10000x128xf32, #tpu.memory_space<hbm>> -> memref<10000x128xf32, #tpu.memory_space<hbm>>
    tpu.enqueue_indirect_dma source(%dma_start3A_91 : memref<10000x128xf32, #tpu.memory_space<hbm>>) target(%arg9 : memref<128x128xf32, #tpu.memory_space<vmem>>) offsets(%dma_start3A_88 : memref<128xi32, #tpu.memory_space<vmem>>) semaphore(%arg12 : memref<!tpu.dma_semaphore, #tpu.memory_space<semaphore_mem>>)
    %dma_wait3A_92 = arith.constant 0 : i32
    %dma_wait3A_93 = arith.constant 0 : i32
    %dma_wait3A_94 = tpu.memref_slice %arg2[%dma_wait3A_92, %dma_wait3A_93] : memref<10000x128xf32, #tpu.memory_space<hbm>> -> memref<128x128xf32, #tpu.memory_space<hbm>>
    %dma_wait3A_95 = arith.constant 0 : i32
    %dma_wait3A_96 = arith.constant 0 : i32
    %dma_wait3A_97 = tpu.memref_slice %arg2[%dma_wait3A_95, %dma_wait3A_96] : memref<10000x128xf32, #tpu.memory_space<hbm>> -> memref<128x128xf32, #tpu.memory_space<hbm>>
    tpu.wait_dma2 semaphore(%arg11 : memref<!tpu.dma_semaphore, #tpu.memory_space<semaphore_mem>>) src(%dma_wait3A_97 : memref<128x128xf32, #tpu.memory_space<hbm>>) dst(%arg8 : memref<128x128xf32, #tpu.memory_space<vmem>>)
    %run_scoped3A = arith.constant 38 : i32
    "tpu.region"() ({
      %run_scoped3A_206 = tpu.sem_alloc : memref<!tpu.dma_semaphore, #tpu.memory_space<semaphore_mem>>
      %dma_start3A_207 = arith.constant 0 : i32
      %dma_start3A_208 = tpu.memref_slice %arg7[%run_scoped3A, %dma_start3A_207] : memref<40x128xi32, #tpu.memory_space<vmem>> -> memref<1x128xi32, #tpu.memory_space<vmem>>
      %dma_start3A_209 = tpu.memref_squeeze %dma_start3A_208 : memref<1x128xi32, #tpu.memory_space<vmem>> -> memref<128xi32, #tpu.memory_space<vmem>>
      %dma_start3A_210 = arith.constant 0 : i32
      %dma_start3A_211 = arith.constant 0 : i32
      %dma_start3A_212 = tpu.memref_slice %arg10[%dma_start3A_210, %dma_start3A_211] : memref<10240x128xf32, #tpu.memory_space<vmem_shared>> -> memref<10240x128xf32, #tpu.memory_space<vmem_shared>>
      tpu.enqueue_indirect_dma source(%arg8 : memref<128x128xf32, #tpu.memory_space<vmem>>) target(%dma_start3A_212 : memref<10240x128xf32, #tpu.memory_space<vmem_shared>>) offsets(%dma_start3A_209 : memref<128xi32, #tpu.memory_space<vmem>>) semaphore(%run_scoped3A_206 : memref<!tpu.dma_semaphore, #tpu.memory_space<semaphore_mem>>) {add = true}
      %dma_wait3A_213 = arith.constant 0 : i32
      %dma_wait3A_214 = tpu.memref_slice %arg7[%run_scoped3A, %dma_wait3A_213] : memref<40x128xi32, #tpu.memory_space<vmem>> -> memref<1x128xi32, #tpu.memory_space<vmem>>
      %dma_wait3A_215 = tpu.memref_squeeze %dma_wait3A_214 : memref<1x128xi32, #tpu.memory_space<vmem>> -> memref<128xi32, #tpu.memory_space<vmem>>
      %dma_wait3A_216 = arith.constant 0 : i32
      %dma_wait3A_217 = arith.constant 0 : i32
      %dma_wait3A_218 = tpu.memref_slice %arg10[%dma_wait3A_216, %dma_wait3A_217] : memref<10240x128xf32, #tpu.memory_space<vmem_shared>> -> memref<10240x128xf32, #tpu.memory_space<vmem_shared>>
      tpu.wait_indirect_dma semaphore(%run_scoped3A_206 : memref<!tpu.dma_semaphore, #tpu.memory_space<semaphore_mem>>) src(%arg8 : memref<128x128xf32, #tpu.memory_space<vmem>>) dst(%dma_wait3A_218 : memref<10240x128xf32, #tpu.memory_space<vmem_shared>>)
      tpu.yield
    }) : () -> ()
    %dma_wait3A_98 = arith.constant 0 : i32
    %dma_wait3A_99 = arith.constant 0 : i32
    %dma_wait3A_100 = tpu.memref_slice %arg2[%dma_wait3A_98, %dma_wait3A_99] : memref<10000x128xf32, #tpu.memory_space<hbm>> -> memref<128x128xf32, #tpu.memory_space<hbm>>
    %dma_wait3A_101 = arith.constant 0 : i32
    %dma_wait3A_102 = arith.constant 0 : i32
    %dma_wait3A_103 = tpu.memref_slice %arg2[%dma_wait3A_101, %dma_wait3A_102] : memref<10000x128xf32, #tpu.memory_space<hbm>> -> memref<128x128xf32, #tpu.memory_space<hbm>>
    tpu.wait_dma2 semaphore(%arg12 : memref<!tpu.dma_semaphore, #tpu.memory_space<semaphore_mem>>) src(%dma_wait3A_103 : memref<128x128xf32, #tpu.memory_space<hbm>>) dst(%arg9 : memref<128x128xf32, #tpu.memory_space<vmem>>)
    %run_scoped3A_104 = arith.constant 39 : i32
    "tpu.region"() ({
      %run_scoped3A_206 = tpu.sem_alloc : memref<!tpu.dma_semaphore, #tpu.memory_space<semaphore_mem>>
      %dma_start3A_207 = arith.constant 0 : i32
      %dma_start3A_208 = tpu.memref_slice %arg7[%run_scoped3A_104, %dma_start3A_207] : memref<40x128xi32, #tpu.memory_space<vmem>> -> memref<1x128xi32, #tpu.memory_space<vmem>>
      %dma_start3A_209 = tpu.memref_squeeze %dma_start3A_208 : memref<1x128xi32, #tpu.memory_space<vmem>> -> memref<128xi32, #tpu.memory_space<vmem>>
      %dma_start3A_210 = arith.constant 0 : i32
      %dma_start3A_211 = arith.constant 0 : i32
      %dma_start3A_212 = tpu.memref_slice %arg10[%dma_start3A_210, %dma_start3A_211] : memref<10240x128xf32, #tpu.memory_space<vmem_shared>> -> memref<10240x128xf32, #tpu.memory_space<vmem_shared>>
      tpu.enqueue_indirect_dma source(%arg9 : memref<128x128xf32, #tpu.memory_space<vmem>>) target(%dma_start3A_212 : memref<10240x128xf32, #tpu.memory_space<vmem_shared>>) offsets(%dma_start3A_209 : memref<128xi32, #tpu.memory_space<vmem>>) semaphore(%run_scoped3A_206 : memref<!tpu.dma_semaphore, #tpu.memory_space<semaphore_mem>>) {add = true}
      %dma_wait3A_213 = arith.constant 0 : i32
      %dma_wait3A_214 = tpu.memref_slice %arg7[%run_scoped3A_104, %dma_wait3A_213] : memref<40x128xi32, #tpu.memory_space<vmem>> -> memref<1x128xi32, #tpu.memory_space<vmem>>
      %dma_wait3A_215 = tpu.memref_squeeze %dma_wait3A_214 : memref<1x128xi32, #tpu.memory_space<vmem>> -> memref<128xi32, #tpu.memory_space<vmem>>
      %dma_wait3A_216 = arith.constant 0 : i32
      %dma_wait3A_217 = arith.constant 0 : i32
      %dma_wait3A_218 = tpu.memref_slice %arg10[%dma_wait3A_216, %dma_wait3A_217] : memref<10240x128xf32, #tpu.memory_space<vmem_shared>> -> memref<10240x128xf32, #tpu.memory_space<vmem_shared>>
      tpu.wait_indirect_dma semaphore(%run_scoped3A_206 : memref<!tpu.dma_semaphore, #tpu.memory_space<semaphore_mem>>) src(%arg9 : memref<128x128xf32, #tpu.memory_space<vmem>>) dst(%dma_wait3A_218 : memref<10240x128xf32, #tpu.memory_space<vmem_shared>>)
      tpu.yield
    }) : () -> ()
    %dma_start3A_105 = arith.constant 0 : i32
    %dma_start3A_106 = arith.constant 0 : i32
    %dma_start3A_107 = tpu.memref_slice %arg3[%add3A, %dma_start3A_105, %dma_start3A_106] : memref<32x80x128xi32, #tpu.memory_space<hbm>> -> memref<1x80x128xi32, #tpu.memory_space<hbm>>
    %dma_start3A_108 = tpu.memref_squeeze %dma_start3A_107 : memref<1x80x128xi32, #tpu.memory_space<hbm>> -> memref<80x128xi32, #tpu.memory_space<hbm>>
    %dma_start3A_109 = arith.constant 40 : i32
    %dma_start3A_110 = arith.constant 0 : i32
    %dma_start3A_111 = tpu.memref_slice %dma_start3A_108[%dma_start3A_109, %dma_start3A_110] : memref<80x128xi32, #tpu.memory_space<hbm>> -> memref<40x128xi32, #tpu.memory_space<hbm>>
    %dma_start3A_112 = arith.constant 0 : i32
    %dma_start3A_113 = arith.constant 0 : i32
    %dma_start3A_114 = tpu.memref_slice %arg3[%add3A, %dma_start3A_112, %dma_start3A_113] : memref<32x80x128xi32, #tpu.memory_space<hbm>> -> memref<1x80x128xi32, #tpu.memory_space<hbm>>
    %dma_start3A_115 = tpu.memref_squeeze %dma_start3A_114 : memref<1x80x128xi32, #tpu.memory_space<hbm>> -> memref<80x128xi32, #tpu.memory_space<hbm>>
    %dma_start3A_116 = arith.constant 40 : i32
    %dma_start3A_117 = arith.constant 0 : i32
    %dma_start3A_118 = tpu.memref_slice %dma_start3A_115[%dma_start3A_116, %dma_start3A_117] : memref<80x128xi32, #tpu.memory_space<hbm>> -> memref<40x128xi32, #tpu.memory_space<hbm>>
    tpu.enqueue_dma source(%dma_start3A_118 : memref<40x128xi32, #tpu.memory_space<hbm>>) target(%arg6 : memref<40x128xi32, #tpu.memory_space<vmem>>) target_semaphore(%arg13 : memref<!tpu.dma_semaphore, #tpu.memory_space<semaphore_mem>>)
    %dma_start3A_119 = arith.constant 0 : i32
    %dma_start3A_120 = arith.constant 0 : i32
    %dma_start3A_121 = tpu.memref_slice %arg4[%add3A, %dma_start3A_119, %dma_start3A_120] : memref<32x80x128xi32, #tpu.memory_space<hbm>> -> memref<1x80x128xi32, #tpu.memory_space<hbm>>
    %dma_start3A_122 = tpu.memref_squeeze %dma_start3A_121 : memref<1x80x128xi32, #tpu.memory_space<hbm>> -> memref<80x128xi32, #tpu.memory_space<hbm>>
    %dma_start3A_123 = arith.constant 40 : i32
    %dma_start3A_124 = arith.constant 0 : i32
    %dma_start3A_125 = tpu.memref_slice %dma_start3A_122[%dma_start3A_123, %dma_start3A_124] : memref<80x128xi32, #tpu.memory_space<hbm>> -> memref<40x128xi32, #tpu.memory_space<hbm>>
    %dma_start3A_126 = arith.constant 0 : i32
    %dma_start3A_127 = arith.constant 0 : i32
    %dma_start3A_128 = tpu.memref_slice %arg4[%add3A, %dma_start3A_126, %dma_start3A_127] : memref<32x80x128xi32, #tpu.memory_space<hbm>> -> memref<1x80x128xi32, #tpu.memory_space<hbm>>
    %dma_start3A_129 = tpu.memref_squeeze %dma_start3A_128 : memref<1x80x128xi32, #tpu.memory_space<hbm>> -> memref<80x128xi32, #tpu.memory_space<hbm>>
    %dma_start3A_130 = arith.constant 40 : i32
    %dma_start3A_131 = arith.constant 0 : i32
    %dma_start3A_132 = tpu.memref_slice %dma_start3A_129[%dma_start3A_130, %dma_start3A_131] : memref<80x128xi32, #tpu.memory_space<hbm>> -> memref<40x128xi32, #tpu.memory_space<hbm>>
    tpu.enqueue_dma source(%dma_start3A_132 : memref<40x128xi32, #tpu.memory_space<hbm>>) target(%arg7 : memref<40x128xi32, #tpu.memory_space<vmem>>) target_semaphore(%arg14 : memref<!tpu.dma_semaphore, #tpu.memory_space<semaphore_mem>>)
    %dma_wait3A_133 = arith.constant 0 : i32
    %dma_wait3A_134 = arith.constant 0 : i32
    %dma_wait3A_135 = tpu.memref_slice %arg3[%add3A, %dma_wait3A_133, %dma_wait3A_134] : memref<32x80x128xi32, #tpu.memory_space<hbm>> -> memref<1x80x128xi32, #tpu.memory_space<hbm>>
    %dma_wait3A_136 = tpu.memref_squeeze %dma_wait3A_135 : memref<1x80x128xi32, #tpu.memory_space<hbm>> -> memref<80x128xi32, #tpu.memory_space<hbm>>
    %dma_wait3A_137 = arith.constant 40 : i32
    %dma_wait3A_138 = arith.constant 0 : i32
    %dma_wait3A_139 = tpu.memref_slice %dma_wait3A_136[%dma_wait3A_137, %dma_wait3A_138] : memref<80x128xi32, #tpu.memory_space<hbm>> -> memref<40x128xi32, #tpu.memory_space<hbm>>
    %dma_wait3A_140 = arith.constant 0 : i32
    %dma_wait3A_141 = arith.constant 0 : i32
    %dma_wait3A_142 = tpu.memref_slice %arg3[%add3A, %dma_wait3A_140, %dma_wait3A_141] : memref<32x80x128xi32, #tpu.memory_space<hbm>> -> memref<1x80x128xi32, #tpu.memory_space<hbm>>
    %dma_wait3A_143 = tpu.memref_squeeze %dma_wait3A_142 : memref<1x80x128xi32, #tpu.memory_space<hbm>> -> memref<80x128xi32, #tpu.memory_space<hbm>>
    %dma_wait3A_144 = arith.constant 40 : i32
    %dma_wait3A_145 = arith.constant 0 : i32
    %dma_wait3A_146 = tpu.memref_slice %dma_wait3A_143[%dma_wait3A_144, %dma_wait3A_145] : memref<80x128xi32, #tpu.memory_space<hbm>> -> memref<40x128xi32, #tpu.memory_space<hbm>>
    tpu.wait_dma2 semaphore(%arg13 : memref<!tpu.dma_semaphore, #tpu.memory_space<semaphore_mem>>) src(%dma_wait3A_146 : memref<40x128xi32, #tpu.memory_space<hbm>>) dst(%arg6 : memref<40x128xi32, #tpu.memory_space<vmem>>)
    %dma_wait3A_147 = arith.constant 0 : i32
    %dma_wait3A_148 = arith.constant 0 : i32
    %dma_wait3A_149 = tpu.memref_slice %arg4[%add3A, %dma_wait3A_147, %dma_wait3A_148] : memref<32x80x128xi32, #tpu.memory_space<hbm>> -> memref<1x80x128xi32, #tpu.memory_space<hbm>>
    %dma_wait3A_150 = tpu.memref_squeeze %dma_wait3A_149 : memref<1x80x128xi32, #tpu.memory_space<hbm>> -> memref<80x128xi32, #tpu.memory_space<hbm>>
    %dma_wait3A_151 = arith.constant 40 : i32
    %dma_wait3A_152 = arith.constant 0 : i32
    %dma_wait3A_153 = tpu.memref_slice %dma_wait3A_150[%dma_wait3A_151, %dma_wait3A_152] : memref<80x128xi32, #tpu.memory_space<hbm>> -> memref<40x128xi32, #tpu.memory_space<hbm>>
    %dma_wait3A_154 = arith.constant 0 : i32
    %dma_wait3A_155 = arith.constant 0 : i32
    %dma_wait3A_156 = tpu.memref_slice %arg4[%add3A, %dma_wait3A_154, %dma_wait3A_155] : memref<32x80x128xi32, #tpu.memory_space<hbm>> -> memref<1x80x128xi32, #tpu.memory_space<hbm>>
    %dma_wait3A_157 = tpu.memref_squeeze %dma_wait3A_156 : memref<1x80x128xi32, #tpu.memory_space<hbm>> -> memref<80x128xi32, #tpu.memory_space<hbm>>
    %dma_wait3A_158 = arith.constant 40 : i32
    %dma_wait3A_159 = arith.constant 0 : i32
    %dma_wait3A_160 = tpu.memref_slice %dma_wait3A_157[%dma_wait3A_158, %dma_wait3A_159] : memref<80x128xi32, #tpu.memory_space<hbm>> -> memref<40x128xi32, #tpu.memory_space<hbm>>
    tpu.wait_dma2 semaphore(%arg14 : memref<!tpu.dma_semaphore, #tpu.memory_space<semaphore_mem>>) src(%dma_wait3A_160 : memref<40x128xi32, #tpu.memory_space<hbm>>) dst(%arg7 : memref<40x128xi32, #tpu.memory_space<vmem>>)
    %dma_start3A_161 = arith.constant 0 : i32
    %dma_start3A_162 = arith.constant 0 : i32
    %dma_start3A_163 = tpu.memref_slice %arg6[%dma_start3A_161, %dma_start3A_162] : memref<40x128xi32, #tpu.memory_space<vmem>> -> memref<1x128xi32, #tpu.memory_space<vmem>>
    %dma_start3A_164 = tpu.memref_squeeze %dma_start3A_163 : memref<1x128xi32, #tpu.memory_space<vmem>> -> memref<128xi32, #tpu.memory_space<vmem>>
    %dma_start3A_165 = arith.constant 0 : i32
    %dma_start3A_166 = arith.constant 0 : i32
    %dma_start3A_167 = tpu.memref_slice %arg2[%dma_start3A_165, %dma_start3A_166] : memref<10000x128xf32, #tpu.memory_space<hbm>> -> memref<10000x128xf32, #tpu.memory_space<hbm>>
    tpu.enqueue_indirect_dma source(%dma_start3A_167 : memref<10000x128xf32, #tpu.memory_space<hbm>>) target(%arg8 : memref<128x128xf32, #tpu.memory_space<vmem>>) offsets(%dma_start3A_164 : memref<128xi32, #tpu.memory_space<vmem>>) semaphore(%arg11 : memref<!tpu.dma_semaphore, #tpu.memory_space<semaphore_mem>>)
    %scan3A_168 = arith.constant 0 : i32
    %scan3A_169 = arith.constant 0 : i32
    %scan3A_170 = arith.constant 19 : i32
    %scan3A_171 = arith.addi %scan3A_169, %scan3A_170 : i32
    %scan3A_172 = arith.constant 1 : i32
    scf.for %scan3A_206 = %scan3A_169 to %scan3A_171 step %scan3A_172  : i32 {
      %mul3A_207 = arith.constant 2 : i32
      %mul3A_208 = arith.muli %scan3A_206, %mul3A_207 : i32
      %add3A_209 = arith.constant 0 : i32
      %add3A_210 = arith.addi %mul3A_208, %add3A_209 : i32
      %add3A_211 = arith.constant 1 : i32
      %add3A_212 = arith.addi %add3A_210, %add3A_211 : i32
      %dma_start3A_213 = arith.constant 0 : i32
      %dma_start3A_214 = tpu.memref_slice %arg6[%add3A_212, %dma_start3A_213] : memref<40x128xi32, #tpu.memory_space<vmem>> -> memref<1x128xi32, #tpu.memory_space<vmem>>
      %dma_start3A_215 = tpu.memref_squeeze %dma_start3A_214 : memref<1x128xi32, #tpu.memory_space<vmem>> -> memref<128xi32, #tpu.memory_space<vmem>>
      %dma_start3A_216 = arith.constant 0 : i32
      %dma_start3A_217 = arith.constant 0 : i32
      %dma_start3A_218 = tpu.memref_slice %arg2[%dma_start3A_216, %dma_start3A_217] : memref<10000x128xf32, #tpu.memory_space<hbm>> -> memref<10000x128xf32, #tpu.memory_space<hbm>>
      tpu.enqueue_indirect_dma source(%dma_start3A_218 : memref<10000x128xf32, #tpu.memory_space<hbm>>) target(%arg9 : memref<128x128xf32, #tpu.memory_space<vmem>>) offsets(%dma_start3A_215 : memref<128xi32, #tpu.memory_space<vmem>>) semaphore(%arg12 : memref<!tpu.dma_semaphore, #tpu.memory_space<semaphore_mem>>)
      %dma_wait3A_219 = arith.constant 0 : i32
      %dma_wait3A_220 = arith.constant 0 : i32
      %dma_wait3A_221 = tpu.memref_slice %arg2[%dma_wait3A_219, %dma_wait3A_220] : memref<10000x128xf32, #tpu.memory_space<hbm>> -> memref<128x128xf32, #tpu.memory_space<hbm>>
      %dma_wait3A_222 = arith.constant 0 : i32
      %dma_wait3A_223 = arith.constant 0 : i32
      %dma_wait3A_224 = tpu.memref_slice %arg2[%dma_wait3A_222, %dma_wait3A_223] : memref<10000x128xf32, #tpu.memory_space<hbm>> -> memref<128x128xf32, #tpu.memory_space<hbm>>
      tpu.wait_dma2 semaphore(%arg11 : memref<!tpu.dma_semaphore, #tpu.memory_space<semaphore_mem>>) src(%dma_wait3A_224 : memref<128x128xf32, #tpu.memory_space<hbm>>) dst(%arg8 : memref<128x128xf32, #tpu.memory_space<vmem>>)
      "tpu.region"() ({
        %run_scoped3A_243 = tpu.sem_alloc : memref<!tpu.dma_semaphore, #tpu.memory_space<semaphore_mem>>
        %dma_start3A_244 = arith.constant 0 : i32
        %dma_start3A_245 = tpu.memref_slice %arg7[%add3A_210, %dma_start3A_244] : memref<40x128xi32, #tpu.memory_space<vmem>> -> memref<1x128xi32, #tpu.memory_space<vmem>>
        %dma_start3A_246 = tpu.memref_squeeze %dma_start3A_245 : memref<1x128xi32, #tpu.memory_space<vmem>> -> memref<128xi32, #tpu.memory_space<vmem>>
        %dma_start3A_247 = arith.constant 0 : i32
        %dma_start3A_248 = arith.constant 0 : i32
        %dma_start3A_249 = tpu.memref_slice %arg10[%dma_start3A_247, %dma_start3A_248] : memref<10240x128xf32, #tpu.memory_space<vmem_shared>> -> memref<10240x128xf32, #tpu.memory_space<vmem_shared>>
        tpu.enqueue_indirect_dma source(%arg8 : memref<128x128xf32, #tpu.memory_space<vmem>>) target(%dma_start3A_249 : memref<10240x128xf32, #tpu.memory_space<vmem_shared>>) offsets(%dma_start3A_246 : memref<128xi32, #tpu.memory_space<vmem>>) semaphore(%run_scoped3A_243 : memref<!tpu.dma_semaphore, #tpu.memory_space<semaphore_mem>>) {add = true}
        %dma_wait3A_250 = arith.constant 0 : i32
        %dma_wait3A_251 = tpu.memref_slice %arg7[%add3A_210, %dma_wait3A_250] : memref<40x128xi32, #tpu.memory_space<vmem>> -> memref<1x128xi32, #tpu.memory_space<vmem>>
        %dma_wait3A_252 = tpu.memref_squeeze %dma_wait3A_251 : memref<1x128xi32, #tpu.memory_space<vmem>> -> memref<128xi32, #tpu.memory_space<vmem>>
        %dma_wait3A_253 = arith.constant 0 : i32
        %dma_wait3A_254 = arith.constant 0 : i32
        %dma_wait3A_255 = tpu.memref_slice %arg10[%dma_wait3A_253, %dma_wait3A_254] : memref<10240x128xf32, #tpu.memory_space<vmem_shared>> -> memref<10240x128xf32, #tpu.memory_space<vmem_shared>>
        tpu.wait_indirect_dma semaphore(%run_scoped3A_243 : memref<!tpu.dma_semaphore, #tpu.memory_space<semaphore_mem>>) src(%arg8 : memref<128x128xf32, #tpu.memory_space<vmem>>) dst(%dma_wait3A_255 : memref<10240x128xf32, #tpu.memory_space<vmem_shared>>)
        tpu.yield
      }) : () -> ()
      %mul3A_225 = arith.constant 2 : i32
      %mul3A_226 = arith.muli %scan3A_206, %mul3A_225 : i32
      %add3A_227 = arith.constant 1 : i32
      %add3A_228 = arith.addi %mul3A_226, %add3A_227 : i32
      %add3A_229 = arith.constant 1 : i32
      %add3A_230 = arith.addi %add3A_228, %add3A_229 : i32
      %dma_start3A_231 = arith.constant 0 : i32
      %dma_start3A_232 = tpu.memref_slice %arg6[%add3A_230, %dma_start3A_231] : memref<40x128xi32, #tpu.memory_space<vmem>> -> memref<1x128xi32, #tpu.memory_space<vmem>>
      %dma_start3A_233 = tpu.memref_squeeze %dma_start3A_232 : memref<1x128xi32, #tpu.memory_space<vmem>> -> memref<128xi32, #tpu.memory_space<vmem>>
      %dma_start3A_234 = arith.constant 0 : i32
      %dma_start3A_235 = arith.constant 0 : i32
      %dma_start3A_236 = tpu.memref_slice %arg2[%dma_start3A_234, %dma_start3A_235] : memref<10000x128xf32, #tpu.memory_space<hbm>> -> memref<10000x128xf32, #tpu.memory_space<hbm>>
      tpu.enqueue_indirect_dma source(%dma_start3A_236 : memref<10000x128xf32, #tpu.memory_space<hbm>>) target(%arg8 : memref<128x128xf32, #tpu.memory_space<vmem>>) offsets(%dma_start3A_233 : memref<128xi32, #tpu.memory_space<vmem>>) semaphore(%arg11 : memref<!tpu.dma_semaphore, #tpu.memory_space<semaphore_mem>>)
      %dma_wait3A_237 = arith.constant 0 : i32
      %dma_wait3A_238 = arith.constant 0 : i32
      %dma_wait3A_239 = tpu.memref_slice %arg2[%dma_wait3A_237, %dma_wait3A_238] : memref<10000x128xf32, #tpu.memory_space<hbm>> -> memref<128x128xf32, #tpu.memory_space<hbm>>
      %dma_wait3A_240 = arith.constant 0 : i32
      %dma_wait3A_241 = arith.constant 0 : i32
      %dma_wait3A_242 = tpu.memref_slice %arg2[%dma_wait3A_240, %dma_wait3A_241] : memref<10000x128xf32, #tpu.memory_space<hbm>> -> memref<128x128xf32, #tpu.memory_space<hbm>>
      tpu.wait_dma2 semaphore(%arg12 : memref<!tpu.dma_semaphore, #tpu.memory_space<semaphore_mem>>) src(%dma_wait3A_242 : memref<128x128xf32, #tpu.memory_space<hbm>>) dst(%arg9 : memref<128x128xf32, #tpu.memory_space<vmem>>)
      "tpu.region"() ({
        %run_scoped3A_243 = tpu.sem_alloc : memref<!tpu.dma_semaphore, #tpu.memory_space<semaphore_mem>>
        %dma_start3A_244 = arith.constant 0 : i32
        %dma_start3A_245 = tpu.memref_slice %arg7[%add3A_228, %dma_start3A_244] : memref<40x128xi32, #tpu.memory_space<vmem>> -> memref<1x128xi32, #tpu.memory_space<vmem>>
        %dma_start3A_246 = tpu.memref_squeeze %dma_start3A_245 : memref<1x128xi32, #tpu.memory_space<vmem>> -> memref<128xi32, #tpu.memory_space<vmem>>
        %dma_start3A_247 = arith.constant 0 : i32
        %dma_start3A_248 = arith.constant 0 : i32
        %dma_start3A_249 = tpu.memref_slice %arg10[%dma_start3A_247, %dma_start3A_248] : memref<10240x128xf32, #tpu.memory_space<vmem_shared>> -> memref<10240x128xf32, #tpu.memory_space<vmem_shared>>
        tpu.enqueue_indirect_dma source(%arg9 : memref<128x128xf32, #tpu.memory_space<vmem>>) target(%dma_start3A_249 : memref<10240x128xf32, #tpu.memory_space<vmem_shared>>) offsets(%dma_start3A_246 : memref<128xi32, #tpu.memory_space<vmem>>) semaphore(%run_scoped3A_243 : memref<!tpu.dma_semaphore, #tpu.memory_space<semaphore_mem>>) {add = true}
        %dma_wait3A_250 = arith.constant 0 : i32
        %dma_wait3A_251 = tpu.memref_slice %arg7[%add3A_228, %dma_wait3A_250] : memref<40x128xi32, #tpu.memory_space<vmem>> -> memref<1x128xi32, #tpu.memory_space<vmem>>
        %dma_wait3A_252 = tpu.memref_squeeze %dma_wait3A_251 : memref<1x128xi32, #tpu.memory_space<vmem>> -> memref<128xi32, #tpu.memory_space<vmem>>
        %dma_wait3A_253 = arith.constant 0 : i32
        %dma_wait3A_254 = arith.constant 0 : i32
        %dma_wait3A_255 = tpu.memref_slice %arg10[%dma_wait3A_253, %dma_wait3A_254] : memref<10240x128xf32, #tpu.memory_space<vmem_shared>> -> memref<10240x128xf32, #tpu.memory_space<vmem_shared>>
        tpu.wait_indirect_dma semaphore(%run_scoped3A_243 : memref<!tpu.dma_semaphore, #tpu.memory_space<semaphore_mem>>) src(%arg9 : memref<128x128xf32, #tpu.memory_space<vmem>>) dst(%dma_wait3A_255 : memref<10240x128xf32, #tpu.memory_space<vmem_shared>>)
        tpu.yield
      }) : () -> ()
    }
    %scan3A_173 = arith.constant 19 : i32
    %dma_start3A_174 = arith.constant 39 : i32
    %dma_start3A_175 = arith.constant 0 : i32
    %dma_start3A_176 = tpu.memref_slice %arg6[%dma_start3A_174, %dma_start3A_175] : memref<40x128xi32, #tpu.memory_space<vmem>> -> memref<1x128xi32, #tpu.memory_space<vmem>>
    %dma_start3A_177 = tpu.memref_squeeze %dma_start3A_176 : memref<1x128xi32, #tpu.memory_space<vmem>> -> memref<128xi32, #tpu.memory_space<vmem>>
    %dma_start3A_178 = arith.constant 0 : i32
    %dma_start3A_179 = arith.constant 0 : i32
    %dma_start3A_180 = tpu.memref_slice %arg2[%dma_start3A_178, %dma_start3A_179] : memref<10000x128xf32, #tpu.memory_space<hbm>> -> memref<10000x128xf32, #tpu.memory_space<hbm>>
    tpu.enqueue_indirect_dma source(%dma_start3A_180 : memref<10000x128xf32, #tpu.memory_space<hbm>>) target(%arg9 : memref<128x128xf32, #tpu.memory_space<vmem>>) offsets(%dma_start3A_177 : memref<128xi32, #tpu.memory_space<vmem>>) semaphore(%arg12 : memref<!tpu.dma_semaphore, #tpu.memory_space<semaphore_mem>>)
    %dma_wait3A_181 = arith.constant 0 : i32
    %dma_wait3A_182 = arith.constant 0 : i32
    %dma_wait3A_183 = tpu.memref_slice %arg2[%dma_wait3A_181, %dma_wait3A_182] : memref<10000x128xf32, #tpu.memory_space<hbm>> -> memref<128x128xf32, #tpu.memory_space<hbm>>
    %dma_wait3A_184 = arith.constant 0 : i32
    %dma_wait3A_185 = arith.constant 0 : i32
    %dma_wait3A_186 = tpu.memref_slice %arg2[%dma_wait3A_184, %dma_wait3A_185] : memref<10000x128xf32, #tpu.memory_space<hbm>> -> memref<128x128xf32, #tpu.memory_space<hbm>>
    tpu.wait_dma2 semaphore(%arg11 : memref<!tpu.dma_semaphore, #tpu.memory_space<semaphore_mem>>) src(%dma_wait3A_186 : memref<128x128xf32, #tpu.memory_space<hbm>>) dst(%arg8 : memref<128x128xf32, #tpu.memory_space<vmem>>)
    %run_scoped3A_187 = arith.constant 38 : i32
    "tpu.region"() ({
      %run_scoped3A_206 = tpu.sem_alloc : memref<!tpu.dma_semaphore, #tpu.memory_space<semaphore_mem>>
      %dma_start3A_207 = arith.constant 0 : i32
      %dma_start3A_208 = tpu.memref_slice %arg7[%run_scoped3A_187, %dma_start3A_207] : memref<40x128xi32, #tpu.memory_space<vmem>> -> memref<1x128xi32, #tpu.memory_space<vmem>>
      %dma_start3A_209 = tpu.memref_squeeze %dma_start3A_208 : memref<1x128xi32, #tpu.memory_space<vmem>> -> memref<128xi32, #tpu.memory_space<vmem>>
      %dma_start3A_210 = arith.constant 0 : i32
      %dma_start3A_211 = arith.constant 0 : i32
      %dma_start3A_212 = tpu.memref_slice %arg10[%dma_start3A_210, %dma_start3A_211] : memref<10240x128xf32, #tpu.memory_space<vmem_shared>> -> memref<10240x128xf32, #tpu.memory_space<vmem_shared>>
      tpu.enqueue_indirect_dma source(%arg8 : memref<128x128xf32, #tpu.memory_space<vmem>>) target(%dma_start3A_212 : memref<10240x128xf32, #tpu.memory_space<vmem_shared>>) offsets(%dma_start3A_209 : memref<128xi32, #tpu.memory_space<vmem>>) semaphore(%run_scoped3A_206 : memref<!tpu.dma_semaphore, #tpu.memory_space<semaphore_mem>>) {add = true}
      %dma_wait3A_213 = arith.constant 0 : i32
      %dma_wait3A_214 = tpu.memref_slice %arg7[%run_scoped3A_187, %dma_wait3A_213] : memref<40x128xi32, #tpu.memory_space<vmem>> -> memref<1x128xi32, #tpu.memory_space<vmem>>
      %dma_wait3A_215 = tpu.memref_squeeze %dma_wait3A_214 : memref<1x128xi32, #tpu.memory_space<vmem>> -> memref<128xi32, #tpu.memory_space<vmem>>
      %dma_wait3A_216 = arith.constant 0 : i32
      %dma_wait3A_217 = arith.constant 0 : i32
      %dma_wait3A_218 = tpu.memref_slice %arg10[%dma_wait3A_216, %dma_wait3A_217] : memref<10240x128xf32, #tpu.memory_space<vmem_shared>> -> memref<10240x128xf32, #tpu.memory_space<vmem_shared>>
      tpu.wait_indirect_dma semaphore(%run_scoped3A_206 : memref<!tpu.dma_semaphore, #tpu.memory_space<semaphore_mem>>) src(%arg8 : memref<128x128xf32, #tpu.memory_space<vmem>>) dst(%dma_wait3A_218 : memref<10240x128xf32, #tpu.memory_space<vmem_shared>>)
      tpu.yield
    }) : () -> ()
    %dma_wait3A_188 = arith.constant 0 : i32
    %dma_wait3A_189 = arith.constant 0 : i32
    %dma_wait3A_190 = tpu.memref_slice %arg2[%dma_wait3A_188, %dma_wait3A_189] : memref<10000x128xf32, #tpu.memory_space<hbm>> -> memref<128x128xf32, #tpu.memory_space<hbm>>
    %dma_wait3A_191 = arith.constant 0 : i32
    %dma_wait3A_192 = arith.constant 0 : i32
    %dma_wait3A_193 = tpu.memref_slice %arg2[%dma_wait3A_191, %dma_wait3A_192] : memref<10000x128xf32, #tpu.memory_space<hbm>> -> memref<128x128xf32, #tpu.memory_space<hbm>>
    tpu.wait_dma2 semaphore(%arg12 : memref<!tpu.dma_semaphore, #tpu.memory_space<semaphore_mem>>) src(%dma_wait3A_193 : memref<128x128xf32, #tpu.memory_space<hbm>>) dst(%arg9 : memref<128x128xf32, #tpu.memory_space<vmem>>)
    %run_scoped3A_194 = arith.constant 39 : i32
    "tpu.region"() ({
      %run_scoped3A_206 = tpu.sem_alloc : memref<!tpu.dma_semaphore, #tpu.memory_space<semaphore_mem>>
      %dma_start3A_207 = arith.constant 0 : i32
      %dma_start3A_208 = tpu.memref_slice %arg7[%run_scoped3A_194, %dma_start3A_207] : memref<40x128xi32, #tpu.memory_space<vmem>> -> memref<1x128xi32, #tpu.memory_space<vmem>>
      %dma_start3A_209 = tpu.memref_squeeze %dma_start3A_208 : memref<1x128xi32, #tpu.memory_space<vmem>> -> memref<128xi32, #tpu.memory_space<vmem>>
      %dma_start3A_210 = arith.constant 0 : i32
      %dma_start3A_211 = arith.constant 0 : i32
      %dma_start3A_212 = tpu.memref_slice %arg10[%dma_start3A_210, %dma_start3A_211] : memref<10240x128xf32, #tpu.memory_space<vmem_shared>> -> memref<10240x128xf32, #tpu.memory_space<vmem_shared>>
      tpu.enqueue_indirect_dma source(%arg9 : memref<128x128xf32, #tpu.memory_space<vmem>>) target(%dma_start3A_212 : memref<10240x128xf32, #tpu.memory_space<vmem_shared>>) offsets(%dma_start3A_209 : memref<128xi32, #tpu.memory_space<vmem>>) semaphore(%run_scoped3A_206 : memref<!tpu.dma_semaphore, #tpu.memory_space<semaphore_mem>>) {add = true}
      %dma_wait3A_213 = arith.constant 0 : i32
      %dma_wait3A_214 = tpu.memref_slice %arg7[%run_scoped3A_194, %dma_wait3A_213] : memref<40x128xi32, #tpu.memory_space<vmem>> -> memref<1x128xi32, #tpu.memory_space<vmem>>
      %dma_wait3A_215 = tpu.memref_squeeze %dma_wait3A_214 : memref<1x128xi32, #tpu.memory_space<vmem>> -> memref<128xi32, #tpu.memory_space<vmem>>
      %dma_wait3A_216 = arith.constant 0 : i32
      %dma_wait3A_217 = arith.constant 0 : i32
      %dma_wait3A_218 = tpu.memref_slice %arg10[%dma_wait3A_216, %dma_wait3A_217] : memref<10240x128xf32, #tpu.memory_space<vmem_shared>> -> memref<10240x128xf32, #tpu.memory_space<vmem_shared>>
      tpu.wait_indirect_dma semaphore(%run_scoped3A_206 : memref<!tpu.dma_semaphore, #tpu.memory_space<semaphore_mem>>) src(%arg9 : memref<128x128xf32, #tpu.memory_space<vmem>>) dst(%dma_wait3A_218 : memref<10240x128xf32, #tpu.memory_space<vmem_shared>>)
      tpu.yield
    }) : () -> ()
    %barrier3A_195 = arith.constant 0 : index
    tpu.barrier barrier_id(%barrier3A_195)
    %add3A_196 = arith.constant 0 : i32
    %add3A_197 = arith.addi %mul3A_7, %add3A_196 : i32
    "tpu.region"() ({
      %run_scoped3A_206 = tpu.sem_alloc : memref<!tpu.dma_semaphore, #tpu.memory_space<semaphore_mem>>
      %dma_start3A_207 = arith.constant 0 : i32
      %dma_start3A_208 = arith.constant 0 : i32
      %dma_start3A_209 = tpu.memref_slice %arg5[%arg0, %dma_start3A_207, %dma_start3A_208] : memref<2x10240x128xf32, #tpu.memory_space<hbm>> -> memref<1x10240x128xf32, #tpu.memory_space<hbm>>
      %dma_start3A_210 = tpu.memref_squeeze %dma_start3A_209 : memref<1x10240x128xf32, #tpu.memory_space<hbm>> -> memref<10240x128xf32, #tpu.memory_space<hbm>>
      %dma_start3A_211 = arith.constant 0 : i32
      %dma_start3A_212 = tpu.memref_slice %dma_start3A_210[%add3A_197, %dma_start3A_211] : memref<10240x128xf32, #tpu.memory_space<hbm>> -> memref<128x128xf32, #tpu.memory_space<hbm>>
      %dma_start3A_213 = arith.constant 0 : i32
      %dma_start3A_214 = tpu.memref_slice %arg10[%add3A_197, %dma_start3A_213] : memref<10240x128xf32, #tpu.memory_space<vmem_shared>> -> memref<128x128xf32, #tpu.memory_space<vmem_shared>>
      tpu.enqueue_dma source(%dma_start3A_214 : memref<128x128xf32, #tpu.memory_space<vmem_shared>>) target(%dma_start3A_212 : memref<128x128xf32, #tpu.memory_space<hbm>>) target_semaphore(%run_scoped3A_206 : memref<!tpu.dma_semaphore, #tpu.memory_space<semaphore_mem>>)
      %dma_wait3A_215 = arith.constant 0 : i32
      %dma_wait3A_216 = arith.constant 0 : i32
      %dma_wait3A_217 = tpu.memref_slice %arg5[%arg0, %dma_wait3A_215, %dma_wait3A_216] : memref<2x10240x128xf32, #tpu.memory_space<hbm>> -> memref<1x10240x128xf32, #tpu.memory_space<hbm>>
      %dma_wait3A_218 = tpu.memref_squeeze %dma_wait3A_217 : memref<1x10240x128xf32, #tpu.memory_space<hbm>> -> memref<10240x128xf32, #tpu.memory_space<hbm>>
      %dma_wait3A_219 = arith.constant 0 : i32
      %dma_wait3A_220 = tpu.memref_slice %dma_wait3A_218[%add3A_197, %dma_wait3A_219] : memref<10240x128xf32, #tpu.memory_space<hbm>> -> memref<128x128xf32, #tpu.memory_space<hbm>>
      %dma_wait3A_221 = arith.constant 0 : i32
      %dma_wait3A_222 = tpu.memref_slice %arg10[%add3A_197, %dma_wait3A_221] : memref<10240x128xf32, #tpu.memory_space<vmem_shared>> -> memref<128x128xf32, #tpu.memory_space<vmem_shared>>
      tpu.wait_dma2 semaphore(%run_scoped3A_206 : memref<!tpu.dma_semaphore, #tpu.memory_space<semaphore_mem>>) src(%dma_wait3A_222 : memref<128x128xf32, #tpu.memory_space<vmem_shared>>) dst(%dma_wait3A_220 : memref<128x128xf32, #tpu.memory_space<hbm>>)
      tpu.yield
    }) : () -> ()
    %add3A_198 = arith.constant 128 : i32
    %add3A_199 = arith.addi %mul3A_7, %add3A_198 : i32
    "tpu.region"() ({
      %run_scoped3A_206 = tpu.sem_alloc : memref<!tpu.dma_semaphore, #tpu.memory_space<semaphore_mem>>
      %dma_start3A_207 = arith.constant 0 : i32
      %dma_start3A_208 = arith.constant 0 : i32
      %dma_start3A_209 = tpu.memref_slice %arg5[%arg0, %dma_start3A_207, %dma_start3A_208] : memref<2x10240x128xf32, #tpu.memory_space<hbm>> -> memref<1x10240x128xf32, #tpu.memory_space<hbm>>
      %dma_start3A_210 = tpu.memref_squeeze %dma_start3A_209 : memref<1x10240x128xf32, #tpu.memory_space<hbm>> -> memref<10240x128xf32, #tpu.memory_space<hbm>>
      %dma_start3A_211 = arith.constant 0 : i32
      %dma_start3A_212 = tpu.memref_slice %dma_start3A_210[%add3A_199, %dma_start3A_211] : memref<10240x128xf32, #tpu.memory_space<hbm>> -> memref<128x128xf32, #tpu.memory_space<hbm>>
      %dma_start3A_213 = arith.constant 0 : i32
      %dma_start3A_214 = tpu.memref_slice %arg10[%add3A_199, %dma_start3A_213] : memref<10240x128xf32, #tpu.memory_space<vmem_shared>> -> memref<128x128xf32, #tpu.memory_space<vmem_shared>>
      tpu.enqueue_dma source(%dma_start3A_214 : memref<128x128xf32, #tpu.memory_space<vmem_shared>>) target(%dma_start3A_212 : memref<128x128xf32, #tpu.memory_space<hbm>>) target_semaphore(%run_scoped3A_206 : memref<!tpu.dma_semaphore, #tpu.memory_space<semaphore_mem>>)
      %dma_wait3A_215 = arith.constant 0 : i32
      %dma_wait3A_216 = arith.constant 0 : i32
      %dma_wait3A_217 = tpu.memref_slice %arg5[%arg0, %dma_wait3A_215, %dma_wait3A_216] : memref<2x10240x128xf32, #tpu.memory_space<hbm>> -> memref<1x10240x128xf32, #tpu.memory_space<hbm>>
      %dma_wait3A_218 = tpu.memref_squeeze %dma_wait3A_217 : memref<1x10240x128xf32, #tpu.memory_space<hbm>> -> memref<10240x128xf32, #tpu.memory_space<hbm>>
      %dma_wait3A_219 = arith.constant 0 : i32
      %dma_wait3A_220 = tpu.memref_slice %dma_wait3A_218[%add3A_199, %dma_wait3A_219] : memref<10240x128xf32, #tpu.memory_space<hbm>> -> memref<128x128xf32, #tpu.memory_space<hbm>>
      %dma_wait3A_221 = arith.constant 0 : i32
      %dma_wait3A_222 = tpu.memref_slice %arg10[%add3A_199, %dma_wait3A_221] : memref<10240x128xf32, #tpu.memory_space<vmem_shared>> -> memref<128x128xf32, #tpu.memory_space<vmem_shared>>
      tpu.wait_dma2 semaphore(%run_scoped3A_206 : memref<!tpu.dma_semaphore, #tpu.memory_space<semaphore_mem>>) src(%dma_wait3A_222 : memref<128x128xf32, #tpu.memory_space<vmem_shared>>) dst(%dma_wait3A_220 : memref<128x128xf32, #tpu.memory_space<hbm>>)
      tpu.yield
    }) : () -> ()
    %add3A_200 = arith.constant 256 : i32
    %add3A_201 = arith.addi %mul3A_7, %add3A_200 : i32
    "tpu.region"() ({
      %run_scoped3A_206 = tpu.sem_alloc : memref<!tpu.dma_semaphore, #tpu.memory_space<semaphore_mem>>
      %dma_start3A_207 = arith.constant 0 : i32
      %dma_start3A_208 = arith.constant 0 : i32
      %dma_start3A_209 = tpu.memref_slice %arg5[%arg0, %dma_start3A_207, %dma_start3A_208] : memref<2x10240x128xf32, #tpu.memory_space<hbm>> -> memref<1x10240x128xf32, #tpu.memory_space<hbm>>
      %dma_start3A_210 = tpu.memref_squeeze %dma_start3A_209 : memref<1x10240x128xf32, #tpu.memory_space<hbm>> -> memref<10240x128xf32, #tpu.memory_space<hbm>>
      %dma_start3A_211 = arith.constant 0 : i32
      %dma_start3A_212 = tpu.memref_slice %dma_start3A_210[%add3A_201, %dma_start3A_211] : memref<10240x128xf32, #tpu.memory_space<hbm>> -> memref<128x128xf32, #tpu.memory_space<hbm>>
      %dma_start3A_213 = arith.constant 0 : i32
      %dma_start3A_214 = tpu.memref_slice %arg10[%add3A_201, %dma_start3A_213] : memref<10240x128xf32, #tpu.memory_space<vmem_shared>> -> memref<128x128xf32, #tpu.memory_space<vmem_shared>>
      tpu.enqueue_dma source(%dma_start3A_214 : memref<128x128xf32, #tpu.memory_space<vmem_shared>>) target(%dma_start3A_212 : memref<128x128xf32, #tpu.memory_space<hbm>>) target_semaphore(%run_scoped3A_206 : memref<!tpu.dma_semaphore, #tpu.memory_space<semaphore_mem>>)
      %dma_wait3A_215 = arith.constant 0 : i32
      %dma_wait3A_216 = arith.constant 0 : i32
      %dma_wait3A_217 = tpu.memref_slice %arg5[%arg0, %dma_wait3A_215, %dma_wait3A_216] : memref<2x10240x128xf32, #tpu.memory_space<hbm>> -> memref<1x10240x128xf32, #tpu.memory_space<hbm>>
      %dma_wait3A_218 = tpu.memref_squeeze %dma_wait3A_217 : memref<1x10240x128xf32, #tpu.memory_space<hbm>> -> memref<10240x128xf32, #tpu.memory_space<hbm>>
      %dma_wait3A_219 = arith.constant 0 : i32
      %dma_wait3A_220 = tpu.memref_slice %dma_wait3A_218[%add3A_201, %dma_wait3A_219] : memref<10240x128xf32, #tpu.memory_space<hbm>> -> memref<128x128xf32, #tpu.memory_space<hbm>>
      %dma_wait3A_221 = arith.constant 0 : i32
      %dma_wait3A_222 = tpu.memref_slice %arg10[%add3A_201, %dma_wait3A_221] : memref<10240x128xf32, #tpu.memory_space<vmem_shared>> -> memref<128x128xf32, #tpu.memory_space<vmem_shared>>
      tpu.wait_dma2 semaphore(%run_scoped3A_206 : memref<!tpu.dma_semaphore, #tpu.memory_space<semaphore_mem>>) src(%dma_wait3A_222 : memref<128x128xf32, #tpu.memory_space<vmem_shared>>) dst(%dma_wait3A_220 : memref<128x128xf32, #tpu.memory_space<hbm>>)
      tpu.yield
    }) : () -> ()
    %add3A_202 = arith.constant 384 : i32
    %add3A_203 = arith.addi %mul3A_7, %add3A_202 : i32
    "tpu.region"() ({
      %run_scoped3A_206 = tpu.sem_alloc : memref<!tpu.dma_semaphore, #tpu.memory_space<semaphore_mem>>
      %dma_start3A_207 = arith.constant 0 : i32
      %dma_start3A_208 = arith.constant 0 : i32
      %dma_start3A_209 = tpu.memref_slice %arg5[%arg0, %dma_start3A_207, %dma_start3A_208] : memref<2x10240x128xf32, #tpu.memory_space<hbm>> -> memref<1x10240x128xf32, #tpu.memory_space<hbm>>
      %dma_start3A_210 = tpu.memref_squeeze %dma_start3A_209 : memref<1x10240x128xf32, #tpu.memory_space<hbm>> -> memref<10240x128xf32, #tpu.memory_space<hbm>>
      %dma_start3A_211 = arith.constant 0 : i32
      %dma_start3A_212 = tpu.memref_slice %dma_start3A_210[%add3A_203, %dma_start3A_211] : memref<10240x128xf32, #tpu.memory_space<hbm>> -> memref<128x128xf32, #tpu.memory_space<hbm>>
      %dma_start3A_213 = arith.constant 0 : i32
      %dma_start3A_214 = tpu.memref_slice %arg10[%add3A_203, %dma_start3A_213] : memref<10240x128xf32, #tpu.memory_space<vmem_shared>> -> memref<128x128xf32, #tpu.memory_space<vmem_shared>>
      tpu.enqueue_dma source(%dma_start3A_214 : memref<128x128xf32, #tpu.memory_space<vmem_shared>>) target(%dma_start3A_212 : memref<128x128xf32, #tpu.memory_space<hbm>>) target_semaphore(%run_scoped3A_206 : memref<!tpu.dma_semaphore, #tpu.memory_space<semaphore_mem>>)
      %dma_wait3A_215 = arith.constant 0 : i32
      %dma_wait3A_216 = arith.constant 0 : i32
      %dma_wait3A_217 = tpu.memref_slice %arg5[%arg0, %dma_wait3A_215, %dma_wait3A_216] : memref<2x10240x128xf32, #tpu.memory_space<hbm>> -> memref<1x10240x128xf32, #tpu.memory_space<hbm>>
      %dma_wait3A_218 = tpu.memref_squeeze %dma_wait3A_217 : memref<1x10240x128xf32, #tpu.memory_space<hbm>> -> memref<10240x128xf32, #tpu.memory_space<hbm>>
      %dma_wait3A_219 = arith.constant 0 : i32
      %dma_wait3A_220 = tpu.memref_slice %dma_wait3A_218[%add3A_203, %dma_wait3A_219] : memref<10240x128xf32, #tpu.memory_space<hbm>> -> memref<128x128xf32, #tpu.memory_space<hbm>>
      %dma_wait3A_221 = arith.constant 0 : i32
      %dma_wait3A_222 = tpu.memref_slice %arg10[%add3A_203, %dma_wait3A_221] : memref<10240x128xf32, #tpu.memory_space<vmem_shared>> -> memref<128x128xf32, #tpu.memory_space<vmem_shared>>
      tpu.wait_dma2 semaphore(%run_scoped3A_206 : memref<!tpu.dma_semaphore, #tpu.memory_space<semaphore_mem>>) src(%dma_wait3A_222 : memref<128x128xf32, #tpu.memory_space<vmem_shared>>) dst(%dma_wait3A_220 : memref<128x128xf32, #tpu.memory_space<hbm>>)
      tpu.yield
    }) : () -> ()
    %add3A_204 = arith.constant 512 : i32
    %add3A_205 = arith.addi %mul3A_7, %add3A_204 : i32
    "tpu.region"() ({
      %run_scoped3A_206 = tpu.sem_alloc : memref<!tpu.dma_semaphore, #tpu.memory_space<semaphore_mem>>
      %dma_start3A_207 = arith.constant 0 : i32
      %dma_start3A_208 = arith.constant 0 : i32
      %dma_start3A_209 = tpu.memref_slice %arg5[%arg0, %dma_start3A_207, %dma_start3A_208] : memref<2x10240x128xf32, #tpu.memory_space<hbm>> -> memref<1x10240x128xf32, #tpu.memory_space<hbm>>
      %dma_start3A_210 = tpu.memref_squeeze %dma_start3A_209 : memref<1x10240x128xf32, #tpu.memory_space<hbm>> -> memref<10240x128xf32, #tpu.memory_space<hbm>>
      %dma_start3A_211 = arith.constant 0 : i32
      %dma_start3A_212 = tpu.memref_slice %dma_start3A_210[%add3A_205, %dma_start3A_211] : memref<10240x128xf32, #tpu.memory_space<hbm>> -> memref<128x128xf32, #tpu.memory_space<hbm>>
      %dma_start3A_213 = arith.constant 0 : i32
      %dma_start3A_214 = tpu.memref_slice %arg10[%add3A_205, %dma_start3A_213] : memref<10240x128xf32, #tpu.memory_space<vmem_shared>> -> memref<128x128xf32, #tpu.memory_space<vmem_shared>>
      tpu.enqueue_dma source(%dma_start3A_214 : memref<128x128xf32, #tpu.memory_space<vmem_shared>>) target(%dma_start3A_212 : memref<128x128xf32, #tpu.memory_space<hbm>>) target_semaphore(%run_scoped3A_206 : memref<!tpu.dma_semaphore, #tpu.memory_space<semaphore_mem>>)
      %dma_wait3A_215 = arith.constant 0 : i32
      %dma_wait3A_216 = arith.constant 0 : i32
      %dma_wait3A_217 = tpu.memref_slice %arg5[%arg0, %dma_wait3A_215, %dma_wait3A_216] : memref<2x10240x128xf32, #tpu.memory_space<hbm>> -> memref<1x10240x128xf32, #tpu.memory_space<hbm>>
      %dma_wait3A_218 = tpu.memref_squeeze %dma_wait3A_217 : memref<1x10240x128xf32, #tpu.memory_space<hbm>> -> memref<10240x128xf32, #tpu.memory_space<hbm>>
      %dma_wait3A_219 = arith.constant 0 : i32
      %dma_wait3A_220 = tpu.memref_slice %dma_wait3A_218[%add3A_205, %dma_wait3A_219] : memref<10240x128xf32, #tpu.memory_space<hbm>> -> memref<128x128xf32, #tpu.memory_space<hbm>>
      %dma_wait3A_221 = arith.constant 0 : i32
      %dma_wait3A_222 = tpu.memref_slice %arg10[%add3A_205, %dma_wait3A_221] : memref<10240x128xf32, #tpu.memory_space<vmem_shared>> -> memref<128x128xf32, #tpu.memory_space<vmem_shared>>
      tpu.wait_dma2 semaphore(%run_scoped3A_206 : memref<!tpu.dma_semaphore, #tpu.memory_space<semaphore_mem>>) src(%dma_wait3A_222 : memref<128x128xf32, #tpu.memory_space<vmem_shared>>) dst(%dma_wait3A_220 : memref<128x128xf32, #tpu.memory_space<hbm>>)
      tpu.yield
    }) : () -> ()
    return
  }
}

#map = affine_map<(d0, d1) -> (0, 0)>
#map1 = affine_map<(d0, d1) -> (0, 0, 0)>
module attributes {stable_mosaic.version = 14 : i64} {
  func.func @sc_segment_sum(%arg0: i32, %arg1: i32, %arg2: memref<10000x128xf32, #tpu.memory_space<hbm>>, %arg3: memref<32x80x128xi32, #tpu.memory_space<hbm>>, %arg4: memref<32x80x128xi32, #tpu.memory_space<hbm>>, %arg5: memref<2x10240x128xf32, #tpu.memory_space<hbm>>, %arg6: memref<40x128xi32, #tpu.memory_space<vmem>>, %arg7: memref<40x128xi32, #tpu.memory_space<vmem>>, %arg8: memref<128x128xf32, #tpu.memory_space<vmem>>, %arg9: memref<128x128xf32, #tpu.memory_space<vmem>>, %arg10: memref<10240x128xf32, #tpu.memory_space<vmem_shared>>, %arg11: memref<!tpu.dma_semaphore, #tpu.memory_space<semaphore_mem>>, %arg12: memref<!tpu.dma_semaphore, #tpu.memory_space<semaphore_mem>>, %arg13: memref<!tpu.dma_semaphore, #tpu.memory_space<semaphore_mem>>, %arg14: memref<!tpu.dma_semaphore, #tpu.memory_space<semaphore_mem>>) attributes {dimension_semantics = [#tpu.dimension_semantics<core_parallel>, #tpu.dimension_semantics<subcore_parallel>], iteration_bounds = array<i64: 2, 16>, scalar_prefetch = 0 : i64, scratch_operands = 9 : i64, tpu.core_type = #tpu.core_type<sc_vector_subcore>, window_params = [{transform_indices = #map}, {transform_indices = #map1}, {transform_indices = #map1}, {transform_indices = #map1}]} {
    %mul3A = arith.constant 16 : i32
    %mul3A_0 = arith.muli %arg0, %mul3A : i32
    %add3A = arith.addi %mul3A_0, %arg1 : i32
    %scan3A = arith.constant 0 : i32
    %scan3A_1 = arith.constant 0 : i32
    %scan3A_2 = arith.constant 128 : i32
    %scan3A_3 = arith.addi %scan3A_1, %scan3A_2 : i32
    %scan3A_4 = arith.constant 1 : i32
    scf.for %scan3A_206 = %scan3A_1 to %scan3A_3 step %scan3A_4  : i32 {
      %scan3A_207 = arith.constant 0 : i32
      %scan3A_208 = arith.constant 8 : i32
      %scan3A_209 = arith.addi %scan3A_207, %scan3A_208 : i32
      %scan3A_210 = arith.constant 1 : i32
      scf.for %scan3A_212 = %scan3A_207 to %scan3A_209 step %scan3A_210  : i32 {
        %broadcast_in_dim3A = arith.constant 0.000000e+00 : f32
        %broadcast_in_dim3A_213 = vector.broadcast %broadcast_in_dim3A : f32 to vector<16xf32>
        %mul3A_214 = arith.constant 16 : i32
        %mul3A_215 = arith.muli %scan3A_212, %mul3A_214 : i32
        %swap3A = arith.index_cast %scan3A_206 : i32 to index
        %swap3A_216 = arith.index_cast %mul3A_215 : i32 to index
        %swap3A_217 = tpu.vector_load %arg8[%swap3A, %swap3A_216] {strides = array<i32>} : memref<128x128xf32, #tpu.memory_space<vmem>>, vector<1x16xf32>,
        %swap3A_218 = vector.shape_cast %swap3A_217 : vector<1x16xf32> to vector<16xf32>
        %swap3A_219 = vector.shape_cast %broadcast_in_dim3A_213 : vector<16xf32> to vector<1x16xf32>
        tpu.vector_store %arg8[%swap3A, %swap3A_216], %swap3A_219 {strides = array<i32>} : memref<128x128xf32, #tpu.memory_space<vmem>>, vector<1x16xf32>,
      }
      %scan3A_211 = arith.constant 8 : i32
    }
    %scan3A_5 = arith.constant 128 : i32
    %mul3A_6 = arith.constant 640 : i32
    %mul3A_7 = arith.muli %arg1, %mul3A_6 : i32
    %add3A_8 = arith.constant 0 : i32
    %add3A_9 = arith.addi %mul3A_7, %add3A_8 : i32
    "tpu.region"() ({
      %run_scoped3A_206 = tpu.sem_alloc : memref<!tpu.dma_semaphore, #tpu.memory_space<semaphore_mem>>
      %dma_start3A_207 = arith.constant 0 : i32
      %dma_start3A_208 = tpu.memref_slice %arg10[%add3A_9, %dma_start3A_207] : memref<10240x128xf32, #tpu.memory_space<vmem_shared>> -> memref<128x128xf32, #tpu.memory_space<vmem_shared>>
      %dma_start3A_209 = arith.constant 0 : i32
      %dma_start3A_210 = tpu.memref_slice %arg10[%add3A_9, %dma_start3A_209] : memref<10240x128xf32, #tpu.memory_space<vmem_shared>> -> memref<128x128xf32, #tpu.memory_space<vmem_shared>>
      tpu.enqueue_dma source(%arg8 : memref<128x128xf32, #tpu.memory_space<vmem>>) target(%dma_start3A_210 : memref<128x128xf32, #tpu.memory_space<vmem_shared>>) target_semaphore(%run_scoped3A_206 : memref<!tpu.dma_semaphore, #tpu.memory_space<semaphore_mem>>)
      %dma_wait3A_211 = arith.constant 0 : i32
      %dma_wait3A_212 = tpu.memref_slice %arg10[%add3A_9, %dma_wait3A_211] : memref<10240x128xf32, #tpu.memory_space<vmem_shared>> -> memref<128x128xf32, #tpu.memory_space<vmem_shared>>
      %dma_wait3A_213 = arith.constant 0 : i32
      %dma_wait3A_214 = tpu.memref_slice %arg10[%add3A_9, %dma_wait3A_213] : memref<10240x128xf32, #tpu.memory_space<vmem_shared>> -> memref<128x128xf32, #tpu.memory_space<vmem_shared>>
      tpu.wait_dma2 semaphore(%run_scoped3A_206 : memref<!tpu.dma_semaphore, #tpu.memory_space<semaphore_mem>>) src(%arg8 : memref<128x128xf32, #tpu.memory_space<vmem>>) dst(%dma_wait3A_214 : memref<128x128xf32, #tpu.memory_space<vmem_shared>>)
      tpu.yield
    }) : () -> ()
    %add3A_10 = arith.constant 128 : i32
    %add3A_11 = arith.addi %mul3A_7, %add3A_10 : i32
    "tpu.region"() ({
      %run_scoped3A_206 = tpu.sem_alloc : memref<!tpu.dma_semaphore, #tpu.memory_space<semaphore_mem>>
      %dma_start3A_207 = arith.constant 0 : i32
      %dma_start3A_208 = tpu.memref_slice %arg10[%add3A_11, %dma_start3A_207] : memref<10240x128xf32, #tpu.memory_space<vmem_shared>> -> memref<128x128xf32, #tpu.memory_space<vmem_shared>>
      %dma_start3A_209 = arith.constant 0 : i32
      %dma_start3A_210 = tpu.memref_slice %arg10[%add3A_11, %dma_start3A_209] : memref<10240x128xf32, #tpu.memory_space<vmem_shared>> -> memref<128x128xf32, #tpu.memory_space<vmem_shared>>
      tpu.enqueue_dma source(%arg8 : memref<128x128xf32, #tpu.memory_space<vmem>>) target(%dma_start3A_210 : memref<128x128xf32, #tpu.memory_space<vmem_shared>>) target_semaphore(%run_scoped3A_206 : memref<!tpu.dma_semaphore, #tpu.memory_space<semaphore_mem>>)
      %dma_wait3A_211 = arith.constant 0 : i32
      %dma_wait3A_212 = tpu.memref_slice %arg10[%add3A_11, %dma_wait3A_211] : memref<10240x128xf32, #tpu.memory_space<vmem_shared>> -> memref<128x128xf32, #tpu.memory_space<vmem_shared>>
      %dma_wait3A_213 = arith.constant 0 : i32
      %dma_wait3A_214 = tpu.memref_slice %arg10[%add3A_11, %dma_wait3A_213] : memref<10240x128xf32, #tpu.memory_space<vmem_shared>> -> memref<128x128xf32, #tpu.memory_space<vmem_shared>>
      tpu.wait_dma2 semaphore(%run_scoped3A_206 : memref<!tpu.dma_semaphore, #tpu.memory_space<semaphore_mem>>) src(%arg8 : memref<128x128xf32, #tpu.memory_space<vmem>>) dst(%dma_wait3A_214 : memref<128x128xf32, #tpu.memory_space<vmem_shared>>)
      tpu.yield
    }) : () -> ()
    %add3A_12 = arith.constant 256 : i32
    %add3A_13 = arith.addi %mul3A_7, %add3A_12 : i32
    "tpu.region"() ({
      %run_scoped3A_206 = tpu.sem_alloc : memref<!tpu.dma_semaphore, #tpu.memory_space<semaphore_mem>>
      %dma_start3A_207 = arith.constant 0 : i32
      %dma_start3A_208 = tpu.memref_slice %arg10[%add3A_13, %dma_start3A_207] : memref<10240x128xf32, #tpu.memory_space<vmem_shared>> -> memref<128x128xf32, #tpu.memory_space<vmem_shared>>
      %dma_start3A_209 = arith.constant 0 : i32
      %dma_start3A_210 = tpu.memref_slice %arg10[%add3A_13, %dma_start3A_209] : memref<10240x128xf32, #tpu.memory_space<vmem_shared>> -> memref<128x128xf32, #tpu.memory_space<vmem_shared>>
      tpu.enqueue_dma source(%arg8 : memref<128x128xf32, #tpu.memory_space<vmem>>) target(%dma_start3A_210 : memref<128x128xf32, #tpu.memory_space<vmem_shared>>) target_semaphore(%run_scoped3A_206 : memref<!tpu.dma_semaphore, #tpu.memory_space<semaphore_mem>>)
      %dma_wait3A_211 = arith.constant 0 : i32
      %dma_wait3A_212 = tpu.memref_slice %arg10[%add3A_13, %dma_wait3A_211] : memref<10240x128xf32, #tpu.memory_space<vmem_shared>> -> memref<128x128xf32, #tpu.memory_space<vmem_shared>>
      %dma_wait3A_213 = arith.constant 0 : i32
      %dma_wait3A_214 = tpu.memref_slice %arg10[%add3A_13, %dma_wait3A_213] : memref<10240x128xf32, #tpu.memory_space<vmem_shared>> -> memref<128x128xf32, #tpu.memory_space<vmem_shared>>
      tpu.wait_dma2 semaphore(%run_scoped3A_206 : memref<!tpu.dma_semaphore, #tpu.memory_space<semaphore_mem>>) src(%arg8 : memref<128x128xf32, #tpu.memory_space<vmem>>) dst(%dma_wait3A_214 : memref<128x128xf32, #tpu.memory_space<vmem_shared>>)
      tpu.yield
    }) : () -> ()
    %add3A_14 = arith.constant 384 : i32
    %add3A_15 = arith.addi %mul3A_7, %add3A_14 : i32
    "tpu.region"() ({
      %run_scoped3A_206 = tpu.sem_alloc : memref<!tpu.dma_semaphore, #tpu.memory_space<semaphore_mem>>
      %dma_start3A_207 = arith.constant 0 : i32
      %dma_start3A_208 = tpu.memref_slice %arg10[%add3A_15, %dma_start3A_207] : memref<10240x128xf32, #tpu.memory_space<vmem_shared>> -> memref<128x128xf32, #tpu.memory_space<vmem_shared>>
      %dma_start3A_209 = arith.constant 0 : i32
      %dma_start3A_210 = tpu.memref_slice %arg10[%add3A_15, %dma_start3A_209] : memref<10240x128xf32, #tpu.memory_space<vmem_shared>> -> memref<128x128xf32, #tpu.memory_space<vmem_shared>>
      tpu.enqueue_dma source(%arg8 : memref<128x128xf32, #tpu.memory_space<vmem>>) target(%dma_start3A_210 : memref<128x128xf32, #tpu.memory_space<vmem_shared>>) target_semaphore(%run_scoped3A_206 : memref<!tpu.dma_semaphore, #tpu.memory_space<semaphore_mem>>)
      %dma_wait3A_211 = arith.constant 0 : i32
      %dma_wait3A_212 = tpu.memref_slice %arg10[%add3A_15, %dma_wait3A_211] : memref<10240x128xf32, #tpu.memory_space<vmem_shared>> -> memref<128x128xf32, #tpu.memory_space<vmem_shared>>
      %dma_wait3A_213 = arith.constant 0 : i32
      %dma_wait3A_214 = tpu.memref_slice %arg10[%add3A_15, %dma_wait3A_213] : memref<10240x128xf32, #tpu.memory_space<vmem_shared>> -> memref<128x128xf32, #tpu.memory_space<vmem_shared>>
      tpu.wait_dma2 semaphore(%run_scoped3A_206 : memref<!tpu.dma_semaphore, #tpu.memory_space<semaphore_mem>>) src(%arg8 : memref<128x128xf32, #tpu.memory_space<vmem>>) dst(%dma_wait3A_214 : memref<128x128xf32, #tpu.memory_space<vmem_shared>>)
      tpu.yield
    }) : () -> ()
    %add3A_16 = arith.constant 512 : i32
    %add3A_17 = arith.addi %mul3A_7, %add3A_16 : i32
    "tpu.region"() ({
      %run_scoped3A_206 = tpu.sem_alloc : memref<!tpu.dma_semaphore, #tpu.memory_space<semaphore_mem>>
      %dma_start3A_207 = arith.constant 0 : i32
      %dma_start3A_208 = tpu.memref_slice %arg10[%add3A_17, %dma_start3A_207] : memref<10240x128xf32, #tpu.memory_space<vmem_shared>> -> memref<128x128xf32, #tpu.memory_space<vmem_shared>>
      %dma_start3A_209 = arith.constant 0 : i32
      %dma_start3A_210 = tpu.memref_slice %arg10[%add3A_17, %dma_start3A_209] : memref<10240x128xf32, #tpu.memory_space<vmem_shared>> -> memref<128x128xf32, #tpu.memory_space<vmem_shared>>
      tpu.enqueue_dma source(%arg8 : memref<128x128xf32, #tpu.memory_space<vmem>>) target(%dma_start3A_210 : memref<128x128xf32, #tpu.memory_space<vmem_shared>>) target_semaphore(%run_scoped3A_206 : memref<!tpu.dma_semaphore, #tpu.memory_space<semaphore_mem>>)
      %dma_wait3A_211 = arith.constant 0 : i32
      %dma_wait3A_212 = tpu.memref_slice %arg10[%add3A_17, %dma_wait3A_211] : memref<10240x128xf32, #tpu.memory_space<vmem_shared>> -> memref<128x128xf32, #tpu.memory_space<vmem_shared>>
      %dma_wait3A_213 = arith.constant 0 : i32
      %dma_wait3A_214 = tpu.memref_slice %arg10[%add3A_17, %dma_wait3A_213] : memref<10240x128xf32, #tpu.memory_space<vmem_shared>> -> memref<128x128xf32, #tpu.memory_space<vmem_shared>>
      tpu.wait_dma2 semaphore(%run_scoped3A_206 : memref<!tpu.dma_semaphore, #tpu.memory_space<semaphore_mem>>) src(%arg8 : memref<128x128xf32, #tpu.memory_space<vmem>>) dst(%dma_wait3A_214 : memref<128x128xf32, #tpu.memory_space<vmem_shared>>)
      tpu.yield
    }) : () -> ()
    %dma_start3A = arith.constant 0 : i32
    %dma_start3A_18 = arith.constant 0 : i32
    %dma_start3A_19 = tpu.memref_slice %arg3[%add3A, %dma_start3A, %dma_start3A_18] : memref<32x80x128xi32, #tpu.memory_space<hbm>> -> memref<1x80x128xi32, #tpu.memory_space<hbm>>
    %dma_start3A_20 = tpu.memref_squeeze %dma_start3A_19 : memref<1x80x128xi32, #tpu.memory_space<hbm>> -> memref<80x128xi32, #tpu.memory_space<hbm>>
    %dma_start3A_21 = arith.constant 0 : i32
    %dma_start3A_22 = arith.constant 0 : i32
    %dma_start3A_23 = tpu.memref_slice %dma_start3A_20[%dma_start3A_21, %dma_start3A_22] : memref<80x128xi32, #tpu.memory_space<hbm>> -> memref<40x128xi32, #tpu.memory_space<hbm>>
    %dma_start3A_24 = arith.constant 0 : i32
    %dma_start3A_25 = arith.constant 0 : i32
    %dma_start3A_26 = tpu.memref_slice %arg3[%add3A, %dma_start3A_24, %dma_start3A_25] : memref<32x80x128xi32, #tpu.memory_space<hbm>> -> memref<1x80x128xi32, #tpu.memory_space<hbm>>
    %dma_start3A_27 = tpu.memref_squeeze %dma_start3A_26 : memref<1x80x128xi32, #tpu.memory_space<hbm>> -> memref<80x128xi32, #tpu.memory_space<hbm>>
    %dma_start3A_28 = arith.constant 0 : i32
    %dma_start3A_29 = arith.constant 0 : i32
    %dma_start3A_30 = tpu.memref_slice %dma_start3A_27[%dma_start3A_28, %dma_start3A_29] : memref<80x128xi32, #tpu.memory_space<hbm>> -> memref<40x128xi32, #tpu.memory_space<hbm>>
    tpu.enqueue_dma source(%dma_start3A_30 : memref<40x128xi32, #tpu.memory_space<hbm>>) target(%arg6 : memref<40x128xi32, #tpu.memory_space<vmem>>) target_semaphore(%arg13 : memref<!tpu.dma_semaphore, #tpu.memory_space<semaphore_mem>>)
    %dma_start3A_31 = arith.constant 0 : i32
    %dma_start3A_32 = arith.constant 0 : i32
    %dma_start3A_33 = tpu.memref_slice %arg4[%add3A, %dma_start3A_31, %dma_start3A_32] : memref<32x80x128xi32, #tpu.memory_space<hbm>> -> memref<1x80x128xi32, #tpu.memory_space<hbm>>
    %dma_start3A_34 = tpu.memref_squeeze %dma_start3A_33 : memref<1x80x128xi32, #tpu.memory_space<hbm>> -> memref<80x128xi32, #tpu.memory_space<hbm>>
    %dma_start3A_35 = arith.constant 0 : i32
    %dma_start3A_36 = arith.constant 0 : i32
    %dma_start3A_37 = tpu.memref_slice %dma_start3A_34[%dma_start3A_35, %dma_start3A_36] : memref<80x128xi32, #tpu.memory_space<hbm>> -> memref<40x128xi32, #tpu.memory_space<hbm>>
    %dma_start3A_38 = arith.constant 0 : i32
    %dma_start3A_39 = arith.constant 0 : i32
    %dma_start3A_40 = tpu.memref_slice %arg4[%add3A, %dma_start3A_38, %dma_start3A_39] : memref<32x80x128xi32, #tpu.memory_space<hbm>> -> memref<1x80x128xi32, #tpu.memory_space<hbm>>
    %dma_start3A_41 = tpu.memref_squeeze %dma_start3A_40 : memref<1x80x128xi32, #tpu.memory_space<hbm>> -> memref<80x128xi32, #tpu.memory_space<hbm>>
    %dma_start3A_42 = arith.constant 0 : i32
    %dma_start3A_43 = arith.constant 0 : i32
    %dma_start3A_44 = tpu.memref_slice %dma_start3A_41[%dma_start3A_42, %dma_start3A_43] : memref<80x128xi32, #tpu.memory_space<hbm>> -> memref<40x128xi32, #tpu.memory_space<hbm>>
    tpu.enqueue_dma source(%dma_start3A_44 : memref<40x128xi32, #tpu.memory_space<hbm>>) target(%arg7 : memref<40x128xi32, #tpu.memory_space<vmem>>) target_semaphore(%arg14 : memref<!tpu.dma_semaphore, #tpu.memory_space<semaphore_mem>>)
    %dma_wait3A = arith.constant 0 : i32
    %dma_wait3A_45 = arith.constant 0 : i32
    %dma_wait3A_46 = tpu.memref_slice %arg3[%add3A, %dma_wait3A, %dma_wait3A_45] : memref<32x80x128xi32, #tpu.memory_space<hbm>> -> memref<1x80x128xi32, #tpu.memory_space<hbm>>
    %dma_wait3A_47 = tpu.memref_squeeze %dma_wait3A_46 : memref<1x80x128xi32, #tpu.memory_space<hbm>> -> memref<80x128xi32, #tpu.memory_space<hbm>>
    %dma_wait3A_48 = arith.constant 0 : i32
    %dma_wait3A_49 = arith.constant 0 : i32
    %dma_wait3A_50 = tpu.memref_slice %dma_wait3A_47[%dma_wait3A_48, %dma_wait3A_49] : memref<80x128xi32, #tpu.memory_space<hbm>> -> memref<40x128xi32, #tpu.memory_space<hbm>>
    %dma_wait3A_51 = arith.constant 0 : i32
    %dma_wait3A_52 = arith.constant 0 : i32
    %dma_wait3A_53 = tpu.memref_slice %arg3[%add3A, %dma_wait3A_51, %dma_wait3A_52] : memref<32x80x128xi32, #tpu.memory_space<hbm>> -> memref<1x80x128xi32, #tpu.memory_space<hbm>>
    %dma_wait3A_54 = tpu.memref_squeeze %dma_wait3A_53 : memref<1x80x128xi32, #tpu.memory_space<hbm>> -> memref<80x128xi32, #tpu.memory_space<hbm>>
    %dma_wait3A_55 = arith.constant 0 : i32
    %dma_wait3A_56 = arith.constant 0 : i32
    %dma_wait3A_57 = tpu.memref_slice %dma_wait3A_54[%dma_wait3A_55, %dma_wait3A_56] : memref<80x128xi32, #tpu.memory_space<hbm>> -> memref<40x128xi32, #tpu.memory_space<hbm>>
    tpu.wait_dma2 semaphore(%arg13 : memref<!tpu.dma_semaphore, #tpu.memory_space<semaphore_mem>>) src(%dma_wait3A_57 : memref<40x128xi32, #tpu.memory_space<hbm>>) dst(%arg6 : memref<40x128xi32, #tpu.memory_space<vmem>>)
    %dma_wait3A_58 = arith.constant 0 : i32
    %dma_wait3A_59 = arith.constant 0 : i32
    %dma_wait3A_60 = tpu.memref_slice %arg4[%add3A, %dma_wait3A_58, %dma_wait3A_59] : memref<32x80x128xi32, #tpu.memory_space<hbm>> -> memref<1x80x128xi32, #tpu.memory_space<hbm>>
    %dma_wait3A_61 = tpu.memref_squeeze %dma_wait3A_60 : memref<1x80x128xi32, #tpu.memory_space<hbm>> -> memref<80x128xi32, #tpu.memory_space<hbm>>
    %dma_wait3A_62 = arith.constant 0 : i32
    %dma_wait3A_63 = arith.constant 0 : i32
    %dma_wait3A_64 = tpu.memref_slice %dma_wait3A_61[%dma_wait3A_62, %dma_wait3A_63] : memref<80x128xi32, #tpu.memory_space<hbm>> -> memref<40x128xi32, #tpu.memory_space<hbm>>
    %dma_wait3A_65 = arith.constant 0 : i32
    %dma_wait3A_66 = arith.constant 0 : i32
    %dma_wait3A_67 = tpu.memref_slice %arg4[%add3A, %dma_wait3A_65, %dma_wait3A_66] : memref<32x80x128xi32, #tpu.memory_space<hbm>> -> memref<1x80x128xi32, #tpu.memory_space<hbm>>
    %dma_wait3A_68 = tpu.memref_squeeze %dma_wait3A_67 : memref<1x80x128xi32, #tpu.memory_space<hbm>> -> memref<80x128xi32, #tpu.memory_space<hbm>>
    %dma_wait3A_69 = arith.constant 0 : i32
    %dma_wait3A_70 = arith.constant 0 : i32
    %dma_wait3A_71 = tpu.memref_slice %dma_wait3A_68[%dma_wait3A_69, %dma_wait3A_70] : memref<80x128xi32, #tpu.memory_space<hbm>> -> memref<40x128xi32, #tpu.memory_space<hbm>>
    tpu.wait_dma2 semaphore(%arg14 : memref<!tpu.dma_semaphore, #tpu.memory_space<semaphore_mem>>) src(%dma_wait3A_71 : memref<40x128xi32, #tpu.memory_space<hbm>>) dst(%arg7 : memref<40x128xi32, #tpu.memory_space<vmem>>)
    %barrier3A = arith.constant 0 : index
    tpu.barrier barrier_id(%barrier3A)
    %dma_start3A_72 = arith.constant 0 : i32
    %dma_start3A_73 = arith.constant 0 : i32
    %dma_start3A_74 = tpu.memref_slice %arg6[%dma_start3A_72, %dma_start3A_73] : memref<40x128xi32, #tpu.memory_space<vmem>> -> memref<1x128xi32, #tpu.memory_space<vmem>>
    %dma_start3A_75 = tpu.memref_squeeze %dma_start3A_74 : memref<1x128xi32, #tpu.memory_space<vmem>> -> memref<128xi32, #tpu.memory_space<vmem>>
    %dma_start3A_76 = arith.constant 0 : i32
    %dma_start3A_77 = arith.constant 0 : i32
    %dma_start3A_78 = tpu.memref_slice %arg2[%dma_start3A_76, %dma_start3A_77] : memref<10000x128xf32, #tpu.memory_space<hbm>> -> memref<10000x128xf32, #tpu.memory_space<hbm>>
    tpu.enqueue_indirect_dma source(%dma_start3A_78 : memref<10000x128xf32, #tpu.memory_space<hbm>>) target(%arg8 : memref<128x128xf32, #tpu.memory_space<vmem>>) offsets(%dma_start3A_75 : memref<128xi32, #tpu.memory_space<vmem>>) semaphore(%arg11 : memref<!tpu.dma_semaphore, #tpu.memory_space<semaphore_mem>>)
    %scan3A_79 = arith.constant 0 : i32
    %scan3A_80 = arith.constant 0 : i32
    %scan3A_81 = arith.constant 19 : i32
    %scan3A_82 = arith.addi %scan3A_80, %scan3A_81 : i32
    %scan3A_83 = arith.constant 1 : i32
    scf.for %scan3A_206 = %scan3A_80 to %scan3A_82 step %scan3A_83  : i32 {
      %mul3A_207 = arith.constant 2 : i32
      %mul3A_208 = arith.muli %scan3A_206, %mul3A_207 : i32
      %add3A_209 = arith.constant 0 : i32
      %add3A_210 = arith.addi %mul3A_208, %add3A_209 : i32
      %add3A_211 = arith.constant 1 : i32
      %add3A_212 = arith.addi %add3A_210, %add3A_211 : i32
      %dma_start3A_213 = arith.constant 0 : i32
      %dma_start3A_214 = tpu.memref_slice %arg6[%add3A_212, %dma_start3A_213] : memref<40x128xi32, #tpu.memory_space<vmem>> -> memref<1x128xi32, #tpu.memory_space<vmem>>
      %dma_start3A_215 = tpu.memref_squeeze %dma_start3A_214 : memref<1x128xi32, #tpu.memory_space<vmem>> -> memref<128xi32, #tpu.memory_space<vmem>>
      %dma_start3A_216 = arith.constant 0 : i32
      %dma_start3A_217 = arith.constant 0 : i32
      %dma_start3A_218 = tpu.memref_slice %arg2[%dma_start3A_216, %dma_start3A_217] : memref<10000x128xf32, #tpu.memory_space<hbm>> -> memref<10000x128xf32, #tpu.memory_space<hbm>>
      tpu.enqueue_indirect_dma source(%dma_start3A_218 : memref<10000x128xf32, #tpu.memory_space<hbm>>) target(%arg9 : memref<128x128xf32, #tpu.memory_space<vmem>>) offsets(%dma_start3A_215 : memref<128xi32, #tpu.memory_space<vmem>>) semaphore(%arg12 : memref<!tpu.dma_semaphore, #tpu.memory_space<semaphore_mem>>)
      %dma_wait3A_219 = arith.constant 0 : i32
      %dma_wait3A_220 = arith.constant 0 : i32
      %dma_wait3A_221 = tpu.memref_slice %arg2[%dma_wait3A_219, %dma_wait3A_220] : memref<10000x128xf32, #tpu.memory_space<hbm>> -> memref<128x128xf32, #tpu.memory_space<hbm>>
      %dma_wait3A_222 = arith.constant 0 : i32
      %dma_wait3A_223 = arith.constant 0 : i32
      %dma_wait3A_224 = tpu.memref_slice %arg2[%dma_wait3A_222, %dma_wait3A_223] : memref<10000x128xf32, #tpu.memory_space<hbm>> -> memref<128x128xf32, #tpu.memory_space<hbm>>
      tpu.wait_dma2 semaphore(%arg11 : memref<!tpu.dma_semaphore, #tpu.memory_space<semaphore_mem>>) src(%dma_wait3A_224 : memref<128x128xf32, #tpu.memory_space<hbm>>) dst(%arg8 : memref<128x128xf32, #tpu.memory_space<vmem>>)
      "tpu.region"() ({
        %run_scoped3A_243 = tpu.sem_alloc : memref<!tpu.dma_semaphore, #tpu.memory_space<semaphore_mem>>
        %dma_start3A_244 = arith.constant 0 : i32
        %dma_start3A_245 = tpu.memref_slice %arg7[%add3A_210, %dma_start3A_244] : memref<40x128xi32, #tpu.memory_space<vmem>> -> memref<1x128xi32, #tpu.memory_space<vmem>>
        %dma_start3A_246 = tpu.memref_squeeze %dma_start3A_245 : memref<1x128xi32, #tpu.memory_space<vmem>> -> memref<128xi32, #tpu.memory_space<vmem>>
        %dma_start3A_247 = arith.constant 0 : i32
        %dma_start3A_248 = arith.constant 0 : i32
        %dma_start3A_249 = tpu.memref_slice %arg10[%dma_start3A_247, %dma_start3A_248] : memref<10240x128xf32, #tpu.memory_space<vmem_shared>> -> memref<10240x128xf32, #tpu.memory_space<vmem_shared>>
        tpu.enqueue_indirect_dma source(%arg8 : memref<128x128xf32, #tpu.memory_space<vmem>>) target(%dma_start3A_249 : memref<10240x128xf32, #tpu.memory_space<vmem_shared>>) offsets(%dma_start3A_246 : memref<128xi32, #tpu.memory_space<vmem>>) semaphore(%run_scoped3A_243 : memref<!tpu.dma_semaphore, #tpu.memory_space<semaphore_mem>>) {add = true}
        %dma_wait3A_250 = arith.constant 0 : i32
        %dma_wait3A_251 = tpu.memref_slice %arg7[%add3A_210, %dma_wait3A_250] : memref<40x128xi32, #tpu.memory_space<vmem>> -> memref<1x128xi32, #tpu.memory_space<vmem>>
        %dma_wait3A_252 = tpu.memref_squeeze %dma_wait3A_251 : memref<1x128xi32, #tpu.memory_space<vmem>> -> memref<128xi32, #tpu.memory_space<vmem>>
        %dma_wait3A_253 = arith.constant 0 : i32
        %dma_wait3A_254 = arith.constant 0 : i32
        %dma_wait3A_255 = tpu.memref_slice %arg10[%dma_wait3A_253, %dma_wait3A_254] : memref<10240x128xf32, #tpu.memory_space<vmem_shared>> -> memref<10240x128xf32, #tpu.memory_space<vmem_shared>>
        tpu.wait_indirect_dma semaphore(%run_scoped3A_243 : memref<!tpu.dma_semaphore, #tpu.memory_space<semaphore_mem>>) src(%arg8 : memref<128x128xf32, #tpu.memory_space<vmem>>) dst(%dma_wait3A_255 : memref<10240x128xf32, #tpu.memory_space<vmem_shared>>)
        tpu.yield
      }) : () -> ()
      %mul3A_225 = arith.constant 2 : i32
      %mul3A_226 = arith.muli %scan3A_206, %mul3A_225 : i32
      %add3A_227 = arith.constant 1 : i32
      %add3A_228 = arith.addi %mul3A_226, %add3A_227 : i32
      %add3A_229 = arith.constant 1 : i32
      %add3A_230 = arith.addi %add3A_228, %add3A_229 : i32
      %dma_start3A_231 = arith.constant 0 : i32
      %dma_start3A_232 = tpu.memref_slice %arg6[%add3A_230, %dma_start3A_231] : memref<40x128xi32, #tpu.memory_space<vmem>> -> memref<1x128xi32, #tpu.memory_space<vmem>>
      %dma_start3A_233 = tpu.memref_squeeze %dma_start3A_232 : memref<1x128xi32, #tpu.memory_space<vmem>> -> memref<128xi32, #tpu.memory_space<vmem>>
      %dma_start3A_234 = arith.constant 0 : i32
      %dma_start3A_235 = arith.constant 0 : i32
      %dma_start3A_236 = tpu.memref_slice %arg2[%dma_start3A_234, %dma_start3A_235] : memref<10000x128xf32, #tpu.memory_space<hbm>> -> memref<10000x128xf32, #tpu.memory_space<hbm>>
      tpu.enqueue_indirect_dma source(%dma_start3A_236 : memref<10000x128xf32, #tpu.memory_space<hbm>>) target(%arg8 : memref<128x128xf32, #tpu.memory_space<vmem>>) offsets(%dma_start3A_233 : memref<128xi32, #tpu.memory_space<vmem>>) semaphore(%arg11 : memref<!tpu.dma_semaphore, #tpu.memory_space<semaphore_mem>>)
      %dma_wait3A_237 = arith.constant 0 : i32
      %dma_wait3A_238 = arith.constant 0 : i32
      %dma_wait3A_239 = tpu.memref_slice %arg2[%dma_wait3A_237, %dma_wait3A_238] : memref<10000x128xf32, #tpu.memory_space<hbm>> -> memref<128x128xf32, #tpu.memory_space<hbm>>
      %dma_wait3A_240 = arith.constant 0 : i32
      %dma_wait3A_241 = arith.constant 0 : i32
      %dma_wait3A_242 = tpu.memref_slice %arg2[%dma_wait3A_240, %dma_wait3A_241] : memref<10000x128xf32, #tpu.memory_space<hbm>> -> memref<128x128xf32, #tpu.memory_space<hbm>>
      tpu.wait_dma2 semaphore(%arg12 : memref<!tpu.dma_semaphore, #tpu.memory_space<semaphore_mem>>) src(%dma_wait3A_242 : memref<128x128xf32, #tpu.memory_space<hbm>>) dst(%arg9 : memref<128x128xf32, #tpu.memory_space<vmem>>)
      "tpu.region"() ({
        %run_scoped3A_243 = tpu.sem_alloc : memref<!tpu.dma_semaphore, #tpu.memory_space<semaphore_mem>>
        %dma_start3A_244 = arith.constant 0 : i32
        %dma_start3A_245 = tpu.memref_slice %arg7[%add3A_228, %dma_start3A_244] : memref<40x128xi32, #tpu.memory_space<vmem>> -> memref<1x128xi32, #tpu.memory_space<vmem>>
        %dma_start3A_246 = tpu.memref_squeeze %dma_start3A_245 : memref<1x128xi32, #tpu.memory_space<vmem>> -> memref<128xi32, #tpu.memory_space<vmem>>
        %dma_start3A_247 = arith.constant 0 : i32
        %dma_start3A_248 = arith.constant 0 : i32
        %dma_start3A_249 = tpu.memref_slice %arg10[%dma_start3A_247, %dma_start3A_248] : memref<10240x128xf32, #tpu.memory_space<vmem_shared>> -> memref<10240x128xf32, #tpu.memory_space<vmem_shared>>
        tpu.enqueue_indirect_dma source(%arg9 : memref<128x128xf32, #tpu.memory_space<vmem>>) target(%dma_start3A_249 : memref<10240x128xf32, #tpu.memory_space<vmem_shared>>) offsets(%dma_start3A_246 : memref<128xi32, #tpu.memory_space<vmem>>) semaphore(%run_scoped3A_243 : memref<!tpu.dma_semaphore, #tpu.memory_space<semaphore_mem>>) {add = true}
        %dma_wait3A_250 = arith.constant 0 : i32
        %dma_wait3A_251 = tpu.memref_slice %arg7[%add3A_228, %dma_wait3A_250] : memref<40x128xi32, #tpu.memory_space<vmem>> -> memref<1x128xi32, #tpu.memory_space<vmem>>
        %dma_wait3A_252 = tpu.memref_squeeze %dma_wait3A_251 : memref<1x128xi32, #tpu.memory_space<vmem>> -> memref<128xi32, #tpu.memory_space<vmem>>
        %dma_wait3A_253 = arith.constant 0 : i32
        %dma_wait3A_254 = arith.constant 0 : i32
        %dma_wait3A_255 = tpu.memref_slice %arg10[%dma_wait3A_253, %dma_wait3A_254] : memref<10240x128xf32, #tpu.memory_space<vmem_shared>> -> memref<10240x128xf32, #tpu.memory_space<vmem_shared>>
        tpu.wait_indirect_dma semaphore(%run_scoped3A_243 : memref<!tpu.dma_semaphore, #tpu.memory_space<semaphore_mem>>) src(%arg9 : memref<128x128xf32, #tpu.memory_space<vmem>>) dst(%dma_wait3A_255 : memref<10240x128xf32, #tpu.memory_space<vmem_shared>>)
        tpu.yield
      }) : () -> ()
    }
    %scan3A_84 = arith.constant 19 : i32
    %dma_start3A_85 = arith.constant 39 : i32
    %dma_start3A_86 = arith.constant 0 : i32
    %dma_start3A_87 = tpu.memref_slice %arg6[%dma_start3A_85, %dma_start3A_86] : memref<40x128xi32, #tpu.memory_space<vmem>> -> memref<1x128xi32, #tpu.memory_space<vmem>>
    %dma_start3A_88 = tpu.memref_squeeze %dma_start3A_87 : memref<1x128xi32, #tpu.memory_space<vmem>> -> memref<128xi32, #tpu.memory_space<vmem>>
    %dma_start3A_89 = arith.constant 0 : i32
    %dma_start3A_90 = arith.constant 0 : i32
    %dma_start3A_91 = tpu.memref_slice %arg2[%dma_start3A_89, %dma_start3A_90] : memref<10000x128xf32, #tpu.memory_space<hbm>> -> memref<10000x128xf32, #tpu.memory_space<hbm>>
    tpu.enqueue_indirect_dma source(%dma_start3A_91 : memref<10000x128xf32, #tpu.memory_space<hbm>>) target(%arg9 : memref<128x128xf32, #tpu.memory_space<vmem>>) offsets(%dma_start3A_88 : memref<128xi32, #tpu.memory_space<vmem>>) semaphore(%arg12 : memref<!tpu.dma_semaphore, #tpu.memory_space<semaphore_mem>>)
    %dma_wait3A_92 = arith.constant 0 : i32
    %dma_wait3A_93 = arith.constant 0 : i32
    %dma_wait3A_94 = tpu.memref_slice %arg2[%dma_wait3A_92, %dma_wait3A_93] : memref<10000x128xf32, #tpu.memory_space<hbm>> -> memref<128x128xf32, #tpu.memory_space<hbm>>
    %dma_wait3A_95 = arith.constant 0 : i32
    %dma_wait3A_96 = arith.constant 0 : i32
    %dma_wait3A_97 = tpu.memref_slice %arg2[%dma_wait3A_95, %dma_wait3A_96] : memref<10000x128xf32, #tpu.memory_space<hbm>> -> memref<128x128xf32, #tpu.memory_space<hbm>>
    tpu.wait_dma2 semaphore(%arg11 : memref<!tpu.dma_semaphore, #tpu.memory_space<semaphore_mem>>) src(%dma_wait3A_97 : memref<128x128xf32, #tpu.memory_space<hbm>>) dst(%arg8 : memref<128x128xf32, #tpu.memory_space<vmem>>)
    %run_scoped3A = arith.constant 38 : i32
    "tpu.region"() ({
      %run_scoped3A_206 = tpu.sem_alloc : memref<!tpu.dma_semaphore, #tpu.memory_space<semaphore_mem>>
      %dma_start3A_207 = arith.constant 0 : i32
      %dma_start3A_208 = tpu.memref_slice %arg7[%run_scoped3A, %dma_start3A_207] : memref<40x128xi32, #tpu.memory_space<vmem>> -> memref<1x128xi32, #tpu.memory_space<vmem>>
      %dma_start3A_209 = tpu.memref_squeeze %dma_start3A_208 : memref<1x128xi32, #tpu.memory_space<vmem>> -> memref<128xi32, #tpu.memory_space<vmem>>
      %dma_start3A_210 = arith.constant 0 : i32
      %dma_start3A_211 = arith.constant 0 : i32
      %dma_start3A_212 = tpu.memref_slice %arg10[%dma_start3A_210, %dma_start3A_211] : memref<10240x128xf32, #tpu.memory_space<vmem_shared>> -> memref<10240x128xf32, #tpu.memory_space<vmem_shared>>
      tpu.enqueue_indirect_dma source(%arg8 : memref<128x128xf32, #tpu.memory_space<vmem>>) target(%dma_start3A_212 : memref<10240x128xf32, #tpu.memory_space<vmem_shared>>) offsets(%dma_start3A_209 : memref<128xi32, #tpu.memory_space<vmem>>) semaphore(%run_scoped3A_206 : memref<!tpu.dma_semaphore, #tpu.memory_space<semaphore_mem>>) {add = true}
      %dma_wait3A_213 = arith.constant 0 : i32
      %dma_wait3A_214 = tpu.memref_slice %arg7[%run_scoped3A, %dma_wait3A_213] : memref<40x128xi32, #tpu.memory_space<vmem>> -> memref<1x128xi32, #tpu.memory_space<vmem>>
      %dma_wait3A_215 = tpu.memref_squeeze %dma_wait3A_214 : memref<1x128xi32, #tpu.memory_space<vmem>> -> memref<128xi32, #tpu.memory_space<vmem>>
      %dma_wait3A_216 = arith.constant 0 : i32
      %dma_wait3A_217 = arith.constant 0 : i32
      %dma_wait3A_218 = tpu.memref_slice %arg10[%dma_wait3A_216, %dma_wait3A_217] : memref<10240x128xf32, #tpu.memory_space<vmem_shared>> -> memref<10240x128xf32, #tpu.memory_space<vmem_shared>>
      tpu.wait_indirect_dma semaphore(%run_scoped3A_206 : memref<!tpu.dma_semaphore, #tpu.memory_space<semaphore_mem>>) src(%arg8 : memref<128x128xf32, #tpu.memory_space<vmem>>) dst(%dma_wait3A_218 : memref<10240x128xf32, #tpu.memory_space<vmem_shared>>)
      tpu.yield
    }) : () -> ()
    %dma_wait3A_98 = arith.constant 0 : i32
    %dma_wait3A_99 = arith.constant 0 : i32
    %dma_wait3A_100 = tpu.memref_slice %arg2[%dma_wait3A_98, %dma_wait3A_99] : memref<10000x128xf32, #tpu.memory_space<hbm>> -> memref<128x128xf32, #tpu.memory_space<hbm>>
    %dma_wait3A_101 = arith.constant 0 : i32
    %dma_wait3A_102 = arith.constant 0 : i32
    %dma_wait3A_103 = tpu.memref_slice %arg2[%dma_wait3A_101, %dma_wait3A_102] : memref<10000x128xf32, #tpu.memory_space<hbm>> -> memref<128x128xf32, #tpu.memory_space<hbm>>
    tpu.wait_dma2 semaphore(%arg12 : memref<!tpu.dma_semaphore, #tpu.memory_space<semaphore_mem>>) src(%dma_wait3A_103 : memref<128x128xf32, #tpu.memory_space<hbm>>) dst(%arg9 : memref<128x128xf32, #tpu.memory_space<vmem>>)
    %run_scoped3A_104 = arith.constant 39 : i32
    "tpu.region"() ({
      %run_scoped3A_206 = tpu.sem_alloc : memref<!tpu.dma_semaphore, #tpu.memory_space<semaphore_mem>>
      %dma_start3A_207 = arith.constant 0 : i32
      %dma_start3A_208 = tpu.memref_slice %arg7[%run_scoped3A_104, %dma_start3A_207] : memref<40x128xi32, #tpu.memory_space<vmem>> -> memref<1x128xi32, #tpu.memory_space<vmem>>
      %dma_start3A_209 = tpu.memref_squeeze %dma_start3A_208 : memref<1x128xi32, #tpu.memory_space<vmem>> -> memref<128xi32, #tpu.memory_space<vmem>>
      %dma_start3A_210 = arith.constant 0 : i32
      %dma_start3A_211 = arith.constant 0 : i32
      %dma_start3A_212 = tpu.memref_slice %arg10[%dma_start3A_210, %dma_start3A_211] : memref<10240x128xf32, #tpu.memory_space<vmem_shared>> -> memref<10240x128xf32, #tpu.memory_space<vmem_shared>>
      tpu.enqueue_indirect_dma source(%arg9 : memref<128x128xf32, #tpu.memory_space<vmem>>) target(%dma_start3A_212 : memref<10240x128xf32, #tpu.memory_space<vmem_shared>>) offsets(%dma_start3A_209 : memref<128xi32, #tpu.memory_space<vmem>>) semaphore(%run_scoped3A_206 : memref<!tpu.dma_semaphore, #tpu.memory_space<semaphore_mem>>) {add = true}
      %dma_wait3A_213 = arith.constant 0 : i32
      %dma_wait3A_214 = tpu.memref_slice %arg7[%run_scoped3A_104, %dma_wait3A_213] : memref<40x128xi32, #tpu.memory_space<vmem>> -> memref<1x128xi32, #tpu.memory_space<vmem>>
      %dma_wait3A_215 = tpu.memref_squeeze %dma_wait3A_214 : memref<1x128xi32, #tpu.memory_space<vmem>> -> memref<128xi32, #tpu.memory_space<vmem>>
      %dma_wait3A_216 = arith.constant 0 : i32
      %dma_wait3A_217 = arith.constant 0 : i32
      %dma_wait3A_218 = tpu.memref_slice %arg10[%dma_wait3A_216, %dma_wait3A_217] : memref<10240x128xf32, #tpu.memory_space<vmem_shared>> -> memref<10240x128xf32, #tpu.memory_space<vmem_shared>>
      tpu.wait_indirect_dma semaphore(%run_scoped3A_206 : memref<!tpu.dma_semaphore, #tpu.memory_space<semaphore_mem>>) src(%arg9 : memref<128x128xf32, #tpu.memory_space<vmem>>) dst(%dma_wait3A_218 : memref<10240x128xf32, #tpu.memory_space<vmem_shared>>)
      tpu.yield
    }) : () -> ()
    %dma_start3A_105 = arith.constant 0 : i32
    %dma_start3A_106 = arith.constant 0 : i32
    %dma_start3A_107 = tpu.memref_slice %arg3[%add3A, %dma_start3A_105, %dma_start3A_106] : memref<32x80x128xi32, #tpu.memory_space<hbm>> -> memref<1x80x128xi32, #tpu.memory_space<hbm>>
    %dma_start3A_108 = tpu.memref_squeeze %dma_start3A_107 : memref<1x80x128xi32, #tpu.memory_space<hbm>> -> memref<80x128xi32, #tpu.memory_space<hbm>>
    %dma_start3A_109 = arith.constant 40 : i32
    %dma_start3A_110 = arith.constant 0 : i32
    %dma_start3A_111 = tpu.memref_slice %dma_start3A_108[%dma_start3A_109, %dma_start3A_110] : memref<80x128xi32, #tpu.memory_space<hbm>> -> memref<40x128xi32, #tpu.memory_space<hbm>>
    %dma_start3A_112 = arith.constant 0 : i32
    %dma_start3A_113 = arith.constant 0 : i32
    %dma_start3A_114 = tpu.memref_slice %arg3[%add3A, %dma_start3A_112, %dma_start3A_113] : memref<32x80x128xi32, #tpu.memory_space<hbm>> -> memref<1x80x128xi32, #tpu.memory_space<hbm>>
    %dma_start3A_115 = tpu.memref_squeeze %dma_start3A_114 : memref<1x80x128xi32, #tpu.memory_space<hbm>> -> memref<80x128xi32, #tpu.memory_space<hbm>>
    %dma_start3A_116 = arith.constant 40 : i32
    %dma_start3A_117 = arith.constant 0 : i32
    %dma_start3A_118 = tpu.memref_slice %dma_start3A_115[%dma_start3A_116, %dma_start3A_117] : memref<80x128xi32, #tpu.memory_space<hbm>> -> memref<40x128xi32, #tpu.memory_space<hbm>>
    tpu.enqueue_dma source(%dma_start3A_118 : memref<40x128xi32, #tpu.memory_space<hbm>>) target(%arg6 : memref<40x128xi32, #tpu.memory_space<vmem>>) target_semaphore(%arg13 : memref<!tpu.dma_semaphore, #tpu.memory_space<semaphore_mem>>)
    %dma_start3A_119 = arith.constant 0 : i32
    %dma_start3A_120 = arith.constant 0 : i32
    %dma_start3A_121 = tpu.memref_slice %arg4[%add3A, %dma_start3A_119, %dma_start3A_120] : memref<32x80x128xi32, #tpu.memory_space<hbm>> -> memref<1x80x128xi32, #tpu.memory_space<hbm>>
    %dma_start3A_122 = tpu.memref_squeeze %dma_start3A_121 : memref<1x80x128xi32, #tpu.memory_space<hbm>> -> memref<80x128xi32, #tpu.memory_space<hbm>>
    %dma_start3A_123 = arith.constant 40 : i32
    %dma_start3A_124 = arith.constant 0 : i32
    %dma_start3A_125 = tpu.memref_slice %dma_start3A_122[%dma_start3A_123, %dma_start3A_124] : memref<80x128xi32, #tpu.memory_space<hbm>> -> memref<40x128xi32, #tpu.memory_space<hbm>>
    %dma_start3A_126 = arith.constant 0 : i32
    %dma_start3A_127 = arith.constant 0 : i32
    %dma_start3A_128 = tpu.memref_slice %arg4[%add3A, %dma_start3A_126, %dma_start3A_127] : memref<32x80x128xi32, #tpu.memory_space<hbm>> -> memref<1x80x128xi32, #tpu.memory_space<hbm>>
    %dma_start3A_129 = tpu.memref_squeeze %dma_start3A_128 : memref<1x80x128xi32, #tpu.memory_space<hbm>> -> memref<80x128xi32, #tpu.memory_space<hbm>>
    %dma_start3A_130 = arith.constant 40 : i32
    %dma_start3A_131 = arith.constant 0 : i32
    %dma_start3A_132 = tpu.memref_slice %dma_start3A_129[%dma_start3A_130, %dma_start3A_131] : memref<80x128xi32, #tpu.memory_space<hbm>> -> memref<40x128xi32, #tpu.memory_space<hbm>>
    tpu.enqueue_dma source(%dma_start3A_132 : memref<40x128xi32, #tpu.memory_space<hbm>>) target(%arg7 : memref<40x128xi32, #tpu.memory_space<vmem>>) target_semaphore(%arg14 : memref<!tpu.dma_semaphore, #tpu.memory_space<semaphore_mem>>)
    %dma_wait3A_133 = arith.constant 0 : i32
    %dma_wait3A_134 = arith.constant 0 : i32
    %dma_wait3A_135 = tpu.memref_slice %arg3[%add3A, %dma_wait3A_133, %dma_wait3A_134] : memref<32x80x128xi32, #tpu.memory_space<hbm>> -> memref<1x80x128xi32, #tpu.memory_space<hbm>>
    %dma_wait3A_136 = tpu.memref_squeeze %dma_wait3A_135 : memref<1x80x128xi32, #tpu.memory_space<hbm>> -> memref<80x128xi32, #tpu.memory_space<hbm>>
    %dma_wait3A_137 = arith.constant 40 : i32
    %dma_wait3A_138 = arith.constant 0 : i32
    %dma_wait3A_139 = tpu.memref_slice %dma_wait3A_136[%dma_wait3A_137, %dma_wait3A_138] : memref<80x128xi32, #tpu.memory_space<hbm>> -> memref<40x128xi32, #tpu.memory_space<hbm>>
    %dma_wait3A_140 = arith.constant 0 : i32
    %dma_wait3A_141 = arith.constant 0 : i32
    %dma_wait3A_142 = tpu.memref_slice %arg3[%add3A, %dma_wait3A_140, %dma_wait3A_141] : memref<32x80x128xi32, #tpu.memory_space<hbm>> -> memref<1x80x128xi32, #tpu.memory_space<hbm>>
    %dma_wait3A_143 = tpu.memref_squeeze %dma_wait3A_142 : memref<1x80x128xi32, #tpu.memory_space<hbm>> -> memref<80x128xi32, #tpu.memory_space<hbm>>
    %dma_wait3A_144 = arith.constant 40 : i32
    %dma_wait3A_145 = arith.constant 0 : i32
    %dma_wait3A_146 = tpu.memref_slice %dma_wait3A_143[%dma_wait3A_144, %dma_wait3A_145] : memref<80x128xi32, #tpu.memory_space<hbm>> -> memref<40x128xi32, #tpu.memory_space<hbm>>
    tpu.wait_dma2 semaphore(%arg13 : memref<!tpu.dma_semaphore, #tpu.memory_space<semaphore_mem>>) src(%dma_wait3A_146 : memref<40x128xi32, #tpu.memory_space<hbm>>) dst(%arg6 : memref<40x128xi32, #tpu.memory_space<vmem>>)
    %dma_wait3A_147 = arith.constant 0 : i32
    %dma_wait3A_148 = arith.constant 0 : i32
    %dma_wait3A_149 = tpu.memref_slice %arg4[%add3A, %dma_wait3A_147, %dma_wait3A_148] : memref<32x80x128xi32, #tpu.memory_space<hbm>> -> memref<1x80x128xi32, #tpu.memory_space<hbm>>
    %dma_wait3A_150 = tpu.memref_squeeze %dma_wait3A_149 : memref<1x80x128xi32, #tpu.memory_space<hbm>> -> memref<80x128xi32, #tpu.memory_space<hbm>>
    %dma_wait3A_151 = arith.constant 40 : i32
    %dma_wait3A_152 = arith.constant 0 : i32
    %dma_wait3A_153 = tpu.memref_slice %dma_wait3A_150[%dma_wait3A_151, %dma_wait3A_152] : memref<80x128xi32, #tpu.memory_space<hbm>> -> memref<40x128xi32, #tpu.memory_space<hbm>>
    %dma_wait3A_154 = arith.constant 0 : i32
    %dma_wait3A_155 = arith.constant 0 : i32
    %dma_wait3A_156 = tpu.memref_slice %arg4[%add3A, %dma_wait3A_154, %dma_wait3A_155] : memref<32x80x128xi32, #tpu.memory_space<hbm>> -> memref<1x80x128xi32, #tpu.memory_space<hbm>>
    %dma_wait3A_157 = tpu.memref_squeeze %dma_wait3A_156 : memref<1x80x128xi32, #tpu.memory_space<hbm>> -> memref<80x128xi32, #tpu.memory_space<hbm>>
    %dma_wait3A_158 = arith.constant 40 : i32
    %dma_wait3A_159 = arith.constant 0 : i32
    %dma_wait3A_160 = tpu.memref_slice %dma_wait3A_157[%dma_wait3A_158, %dma_wait3A_159] : memref<80x128xi32, #tpu.memory_space<hbm>> -> memref<40x128xi32, #tpu.memory_space<hbm>>
    tpu.wait_dma2 semaphore(%arg14 : memref<!tpu.dma_semaphore, #tpu.memory_space<semaphore_mem>>) src(%dma_wait3A_160 : memref<40x128xi32, #tpu.memory_space<hbm>>) dst(%arg7 : memref<40x128xi32, #tpu.memory_space<vmem>>)
    %dma_start3A_161 = arith.constant 0 : i32
    %dma_start3A_162 = arith.constant 0 : i32
    %dma_start3A_163 = tpu.memref_slice %arg6[%dma_start3A_161, %dma_start3A_162] : memref<40x128xi32, #tpu.memory_space<vmem>> -> memref<1x128xi32, #tpu.memory_space<vmem>>
    %dma_start3A_164 = tpu.memref_squeeze %dma_start3A_163 : memref<1x128xi32, #tpu.memory_space<vmem>> -> memref<128xi32, #tpu.memory_space<vmem>>
    %dma_start3A_165 = arith.constant 0 : i32
    %dma_start3A_166 = arith.constant 0 : i32
    %dma_start3A_167 = tpu.memref_slice %arg2[%dma_start3A_165, %dma_start3A_166] : memref<10000x128xf32, #tpu.memory_space<hbm>> -> memref<10000x128xf32, #tpu.memory_space<hbm>>
    tpu.enqueue_indirect_dma source(%dma_start3A_167 : memref<10000x128xf32, #tpu.memory_space<hbm>>) target(%arg8 : memref<128x128xf32, #tpu.memory_space<vmem>>) offsets(%dma_start3A_164 : memref<128xi32, #tpu.memory_space<vmem>>) semaphore(%arg11 : memref<!tpu.dma_semaphore, #tpu.memory_space<semaphore_mem>>)
    %scan3A_168 = arith.constant 0 : i32
    %scan3A_169 = arith.constant 0 : i32
    %scan3A_170 = arith.constant 19 : i32
    %scan3A_171 = arith.addi %scan3A_169, %scan3A_170 : i32
    %scan3A_172 = arith.constant 1 : i32
    scf.for %scan3A_206 = %scan3A_169 to %scan3A_171 step %scan3A_172  : i32 {
      %mul3A_207 = arith.constant 2 : i32
      %mul3A_208 = arith.muli %scan3A_206, %mul3A_207 : i32
      %add3A_209 = arith.constant 0 : i32
      %add3A_210 = arith.addi %mul3A_208, %add3A_209 : i32
      %add3A_211 = arith.constant 1 : i32
      %add3A_212 = arith.addi %add3A_210, %add3A_211 : i32
      %dma_start3A_213 = arith.constant 0 : i32
      %dma_start3A_214 = tpu.memref_slice %arg6[%add3A_212, %dma_start3A_213] : memref<40x128xi32, #tpu.memory_space<vmem>> -> memref<1x128xi32, #tpu.memory_space<vmem>>
      %dma_start3A_215 = tpu.memref_squeeze %dma_start3A_214 : memref<1x128xi32, #tpu.memory_space<vmem>> -> memref<128xi32, #tpu.memory_space<vmem>>
      %dma_start3A_216 = arith.constant 0 : i32
      %dma_start3A_217 = arith.constant 0 : i32
      %dma_start3A_218 = tpu.memref_slice %arg2[%dma_start3A_216, %dma_start3A_217] : memref<10000x128xf32, #tpu.memory_space<hbm>> -> memref<10000x128xf32, #tpu.memory_space<hbm>>
      tpu.enqueue_indirect_dma source(%dma_start3A_218 : memref<10000x128xf32, #tpu.memory_space<hbm>>) target(%arg9 : memref<128x128xf32, #tpu.memory_space<vmem>>) offsets(%dma_start3A_215 : memref<128xi32, #tpu.memory_space<vmem>>) semaphore(%arg12 : memref<!tpu.dma_semaphore, #tpu.memory_space<semaphore_mem>>)
      %dma_wait3A_219 = arith.constant 0 : i32
      %dma_wait3A_220 = arith.constant 0 : i32
      %dma_wait3A_221 = tpu.memref_slice %arg2[%dma_wait3A_219, %dma_wait3A_220] : memref<10000x128xf32, #tpu.memory_space<hbm>> -> memref<128x128xf32, #tpu.memory_space<hbm>>
      %dma_wait3A_222 = arith.constant 0 : i32
      %dma_wait3A_223 = arith.constant 0 : i32
      %dma_wait3A_224 = tpu.memref_slice %arg2[%dma_wait3A_222, %dma_wait3A_223] : memref<10000x128xf32, #tpu.memory_space<hbm>> -> memref<128x128xf32, #tpu.memory_space<hbm>>
      tpu.wait_dma2 semaphore(%arg11 : memref<!tpu.dma_semaphore, #tpu.memory_space<semaphore_mem>>) src(%dma_wait3A_224 : memref<128x128xf32, #tpu.memory_space<hbm>>) dst(%arg8 : memref<128x128xf32, #tpu.memory_space<vmem>>)
      "tpu.region"() ({
        %run_scoped3A_243 = tpu.sem_alloc : memref<!tpu.dma_semaphore, #tpu.memory_space<semaphore_mem>>
        %dma_start3A_244 = arith.constant 0 : i32
        %dma_start3A_245 = tpu.memref_slice %arg7[%add3A_210, %dma_start3A_244] : memref<40x128xi32, #tpu.memory_space<vmem>> -> memref<1x128xi32, #tpu.memory_space<vmem>>
        %dma_start3A_246 = tpu.memref_squeeze %dma_start3A_245 : memref<1x128xi32, #tpu.memory_space<vmem>> -> memref<128xi32, #tpu.memory_space<vmem>>
        %dma_start3A_247 = arith.constant 0 : i32
        %dma_start3A_248 = arith.constant 0 : i32
        %dma_start3A_249 = tpu.memref_slice %arg10[%dma_start3A_247, %dma_start3A_248] : memref<10240x128xf32, #tpu.memory_space<vmem_shared>> -> memref<10240x128xf32, #tpu.memory_space<vmem_shared>>
        tpu.enqueue_indirect_dma source(%arg8 : memref<128x128xf32, #tpu.memory_space<vmem>>) target(%dma_start3A_249 : memref<10240x128xf32, #tpu.memory_space<vmem_shared>>) offsets(%dma_start3A_246 : memref<128xi32, #tpu.memory_space<vmem>>) semaphore(%run_scoped3A_243 : memref<!tpu.dma_semaphore, #tpu.memory_space<semaphore_mem>>) {add = true}
        %dma_wait3A_250 = arith.constant 0 : i32
        %dma_wait3A_251 = tpu.memref_slice %arg7[%add3A_210, %dma_wait3A_250] : memref<40x128xi32, #tpu.memory_space<vmem>> -> memref<1x128xi32, #tpu.memory_space<vmem>>
        %dma_wait3A_252 = tpu.memref_squeeze %dma_wait3A_251 : memref<1x128xi32, #tpu.memory_space<vmem>> -> memref<128xi32, #tpu.memory_space<vmem>>
        %dma_wait3A_253 = arith.constant 0 : i32
        %dma_wait3A_254 = arith.constant 0 : i32
        %dma_wait3A_255 = tpu.memref_slice %arg10[%dma_wait3A_253, %dma_wait3A_254] : memref<10240x128xf32, #tpu.memory_space<vmem_shared>> -> memref<10240x128xf32, #tpu.memory_space<vmem_shared>>
        tpu.wait_indirect_dma semaphore(%run_scoped3A_243 : memref<!tpu.dma_semaphore, #tpu.memory_space<semaphore_mem>>) src(%arg8 : memref<128x128xf32, #tpu.memory_space<vmem>>) dst(%dma_wait3A_255 : memref<10240x128xf32, #tpu.memory_space<vmem_shared>>)
        tpu.yield
      }) : () -> ()
      %mul3A_225 = arith.constant 2 : i32
      %mul3A_226 = arith.muli %scan3A_206, %mul3A_225 : i32
      %add3A_227 = arith.constant 1 : i32
      %add3A_228 = arith.addi %mul3A_226, %add3A_227 : i32
      %add3A_229 = arith.constant 1 : i32
      %add3A_230 = arith.addi %add3A_228, %add3A_229 : i32
      %dma_start3A_231 = arith.constant 0 : i32
      %dma_start3A_232 = tpu.memref_slice %arg6[%add3A_230, %dma_start3A_231] : memref<40x128xi32, #tpu.memory_space<vmem>> -> memref<1x128xi32, #tpu.memory_space<vmem>>
      %dma_start3A_233 = tpu.memref_squeeze %dma_start3A_232 : memref<1x128xi32, #tpu.memory_space<vmem>> -> memref<128xi32, #tpu.memory_space<vmem>>
      %dma_start3A_234 = arith.constant 0 : i32
      %dma_start3A_235 = arith.constant 0 : i32
      %dma_start3A_236 = tpu.memref_slice %arg2[%dma_start3A_234, %dma_start3A_235] : memref<10000x128xf32, #tpu.memory_space<hbm>> -> memref<10000x128xf32, #tpu.memory_space<hbm>>
      tpu.enqueue_indirect_dma source(%dma_start3A_236 : memref<10000x128xf32, #tpu.memory_space<hbm>>) target(%arg8 : memref<128x128xf32, #tpu.memory_space<vmem>>) offsets(%dma_start3A_233 : memref<128xi32, #tpu.memory_space<vmem>>) semaphore(%arg11 : memref<!tpu.dma_semaphore, #tpu.memory_space<semaphore_mem>>)
      %dma_wait3A_237 = arith.constant 0 : i32
      %dma_wait3A_238 = arith.constant 0 : i32
      %dma_wait3A_239 = tpu.memref_slice %arg2[%dma_wait3A_237, %dma_wait3A_238] : memref<10000x128xf32, #tpu.memory_space<hbm>> -> memref<128x128xf32, #tpu.memory_space<hbm>>
      %dma_wait3A_240 = arith.constant 0 : i32
      %dma_wait3A_241 = arith.constant 0 : i32
      %dma_wait3A_242 = tpu.memref_slice %arg2[%dma_wait3A_240, %dma_wait3A_241] : memref<10000x128xf32, #tpu.memory_space<hbm>> -> memref<128x128xf32, #tpu.memory_space<hbm>>
      tpu.wait_dma2 semaphore(%arg12 : memref<!tpu.dma_semaphore, #tpu.memory_space<semaphore_mem>>) src(%dma_wait3A_242 : memref<128x128xf32, #tpu.memory_space<hbm>>) dst(%arg9 : memref<128x128xf32, #tpu.memory_space<vmem>>)
      "tpu.region"() ({
        %run_scoped3A_243 = tpu.sem_alloc : memref<!tpu.dma_semaphore, #tpu.memory_space<semaphore_mem>>
        %dma_start3A_244 = arith.constant 0 : i32
        %dma_start3A_245 = tpu.memref_slice %arg7[%add3A_228, %dma_start3A_244] : memref<40x128xi32, #tpu.memory_space<vmem>> -> memref<1x128xi32, #tpu.memory_space<vmem>>
        %dma_start3A_246 = tpu.memref_squeeze %dma_start3A_245 : memref<1x128xi32, #tpu.memory_space<vmem>> -> memref<128xi32, #tpu.memory_space<vmem>>
        %dma_start3A_247 = arith.constant 0 : i32
        %dma_start3A_248 = arith.constant 0 : i32
        %dma_start3A_249 = tpu.memref_slice %arg10[%dma_start3A_247, %dma_start3A_248] : memref<10240x128xf32, #tpu.memory_space<vmem_shared>> -> memref<10240x128xf32, #tpu.memory_space<vmem_shared>>
        tpu.enqueue_indirect_dma source(%arg9 : memref<128x128xf32, #tpu.memory_space<vmem>>) target(%dma_start3A_249 : memref<10240x128xf32, #tpu.memory_space<vmem_shared>>) offsets(%dma_start3A_246 : memref<128xi32, #tpu.memory_space<vmem>>) semaphore(%run_scoped3A_243 : memref<!tpu.dma_semaphore, #tpu.memory_space<semaphore_mem>>) {add = true}
        %dma_wait3A_250 = arith.constant 0 : i32
        %dma_wait3A_251 = tpu.memref_slice %arg7[%add3A_228, %dma_wait3A_250] : memref<40x128xi32, #tpu.memory_space<vmem>> -> memref<1x128xi32, #tpu.memory_space<vmem>>
        %dma_wait3A_252 = tpu.memref_squeeze %dma_wait3A_251 : memref<1x128xi32, #tpu.memory_space<vmem>> -> memref<128xi32, #tpu.memory_space<vmem>>
        %dma_wait3A_253 = arith.constant 0 : i32
        %dma_wait3A_254 = arith.constant 0 : i32
        %dma_wait3A_255 = tpu.memref_slice %arg10[%dma_wait3A_253, %dma_wait3A_254] : memref<10240x128xf32, #tpu.memory_space<vmem_shared>> -> memref<10240x128xf32, #tpu.memory_space<vmem_shared>>
        tpu.wait_indirect_dma semaphore(%run_scoped3A_243 : memref<!tpu.dma_semaphore, #tpu.memory_space<semaphore_mem>>) src(%arg9 : memref<128x128xf32, #tpu.memory_space<vmem>>) dst(%dma_wait3A_255 : memref<10240x128xf32, #tpu.memory_space<vmem_shared>>)
        tpu.yield
      }) : () -> ()
    }
    %scan3A_173 = arith.constant 19 : i32
    %dma_start3A_174 = arith.constant 39 : i32
    %dma_start3A_175 = arith.constant 0 : i32
    %dma_start3A_176 = tpu.memref_slice %arg6[%dma_start3A_174, %dma_start3A_175] : memref<40x128xi32, #tpu.memory_space<vmem>> -> memref<1x128xi32, #tpu.memory_space<vmem>>
    %dma_start3A_177 = tpu.memref_squeeze %dma_start3A_176 : memref<1x128xi32, #tpu.memory_space<vmem>> -> memref<128xi32, #tpu.memory_space<vmem>>
    %dma_start3A_178 = arith.constant 0 : i32
    %dma_start3A_179 = arith.constant 0 : i32
    %dma_start3A_180 = tpu.memref_slice %arg2[%dma_start3A_178, %dma_start3A_179] : memref<10000x128xf32, #tpu.memory_space<hbm>> -> memref<10000x128xf32, #tpu.memory_space<hbm>>
    tpu.enqueue_indirect_dma source(%dma_start3A_180 : memref<10000x128xf32, #tpu.memory_space<hbm>>) target(%arg9 : memref<128x128xf32, #tpu.memory_space<vmem>>) offsets(%dma_start3A_177 : memref<128xi32, #tpu.memory_space<vmem>>) semaphore(%arg12 : memref<!tpu.dma_semaphore, #tpu.memory_space<semaphore_mem>>)
    %dma_wait3A_181 = arith.constant 0 : i32
    %dma_wait3A_182 = arith.constant 0 : i32
    %dma_wait3A_183 = tpu.memref_slice %arg2[%dma_wait3A_181, %dma_wait3A_182] : memref<10000x128xf32, #tpu.memory_space<hbm>> -> memref<128x128xf32, #tpu.memory_space<hbm>>
    %dma_wait3A_184 = arith.constant 0 : i32
    %dma_wait3A_185 = arith.constant 0 : i32
    %dma_wait3A_186 = tpu.memref_slice %arg2[%dma_wait3A_184, %dma_wait3A_185] : memref<10000x128xf32, #tpu.memory_space<hbm>> -> memref<128x128xf32, #tpu.memory_space<hbm>>
    tpu.wait_dma2 semaphore(%arg11 : memref<!tpu.dma_semaphore, #tpu.memory_space<semaphore_mem>>) src(%dma_wait3A_186 : memref<128x128xf32, #tpu.memory_space<hbm>>) dst(%arg8 : memref<128x128xf32, #tpu.memory_space<vmem>>)
    %run_scoped3A_187 = arith.constant 38 : i32
    "tpu.region"() ({
      %run_scoped3A_206 = tpu.sem_alloc : memref<!tpu.dma_semaphore, #tpu.memory_space<semaphore_mem>>
      %dma_start3A_207 = arith.constant 0 : i32
      %dma_start3A_208 = tpu.memref_slice %arg7[%run_scoped3A_187, %dma_start3A_207] : memref<40x128xi32, #tpu.memory_space<vmem>> -> memref<1x128xi32, #tpu.memory_space<vmem>>
      %dma_start3A_209 = tpu.memref_squeeze %dma_start3A_208 : memref<1x128xi32, #tpu.memory_space<vmem>> -> memref<128xi32, #tpu.memory_space<vmem>>
      %dma_start3A_210 = arith.constant 0 : i32
      %dma_start3A_211 = arith.constant 0 : i32
      %dma_start3A_212 = tpu.memref_slice %arg10[%dma_start3A_210, %dma_start3A_211] : memref<10240x128xf32, #tpu.memory_space<vmem_shared>> -> memref<10240x128xf32, #tpu.memory_space<vmem_shared>>
      tpu.enqueue_indirect_dma source(%arg8 : memref<128x128xf32, #tpu.memory_space<vmem>>) target(%dma_start3A_212 : memref<10240x128xf32, #tpu.memory_space<vmem_shared>>) offsets(%dma_start3A_209 : memref<128xi32, #tpu.memory_space<vmem>>) semaphore(%run_scoped3A_206 : memref<!tpu.dma_semaphore, #tpu.memory_space<semaphore_mem>>) {add = true}
      %dma_wait3A_213 = arith.constant 0 : i32
      %dma_wait3A_214 = tpu.memref_slice %arg7[%run_scoped3A_187, %dma_wait3A_213] : memref<40x128xi32, #tpu.memory_space<vmem>> -> memref<1x128xi32, #tpu.memory_space<vmem>>
      %dma_wait3A_215 = tpu.memref_squeeze %dma_wait3A_214 : memref<1x128xi32, #tpu.memory_space<vmem>> -> memref<128xi32, #tpu.memory_space<vmem>>
      %dma_wait3A_216 = arith.constant 0 : i32
      %dma_wait3A_217 = arith.constant 0 : i32
      %dma_wait3A_218 = tpu.memref_slice %arg10[%dma_wait3A_216, %dma_wait3A_217] : memref<10240x128xf32, #tpu.memory_space<vmem_shared>> -> memref<10240x128xf32, #tpu.memory_space<vmem_shared>>
      tpu.wait_indirect_dma semaphore(%run_scoped3A_206 : memref<!tpu.dma_semaphore, #tpu.memory_space<semaphore_mem>>) src(%arg8 : memref<128x128xf32, #tpu.memory_space<vmem>>) dst(%dma_wait3A_218 : memref<10240x128xf32, #tpu.memory_space<vmem_shared>>)
      tpu.yield
    }) : () -> ()
    %dma_wait3A_188 = arith.constant 0 : i32
    %dma_wait3A_189 = arith.constant 0 : i32
    %dma_wait3A_190 = tpu.memref_slice %arg2[%dma_wait3A_188, %dma_wait3A_189] : memref<10000x128xf32, #tpu.memory_space<hbm>> -> memref<128x128xf32, #tpu.memory_space<hbm>>
    %dma_wait3A_191 = arith.constant 0 : i32
    %dma_wait3A_192 = arith.constant 0 : i32
    %dma_wait3A_193 = tpu.memref_slice %arg2[%dma_wait3A_191, %dma_wait3A_192] : memref<10000x128xf32, #tpu.memory_space<hbm>> -> memref<128x128xf32, #tpu.memory_space<hbm>>
    tpu.wait_dma2 semaphore(%arg12 : memref<!tpu.dma_semaphore, #tpu.memory_space<semaphore_mem>>) src(%dma_wait3A_193 : memref<128x128xf32, #tpu.memory_space<hbm>>) dst(%arg9 : memref<128x128xf32, #tpu.memory_space<vmem>>)
    %run_scoped3A_194 = arith.constant 39 : i32
    "tpu.region"() ({
      %run_scoped3A_206 = tpu.sem_alloc : memref<!tpu.dma_semaphore, #tpu.memory_space<semaphore_mem>>
      %dma_start3A_207 = arith.constant 0 : i32
      %dma_start3A_208 = tpu.memref_slice %arg7[%run_scoped3A_194, %dma_start3A_207] : memref<40x128xi32, #tpu.memory_space<vmem>> -> memref<1x128xi32, #tpu.memory_space<vmem>>
      %dma_start3A_209 = tpu.memref_squeeze %dma_start3A_208 : memref<1x128xi32, #tpu.memory_space<vmem>> -> memref<128xi32, #tpu.memory_space<vmem>>
      %dma_start3A_210 = arith.constant 0 : i32
      %dma_start3A_211 = arith.constant 0 : i32
      %dma_start3A_212 = tpu.memref_slice %arg10[%dma_start3A_210, %dma_start3A_211] : memref<10240x128xf32, #tpu.memory_space<vmem_shared>> -> memref<10240x128xf32, #tpu.memory_space<vmem_shared>>
      tpu.enqueue_indirect_dma source(%arg9 : memref<128x128xf32, #tpu.memory_space<vmem>>) target(%dma_start3A_212 : memref<10240x128xf32, #tpu.memory_space<vmem_shared>>) offsets(%dma_start3A_209 : memref<128xi32, #tpu.memory_space<vmem>>) semaphore(%run_scoped3A_206 : memref<!tpu.dma_semaphore, #tpu.memory_space<semaphore_mem>>) {add = true}
      %dma_wait3A_213 = arith.constant 0 : i32
      %dma_wait3A_214 = tpu.memref_slice %arg7[%run_scoped3A_194, %dma_wait3A_213] : memref<40x128xi32, #tpu.memory_space<vmem>> -> memref<1x128xi32, #tpu.memory_space<vmem>>
      %dma_wait3A_215 = tpu.memref_squeeze %dma_wait3A_214 : memref<1x128xi32, #tpu.memory_space<vmem>> -> memref<128xi32, #tpu.memory_space<vmem>>
      %dma_wait3A_216 = arith.constant 0 : i32
      %dma_wait3A_217 = arith.constant 0 : i32
      %dma_wait3A_218 = tpu.memref_slice %arg10[%dma_wait3A_216, %dma_wait3A_217] : memref<10240x128xf32, #tpu.memory_space<vmem_shared>> -> memref<10240x128xf32, #tpu.memory_space<vmem_shared>>
      tpu.wait_indirect_dma semaphore(%run_scoped3A_206 : memref<!tpu.dma_semaphore, #tpu.memory_space<semaphore_mem>>) src(%arg9 : memref<128x128xf32, #tpu.memory_space<vmem>>) dst(%dma_wait3A_218 : memref<10240x128xf32, #tpu.memory_space<vmem_shared>>)
      tpu.yield
    }) : () -> ()
    %barrier3A_195 = arith.constant 0 : index
    tpu.barrier barrier_id(%barrier3A_195)
    %add3A_196 = arith.constant 0 : i32
    %add3A_197 = arith.addi %mul3A_7, %add3A_196 : i32
    "tpu.region"() ({
      %run_scoped3A_206 = tpu.sem_alloc : memref<!tpu.dma_semaphore, #tpu.memory_space<semaphore_mem>>
      %dma_start3A_207 = arith.constant 0 : i32
      %dma_start3A_208 = arith.constant 0 : i32
      %dma_start3A_209 = tpu.memref_slice %arg5[%arg0, %dma_start3A_207, %dma_start3A_208] : memref<2x10240x128xf32, #tpu.memory_space<hbm>> -> memref<1x10240x128xf32, #tpu.memory_space<hbm>>
      %dma_start3A_210 = tpu.memref_squeeze %dma_start3A_209 : memref<1x10240x128xf32, #tpu.memory_space<hbm>> -> memref<10240x128xf32, #tpu.memory_space<hbm>>
      %dma_start3A_211 = arith.constant 0 : i32
      %dma_start3A_212 = tpu.memref_slice %dma_start3A_210[%add3A_197, %dma_start3A_211] : memref<10240x128xf32, #tpu.memory_space<hbm>> -> memref<128x128xf32, #tpu.memory_space<hbm>>
      %dma_start3A_213 = arith.constant 0 : i32
      %dma_start3A_214 = tpu.memref_slice %arg10[%add3A_197, %dma_start3A_213] : memref<10240x128xf32, #tpu.memory_space<vmem_shared>> -> memref<128x128xf32, #tpu.memory_space<vmem_shared>>
      tpu.enqueue_dma source(%dma_start3A_214 : memref<128x128xf32, #tpu.memory_space<vmem_shared>>) target(%dma_start3A_212 : memref<128x128xf32, #tpu.memory_space<hbm>>) target_semaphore(%run_scoped3A_206 : memref<!tpu.dma_semaphore, #tpu.memory_space<semaphore_mem>>)
      %dma_wait3A_215 = arith.constant 0 : i32
      %dma_wait3A_216 = arith.constant 0 : i32
      %dma_wait3A_217 = tpu.memref_slice %arg5[%arg0, %dma_wait3A_215, %dma_wait3A_216] : memref<2x10240x128xf32, #tpu.memory_space<hbm>> -> memref<1x10240x128xf32, #tpu.memory_space<hbm>>
      %dma_wait3A_218 = tpu.memref_squeeze %dma_wait3A_217 : memref<1x10240x128xf32, #tpu.memory_space<hbm>> -> memref<10240x128xf32, #tpu.memory_space<hbm>>
      %dma_wait3A_219 = arith.constant 0 : i32
      %dma_wait3A_220 = tpu.memref_slice %dma_wait3A_218[%add3A_197, %dma_wait3A_219] : memref<10240x128xf32, #tpu.memory_space<hbm>> -> memref<128x128xf32, #tpu.memory_space<hbm>>
      %dma_wait3A_221 = arith.constant 0 : i32
      %dma_wait3A_222 = tpu.memref_slice %arg10[%add3A_197, %dma_wait3A_221] : memref<10240x128xf32, #tpu.memory_space<vmem_shared>> -> memref<128x128xf32, #tpu.memory_space<vmem_shared>>
      tpu.wait_dma2 semaphore(%run_scoped3A_206 : memref<!tpu.dma_semaphore, #tpu.memory_space<semaphore_mem>>) src(%dma_wait3A_222 : memref<128x128xf32, #tpu.memory_space<vmem_shared>>) dst(%dma_wait3A_220 : memref<128x128xf32, #tpu.memory_space<hbm>>)
      tpu.yield
    }) : () -> ()
    %add3A_198 = arith.constant 128 : i32
    %add3A_199 = arith.addi %mul3A_7, %add3A_198 : i32
    "tpu.region"() ({
      %run_scoped3A_206 = tpu.sem_alloc : memref<!tpu.dma_semaphore, #tpu.memory_space<semaphore_mem>>
      %dma_start3A_207 = arith.constant 0 : i32
      %dma_start3A_208 = arith.constant 0 : i32
      %dma_start3A_209 = tpu.memref_slice %arg5[%arg0, %dma_start3A_207, %dma_start3A_208] : memref<2x10240x128xf32, #tpu.memory_space<hbm>> -> memref<1x10240x128xf32, #tpu.memory_space<hbm>>
      %dma_start3A_210 = tpu.memref_squeeze %dma_start3A_209 : memref<1x10240x128xf32, #tpu.memory_space<hbm>> -> memref<10240x128xf32, #tpu.memory_space<hbm>>
      %dma_start3A_211 = arith.constant 0 : i32
      %dma_start3A_212 = tpu.memref_slice %dma_start3A_210[%add3A_199, %dma_start3A_211] : memref<10240x128xf32, #tpu.memory_space<hbm>> -> memref<128x128xf32, #tpu.memory_space<hbm>>
      %dma_start3A_213 = arith.constant 0 : i32
      %dma_start3A_214 = tpu.memref_slice %arg10[%add3A_199, %dma_start3A_213] : memref<10240x128xf32, #tpu.memory_space<vmem_shared>> -> memref<128x128xf32, #tpu.memory_space<vmem_shared>>
      tpu.enqueue_dma source(%dma_start3A_214 : memref<128x128xf32, #tpu.memory_space<vmem_shared>>) target(%dma_start3A_212 : memref<128x128xf32, #tpu.memory_space<hbm>>) target_semaphore(%run_scoped3A_206 : memref<!tpu.dma_semaphore, #tpu.memory_space<semaphore_mem>>)
      %dma_wait3A_215 = arith.constant 0 : i32
      %dma_wait3A_216 = arith.constant 0 : i32
      %dma_wait3A_217 = tpu.memref_slice %arg5[%arg0, %dma_wait3A_215, %dma_wait3A_216] : memref<2x10240x128xf32, #tpu.memory_space<hbm>> -> memref<1x10240x128xf32, #tpu.memory_space<hbm>>
      %dma_wait3A_218 = tpu.memref_squeeze %dma_wait3A_217 : memref<1x10240x128xf32, #tpu.memory_space<hbm>> -> memref<10240x128xf32, #tpu.memory_space<hbm>>
      %dma_wait3A_219 = arith.constant 0 : i32
      %dma_wait3A_220 = tpu.memref_slice %dma_wait3A_218[%add3A_199, %dma_wait3A_219] : memref<10240x128xf32, #tpu.memory_space<hbm>> -> memref<128x128xf32, #tpu.memory_space<hbm>>
      %dma_wait3A_221 = arith.constant 0 : i32
      %dma_wait3A_222 = tpu.memref_slice %arg10[%add3A_199, %dma_wait3A_221] : memref<10240x128xf32, #tpu.memory_space<vmem_shared>> -> memref<128x128xf32, #tpu.memory_space<vmem_shared>>
      tpu.wait_dma2 semaphore(%run_scoped3A_206 : memref<!tpu.dma_semaphore, #tpu.memory_space<semaphore_mem>>) src(%dma_wait3A_222 : memref<128x128xf32, #tpu.memory_space<vmem_shared>>) dst(%dma_wait3A_220 : memref<128x128xf32, #tpu.memory_space<hbm>>)
      tpu.yield
    }) : () -> ()
    %add3A_200 = arith.constant 256 : i32
    %add3A_201 = arith.addi %mul3A_7, %add3A_200 : i32
    "tpu.region"() ({
      %run_scoped3A_206 = tpu.sem_alloc : memref<!tpu.dma_semaphore, #tpu.memory_space<semaphore_mem>>
      %dma_start3A_207 = arith.constant 0 : i32
      %dma_start3A_208 = arith.constant 0 : i32
      %dma_start3A_209 = tpu.memref_slice %arg5[%arg0, %dma_start3A_207, %dma_start3A_208] : memref<2x10240x128xf32, #tpu.memory_space<hbm>> -> memref<1x10240x128xf32, #tpu.memory_space<hbm>>
      %dma_start3A_210 = tpu.memref_squeeze %dma_start3A_209 : memref<1x10240x128xf32, #tpu.memory_space<hbm>> -> memref<10240x128xf32, #tpu.memory_space<hbm>>
      %dma_start3A_211 = arith.constant 0 : i32
      %dma_start3A_212 = tpu.memref_slice %dma_start3A_210[%add3A_201, %dma_start3A_211] : memref<10240x128xf32, #tpu.memory_space<hbm>> -> memref<128x128xf32, #tpu.memory_space<hbm>>
      %dma_start3A_213 = arith.constant 0 : i32
      %dma_start3A_214 = tpu.memref_slice %arg10[%add3A_201, %dma_start3A_213] : memref<10240x128xf32, #tpu.memory_space<vmem_shared>> -> memref<128x128xf32, #tpu.memory_space<vmem_shared>>
      tpu.enqueue_dma source(%dma_start3A_214 : memref<128x128xf32, #tpu.memory_space<vmem_shared>>) target(%dma_start3A_212 : memref<128x128xf32, #tpu.memory_space<hbm>>) target_semaphore(%run_scoped3A_206 : memref<!tpu.dma_semaphore, #tpu.memory_space<semaphore_mem>>)
      %dma_wait3A_215 = arith.constant 0 : i32
      %dma_wait3A_216 = arith.constant 0 : i32
      %dma_wait3A_217 = tpu.memref_slice %arg5[%arg0, %dma_wait3A_215, %dma_wait3A_216] : memref<2x10240x128xf32, #tpu.memory_space<hbm>> -> memref<1x10240x128xf32, #tpu.memory_space<hbm>>
      %dma_wait3A_218 = tpu.memref_squeeze %dma_wait3A_217 : memref<1x10240x128xf32, #tpu.memory_space<hbm>> -> memref<10240x128xf32, #tpu.memory_space<hbm>>
      %dma_wait3A_219 = arith.constant 0 : i32
      %dma_wait3A_220 = tpu.memref_slice %dma_wait3A_218[%add3A_201, %dma_wait3A_219] : memref<10240x128xf32, #tpu.memory_space<hbm>> -> memref<128x128xf32, #tpu.memory_space<hbm>>
      %dma_wait3A_221 = arith.constant 0 : i32
      %dma_wait3A_222 = tpu.memref_slice %arg10[%add3A_201, %dma_wait3A_221] : memref<10240x128xf32, #tpu.memory_space<vmem_shared>> -> memref<128x128xf32, #tpu.memory_space<vmem_shared>>
      tpu.wait_dma2 semaphore(%run_scoped3A_206 : memref<!tpu.dma_semaphore, #tpu.memory_space<semaphore_mem>>) src(%dma_wait3A_222 : memref<128x128xf32, #tpu.memory_space<vmem_shared>>) dst(%dma_wait3A_220 : memref<128x128xf32, #tpu.memory_space<hbm>>)
      tpu.yield
    }) : () -> ()
    %add3A_202 = arith.constant 384 : i32
    %add3A_203 = arith.addi %mul3A_7, %add3A_202 : i32
    "tpu.region"() ({
      %run_scoped3A_206 = tpu.sem_alloc : memref<!tpu.dma_semaphore, #tpu.memory_space<semaphore_mem>>
      %dma_start3A_207 = arith.constant 0 : i32
      %dma_start3A_208 = arith.constant 0 : i32
      %dma_start3A_209 = tpu.memref_slice %arg5[%arg0, %dma_start3A_207, %dma_start3A_208] : memref<2x10240x128xf32, #tpu.memory_space<hbm>> -> memref<1x10240x128xf32, #tpu.memory_space<hbm>>
      %dma_start3A_210 = tpu.memref_squeeze %dma_start3A_209 : memref<1x10240x128xf32, #tpu.memory_space<hbm>> -> memref<10240x128xf32, #tpu.memory_space<hbm>>
      %dma_start3A_211 = arith.constant 0 : i32
      %dma_start3A_212 = tpu.memref_slice %dma_start3A_210[%add3A_203, %dma_start3A_211] : memref<10240x128xf32, #tpu.memory_space<hbm>> -> memref<128x128xf32, #tpu.memory_space<hbm>>
      %dma_start3A_213 = arith.constant 0 : i32
      %dma_start3A_214 = tpu.memref_slice %arg10[%add3A_203, %dma_start3A_213] : memref<10240x128xf32, #tpu.memory_space<vmem_shared>> -> memref<128x128xf32, #tpu.memory_space<vmem_shared>>
      tpu.enqueue_dma source(%dma_start3A_214 : memref<128x128xf32, #tpu.memory_space<vmem_shared>>) target(%dma_start3A_212 : memref<128x128xf32, #tpu.memory_space<hbm>>) target_semaphore(%run_scoped3A_206 : memref<!tpu.dma_semaphore, #tpu.memory_space<semaphore_mem>>)
      %dma_wait3A_215 = arith.constant 0 : i32
      %dma_wait3A_216 = arith.constant 0 : i32
      %dma_wait3A_217 = tpu.memref_slice %arg5[%arg0, %dma_wait3A_215, %dma_wait3A_216] : memref<2x10240x128xf32, #tpu.memory_space<hbm>> -> memref<1x10240x128xf32, #tpu.memory_space<hbm>>
      %dma_wait3A_218 = tpu.memref_squeeze %dma_wait3A_217 : memref<1x10240x128xf32, #tpu.memory_space<hbm>> -> memref<10240x128xf32, #tpu.memory_space<hbm>>
      %dma_wait3A_219 = arith.constant 0 : i32
      %dma_wait3A_220 = tpu.memref_slice %dma_wait3A_218[%add3A_203, %dma_wait3A_219] : memref<10240x128xf32, #tpu.memory_space<hbm>> -> memref<128x128xf32, #tpu.memory_space<hbm>>
      %dma_wait3A_221 = arith.constant 0 : i32
      %dma_wait3A_222 = tpu.memref_slice %arg10[%add3A_203, %dma_wait3A_221] : memref<10240x128xf32, #tpu.memory_space<vmem_shared>> -> memref<128x128xf32, #tpu.memory_space<vmem_shared>>
      tpu.wait_dma2 semaphore(%run_scoped3A_206 : memref<!tpu.dma_semaphore, #tpu.memory_space<semaphore_mem>>) src(%dma_wait3A_222 : memref<128x128xf32, #tpu.memory_space<vmem_shared>>) dst(%dma_wait3A_220 : memref<128x128xf32, #tpu.memory_space<hbm>>)
      tpu.yield
    }) : () -> ()
    %add3A_204 = arith.constant 512 : i32
    %add3A_205 = arith.addi %mul3A_7, %add3A_204 : i32
    "tpu.region"() ({
      %run_scoped3A_206 = tpu.sem_alloc : memref<!tpu.dma_semaphore, #tpu.memory_space<semaphore_mem>>
      %dma_start3A_207 = arith.constant 0 : i32
      %dma_start3A_208 = arith.constant 0 : i32
      %dma_start3A_209 = tpu.memref_slice %arg5[%arg0, %dma_start3A_207, %dma_start3A_208] : memref<2x10240x128xf32, #tpu.memory_space<hbm>> -> memref<1x10240x128xf32, #tpu.memory_space<hbm>>
      %dma_start3A_210 = tpu.memref_squeeze %dma_start3A_209 : memref<1x10240x128xf32, #tpu.memory_space<hbm>> -> memref<10240x128xf32, #tpu.memory_space<hbm>>
      %dma_start3A_211 = arith.constant 0 : i32
      %dma_start3A_212 = tpu.memref_slice %dma_start3A_210[%add3A_205, %dma_start3A_211] : memref<10240x128xf32, #tpu.memory_space<hbm>> -> memref<128x128xf32, #tpu.memory_space<hbm>>
      %dma_start3A_213 = arith.constant 0 : i32
      %dma_start3A_214 = tpu.memref_slice %arg10[%add3A_205, %dma_start3A_213] : memref<10240x128xf32, #tpu.memory_space<vmem_shared>> -> memref<128x128xf32, #tpu.memory_space<vmem_shared>>
      tpu.enqueue_dma source(%dma_start3A_214 : memref<128x128xf32, #tpu.memory_space<vmem_shared>>) target(%dma_start3A_212 : memref<128x128xf32, #tpu.memory_space<hbm>>) target_semaphore(%run_scoped3A_206 : memref<!tpu.dma_semaphore, #tpu.memory_space<semaphore_mem>>)
      %dma_wait3A_215 = arith.constant 0 : i32
      %dma_wait3A_216 = arith.constant 0 : i32
      %dma_wait3A_217 = tpu.memref_slice %arg5[%arg0, %dma_wait3A_215, %dma_wait3A_216] : memref<2x10240x128xf32, #tpu.memory_space<hbm>> -> memref<1x10240x128xf32, #tpu.memory_space<hbm>>
      %dma_wait3A_218 = tpu.memref_squeeze %dma_wait3A_217 : memref<1x10240x128xf32, #tpu.memory_space<hbm>> -> memref<10240x128xf32, #tpu.memory_space<hbm>>
      %dma_wait3A_219 = arith.constant 0 : i32
      %dma_wait3A_220 = tpu.memref_slice %dma_wait3A_218[%add3A_205, %dma_wait3A_219] : memref<10240x128xf32, #tpu.memory_space<hbm>> -> memref<128x128xf32, #tpu.memory_space<hbm>>
      %dma_wait3A_221 = arith.constant 0 : i32
      %dma_wait3A_222 = tpu.memref_slice %arg10[%add3A_205, %dma_wait3A_221] : memref<10240x128xf32, #tpu.memory_space<vmem_shared>> -> memref<128x128xf32, #tpu.memory_space<vmem_shared>>
      tpu.wait_dma2 semaphore(%run_scoped3A_206 : memref<!tpu.dma_semaphore, #tpu.memory_space<semaphore_mem>>) src(%dma_wait3A_222 : memref<128x128xf32, #tpu.memory_space<vmem_shared>>) dst(%dma_wait3A_220 : memref<128x128xf32, #tpu.memory_space<hbm>>)
      tpu.yield
    }) : () -> ()
    return
  }
}

module attributes {stable_mosaic.version = 14 : i64} {
  func.func @body(%arg0: i32, %arg1: memref<2000x128xf32, #tpu.memory_space<vmem>>, %arg2: memref<128x128xf32, #tpu.memory_space<vmem>>, %arg3: memref<128x128xf32, #tpu.memory_space<vmem>>, %arg4: memref<2000x128xf32, #tpu.memory_space<vmem>>, %arg5: memref<2000x128xf32, #tpu.memory_space<vmem>>) attributes {dimension_semantics = [#tpu.dimension_semantics<arbitrary>], iteration_bounds = array<i64: 5>, scalar_prefetch = 0 : i64, scratch_operands = 0 : i64, tpu.core_type = #tpu.core_type<tc>, window_params = [{transform_indices = @transform_0, window_bounds = array<i64: 2000, 128>}, {pipeline_mode = #tpu.pipeline_mode<synchronous>, transform_indices = @transform_1, window_bounds = array<i64: 128, 128>}, {pipeline_mode = #tpu.pipeline_mode<synchronous>, transform_indices = @transform_2, window_bounds = array<i64: 128, 128>}, {transform_indices = @transform_3, window_bounds = array<i64: 2000, 128>}, {transform_indices = @transform_4, window_bounds = array<i64: 2000, 128>}]} {
    %get3A = arith.constant 0 : index
    %get3A_0 = arith.constant 0 : index
    %get3A_1 = vector.load %arg1[%get3A, %get3A_0] : memref<2000x128xf32, #tpu.memory_space<vmem>>, vector<2000x128xf32>
    %get3A_2 = arith.constant 0 : index
    %get3A_3 = arith.constant 0 : index
    %get3A_4 = vector.load %arg2[%get3A_2, %get3A_3] : memref<128x128xf32, #tpu.memory_space<vmem>>, vector<128x128xf32>
    %dot_general3A = arith.constant dense<0.000000e+00> : vector<2000x128xf32>
    %dot_general3A_5 = tpu.matmul %get3A_1, %get3A_4, %dot_general3A {dimension_numbers = #tpu.dot_dimension_numbers<[1], [0], [0], [1], [0, 0, 1, 1], [], []>, transpose_lhs_hint = false} : vector<2000x128xf32>, vector<128x128xf32>, vector<2000x128xf32> -> vector<2000x128xf32>
    %swap3A = arith.constant 0 : index
    %swap3A_6 = arith.constant 0 : index
    %swap3A_7 = vector.load %arg4[%swap3A, %swap3A_6] : memref<2000x128xf32, #tpu.memory_space<vmem>>, vector<2000x128xf32>
    tpu.vector_store %arg4[%swap3A, %swap3A_6], %dot_general3A_5 {strides = array<i32>} : memref<2000x128xf32, #tpu.memory_space<vmem>>, vector<2000x128xf32>,
    %get3A_8 = arith.constant 0 : index
    %get3A_9 = arith.constant 0 : index
    %get3A_10 = vector.load %arg3[%get3A_8, %get3A_9] : memref<128x128xf32, #tpu.memory_space<vmem>>, vector<128x128xf32>
    %dot_general3A_11 = arith.constant dense<0.000000e+00> : vector<2000x128xf32>
    %dot_general3A_12 = tpu.matmul %dot_general3A_5, %get3A_10, %dot_general3A_11 {dimension_numbers = #tpu.dot_dimension_numbers<[1], [0], [0], [1], [0, 0, 1, 1], [], []>, transpose_lhs_hint = false} : vector<2000x128xf32>, vector<128x128xf32>, vector<2000x128xf32> -> vector<2000x128xf32>
    %swap3A_13 = arith.constant 0 : index
    %swap3A_14 = arith.constant 0 : index
    %swap3A_15 = vector.load %arg5[%swap3A_13, %swap3A_14] : memref<2000x128xf32, #tpu.memory_space<vmem>>, vector<2000x128xf32>
    tpu.vector_store %arg5[%swap3A_13, %swap3A_14], %dot_general3A_12 {strides = array<i32>} : memref<2000x128xf32, #tpu.memory_space<vmem>>, vector<2000x128xf32>,
    return
  }
  func.func @transform_0(%arg0: i32) -> (i32, i32) {
    %c0_i32 = arith.constant 0 : i32
    %c0_i32_0 = arith.constant 0 : i32
    return %arg0, %c0_i32 : i32, i32
  }
  func.func @transform_1(%arg0: i32) -> (i32, i32) {
    %c0_i32 = arith.constant 0 : i32
    %c0_i32_0 = arith.constant 0 : i32
    %c0_i32_1 = arith.constant 0 : i32
    return %c0_i32, %c0_i32_0 : i32, i32
  }
  func.func @transform_2(%arg0: i32) -> (i32, i32) {
    %c0_i32 = arith.constant 0 : i32
    %c0_i32_0 = arith.constant 0 : i32
    %c0_i32_1 = arith.constant 0 : i32
    return %c0_i32, %c0_i32_0 : i32, i32
  }
  func.func @transform_3(%arg0: i32) -> (i32, i32) {
    %c0_i32 = arith.constant 0 : i32
    %c0_i32_0 = arith.constant 0 : i32
    return %arg0, %c0_i32 : i32, i32
  }
  func.func @transform_4(%arg0: i32) -> (i32, i32) {
    %c0_i32 = arith.constant 0 : i32
    %c0_i32_0 = arith.constant 0 : i32
    return %arg0, %c0_i32 : i32, i32
  }
}

module attributes {stable_mosaic.version = 14 : i64} {
  func.func @body(%arg0: i32, %arg1: memref<1x2000x128xf32, #tpu.memory_space<vmem>>, %arg2: memref<1x2000x128xf32, #tpu.memory_space<vmem>>, %arg3: memref<2000x128xf32, #tpu.memory_space<vmem>>, %arg4: memref<128x384xf32, #tpu.memory_space<vmem>>, %arg5: memref<128x384xf32, #tpu.memory_space<vmem>>, %arg6: memref<1x384xf32, #tpu.memory_space<vmem>>, %arg7: memref<1x384xf32, #tpu.memory_space<vmem>>, %arg8: memref<128x128xf32, #tpu.memory_space<vmem>>, %arg9: memref<2000x128xf32, #tpu.memory_space<vmem>>, %arg10: memref<2000x128xf32, #tpu.memory_space<vmem>>) attributes {dimension_semantics = [#tpu.dimension_semantics<arbitrary>], iteration_bounds = array<i64: 5>, scalar_prefetch = 0 : i64, scratch_operands = 0 : i64, tpu.core_type = #tpu.core_type<tc>, window_params = [{transform_indices = @transform_0, window_bounds = array<i64: 1, 2000, 128>}, {transform_indices = @transform_1, window_bounds = array<i64: 1, 2000, 128>}, {transform_indices = @transform_2, window_bounds = array<i64: 2000, 128>}, {pipeline_mode = #tpu.pipeline_mode<synchronous>, transform_indices = @transform_3, window_bounds = array<i64: 128, 384>}, {pipeline_mode = #tpu.pipeline_mode<synchronous>, transform_indices = @transform_4, window_bounds = array<i64: 128, 384>}, {pipeline_mode = #tpu.pipeline_mode<synchronous>, transform_indices = @transform_5, window_bounds = array<i64: 1, 384>}, {pipeline_mode = #tpu.pipeline_mode<synchronous>, transform_indices = @transform_6, window_bounds = array<i64: 1, 384>}, {pipeline_mode = #tpu.pipeline_mode<synchronous>, transform_indices = @transform_7, window_bounds = array<i64: 128, 128>}, {transform_indices = @transform_8, window_bounds = array<i64: 2000, 128>}, {transform_indices = @transform_9, window_bounds = array<i64: 2000, 128>}]} {
    %get3A = arith.constant 0 : index
    %get3A_0 = arith.constant 0 : index
    %get3A_1 = arith.constant 0 : index
    %get3A_2 = vector.load %arg1[%get3A, %get3A_0, %get3A_1] : memref<1x2000x128xf32, #tpu.memory_space<vmem>>, vector<1x2000x128xf32>
    %get3A_3 = vector.shape_cast %get3A_2 : vector<1x2000x128xf32> to vector<2000x128xf32>
    %get3A_4 = arith.constant 0 : index
    %get3A_5 = arith.constant 0 : index
    %get3A_6 = arith.constant 0 : index
    %get3A_7 = vector.load %arg2[%get3A_4, %get3A_5, %get3A_6] : memref<1x2000x128xf32, #tpu.memory_space<vmem>>, vector<1x2000x128xf32>
    %get3A_8 = vector.shape_cast %get3A_7 : vector<1x2000x128xf32> to vector<2000x128xf32>
    %add3A = arith.addf %get3A_3, %get3A_8 : vector<2000x128xf32>
    %get3A_9 = arith.constant 0 : index
    %get3A_10 = arith.constant 0 : index
    %get3A_11 = vector.load %arg3[%get3A_9, %get3A_10] : memref<2000x128xf32, #tpu.memory_space<vmem>>, vector<2000x128xf32>
    %get3A_12 = arith.constant 0 : index
    %get3A_13 = arith.constant 0 : index
    %get3A_14 = vector.load %arg4[%get3A_12, %get3A_13] : memref<128x384xf32, #tpu.memory_space<vmem>>, vector<128x384xf32>
    %dot_general3A = arith.constant dense<0.000000e+00> : vector<2000x384xf32>
    %dot_general3A_15 = tpu.matmul %add3A, %get3A_14, %dot_general3A {dimension_numbers = #tpu.dot_dimension_numbers<[1], [0], [0], [1], [0, 0, 1, 1], [], []>, transpose_lhs_hint = false} : vector<2000x128xf32>, vector<128x384xf32>, vector<2000x384xf32> -> vector<2000x384xf32>
    %get3A_16 = arith.constant 0 : index
    %get3A_17 = arith.constant 0 : index
    %get3A_18 = vector.load %arg6[%get3A_16, %get3A_17] : memref<1x384xf32, #tpu.memory_space<vmem>>, vector<1x384xf32>
    %add3A_19 = vector.broadcast %get3A_18 : vector<1x384xf32> to vector<2000x384xf32>
    %add3A_20 = arith.addf %dot_general3A_15, %add3A_19 : vector<2000x384xf32>
    %get3A_21 = arith.constant 0 : index
    %get3A_22 = arith.constant 0 : index
    %get3A_23 = vector.load %arg5[%get3A_21, %get3A_22] : memref<128x384xf32, #tpu.memory_space<vmem>>, vector<128x384xf32>
    %dot_general3A_24 = arith.constant dense<0.000000e+00> : vector<2000x384xf32>
    %dot_general3A_25 = tpu.matmul %get3A_11, %get3A_23, %dot_general3A_24 {dimension_numbers = #tpu.dot_dimension_numbers<[1], [0], [0], [1], [0, 0, 1, 1], [], []>, transpose_lhs_hint = false} : vector<2000x128xf32>, vector<128x384xf32>, vector<2000x384xf32> -> vector<2000x384xf32>
    %get3A_26 = arith.constant 0 : index
    %get3A_27 = arith.constant 0 : index
    %get3A_28 = vector.load %arg7[%get3A_26, %get3A_27] : memref<1x384xf32, #tpu.memory_space<vmem>>, vector<1x384xf32>
    %add3A_29 = vector.broadcast %get3A_28 : vector<1x384xf32> to vector<2000x384xf32>
    %add3A_30 = arith.addf %dot_general3A_25, %add3A_29 : vector<2000x384xf32>
    %slice3A = vector.extract_strided_slice %add3A_20 {offsets = [0, 0], sizes = [2000, 128], strides = [1, 1]} : vector<2000x384xf32> to vector<2000x128xf32>
    %slice3A_31 = vector.extract_strided_slice %add3A_30 {offsets = [0, 0], sizes = [2000, 128], strides = [1, 1]} : vector<2000x384xf32> to vector<2000x128xf32>
    %add3A_32 = arith.addf %slice3A, %slice3A_31 : vector<2000x128xf32>
    %logistic3A = arith.negf %add3A_32 : vector<2000x128xf32>
    %logistic3A_33 = math.exp %logistic3A : vector<2000x128xf32>
    %logistic3A_34 = arith.constant 1.000000e+00 : f32
    %logistic3A_35 = vector.broadcast %logistic3A_34 : f32 to vector<2000x128xf32>
    %logistic3A_36 = arith.addf %logistic3A_35, %logistic3A_33 : vector<2000x128xf32>
    %logistic3A_37 = arith.divf %logistic3A_35, %logistic3A_36 : vector<2000x128xf32>
    %slice3A_38 = vector.extract_strided_slice %add3A_20 {offsets = [0, 128], sizes = [2000, 128], strides = [1, 1]} : vector<2000x384xf32> to vector<2000x128xf32>
    %slice3A_39 = vector.extract_strided_slice %add3A_30 {offsets = [0, 128], sizes = [2000, 128], strides = [1, 1]} : vector<2000x384xf32> to vector<2000x128xf32>
    %add3A_40 = arith.addf %slice3A_38, %slice3A_39 : vector<2000x128xf32>
    %logistic3A_41 = arith.negf %add3A_40 : vector<2000x128xf32>
    %logistic3A_42 = math.exp %logistic3A_41 : vector<2000x128xf32>
    %logistic3A_43 = arith.constant 1.000000e+00 : f32
    %logistic3A_44 = vector.broadcast %logistic3A_43 : f32 to vector<2000x128xf32>
    %logistic3A_45 = arith.addf %logistic3A_44, %logistic3A_42 : vector<2000x128xf32>
    %logistic3A_46 = arith.divf %logistic3A_44, %logistic3A_45 : vector<2000x128xf32>
    %slice3A_47 = vector.extract_strided_slice %add3A_20 {offsets = [0, 256], sizes = [2000, 128], strides = [1, 1]} : vector<2000x384xf32> to vector<2000x128xf32>
    %slice3A_48 = vector.extract_strided_slice %add3A_30 {offsets = [0, 256], sizes = [2000, 128], strides = [1, 1]} : vector<2000x384xf32> to vector<2000x128xf32>
    %mul3A = arith.mulf %logistic3A_37, %slice3A_48 : vector<2000x128xf32>
    %add3A_49 = arith.addf %slice3A_47, %mul3A : vector<2000x128xf32>
    %tanh3A = math.tanh %add3A_49 : vector<2000x128xf32>
    %sub3A = arith.constant 1.000000e+00 : f32
    %sub3A_50 = vector.broadcast %sub3A : f32 to vector<2000x128xf32>
    %sub3A_51 = arith.subf %sub3A_50, %logistic3A_46 : vector<2000x128xf32>
    %mul3A_52 = arith.mulf %sub3A_51, %tanh3A : vector<2000x128xf32>
    %mul3A_53 = arith.mulf %logistic3A_46, %get3A_11 : vector<2000x128xf32>
    %add3A_54 = arith.addf %mul3A_52, %mul3A_53 : vector<2000x128xf32>
    %swap3A = arith.constant 0 : index
    %swap3A_55 = arith.constant 0 : index
    %swap3A_56 = vector.load %arg9[%swap3A, %swap3A_55] : memref<2000x128xf32, #tpu.memory_space<vmem>>, vector<2000x128xf32>
    tpu.vector_store %arg9[%swap3A, %swap3A_55], %add3A_54 {strides = array<i32>} : memref<2000x128xf32, #tpu.memory_space<vmem>>, vector<2000x128xf32>,
    %get3A_57 = arith.constant 0 : index
    %get3A_58 = arith.constant 0 : index
    %get3A_59 = vector.load %arg8[%get3A_57, %get3A_58] : memref<128x128xf32, #tpu.memory_space<vmem>>, vector<128x128xf32>
    %dot_general3A_60 = arith.constant dense<0.000000e+00> : vector<2000x128xf32>
    %dot_general3A_61 = tpu.matmul %add3A_54, %get3A_59, %dot_general3A_60 {dimension_numbers = #tpu.dot_dimension_numbers<[1], [0], [0], [1], [0, 0, 1, 1], [], []>, transpose_lhs_hint = false} : vector<2000x128xf32>, vector<128x128xf32>, vector<2000x128xf32> -> vector<2000x128xf32>
    %swap3A_62 = arith.constant 0 : index
    %swap3A_63 = arith.constant 0 : index
    %swap3A_64 = vector.load %arg10[%swap3A_62, %swap3A_63] : memref<2000x128xf32, #tpu.memory_space<vmem>>, vector<2000x128xf32>
    tpu.vector_store %arg10[%swap3A_62, %swap3A_63], %dot_general3A_61 {strides = array<i32>} : memref<2000x128xf32, #tpu.memory_space<vmem>>, vector<2000x128xf32>,
    return
  }
  func.func @transform_0(%arg0: i32) -> (i32, i32, i32) {
    %c0_i32 = arith.constant 0 : i32
    %c0_i32_0 = arith.constant 0 : i32
    %c0_i32_1 = arith.constant 0 : i32
    return %c0_i32, %arg0, %c0_i32_0 : i32, i32, i32
  }
  func.func @transform_1(%arg0: i32) -> (i32, i32, i32) {
    %c1_i32 = arith.constant 1 : i32
    %c0_i32 = arith.constant 0 : i32
    %c0_i32_0 = arith.constant 0 : i32
    return %c1_i32, %arg0, %c0_i32 : i32, i32, i32
  }
  func.func @transform_2(%arg0: i32) -> (i32, i32) {
    %c0_i32 = arith.constant 0 : i32
    %c0_i32_0 = arith.constant 0 : i32
    return %arg0, %c0_i32 : i32, i32
  }
  func.func @transform_3(%arg0: i32) -> (i32, i32) {
    %c0_i32 = arith.constant 0 : i32
    %c0_i32_0 = arith.constant 0 : i32
    %c0_i32_1 = arith.constant 0 : i32
    return %c0_i32, %c0_i32_0 : i32, i32
  }
  func.func @transform_4(%arg0: i32) -> (i32, i32) {
    %c0_i32 = arith.constant 0 : i32
    %c0_i32_0 = arith.constant 0 : i32
    %c0_i32_1 = arith.constant 0 : i32
    return %c0_i32, %c0_i32_0 : i32, i32
  }
  func.func @transform_5(%arg0: i32) -> (i32, i32) {
    %c0_i32 = arith.constant 0 : i32
    %c0_i32_0 = arith.constant 0 : i32
    %c0_i32_1 = arith.constant 0 : i32
    return %c0_i32, %c0_i32_0 : i32, i32
  }
  func.func @transform_6(%arg0: i32) -> (i32, i32) {
    %c0_i32 = arith.constant 0 : i32
    %c0_i32_0 = arith.constant 0 : i32
    %c0_i32_1 = arith.constant 0 : i32
    return %c0_i32, %c0_i32_0 : i32, i32
  }
  func.func @transform_7(%arg0: i32) -> (i32, i32) {
    %c0_i32 = arith.constant 0 : i32
    %c0_i32_0 = arith.constant 0 : i32
    %c0_i32_1 = arith.constant 0 : i32
    return %c0_i32, %c0_i32_0 : i32, i32
  }
  func.func @transform_8(%arg0: i32) -> (i32, i32) {
    %c0_i32 = arith.constant 0 : i32
    %c0_i32_0 = arith.constant 0 : i32
    return %arg0, %c0_i32 : i32, i32
  }
  func.func @transform_9(%arg0: i32) -> (i32, i32) {
    %c0_i32 = arith.constant 0 : i32
    %c0_i32_0 = arith.constant 0 : i32
    return %arg0, %c0_i32 : i32, i32
  }
}

module attributes {stable_mosaic.version = 14 : i64} {
  func.func @body(%arg0: i32, %arg1: memref<1x2000x128xf32, #tpu.memory_space<vmem>>, %arg2: memref<1x2000x128xf32, #tpu.memory_space<vmem>>, %arg3: memref<2000x128xf32, #tpu.memory_space<vmem>>, %arg4: memref<128x384xf32, #tpu.memory_space<vmem>>, %arg5: memref<128x384xf32, #tpu.memory_space<vmem>>, %arg6: memref<1x384xf32, #tpu.memory_space<vmem>>, %arg7: memref<1x384xf32, #tpu.memory_space<vmem>>, %arg8: memref<128x128xf32, #tpu.memory_space<vmem>>, %arg9: memref<2000x128xf32, #tpu.memory_space<vmem>>) attributes {dimension_semantics = [#tpu.dimension_semantics<arbitrary>], iteration_bounds = array<i64: 5>, scalar_prefetch = 0 : i64, scratch_operands = 0 : i64, tpu.core_type = #tpu.core_type<tc>, window_params = [{transform_indices = @transform_0, window_bounds = array<i64: 1, 2000, 128>}, {transform_indices = @transform_1, window_bounds = array<i64: 1, 2000, 128>}, {transform_indices = @transform_2, window_bounds = array<i64: 2000, 128>}, {pipeline_mode = #tpu.pipeline_mode<synchronous>, transform_indices = @transform_3, window_bounds = array<i64: 128, 384>}, {pipeline_mode = #tpu.pipeline_mode<synchronous>, transform_indices = @transform_4, window_bounds = array<i64: 128, 384>}, {pipeline_mode = #tpu.pipeline_mode<synchronous>, transform_indices = @transform_5, window_bounds = array<i64: 1, 384>}, {pipeline_mode = #tpu.pipeline_mode<synchronous>, transform_indices = @transform_6, window_bounds = array<i64: 1, 384>}, {pipeline_mode = #tpu.pipeline_mode<synchronous>, transform_indices = @transform_7, window_bounds = array<i64: 128, 128>}, {transform_indices = @transform_8, window_bounds = array<i64: 2000, 128>}]} {
    %get3A = arith.constant 0 : index
    %get3A_0 = arith.constant 0 : index
    %get3A_1 = arith.constant 0 : index
    %get3A_2 = vector.load %arg1[%get3A, %get3A_0, %get3A_1] : memref<1x2000x128xf32, #tpu.memory_space<vmem>>, vector<1x2000x128xf32>
    %get3A_3 = vector.shape_cast %get3A_2 : vector<1x2000x128xf32> to vector<2000x128xf32>
    %get3A_4 = arith.constant 0 : index
    %get3A_5 = arith.constant 0 : index
    %get3A_6 = arith.constant 0 : index
    %get3A_7 = vector.load %arg2[%get3A_4, %get3A_5, %get3A_6] : memref<1x2000x128xf32, #tpu.memory_space<vmem>>, vector<1x2000x128xf32>
    %get3A_8 = vector.shape_cast %get3A_7 : vector<1x2000x128xf32> to vector<2000x128xf32>
    %add3A = arith.addf %get3A_3, %get3A_8 : vector<2000x128xf32>
    %get3A_9 = arith.constant 0 : index
    %get3A_10 = arith.constant 0 : index
    %get3A_11 = vector.load %arg3[%get3A_9, %get3A_10] : memref<2000x128xf32, #tpu.memory_space<vmem>>, vector<2000x128xf32>
    %get3A_12 = arith.constant 0 : index
    %get3A_13 = arith.constant 0 : index
    %get3A_14 = vector.load %arg4[%get3A_12, %get3A_13] : memref<128x384xf32, #tpu.memory_space<vmem>>, vector<128x384xf32>
    %dot_general3A = arith.constant dense<0.000000e+00> : vector<2000x384xf32>
    %dot_general3A_15 = tpu.matmul %add3A, %get3A_14, %dot_general3A {dimension_numbers = #tpu.dot_dimension_numbers<[1], [0], [0], [1], [0, 0, 1, 1], [], []>, transpose_lhs_hint = false} : vector<2000x128xf32>, vector<128x384xf32>, vector<2000x384xf32> -> vector<2000x384xf32>
    %get3A_16 = arith.constant 0 : index
    %get3A_17 = arith.constant 0 : index
    %get3A_18 = vector.load %arg6[%get3A_16, %get3A_17] : memref<1x384xf32, #tpu.memory_space<vmem>>, vector<1x384xf32>
    %add3A_19 = vector.broadcast %get3A_18 : vector<1x384xf32> to vector<2000x384xf32>
    %add3A_20 = arith.addf %dot_general3A_15, %add3A_19 : vector<2000x384xf32>
    %get3A_21 = arith.constant 0 : index
    %get3A_22 = arith.constant 0 : index
    %get3A_23 = vector.load %arg5[%get3A_21, %get3A_22] : memref<128x384xf32, #tpu.memory_space<vmem>>, vector<128x384xf32>
    %dot_general3A_24 = arith.constant dense<0.000000e+00> : vector<2000x384xf32>
    %dot_general3A_25 = tpu.matmul %get3A_11, %get3A_23, %dot_general3A_24 {dimension_numbers = #tpu.dot_dimension_numbers<[1], [0], [0], [1], [0, 0, 1, 1], [], []>, transpose_lhs_hint = false} : vector<2000x128xf32>, vector<128x384xf32>, vector<2000x384xf32> -> vector<2000x384xf32>
    %get3A_26 = arith.constant 0 : index
    %get3A_27 = arith.constant 0 : index
    %get3A_28 = vector.load %arg7[%get3A_26, %get3A_27] : memref<1x384xf32, #tpu.memory_space<vmem>>, vector<1x384xf32>
    %add3A_29 = vector.broadcast %get3A_28 : vector<1x384xf32> to vector<2000x384xf32>
    %add3A_30 = arith.addf %dot_general3A_25, %add3A_29 : vector<2000x384xf32>
    %slice3A = vector.extract_strided_slice %add3A_20 {offsets = [0, 0], sizes = [2000, 128], strides = [1, 1]} : vector<2000x384xf32> to vector<2000x128xf32>
    %slice3A_31 = vector.extract_strided_slice %add3A_30 {offsets = [0, 0], sizes = [2000, 128], strides = [1, 1]} : vector<2000x384xf32> to vector<2000x128xf32>
    %add3A_32 = arith.addf %slice3A, %slice3A_31 : vector<2000x128xf32>
    %logistic3A = arith.negf %add3A_32 : vector<2000x128xf32>
    %logistic3A_33 = math.exp %logistic3A : vector<2000x128xf32>
    %logistic3A_34 = arith.constant 1.000000e+00 : f32
    %logistic3A_35 = vector.broadcast %logistic3A_34 : f32 to vector<2000x128xf32>
    %logistic3A_36 = arith.addf %logistic3A_35, %logistic3A_33 : vector<2000x128xf32>
    %logistic3A_37 = arith.divf %logistic3A_35, %logistic3A_36 : vector<2000x128xf32>
    %slice3A_38 = vector.extract_strided_slice %add3A_20 {offsets = [0, 128], sizes = [2000, 128], strides = [1, 1]} : vector<2000x384xf32> to vector<2000x128xf32>
    %slice3A_39 = vector.extract_strided_slice %add3A_30 {offsets = [0, 128], sizes = [2000, 128], strides = [1, 1]} : vector<2000x384xf32> to vector<2000x128xf32>
    %add3A_40 = arith.addf %slice3A_38, %slice3A_39 : vector<2000x128xf32>
    %logistic3A_41 = arith.negf %add3A_40 : vector<2000x128xf32>
    %logistic3A_42 = math.exp %logistic3A_41 : vector<2000x128xf32>
    %logistic3A_43 = arith.constant 1.000000e+00 : f32
    %logistic3A_44 = vector.broadcast %logistic3A_43 : f32 to vector<2000x128xf32>
    %logistic3A_45 = arith.addf %logistic3A_44, %logistic3A_42 : vector<2000x128xf32>
    %logistic3A_46 = arith.divf %logistic3A_44, %logistic3A_45 : vector<2000x128xf32>
    %slice3A_47 = vector.extract_strided_slice %add3A_20 {offsets = [0, 256], sizes = [2000, 128], strides = [1, 1]} : vector<2000x384xf32> to vector<2000x128xf32>
    %slice3A_48 = vector.extract_strided_slice %add3A_30 {offsets = [0, 256], sizes = [2000, 128], strides = [1, 1]} : vector<2000x384xf32> to vector<2000x128xf32>
    %mul3A = arith.mulf %logistic3A_37, %slice3A_48 : vector<2000x128xf32>
    %add3A_49 = arith.addf %slice3A_47, %mul3A : vector<2000x128xf32>
    %tanh3A = math.tanh %add3A_49 : vector<2000x128xf32>
    %sub3A = arith.constant 1.000000e+00 : f32
    %sub3A_50 = vector.broadcast %sub3A : f32 to vector<2000x128xf32>
    %sub3A_51 = arith.subf %sub3A_50, %logistic3A_46 : vector<2000x128xf32>
    %mul3A_52 = arith.mulf %sub3A_51, %tanh3A : vector<2000x128xf32>
    %mul3A_53 = arith.mulf %logistic3A_46, %get3A_11 : vector<2000x128xf32>
    %add3A_54 = arith.addf %mul3A_52, %mul3A_53 : vector<2000x128xf32>
    %get3A_55 = arith.constant 0 : index
    %get3A_56 = arith.constant 0 : index
    %get3A_57 = vector.load %arg8[%get3A_55, %get3A_56] : memref<128x128xf32, #tpu.memory_space<vmem>>, vector<128x128xf32>
    %dot_general3A_58 = arith.constant dense<0.000000e+00> : vector<2000x128xf32>
    %dot_general3A_59 = tpu.matmul %add3A_54, %get3A_57, %dot_general3A_58 {dimension_numbers = #tpu.dot_dimension_numbers<[1], [0], [0], [1], [0, 0, 1, 1], [], []>, transpose_lhs_hint = false} : vector<2000x128xf32>, vector<128x128xf32>, vector<2000x128xf32> -> vector<2000x128xf32>
    %reduce_max3A = arith.constant dense<0xFF800000> : vector<2000xf32>
    %reduce_max3A_60 = vector.multi_reduction <maximumf>, %dot_general3A_59, %reduce_max3A [1] : vector<2000x128xf32> to vector<2000xf32>
    %broadcast_in_dim3A = vector.shape_cast %reduce_max3A_60 : vector<2000xf32> to vector<2000x1xf32>
    %sub3A_61 = vector.broadcast %broadcast_in_dim3A : vector<2000x1xf32> to vector<2000x128xf32>
    %sub3A_62 = arith.subf %dot_general3A_59, %sub3A_61 : vector<2000x128xf32>
    %exp3A = math.exp %sub3A_62 : vector<2000x128xf32>
    %reduce_sum3A = arith.constant dense<0.000000e+00> : vector<2000xf32>
    %reduce_sum3A_63 = vector.multi_reduction <add>, %exp3A, %reduce_sum3A [1] : vector<2000x128xf32> to vector<2000xf32>
    %broadcast_in_dim3A_64 = vector.shape_cast %reduce_sum3A_63 : vector<2000xf32> to vector<2000x1xf32>
    %log3A = math.log %broadcast_in_dim3A_64 : vector<2000x1xf32>
    %sub3A_65 = vector.broadcast %log3A : vector<2000x1xf32> to vector<2000x128xf32>
    %sub3A_66 = arith.subf %sub3A_62, %sub3A_65 : vector<2000x128xf32>
    %swap3A = arith.constant 0 : index
    %swap3A_67 = arith.constant 0 : index
    %swap3A_68 = vector.load %arg9[%swap3A, %swap3A_67] : memref<2000x128xf32, #tpu.memory_space<vmem>>, vector<2000x128xf32>
    tpu.vector_store %arg9[%swap3A, %swap3A_67], %sub3A_66 {strides = array<i32>} : memref<2000x128xf32, #tpu.memory_space<vmem>>, vector<2000x128xf32>,
    return
  }
  func.func @transform_0(%arg0: i32) -> (i32, i32, i32) {
    %c0_i32 = arith.constant 0 : i32
    %c0_i32_0 = arith.constant 0 : i32
    %c0_i32_1 = arith.constant 0 : i32
    return %c0_i32, %arg0, %c0_i32_0 : i32, i32, i32
  }
  func.func @transform_1(%arg0: i32) -> (i32, i32, i32) {
    %c1_i32 = arith.constant 1 : i32
    %c0_i32 = arith.constant 0 : i32
    %c0_i32_0 = arith.constant 0 : i32
    return %c1_i32, %arg0, %c0_i32 : i32, i32, i32
  }
  func.func @transform_2(%arg0: i32) -> (i32, i32) {
    %c0_i32 = arith.constant 0 : i32
    %c0_i32_0 = arith.constant 0 : i32
    return %arg0, %c0_i32 : i32, i32
  }
  func.func @transform_3(%arg0: i32) -> (i32, i32) {
    %c0_i32 = arith.constant 0 : i32
    %c0_i32_0 = arith.constant 0 : i32
    %c0_i32_1 = arith.constant 0 : i32
    return %c0_i32, %c0_i32_0 : i32, i32
  }
  func.func @transform_4(%arg0: i32) -> (i32, i32) {
    %c0_i32 = arith.constant 0 : i32
    %c0_i32_0 = arith.constant 0 : i32
    %c0_i32_1 = arith.constant 0 : i32
    return %c0_i32, %c0_i32_0 : i32, i32
  }
  func.func @transform_5(%arg0: i32) -> (i32, i32) {
    %c0_i32 = arith.constant 0 : i32
    %c0_i32_0 = arith.constant 0 : i32
    %c0_i32_1 = arith.constant 0 : i32
    return %c0_i32, %c0_i32_0 : i32, i32
  }
  func.func @transform_6(%arg0: i32) -> (i32, i32) {
    %c0_i32 = arith.constant 0 : i32
    %c0_i32_0 = arith.constant 0 : i32
    %c0_i32_1 = arith.constant 0 : i32
    return %c0_i32, %c0_i32_0 : i32, i32
  }
  func.func @transform_7(%arg0: i32) -> (i32, i32) {
    %c0_i32 = arith.constant 0 : i32
    %c0_i32_0 = arith.constant 0 : i32
    %c0_i32_1 = arith.constant 0 : i32
    return %c0_i32, %c0_i32_0 : i32, i32
  }
  func.func @transform_8(%arg0: i32) -> (i32, i32) {
    %c0_i32 = arith.constant 0 : i32
    %c0_i32_0 = arith.constant 0 : i32
    return %arg0, %c0_i32 : i32, i32
  }
}

</mosaic_0001>

<sc_bundles>
// kernel: kernel.12.cloned.1.call-start
scs
__scs_entry_jumppad:
0x0: {  	(pc) =	sbr.rel $0x88, $3  }
0x1: {  	(tag) =	ssettag $0x0;
	lr =	simm.s32 $0x1  }
0x2: {  	[smem:$0x3F98] =	sst lr;
	_ =	strace $0xD0000000  }
0x3: {  	_ = 	snop  }
0x4: {  	_ = 	snop  }
0x5: {  	_ = 	snop  }
0x6: {  	_ = 	snop  }
0x7: {  	_ = 	snop  }
__scs_overlays_trampoline_lowered:
0x8: {  	[smem:$0x3FA7] =	sst s0  }
0x9: {  	[smem:$0x3FA8] =	sst s1  }
0xa: {  	[smem:$0x3FA9] =	sst s2  }
0xb: {  	[smem:$0x3FAA] =	sst s3  }
0xc: {  	[smem:$0x3FAB] =	sst s4  }
0xd: {  	[smem:$0x3FAC] =	sst s5  }
0xe: {  	[smem:$0x3FAD] =	sst s6  }
0xf: {  	[smem:$0x3FAE] =	sst s7  }
0x10: {  	[smem:$0x3FAF] =	sst s8  }
0x11: {  	[smem:$0x3FB0] =	sst s9;
	s0 =	simm.s32 @!p0 $0x0  }
0x12: {  	s1 =	sld [smem:$0x3F96];
	s0 =	simm.s32 @p0 $0x1  }
0x13: {  	[smem:$0x3FB1] =	sst s0;
	s0 =	simm.s32 @!p1 $0x0  }
0x14: {  	s2 =	sld [smem:$0x3F95];
	s0 =	simm.s32 @p1 $0x1  }
0x15: {  	[smem:$0x3FB2] =	sst s0;
	s0 =	simm.s32 @!p2 $0x0  }
0x16: {  	s3 =	sld [smem:$0x3FDB];
	s0 =	simm.s32 @p2 $0x1  }
0x17: {  	s4 =	simm.s32 $0x1BF5;
	[smem:$0x3FB4] =	sst s0  }
0x18: {  	s0 =	sld [smem:$0x3F97];
	_ =	swait.ge [sflag:s4], $0x0  }
0x19: {  	s7 =	sld [smem:$0x3F98]  }
0x1a: {  	s8 =	sadd.s32 $0xFFFFE003, lr  }
0x1b: {  	s9 =	sadd.s32 $0xFFFFFEF7, lr;
	s5 =	simm.s32 $0xFFFFFFFF;
	p2 =	slt.u32 s8, $0xFFFFF086  }
0x1c: {  	p1 =	slt.u32 s9, $0xF7A;
	s5 =	simm.s32 @!p2 $0x0  }
0x1d: {  	s5 =	simm.s32 @p1 $0x1;
	p0 =	seq.s32 s7, s2  }
0x1e: {  	s7 =	smul.u32 @!p0 $0xF7A, s2;
	p2 =	seq.s32 @!p0 s5, $0x0  }
0x1f: {  	s9 =	smul.u32 $0xF7A, s1;
	s8 =	simm.s32 @!p0 $0x1BF5;
	p2 =	por !p2, p0  }
0x20: {  	[sflag:s8] =	ssyncset.s32 @!p0 $0xFFFFF086;
	s6 =	sadd.s32 @!p0 s3, s7;
	s7 =	simm.s32 @!p0 $0x108  }
0x21: {  	s3 =	sadd.s32 s3, s9;
	s6 =	sadd.s32 @!p0 $0x88, s6;
	s7 =	simm.s32 @p2 $0x1082  }
0x22: {  	[simem:s7], [sflag:s8] =	dma.local @!p0 [hbm:s6], $0xF7A  }
0x23: {  	s9 =	sor.u32 $0xD0000000, s2;
	s6 =	simm.s32 $0x108;
	_ =	swait.ge @!p0 [sflag:s8], $0x0  }
0x24: {  	s3 =	sadd.s32 $0x88, s3;
	s6 =	simm.s32 @!p1 $0x1082;
	[sflag:s4] =	ssyncset.s32 $0xFFFFF086  }
0x25: {  	[simem:s6], [sflag:s4] =	dma.local [hbm:s3], $0xF7A  }
0x26: {  	[smem:$0x3F98] =	sst s1;
	(tag) =	ssettag s2;
	_ =	strace s9  }
0x27: {  	s1 =	sld [smem:$0x3FA8]  }
0x28: {  	s2 =	sld [smem:$0x3FA9]  }
0x29: {  	s4 =	sld [smem:$0x3FAB]  }
0x2a: {  	p0 =	seq.s32 s5, $0x0;
	s5 =	sld [smem:$0x3FAC]  }
0x2b: {  	s6 =	sld [smem:$0x3FAD]  }
0x2c: {  	s7 =	sld [smem:$0x3FAE]  }
0x2d: {  	s3 =	simm.s32 $0x108;
	s8 =	sld [smem:$0x3FAF]  }
0x2e: {  	s3 =	simm.s32 @!p0 $0x1082;
	s9 =	sld [smem:$0x3FB0]  }
0x2f: {  	lr =	sadd.s32 s0, s3;
	s0 =	sld [smem:$0x3FA7]  }
0x30: {  	s3 =	sld [smem:$0x3FAA]  }
0x31: {  	[smem:$0x3FB3] =	sst s10  }
0x32: {  	s10 =	sld [smem:$0x3FB1];
	_ =	sdelay $0x3  }
0x33: {  	p0 =	seq.s32 s10, $0x1;
	s10 =	sld [smem:$0x3FB3];
	_ =	sdelay $0x3  }
0x34: {  	[smem:$0x3FB3] =	sst s10  }
0x35: {  	s10 =	sld [smem:$0x3FB2];
	_ =	sdelay $0x3  }
0x36: {  	p1 =	seq.s32 s10, $0x1;
	s10 =	sld [smem:$0x3FB3];
	_ =	sdelay $0x3  }
0x37: {  	[smem:$0x3FB3] =	sst s10  }
0x38: {  	s10 =	sld [smem:$0x3FB4]  }
0x39: {  	_ = 	snop;
	(pc) =	sbr.ind lr, $3  }
0x3a: {  	_ = 	snop  }
0x3b: {  	_ = 	snop  }
0x3c: {  	p2 =	seq.s32 s10, $0x1;
	s10 =	sld [smem:$0x3FB3]  }
0x3d: {  	_ =	shalt  }
0x3e: {  	_ =	shalt  }
0x3f: {  	_ =	shalt  }
0x40: {  	_ =	shalt  }
0x41: {  	_ =	shalt  }
0x42: {  	_ =	shalt  }
0x43: {  	_ =	shalt  }
0x44: {  	_ =	shalt  }
0x45: {  	_ =	shalt  }
0x46: {  	_ =	shalt  }
0x47: {  	_ =	shalt  }
0x48: {  	_ =	shalt  }
0x49: {  	_ =	shalt  }
0x4a: {  	_ =	shalt  }
0x4b: {  	_ =	shalt  }
0x4c: {  	_ =	shalt  }
0x4d: {  	_ =	shalt  }
0x4e: {  	_ =	shalt  }
0x4f: {  	_ =	shalt  }
0x50: {  	_ =	shalt  }
0x51: {  	_ =	shalt  }
0x52: {  	_ =	shalt  }
0x53: {  	_ =	shalt  }
0x54: {  	_ =	shalt  }
0x55: {  	_ =	shalt  }
0x56: {  	_ =	shalt  }
0x57: {  	_ =	shalt  }
0x58: {  	_ =	shalt  }
0x59: {  	_ =	shalt  }
0x5a: {  	_ =	shalt  }
0x5b: {  	_ =	shalt  }
0x5c: {  	_ =	shalt  }
0x5d: {  	_ =	shalt  }
0x5e: {  	_ =	shalt  }
0x5f: {  	_ =	shalt  }
0x60: {  	_ =	shalt  }
0x61: {  	_ =	shalt  }
0x62: {  	_ =	shalt  }
0x63: {  	_ =	shalt  }
0x64: {  	_ =	shalt  }
0x65: {  	_ =	shalt  }
0x66: {  	_ =	shalt  }
0x67: {  	_ =	shalt  }
0x68: {  	_ =	shalt  }
0x69: {  	_ =	shalt  }
0x6a: {  	_ =	shalt  }
0x6b: {  	_ =	shalt  }
0x6c: {  	_ =	shalt  }
0x6d: {  	_ =	shalt  }
0x6e: {  	_ =	shalt  }
0x6f: {  	_ =	shalt  }
0x70: {  	_ =	shalt  }
0x71: {  	_ =	shalt  }
0x72: {  	_ =	shalt  }
0x73: {  	_ =	shalt  }
0x74: {  	_ =	shalt  }
0x75: {  	_ =	shalt  }
0x76: {  	_ =	shalt  }
0x77: {  	_ =	shalt  }
0x78: {  	_ =	shalt  }
0x79: {  	_ =	shalt  }
0x7a: {  	_ =	shalt  }
0x7b: {  	_ =	shalt  }
0x7c: {  	_ =	shalt  }
0x7d: {  	_ =	shalt  }
0x7e: {  	_ =	shalt  }
0x7f: {  	_ =	shalt  }
0x80: {  	_ =	shalt  }
0x81: {  	_ =	shalt  }
0x82: {  	_ =	shalt  }
0x83: {  	_ =	shalt  }
0x84: {  	_ =	shalt  }
0x85: {  	_ =	shalt  }
0x86: {  	_ =	shalt  }
0x87: {  	_ =	shalt  }
.Lfunc_end0:
.L_simem_size_0:
called_computation.1_lowered:
.L_overlay_start_0:
0x88: {  	s2 =	sld [smem:$0x3FD9]  }
0x89: {  	s3 =	sld [smem:$0x3FFE];
	_ =	sdelay $0x1  }
0x8a: {  	s1 =	srdreg.scid  }
0x8b: {  	s0 =	sand.u32 $0x1, s1  }
0x8c: {  	s17 =	sshll.u32 s0, $0xA;
	s2 =	sadd.s32 s3, s2  }
0x8d: {  	s2 =	sadd.s32 s2, s17  }
0x8e: {  	[smem:$0x3FBF] =	sst s2  }
0x8f: {  	_ = 	snop  }
0x90: {  	s2 =	sld [smem:$0x3FD0];
	(tm) =	ssettm $0x1  }
0x91: {  	s18 =	sld [smem:$0x3FFB];
	_ =	sdelay $0x3  }
0x92: {  	_ =	strace s18  }
0x93: {  	s3 =	sld [smem:$0x3FFC];
	_ =	sdelay $0x3  }
0x94: {  	_ =	strace s3  }
0x95: {  	s3 =	sld [smem:$0x3FFD];
	_ =	sdelay $0x3  }
0x96: {  	_ =	strace s3  }
0x97: {  	_ =	strace $0x8FFFFFFF  }
0x98: {  	s19 =	sld [smem:$0x3FDB];
	_ =	sdelay $0x1  }
0x99: {  	s4 =	simm.s32 $_scs_section_size  }
0x9a: {  	s5 =	simm.s32 $_size__tile_overlayer_lowered;
	s6 =	simm.s32 $_tile_overlayer_lowered  }
0x9b: {  	s22 =	simm.s32 $0x1BFF;
	s21 =	sshll.u32 s6, $0x1;
	s3 =	sadd.s32 s4, s19  }
0x9c: {  	s7 =	simm.s32 $0x0;
	s20 =	sshll.u32 s5, $0x1;
	s5 =	sadd.s32 s21, s3  }
0x9d: {  	[timem:s7], [sflag:s22] =	dma.local [hbm:s5], s20  }
0x9e: {  	_ =	swait.ge [sflag:s22], s20  }
0x9f: {  	s4 =	ssub.s32 $0x0, s20;
	[sflag:s22] =	ssyncset.done $0x0  }
0xa0: {  	[sflag:s22] =	ssyncadd.s32 s4;
	_ =	sdelay $0x1  }
0xa1: {  	s23 =	simm.s32 $0x1B8B  }
0xa2: {  	_ =	swait.ge [sflag:s23], $0x1  }
0xa3: {  	[sflag:s23] =	ssyncset.done $0x0  }
0xa4: {  	s25 =	simm.s32 $0x1B8E;
	s24 =	sld [smem:$0x3FFE];
	[sflag:s23] =	ssyncadd.s32 $0xFFFFFFFF  }
0xa5: {  	s26 =	simm.s32 $execute0_lowered;
	[smem:$0x3FD2] =	sst s25  }
0xa6: {  	s5 =	sshll.u32 s26, $0x1;
	_ =	strace $0x80000049;
	[dreg:$0x1] =	wrdreg $0xFFFFFFFF  }
0xa7: {  	s28 =	simm.s32 $_size_execute0_lowered;
	s3 =	sadd.s32 s3, s5;
	[dreg:$0x0] =	wrdreg $0x0  }
0xa8: {  	s5 =	sshll.u32 s28, $0x1;
	[dreg:$0x2] =	wrdreg s3  }
0xa9: {  	[dreg:$0x3] =	wrdreg s5  }
0xaa: {  	[dreg:$0x4] =	wrdreg $0xC0  }
0xab: {  	_ =	task [dreg:s7], $0x5FFFF  }
0xac: {  	[dreg:$0x1] =	wrdreg $0xFFFFFFFF  }
0xad: {  	[dreg:$0x0] =	wrdreg $0x60  }
0xae: {  	[dreg:$0x2] =	wrdreg s2  }
0xaf: {  	[dreg:$0x3] =	wrdreg s24  }
0xb0: {  	[dreg:$0x4] =	wrdreg $0xA8000  }
0xb1: {  	[dreg:$0x5] =	wrdreg $0x9  }
0xb2: {  	_ =	task.clear_ibuf [dreg:s7], $0x6FFFF;
	_ =	strace $0x90000049  }
0xb3: {  	s29 =	simm.s32 $0x9;
	_ =	strace $0x8000004B  }
0xb4: {  	_ =	swait.ge [sflag:s29], $0x1  }
0xb5: {  	[sflag:s29] =	ssyncadd.s32 $0xFFFFFFFF  }
0xb6: {  	_ =	strace $0x9000004B  }
0xb7: {  	_ =	sfence  }
0xb8: {  	s30 =	sld [smem:$0x0];
	_ =	sdelay $0x2  }
0xb9: {  	s31 =	sshll.u32 s1, $0xD;
	s1 =	sshrl.u32 s1, $0x2  }
0xba: {  	s3 =	sand.u32 $0x4000, s31;
	s1 =	sadd.s32 s1, s30  }
0xbb: {  	s0 =	sor.u32 s3, s0;
	s1 =	sshll.u32 s1, $0x11  }
0xbc: {  	s0 =	sor.u32 s1, s0  }
0xbd: {  	s0 =	sadd.s32 $0x8F2B, s0  }
0xbe: {  	[sflag:s0] =	ssyncadd.remote.s32 $0x1  }
0xbf: {  	_ =	sfence.sel $0xFFFF  }
0xc0: {  	[dreg:$0x0] =	wrdreg $0xFFFFFFFF;
	(pc) =	sbr.abs _section_cstart, $3  }
0xc1: {  	[dreg:$0x1] =	wrdreg $0xFFFFFFFF  }
0xc2: {  	_ =	task.clear_ibuf [dreg:s7], $0x2FFFF;
	_ =	strace $0x9FFFFFFF  }
0xc3: {  	(tm) =	ssettm $0x7FFFFFFF  }
tec
execute0_lowered:
.L_overlay_start_1:
0x0: {  	(tag) =	ssettag $0x1  }
0x1: {  	s0 =	srdreg.scid  }
0x2: {  	s1 =	rddreg [dreg:$0x0];
	s20 =	stileid.u32  }
0x3: {  	s5 =	rddreg [dreg:$0x1];
	s17 =	simm.s32 $0x4;
	s18 =	simm.s32 $0x80  }
0x4: {  	s19 =	simm.s32 $0x6800;
	s28 =	simm.s32 $0x1380;
	s8 =	smul.u32 $0x280, s20  }
0x5: {  	s29 =	simm.s32 $0x2700;
	s2 =	sand.u32 $0x1, s0;
	s9 =	smul.u32 $0x50000, s20  }
0x6: {  	s30 =	simm.s32 $0x2780;
	s3 =	sshll.u32 s2, $0x4;
	s7 =	smul.u32 $0x28000, s2  }
0x7: {  	s2 =	ssub.s32 $0x2, s2;
	s4 =	sor.u32 s20, s3;
	s3 =	rddreg [dreg:$0x2]  }
0x8: {  	s21 =	sshrl.u32 s2, $0x1;
	s22 =	sshrl.u32 s9, $0x2;
	s13 =	sadd.s32 $0x80, s8  }
0x9: {  	s14 =	sadd.s32 $0x100, s8;
	s15 =	sadd.s32 $0x180, s8;
	s20 =	smul.u32 $0x2800, s20  }
0xa: {  	s16 =	sadd.s32 $0x200, s8;
	s6 =	smul.u32 $0x500, s4;
	s4 =	simm.s32 $0x0  }
0xb: {  	s12 =	sadd.s32 s7, s5;
	s2 =	ssub.s32 s2, s21;
	s23 =	sshll.u32 s13, $0x7  }
0xc: {  	s24 =	sshll.u32 s14, $0x7;
	s25 =	sshll.u32 s15, $0x7;
	s26 =	sshll.u32 s16, $0x7  }
0xd: {  	s21 =	sshll.u32 s13, $0x4;
	s13 =	simm.s32 $0x2800;
	[smem:$0x7FF] =	sst s4  }
0xe: {  	s7 =	sadd.s32 s24, s3;
	s8 =	sadd.s32 s25, s3;
	s9 =	sadd.s32 s26, s3  }
0xf: {  	s24 =	sadd.s32 $0x16800, s12;
	s25 =	sshll.u32 s16, $0x4;
	s31 =	smax.u32 s2, $0x1  }
0x10: {  	s16 =	simm.s32 $0x3;
	s26 =	simm.s32 $0x2;
	_ =	strace $0x8000004A  }
0x11: {  	s11 =	sadd.s32 s6, s5;
	s5 =	sadd.s32 s22, s3;
	s6 =	sadd.s32 s23, s3  }
0x12: {  	s22 =	sshll.u32 s14, $0x4;
	s23 =	sshll.u32 s15, $0x4;
	[dreg:$0x4] =	wrdreg s31  }
0x13: {  	s14 =	simm.s32 $0x5;
	s20 =	sadd.s32 s20, s24;
	s21 =	sadd.s32 s21, s24  }
0x14: {  	s10 =	sadd.s32 $0xC800, s11;
	s11 =	sadd.s32 $0x2800, s11;
	s22 =	sadd.s32 s22, s24  }
0x15: {  	v0 =	vimm.f32 $0.0e+00;
	s23 =	sadd.s32 s23, s24;
	s24 =	sadd.s32 s25, s24;
	s25 =	simm.s32 $0x1  }
.LBB2_1:
0x16: {  	s31 =	simm.s32 $0x0;
	s2 =	simm.s32 $0x200  }
.LBB2_2:
0x17: {  	p0 =	sne.s32 s2, $0xFE00;
	[tilespmem:s31+$0x2870] =	vst v0  }
0x18: {  	[tilespmem:s31+$0x2800] =	vst v0  }
0x19: {  	[tilespmem:s31+$0x2810] =	vst v0  }
.Ltmp0:
0x1a: {  	[tilespmem:s31+$0x2820] =	vst v0;
	(pc) =	sbr.rel @p0 .LBB2_2-.Ltmp0, $4  }
0x1b: {  	[tilespmem:s31+$0x2830] =	vst v0  }
0x1c: {  	[tilespmem:s31+$0x2840] =	vst v0  }
0x1d: {  	[tilespmem:s31+$0x2850] =	vst v0  }
0x1e: {  	[tilespmem:s31+$0x2860] =	vst v0;
	s31 =	sshra.s32 s2, $0x2;
	s2 =	sadd.s32 $0x200, s2  }
0x1f: {  	[tilespmem:s31+$0x2870] =	vst v0  }
0x20: {  	[tilespmem:s31+$0x2800] =	vst v0  }
0x21: {  	[tilespmem:s31+$0x2810] =	vst v0  }
0x22: {  	[tilespmem:s31+$0x2820] =	vst v0  }
0x23: {  	[tilespmem:s31+$0x2830] =	vst v0  }
0x24: {  	[tilespmem:s31+$0x2840] =	vst v0  }
0x25: {  	[tilespmem:s31+$0x2850] =	vst v0  }
0x26: {  	[tilespmem:s31+$0x2860] =	vst v0  }
0x27: {  	[spmem:s5] =	stream.linear.scatter [tilespmem:s13], [sflag:$0x5], $0x4000, $0x38;
	[tilespmem:$0x1E800] =	vst v63  }
0x28: {  	_ =	swait.ge [sflag:s14], $0x4000  }
0x29: {  	[sflag:s14] =	ssyncset.done $0x0  }
0x2a: {  	[sflag:s14] =	ssyncadd.s32 $0xFFFFC000  }
0x2b: {  	[spmem:s6] =	stream.linear.scatter [tilespmem:s13], [sflag:$0x5], $0x4000, $0x38;
	[tilespmem:$0x1E800] =	vst v63  }
0x2c: {  	_ =	swait.ge [sflag:s14], $0x4000  }
0x2d: {  	[sflag:s14] =	ssyncset.done $0x0  }
0x2e: {  	[sflag:s14] =	ssyncadd.s32 $0xFFFFC000  }
0x2f: {  	[spmem:s7] =	stream.linear.scatter [tilespmem:s13], [sflag:$0x5], $0x4000, $0x38;
	[tilespmem:$0x1E800] =	vst v63  }
0x30: {  	_ =	swait.ge [sflag:s14], $0x4000  }
0x31: {  	[sflag:s14] =	ssyncset.done $0x0  }
0x32: {  	[sflag:s14] =	ssyncadd.s32 $0xFFFFC000  }
0x33: {  	[spmem:s8] =	stream.linear.scatter [tilespmem:s13], [sflag:$0x5], $0x4000, $0x38;
	[tilespmem:$0x1E800] =	vst v63  }
0x34: {  	_ =	swait.ge [sflag:s14], $0x4000  }
0x35: {  	[sflag:s14] =	ssyncset.done $0x0  }
0x36: {  	[sflag:s14] =	ssyncadd.s32 $0xFFFFC000  }
0x37: {  	[spmem:s9] =	stream.linear.scatter [tilespmem:s13], [sflag:$0x5], $0x4000, $0x38;
	[tilespmem:$0x1E800] =	vst v63  }
0x38: {  	_ =	swait.ge [sflag:s14], $0x4000  }
0x39: {  	[sflag:s14] =	ssyncset.done $0x0  }
0x3a: {  	s2 =	simm.s32 $0x0;
	[sflag:s14] =	ssyncadd.s32 $0xFFFFC000  }
0x3b: {  	[tilespmem:s2], [sflag:$0x3] =	stream.linear.gather [hbm4b:s10+s2], $0x1400, $0x38;
	[tilespmem:$0x1E800] =	vst v63  }
0x3c: {  	s0 =	simm.s32 $0x1400  }
0x3d: {  	[tilespmem:s0], [sflag:$0x4] =	stream.linear.gather [hbm4b:s11+s2], $0x1400, $0x38;
	[tilespmem:$0x1E800] =	vst v63  }
0x3e: {  	_ =	swait.ge [sflag:s16], $0x1400  }
0x3f: {  	[sflag:s16] =	ssyncset.done $0x0  }
0x40: {  	[sflag:s16] =	ssyncadd.s32 $0xFFFFEC00  }
0x41: {  	_ =	swait.ge [sflag:s17], $0x1400  }
0x42: {  	[sflag:s17] =	ssyncset.done $0x0  }
0x43: {  	[sflag:s17] =	ssyncadd.s32 $0xFFFFEC00  }
0x44: {  	[bflag:$0x0] =	sbarrier.arrive $0xFFFF  }
0x45: {  	[tilespmem:s13], [sflag:$0x1] =	stream.indirect.gather [hbm4b:s1+s18], $0x80, s2, s18, $0xb8;
	[tilespmem:$0x1E800] =	vst v63  }
0x46: {  	s15 =	simm.s32 $0x80  }
0x47: {  	[tilespmem:s19], [sflag:$0x2] =	stream.indirect.gather [hbm4b:s1+s18], $0x80, s15, s18, $0xb8;
	[tilespmem:$0x1E800] =	vst v63  }
0x48: {  	_ =	swait.ge [sflag:s25], $0x4000  }
0x49: {  	[sflag:s25] =	ssyncset.done $0x0  }
0x4a: {  	s0 =	simm.s32 $0x1400;
	[sflag:s25] =	ssyncadd.s32 $0xFFFFC000  }
0x4b: {  	[spmem:s3] =	stream.indirect.scatter.add.f32 [tilespmem:s13], [sflag:$0x5], $0x80, s0, s18, $0xb8;
	[tilespmem:$0x1E800] =	vst v63  }
0x4c: {  	_ =	swait.ge [sflag:s14], $0x4000  }
0x4d: {  	[sflag:s14] =	ssyncset.done $0x0  }
0x4e: {  	s12 =	simm.s32 $0x100;
	[sflag:s14] =	ssyncadd.s32 $0xFFFFC000  }
0x4f: {  	[tilespmem:s13], [sflag:$0x1] =	stream.indirect.gather [hbm4b:s1+s18], $0x80, s12, s18, $0xb8;
	[tilespmem:$0x1E800] =	vst v63  }
0x50: {  	_ =	swait.ge [sflag:s26], $0x4000  }
0x51: {  	[sflag:s26] =	ssyncset.done $0x0  }
0x52: {  	s15 =	simm.s32 $0x1480;
	[sflag:s26] =	ssyncadd.s32 $0xFFFFC000  }
0x53: {  	[spmem:s3] =	stream.indirect.scatter.add.f32 [tilespmem:s19], [sflag:$0x5], $0x80, s15, s18, $0xb8;
	[tilespmem:$0x1E800] =	vst v63  }
0x54: {  	_ =	swait.ge [sflag:s14], $0x4000  }
0x55: {  	s31 =	simm.s32 $0x100;
	s2 =	simm.s32 $0x800;
	[sflag:s14] =	ssyncset.done $0x0  }
.LBB2_4:
0x56: {  	s0 =	sadd.s32 $0x80, s31  }
0x57: {  	[sflag:s14] =	ssyncadd.s32 $0xFFFFC000;
	s15 =	smov.u32 s2;
	s12 =	sadd.s32 $0x400, s2  }
0x58: {  	[tilespmem:s19], [sflag:$0x2] =	stream.indirect.gather [hbm4b:s1+s18], $0x80, s0, s18, $0xb8;
	[tilespmem:$0x1E800] =	vst v63  }
0x59: {  	p0 =	sne.s32 s2, $0x4800;
	_ =	swait.ge [sflag:s25], $0x4000  }
0x5a: {  	[sflag:s25] =	ssyncset.done $0x0  }
0x5b: {  	s0 =	sadd.s32 $0x1400, s31;
	[sflag:s25] =	ssyncadd.s32 $0xFFFFC000  }
0x5c: {  	[spmem:s3] =	stream.indirect.scatter.add.f32 [tilespmem:s13], [sflag:$0x5], $0x80, s0, s18, $0xb8;
	[tilespmem:$0x1E800] =	vst v63  }
0x5d: {  	_ =	swait.ge [sflag:s14], $0x4000  }
0x5e: {  	[sflag:s14] =	ssyncset.done $0x0  }
0x5f: {  	s0 =	sadd.s32 $0x100, s31;
	[sflag:s14] =	ssyncadd.s32 $0xFFFFC000  }
0x60: {  	[tilespmem:s13], [sflag:$0x1] =	stream.indirect.gather [hbm4b:s1+s18], $0x80, s0, s18, $0xb8;
	[tilespmem:$0x1E800] =	vst v63  }
0x61: {  	_ =	swait.ge [sflag:s26], $0x4000  }
.Ltmp1:
0x62: {  	[sflag:s26] =	ssyncset.done $0x0;
	(pc) =	sbr.rel @p0 .LBB2_4-.Ltmp1, $4  }
0x63: {  	s0 =	sadd.s32 $0x1480, s31;
	[sflag:s26] =	ssyncadd.s32 $0xFFFFC000  }
0x64: {  	[spmem:s3] =	stream.indirect.scatter.add.f32 [tilespmem:s19], [sflag:$0x5], $0x80, s0, s18, $0xb8;
	[tilespmem:$0x1E800] =	vst v63  }
0x65: {  	_ =	swait.ge [sflag:s14], $0x4000  }
0x66: {  	s2 =	smov.u32 s12;
	s31 =	sshra.s32 s15, $0x2;
	[sflag:s14] =	ssyncset.done $0x0  }
0x67: {  	s0 =	sadd.s32 $0x80, s31;
	[sflag:s14] =	ssyncadd.s32 $0xFFFFC000  }
0x68: {  	[tilespmem:s19], [sflag:$0x2] =	stream.indirect.gather [hbm4b:s1+s18], $0x80, s0, s18, $0xb8;
	[tilespmem:$0x1E800] =	vst v63  }
0x69: {  	_ =	swait.ge [sflag:s25], $0x4000  }
0x6a: {  	[sflag:s25] =	ssyncset.done $0x0  }
0x6b: {  	s12 =	sadd.s32 $0x1400, s31;
	[sflag:s25] =	ssyncadd.s32 $0xFFFFC000  }
0x6c: {  	[spmem:s3] =	stream.indirect.scatter.add.f32 [tilespmem:s13], [sflag:$0x5], $0x80, s12, s18, $0xb8;
	[tilespmem:$0x1E800] =	vst v63  }
0x6d: {  	_ =	swait.ge [sflag:s14], $0x4000  }
0x6e: {  	[sflag:s14] =	ssyncset.done $0x0  }
0x6f: {  	s15 =	sadd.s32 $0x100, s31;
	[sflag:s14] =	ssyncadd.s32 $0xFFFFC000  }
0x70: {  	[tilespmem:s13], [sflag:$0x1] =	stream.indirect.gather [hbm4b:s1+s18], $0x80, s15, s18, $0xb8;
	[tilespmem:$0x1E800] =	vst v63  }
0x71: {  	_ =	swait.ge [sflag:s26], $0x4000  }
0x72: {  	[sflag:s26] =	ssyncset.done $0x0  }
0x73: {  	s2 =	sadd.s32 $0x1480, s31;
	[sflag:s26] =	ssyncadd.s32 $0xFFFFC000  }
0x74: {  	[spmem:s3] =	stream.indirect.scatter.add.f32 [tilespmem:s19], [sflag:$0x5], $0x80, s2, s18, $0xb8;
	[tilespmem:$0x1E800] =	vst v63  }
0x75: {  	_ =	swait.ge [sflag:s14], $0x4000  }
0x76: {  	[sflag:s14] =	ssyncset.done $0x0  }
0x77: {  	[sflag:s14] =	ssyncadd.s32 $0xFFFFC000  }
0x78: {  	[tilespmem:s19], [sflag:$0x2] =	stream.indirect.gather [hbm4b:s1+s18], $0x80, s28, s18, $0xb8;
	[tilespmem:$0x1E800] =	vst v63  }
0x79: {  	_ =	swait.ge [sflag:s25], $0x4000  }
0x7a: {  	[sflag:s25] =	ssyncset.done $0x0  }
0x7b: {  	[sflag:s25] =	ssyncadd.s32 $0xFFFFC000  }
0x7c: {  	[spmem:s3] =	stream.indirect.scatter.add.f32 [tilespmem:s13], [sflag:$0x5], $0x80, s29, s18, $0xb8;
	[tilespmem:$0x1E800] =	vst v63  }
0x7d: {  	_ =	swait.ge [sflag:s14], $0x4000  }
0x7e: {  	[sflag:s14] =	ssyncset.done $0x0  }
0x7f: {  	[sflag:s14] =	ssyncadd.s32 $0xFFFFC000  }
0x80: {  	_ =	swait.ge [sflag:s26], $0x4000  }
0x81: {  	[sflag:s26] =	ssyncset.done $0x0  }
0x82: {  	[sflag:s26] =	ssyncadd.s32 $0xFFFFC000  }
0x83: {  	[spmem:s3] =	stream.indirect.scatter.add.f32 [tilespmem:s19], [sflag:$0x5], $0x80, s30, s18, $0xb8;
	[tilespmem:$0x1E800] =	vst v63  }
0x84: {  	_ =	swait.ge [sflag:s14], $0x4000  }
0x85: {  	[sflag:s14] =	ssyncset.done $0x0  }
0x86: {  	s12 =	sadd.s32 $0x280, s10;
	s2 =	simm.s32 $0x0;
	[sflag:s14] =	ssyncadd.s32 $0xFFFFC000  }
0x87: {  	[tilespmem:s2], [sflag:$0x3] =	stream.linear.gather [hbm4b:s12+s2], $0x1400, $0x38;
	[tilespmem:$0x1E800] =	vst v63  }
0x88: {  	s15 =	sadd.s32 $0x280, s11;
	s12 =	simm.s32 $0x1400  }
0x89: {  	[tilespmem:s12], [sflag:$0x4] =	stream.linear.gather [hbm4b:s15+s2], $0x1400, $0x38;
	[tilespmem:$0x1E800] =	vst v63  }
0x8a: {  	_ =	swait.ge [sflag:s16], $0x1400  }
0x8b: {  	[sflag:s16] =	ssyncset.done $0x0  }
0x8c: {  	[sflag:s16] =	ssyncadd.s32 $0xFFFFEC00  }
0x8d: {  	_ =	swait.ge [sflag:s17], $0x1400  }
0x8e: {  	[sflag:s17] =	ssyncset.done $0x0  }
0x8f: {  	[sflag:s17] =	ssyncadd.s32 $0xFFFFEC00  }
0x90: {  	[tilespmem:s13], [sflag:$0x1] =	stream.indirect.gather [hbm4b:s1+s18], $0x80, s2, s18, $0xb8;
	[tilespmem:$0x1E800] =	vst v63  }
0x91: {  	s15 =	simm.s32 $0x80  }
0x92: {  	[tilespmem:s19], [sflag:$0x2] =	stream.indirect.gather [hbm4b:s1+s18], $0x80, s15, s18, $0xb8;
	[tilespmem:$0x1E800] =	vst v63  }
0x93: {  	_ =	swait.ge [sflag:s25], $0x4000  }
0x94: {  	[sflag:s25] =	ssyncset.done $0x0  }
0x95: {  	s2 =	simm.s32 $0x1400;
	[sflag:s25] =	ssyncadd.s32 $0xFFFFC000  }
0x96: {  	[spmem:s3] =	stream.indirect.scatter.add.f32 [tilespmem:s13], [sflag:$0x5], $0x80, s2, s18, $0xb8;
	[tilespmem:$0x1E800] =	vst v63  }
0x97: {  	_ =	swait.ge [sflag:s14], $0x4000  }
0x98: {  	[sflag:s14] =	ssyncset.done $0x0  }
0x99: {  	s12 =	simm.s32 $0x100;
	[sflag:s14] =	ssyncadd.s32 $0xFFFFC000  }
0x9a: {  	[tilespmem:s13], [sflag:$0x1] =	stream.indirect.gather [hbm4b:s1+s18], $0x80, s12, s18, $0xb8;
	[tilespmem:$0x1E800] =	vst v63  }
0x9b: {  	_ =	swait.ge [sflag:s26], $0x4000  }
0x9c: {  	[sflag:s26] =	ssyncset.done $0x0  }
0x9d: {  	s15 =	simm.s32 $0x1480;
	[sflag:s26] =	ssyncadd.s32 $0xFFFFC000  }
0x9e: {  	[spmem:s3] =	stream.indirect.scatter.add.f32 [tilespmem:s19], [sflag:$0x5], $0x80, s15, s18, $0xb8;
	[tilespmem:$0x1E800] =	vst v63  }
0x9f: {  	_ =	swait.ge [sflag:s14], $0x4000  }
0xa0: {  	s31 =	simm.s32 $0x100;
	s2 =	simm.s32 $0x800;
	[sflag:s14] =	ssyncset.done $0x0  }
.LBB2_6:
0xa1: {  	s0 =	sadd.s32 $0x80, s31  }
0xa2: {  	[sflag:s14] =	ssyncadd.s32 $0xFFFFC000;
	s12 =	smov.u32 s2;
	s15 =	sadd.s32 $0x400, s2  }
0xa3: {  	[tilespmem:s19], [sflag:$0x2] =	stream.indirect.gather [hbm4b:s1+s18], $0x80, s0, s18, $0xb8;
	[tilespmem:$0x1E800] =	vst v63  }
0xa4: {  	p0 =	sne.s32 s2, $0x4800;
	_ =	swait.ge [sflag:s25], $0x4000  }
0xa5: {  	[sflag:s25] =	ssyncset.done $0x0  }
0xa6: {  	s0 =	sadd.s32 $0x1400, s31;
	[sflag:s25] =	ssyncadd.s32 $0xFFFFC000  }
0xa7: {  	[spmem:s3] =	stream.indirect.scatter.add.f32 [tilespmem:s13], [sflag:$0x5], $0x80, s0, s18, $0xb8;
	[tilespmem:$0x1E800] =	vst v63  }
0xa8: {  	_ =	swait.ge [sflag:s14], $0x4000  }
0xa9: {  	[sflag:s14] =	ssyncset.done $0x0  }
0xaa: {  	s0 =	sadd.s32 $0x100, s31;
	[sflag:s14] =	ssyncadd.s32 $0xFFFFC000  }
0xab: {  	[tilespmem:s13], [sflag:$0x1] =	stream.indirect.gather [hbm4b:s1+s18], $0x80, s0, s18, $0xb8;
	[tilespmem:$0x1E800] =	vst v63  }
0xac: {  	_ =	swait.ge [sflag:s26], $0x4000  }
.Ltmp2:
0xad: {  	[sflag:s26] =	ssyncset.done $0x0;
	(pc) =	sbr.rel @p0 .LBB2_6-.Ltmp2, $4  }
0xae: {  	s0 =	sadd.s32 $0x1480, s31;
	[sflag:s26] =	ssyncadd.s32 $0xFFFFC000  }
0xaf: {  	[spmem:s3] =	stream.indirect.scatter.add.f32 [tilespmem:s19], [sflag:$0x5], $0x80, s0, s18, $0xb8;
	[tilespmem:$0x1E800] =	vst v63  }
0xb0: {  	_ =	swait.ge [sflag:s14], $0x4000  }
0xb1: {  	s2 =	smov.u32 s15;
	s31 =	sshra.s32 s12, $0x2;
	[sflag:s14] =	ssyncset.done $0x0  }
0xb2: {  	s0 =	sadd.s32 $0x80, s31;
	[sflag:s14] =	ssyncadd.s32 $0xFFFFC000  }
0xb3: {  	[tilespmem:s19], [sflag:$0x2] =	stream.indirect.gather [hbm4b:s1+s18], $0x80, s0, s18, $0xb8;
	[tilespmem:$0x1E800] =	vst v63  }
0xb4: {  	_ =	swait.ge [sflag:s25], $0x4000  }
0xb5: {  	[sflag:s25] =	ssyncset.done $0x0  }
0xb6: {  	s12 =	sadd.s32 $0x1400, s31;
	[sflag:s25] =	ssyncadd.s32 $0xFFFFC000  }
0xb7: {  	[spmem:s3] =	stream.indirect.scatter.add.f32 [tilespmem:s13], [sflag:$0x5], $0x80, s12, s18, $0xb8;
	[tilespmem:$0x1E800] =	vst v63  }
0xb8: {  	_ =	swait.ge [sflag:s14], $0x4000  }
0xb9: {  	[sflag:s14] =	ssyncset.done $0x0  }
0xba: {  	s15 =	sadd.s32 $0x100, s31;
	[sflag:s14] =	ssyncadd.s32 $0xFFFFC000  }
0xbb: {  	[tilespmem:s13], [sflag:$0x1] =	stream.indirect.gather [hbm4b:s1+s18], $0x80, s15, s18, $0xb8;
	[tilespmem:$0x1E800] =	vst v63  }
0xbc: {  	_ =	swait.ge [sflag:s26], $0x4000  }
0xbd: {  	[sflag:s26] =	ssyncset.done $0x0  }
0xbe: {  	s2 =	sadd.s32 $0x1480, s31;
	[sflag:s26] =	ssyncadd.s32 $0xFFFFC000  }
0xbf: {  	[spmem:s3] =	stream.indirect.scatter.add.f32 [tilespmem:s19], [sflag:$0x5], $0x80, s2, s18, $0xb8;
	[tilespmem:$0x1E800] =	vst v63  }
0xc0: {  	_ =	swait.ge [sflag:s14], $0x4000  }
0xc1: {  	[sflag:s14] =	ssyncset.done $0x0  }
0xc2: {  	[sflag:s14] =	ssyncadd.s32 $0xFFFFC000  }
0xc3: {  	[tilespmem:s19], [sflag:$0x2] =	stream.indirect.gather [hbm4b:s1+s18], $0x80, s28, s18, $0xb8;
	[tilespmem:$0x1E800] =	vst v63  }
0xc4: {  	_ =	swait.ge [sflag:s25], $0x4000  }
0xc5: {  	[sflag:s25] =	ssyncset.done $0x0  }
0xc6: {  	[sflag:s25] =	ssyncadd.s32 $0xFFFFC000  }
0xc7: {  	[spmem:s3] =	stream.indirect.scatter.add.f32 [tilespmem:s13], [sflag:$0x5], $0x80, s29, s18, $0xb8;
	[tilespmem:$0x1E800] =	vst v63  }
0xc8: {  	_ =	swait.ge [sflag:s14], $0x4000  }
0xc9: {  	[sflag:s14] =	ssyncset.done $0x0  }
0xca: {  	[sflag:s14] =	ssyncadd.s32 $0xFFFFC000  }
0xcb: {  	_ =	swait.ge [sflag:s26], $0x4000  }
0xcc: {  	[sflag:s26] =	ssyncset.done $0x0  }
0xcd: {  	[sflag:s26] =	ssyncadd.s32 $0xFFFFC000  }
0xce: {  	[spmem:s3] =	stream.indirect.scatter.add.f32 [tilespmem:s19], [sflag:$0x5], $0x80, s30, s18, $0xb8;
	[tilespmem:$0x1E800] =	vst v63  }
0xcf: {  	_ =	swait.ge [sflag:s14], $0x4000  }
0xd0: {  	s12 =	stileid.u32;
	[sflag:s14] =	ssyncset.done $0x0  }
0xd1: {  	s0 =	sshll.u32 s12, $0x6;
	[sflag:s14] =	ssyncadd.s32 $0xFFFFC000  }
0xd2: {  	s0 =	sor.u32 $0x1C05, s0;
	s2 =	sshrl.u32 s5, $0x3;
	[bflag:$0x0] =	sbarrier.arrive $0xFFFF  }
0xd3: {  	[hbm:s20], [sflag:s0] =	dma.local [spmem:s2], $0x800  }
0xd4: {  	_ =	swait.ge [sflag:s14], $0x800  }
0xd5: {  	[sflag:s14] =	ssyncset.done $0x0  }
0xd6: {  	s15 =	sshrl.u32 s6, $0x3;
	[sflag:s14] =	ssyncadd.s32 $0xFFFFF800  }
0xd7: {  	[hbm:s21], [sflag:s0] =	dma.local [spmem:s15], $0x800  }
0xd8: {  	_ =	swait.ge [sflag:s14], $0x800  }
0xd9: {  	[sflag:s14] =	ssyncset.done $0x0  }
0xda: {  	s31 =	sshrl.u32 s7, $0x3;
	[sflag:s14] =	ssyncadd.s32 $0xFFFFF800  }
0xdb: {  	[hbm:s22], [sflag:s0] =	dma.local [spmem:s31], $0x800  }
0xdc: {  	_ =	swait.ge [sflag:s14], $0x800  }
0xdd: {  	[sflag:s14] =	ssyncset.done $0x0  }
0xde: {  	s12 =	sshrl.u32 s8, $0x3;
	[sflag:s14] =	ssyncadd.s32 $0xFFFFF800  }
0xdf: {  	[hbm:s23], [sflag:s0] =	dma.local [spmem:s12], $0x800  }
0xe0: {  	_ =	swait.ge [sflag:s14], $0x800  }
0xe1: {  	[sflag:s14] =	ssyncset.done $0x0  }
0xe2: {  	s15 =	sshrl.u32 s9, $0x3;
	[sflag:s14] =	ssyncadd.s32 $0xFFFFF800  }
0xe3: {  	[hbm:s24], [sflag:s0] =	dma.local [spmem:s15], $0x800  }
0xe4: {  	_ =	swait.ge [sflag:s14], $0x800  }
0xe5: {  	s4 =	sadd.s32 $0x1, s4;
	s31 =	rddreg [dreg:$0x4]  }
0xe6: {  	p0 =	sne.s32 s4, s31  }
.Ltmp3:
0xe7: {  	_ = 	snop;
	(pc) =	sbr.rel @p0 .LBB2_1-.Ltmp3, $3  }
0xe8: {  	_ =	sdelay $0x1  }
0xe9: {  	[sflag:s14] =	ssyncset.done $0x0  }
0xea: {  	[sflag:s14] =	ssyncadd.s32 $0xFFFFF800  }
0xeb: {  	_ =	sfence.sel $0x180000  }
0xec: {  	[bflag:$0x0] =	sbarrier.arrive $0xFFFF  }
0xed: {  	_ =	strace $0x9000004A  }
0xee: {  	s0 =	stileid.u32;
	[bflag:$0x2] =	sbarrier.arrive $0xFFFF  }
0xef: {  	p0 =	sne.s32 s0, $0x0;
	s0 =	rddreg [dreg:$0x3]  }
0xf0: {  	s0 =	sadd.s32 @!p0 $0x100000, s0  }
0xf1: {  	[sflag:s0] =	ssyncadd.tile.s32 @!p0 $0x1;
	_ =	shalt  }
.Lfunc_end2:
_tile_overlayer_lowered:
.L_overlay_start_2:
0xf2: {  	(tag) =	ssettag $0x2  }
0xf3: {  	s0 =	rddreg [dreg:$0x0];
	s2 =	stileid.u32  }
0xf4: {  	s1 =	rddreg [dreg:$0x1];
	p0 =	sne.s32 s2, $0x0  }
0xf5: {  	s3 =	rddreg [dreg:$0x2];
	[bflag:$0x3] =	sbarrier.arrive $0xFFFF;
	s2 =	simm.s32 @!p0 $0x1C05  }
0xf6: {  	[timem:s3], [sflag:s2] =	dma.local @!p0 [hbm:s0], s1  }
0xf7: {  	s0 =	simm.s32 @!p0 $0x5  }
0xf8: {  	_ =	swait.ge @!p0 [sflag:s0], s1  }
0xf9: {  	s1 =	ssub.s32 @!p0 $0x0, s1;
	[sflag:s0] =	ssyncset.done @!p0 $0x0  }
0xfa: {  	[sflag:s0] =	ssyncadd.s32 @!p0 s1  }
0xfb: {  	[bflag:$0x3] =	sbarrier.arrive $0xFFFF  }
0xfc: {  	_ =	shalt  }

// kernel: kernel.15.cloned.1.call-start
scs
__scs_entry_jumppad:
0x0: {  	(pc) =	sbr.rel $0x88, $3  }
0x1: {  	(tag) =	ssettag $0x0;
	lr =	simm.s32 $0x1  }
0x2: {  	[smem:$0x3F98] =	sst lr;
	_ =	strace $0xD0000000  }
0x3: {  	_ = 	snop  }
0x4: {  	_ = 	snop  }
0x5: {  	_ = 	snop  }
0x6: {  	_ = 	snop  }
0x7: {  	_ = 	snop  }
__scs_overlays_trampoline_lowered:
0x8: {  	[smem:$0x3FA7] =	sst s0  }
0x9: {  	[smem:$0x3FA8] =	sst s1  }
0xa: {  	[smem:$0x3FA9] =	sst s2  }
0xb: {  	[smem:$0x3FAA] =	sst s3  }
0xc: {  	[smem:$0x3FAB] =	sst s4  }
0xd: {  	[smem:$0x3FAC] =	sst s5  }
0xe: {  	[smem:$0x3FAD] =	sst s6  }
0xf: {  	[smem:$0x3FAE] =	sst s7  }
0x10: {  	[smem:$0x3FAF] =	sst s8  }
0x11: {  	[smem:$0x3FB0] =	sst s9;
	s0 =	simm.s32 @!p0 $0x0  }
0x12: {  	s1 =	sld [smem:$0x3F96];
	s0 =	simm.s32 @p0 $0x1  }
0x13: {  	[smem:$0x3FB1] =	sst s0;
	s0 =	simm.s32 @!p1 $0x0  }
0x14: {  	s2 =	sld [smem:$0x3F95];
	s0 =	simm.s32 @p1 $0x1  }
0x15: {  	[smem:$0x3FB2] =	sst s0;
	s0 =	simm.s32 @!p2 $0x0  }
0x16: {  	s3 =	sld [smem:$0x3FDB];
	s0 =	simm.s32 @p2 $0x1  }
0x17: {  	s4 =	simm.s32 $0x1BF5;
	[smem:$0x3FB4] =	sst s0  }
0x18: {  	s0 =	sld [smem:$0x3F97];
	_ =	swait.ge [sflag:s4], $0x0  }
0x19: {  	s7 =	sld [smem:$0x3F98]  }
0x1a: {  	s8 =	sadd.s32 $0xFFFFE003, lr  }
0x1b: {  	s9 =	sadd.s32 $0xFFFFFEF7, lr;
	s5 =	simm.s32 $0xFFFFFFFF;
	p2 =	slt.u32 s8, $0xFFFFF086  }
0x1c: {  	p1 =	slt.u32 s9, $0xF7A;
	s5 =	simm.s32 @!p2 $0x0  }
0x1d: {  	s5 =	simm.s32 @p1 $0x1;
	p0 =	seq.s32 s7, s2  }
0x1e: {  	s7 =	smul.u32 @!p0 $0xF7A, s2;
	p2 =	seq.s32 @!p0 s5, $0x0  }
0x1f: {  	s9 =	smul.u32 $0xF7A, s1;
	s8 =	simm.s32 @!p0 $0x1BF5;
	p2 =	por !p2, p0  }
0x20: {  	[sflag:s8] =	ssyncset.s32 @!p0 $0xFFFFF086;
	s6 =	sadd.s32 @!p0 s3, s7;
	s7 =	simm.s32 @!p0 $0x108  }
0x21: {  	s3 =	sadd.s32 s3, s9;
	s6 =	sadd.s32 @!p0 $0x88, s6;
	s7 =	simm.s32 @p2 $0x1082  }
0x22: {  	[simem:s7], [sflag:s8] =	dma.local @!p0 [hbm:s6], $0xF7A  }
0x23: {  	s9 =	sor.u32 $0xD0000000, s2;
	s6 =	simm.s32 $0x108;
	_ =	swait.ge @!p0 [sflag:s8], $0x0  }
0x24: {  	s3 =	sadd.s32 $0x88, s3;
	s6 =	simm.s32 @!p1 $0x1082;
	[sflag:s4] =	ssyncset.s32 $0xFFFFF086  }
0x25: {  	[simem:s6], [sflag:s4] =	dma.local [hbm:s3], $0xF7A  }
0x26: {  	[smem:$0x3F98] =	sst s1;
	(tag) =	ssettag s2;
	_ =	strace s9  }
0x27: {  	s1 =	sld [smem:$0x3FA8]  }
0x28: {  	s2 =	sld [smem:$0x3FA9]  }
0x29: {  	s4 =	sld [smem:$0x3FAB]  }
0x2a: {  	p0 =	seq.s32 s5, $0x0;
	s5 =	sld [smem:$0x3FAC]  }
0x2b: {  	s6 =	sld [smem:$0x3FAD]  }
0x2c: {  	s7 =	sld [smem:$0x3FAE]  }
0x2d: {  	s3 =	simm.s32 $0x108;
	s8 =	sld [smem:$0x3FAF]  }
0x2e: {  	s3 =	simm.s32 @!p0 $0x1082;
	s9 =	sld [smem:$0x3FB0]  }
0x2f: {  	lr =	sadd.s32 s0, s3;
	s0 =	sld [smem:$0x3FA7]  }
0x30: {  	s3 =	sld [smem:$0x3FAA]  }
0x31: {  	[smem:$0x3FB3] =	sst s10  }
0x32: {  	s10 =	sld [smem:$0x3FB1];
	_ =	sdelay $0x3  }
0x33: {  	p0 =	seq.s32 s10, $0x1;
	s10 =	sld [smem:$0x3FB3];
	_ =	sdelay $0x3  }
0x34: {  	[smem:$0x3FB3] =	sst s10  }
0x35: {  	s10 =	sld [smem:$0x3FB2];
	_ =	sdelay $0x3  }
0x36: {  	p1 =	seq.s32 s10, $0x1;
	s10 =	sld [smem:$0x3FB3];
	_ =	sdelay $0x3  }
0x37: {  	[smem:$0x3FB3] =	sst s10  }
0x38: {  	s10 =	sld [smem:$0x3FB4]  }
0x39: {  	_ = 	snop;
	(pc) =	sbr.ind lr, $3  }
0x3a: {  	_ = 	snop  }
0x3b: {  	_ = 	snop  }
0x3c: {  	p2 =	seq.s32 s10, $0x1;
	s10 =	sld [smem:$0x3FB3]  }
0x3d: {  	_ =	shalt  }
0x3e: {  	_ =	shalt  }
0x3f: {  	_ =	shalt  }
0x40: {  	_ =	shalt  }
0x41: {  	_ =	shalt  }
0x42: {  	_ =	shalt  }
0x43: {  	_ =	shalt  }
0x44: {  	_ =	shalt  }
0x45: {  	_ =	shalt  }
0x46: {  	_ =	shalt  }
0x47: {  	_ =	shalt  }
0x48: {  	_ =	shalt  }
0x49: {  	_ =	shalt  }
0x4a: {  	_ =	shalt  }
0x4b: {  	_ =	shalt  }
0x4c: {  	_ =	shalt  }
0x4d: {  	_ =	shalt  }
0x4e: {  	_ =	shalt  }
0x4f: {  	_ =	shalt  }
0x50: {  	_ =	shalt  }
0x51: {  	_ =	shalt  }
0x52: {  	_ =	shalt  }
0x53: {  	_ =	shalt  }
0x54: {  	_ =	shalt  }
0x55: {  	_ =	shalt  }
0x56: {  	_ =	shalt  }
0x57: {  	_ =	shalt  }
0x58: {  	_ =	shalt  }
0x59: {  	_ =	shalt  }
0x5a: {  	_ =	shalt  }
0x5b: {  	_ =	shalt  }
0x5c: {  	_ =	shalt  }
0x5d: {  	_ =	shalt  }
0x5e: {  	_ =	shalt  }
0x5f: {  	_ =	shalt  }
0x60: {  	_ =	shalt  }
0x61: {  	_ =	shalt  }
0x62: {  	_ =	shalt  }
0x63: {  	_ =	shalt  }
0x64: {  	_ =	shalt  }
0x65: {  	_ =	shalt  }
0x66: {  	_ =	shalt  }
0x67: {  	_ =	shalt  }
0x68: {  	_ =	shalt  }
0x69: {  	_ =	shalt  }
0x6a: {  	_ =	shalt  }
0x6b: {  	_ =	shalt  }
0x6c: {  	_ =	shalt  }
0x6d: {  	_ =	shalt  }
0x6e: {  	_ =	shalt  }
0x6f: {  	_ =	shalt  }
0x70: {  	_ =	shalt  }
0x71: {  	_ =	shalt  }
0x72: {  	_ =	shalt  }
0x73: {  	_ =	shalt  }
0x74: {  	_ =	shalt  }
0x75: {  	_ =	shalt  }
0x76: {  	_ =	shalt  }
0x77: {  	_ =	shalt  }
0x78: {  	_ =	shalt  }
0x79: {  	_ =	shalt  }
0x7a: {  	_ =	shalt  }
0x7b: {  	_ =	shalt  }
0x7c: {  	_ =	shalt  }
0x7d: {  	_ =	shalt  }
0x7e: {  	_ =	shalt  }
0x7f: {  	_ =	shalt  }
0x80: {  	_ =	shalt  }
0x81: {  	_ =	shalt  }
0x82: {  	_ =	shalt  }
0x83: {  	_ =	shalt  }
0x84: {  	_ =	shalt  }
0x85: {  	_ =	shalt  }
0x86: {  	_ =	shalt  }
0x87: {  	_ =	shalt  }
.Lfunc_end0:
.L_simem_size_0:
called_computation.2_lowered:
.L_overlay_start_0:
0x88: {  	s2 =	sld [smem:$0x3FD9]  }
0x89: {  	s3 =	sld [smem:$0x3FFE];
	_ =	sdelay $0x1  }
0x8a: {  	s1 =	srdreg.scid  }
0x8b: {  	s0 =	sand.u32 $0x1, s1  }
0x8c: {  	s17 =	sshll.u32 s0, $0xA;
	s2 =	sadd.s32 s3, s2  }
0x8d: {  	s2 =	sadd.s32 s2, s17  }
0x8e: {  	[smem:$0x3FBF] =	sst s2  }
0x8f: {  	_ = 	snop  }
0x90: {  	s2 =	sld [smem:$0x3FD0];
	(tm) =	ssettm $0x1  }
0x91: {  	s18 =	sld [smem:$0x3FFB];
	_ =	sdelay $0x3  }
0x92: {  	_ =	strace s18  }
0x93: {  	s3 =	sld [smem:$0x3FFC];
	_ =	sdelay $0x3  }
0x94: {  	_ =	strace s3  }
0x95: {  	s3 =	sld [smem:$0x3FFD];
	_ =	sdelay $0x3  }
0x96: {  	_ =	strace s3  }
0x97: {  	_ =	strace $0x8FFFFFFF  }
0x98: {  	s19 =	sld [smem:$0x3FDB];
	_ =	sdelay $0x1  }
0x99: {  	s4 =	simm.s32 $_scs_section_size  }
0x9a: {  	s5 =	simm.s32 $_size__tile_overlayer_lowered;
	s6 =	simm.s32 $_tile_overlayer_lowered  }
0x9b: {  	s22 =	simm.s32 $0x1BFF;
	s21 =	sshll.u32 s6, $0x1;
	s3 =	sadd.s32 s4, s19  }
0x9c: {  	s7 =	simm.s32 $0x0;
	s20 =	sshll.u32 s5, $0x1;
	s5 =	sadd.s32 s21, s3  }
0x9d: {  	[timem:s7], [sflag:s22] =	dma.local [hbm:s5], s20  }
0x9e: {  	_ =	swait.ge [sflag:s22], s20  }
0x9f: {  	s4 =	ssub.s32 $0x0, s20;
	[sflag:s22] =	ssyncset.done $0x0  }
0xa0: {  	[sflag:s22] =	ssyncadd.s32 s4;
	_ =	sdelay $0x1  }
0xa1: {  	s23 =	simm.s32 $0x1B8B  }
0xa2: {  	_ =	swait.ge [sflag:s23], $0x1  }
0xa3: {  	[sflag:s23] =	ssyncset.done $0x0  }
0xa4: {  	s25 =	simm.s32 $0x1B8E;
	s24 =	sld [smem:$0x3FFE];
	[sflag:s23] =	ssyncadd.s32 $0xFFFFFFFF  }
0xa5: {  	s26 =	simm.s32 $execute0_lowered;
	[smem:$0x3FD2] =	sst s25  }
0xa6: {  	s5 =	sshll.u32 s26, $0x1;
	_ =	strace $0x8000004C;
	[dreg:$0x1] =	wrdreg $0xFFFFFFFF  }
0xa7: {  	s28 =	simm.s32 $_size_execute0_lowered;
	s3 =	sadd.s32 s3, s5;
	[dreg:$0x0] =	wrdreg $0x0  }
0xa8: {  	s5 =	sshll.u32 s28, $0x1;
	[dreg:$0x2] =	wrdreg s3  }
0xa9: {  	[dreg:$0x3] =	wrdreg s5  }
0xaa: {  	[dreg:$0x4] =	wrdreg $0xC0  }
0xab: {  	_ =	task [dreg:s7], $0x5FFFF  }
0xac: {  	[dreg:$0x1] =	wrdreg $0xFFFFFFFF  }
0xad: {  	[dreg:$0x0] =	wrdreg $0x60  }
0xae: {  	[dreg:$0x2] =	wrdreg s2  }
0xaf: {  	[dreg:$0x3] =	wrdreg s24  }
0xb0: {  	[dreg:$0x4] =	wrdreg $0xA8000  }
0xb1: {  	[dreg:$0x5] =	wrdreg $0x9  }
0xb2: {  	_ =	task.clear_ibuf [dreg:s7], $0x6FFFF;
	_ =	strace $0x9000004C  }
0xb3: {  	s29 =	simm.s32 $0x9;
	_ =	strace $0x8000004E  }
0xb4: {  	_ =	swait.ge [sflag:s29], $0x1  }
0xb5: {  	[sflag:s29] =	ssyncadd.s32 $0xFFFFFFFF  }
0xb6: {  	_ =	strace $0x9000004E  }
0xb7: {  	_ =	sfence  }
0xb8: {  	s30 =	sld [smem:$0x0];
	_ =	sdelay $0x2  }
0xb9: {  	s31 =	sshll.u32 s1, $0xD;
	s1 =	sshrl.u32 s1, $0x2  }
0xba: {  	s3 =	sand.u32 $0x4000, s31;
	s1 =	sadd.s32 s1, s30  }
0xbb: {  	s0 =	sor.u32 s3, s0;
	s1 =	sshll.u32 s1, $0x11  }
0xbc: {  	s0 =	sor.u32 s1, s0  }
0xbd: {  	s0 =	sadd.s32 $0x8F2B, s0  }
0xbe: {  	[sflag:s0] =	ssyncadd.remote.s32 $0x1  }
0xbf: {  	_ =	sfence.sel $0xFFFF  }
0xc0: {  	[dreg:$0x0] =	wrdreg $0xFFFFFFFF;
	(pc) =	sbr.abs _section_cstart, $3  }
0xc1: {  	[dreg:$0x1] =	wrdreg $0xFFFFFFFF  }
0xc2: {  	_ =	task.clear_ibuf [dreg:s7], $0x2FFFF;
	_ =	strace $0x9FFFFFFF  }
0xc3: {  	(tm) =	ssettm $0x7FFFFFFF  }
tec
execute0_lowered:
.L_overlay_start_1:
0x0: {  	(tag) =	ssettag $0x1  }
0x1: {  	s0 =	srdreg.scid  }
0x2: {  	s1 =	rddreg [dreg:$0x0];
	s20 =	stileid.u32  }
0x3: {  	s5 =	rddreg [dreg:$0x1];
	s17 =	simm.s32 $0x4;
	s18 =	simm.s32 $0x80  }
0x4: {  	s19 =	simm.s32 $0x6800;
	s28 =	simm.s32 $0x1380;
	s8 =	smul.u32 $0x280, s20  }
0x5: {  	s29 =	simm.s32 $0x2700;
	s2 =	sand.u32 $0x1, s0;
	s9 =	smul.u32 $0x50000, s20  }
0x6: {  	s30 =	simm.s32 $0x2780;
	s3 =	sshll.u32 s2, $0x4;
	s7 =	smul.u32 $0x28000, s2  }
0x7: {  	s2 =	ssub.s32 $0x2, s2;
	s4 =	sor.u32 s20, s3;
	s3 =	rddreg [dreg:$0x2]  }
0x8: {  	s21 =	sshrl.u32 s2, $0x1;
	s22 =	sshrl.u32 s9, $0x2;
	s13 =	sadd.s32 $0x80, s8  }
0x9: {  	s14 =	sadd.s32 $0x100, s8;
	s15 =	sadd.s32 $0x180, s8;
	s20 =	smul.u32 $0x2800, s20  }
0xa: {  	s16 =	sadd.s32 $0x200, s8;
	s6 =	smul.u32 $0x500, s4;
	s4 =	simm.s32 $0x0  }
0xb: {  	s12 =	sadd.s32 s7, s5;
	s2 =	ssub.s32 s2, s21;
	s23 =	sshll.u32 s13, $0x7  }
0xc: {  	s24 =	sshll.u32 s14, $0x7;
	s25 =	sshll.u32 s15, $0x7;
	s26 =	sshll.u32 s16, $0x7  }
0xd: {  	s21 =	sshll.u32 s13, $0x4;
	s13 =	simm.s32 $0x2800;
	[smem:$0x7FF] =	sst s4  }
0xe: {  	s7 =	sadd.s32 s24, s3;
	s8 =	sadd.s32 s25, s3;
	s9 =	sadd.s32 s26, s3  }
0xf: {  	s24 =	sadd.s32 $0x16800, s12;
	s25 =	sshll.u32 s16, $0x4;
	s31 =	smax.u32 s2, $0x1  }
0x10: {  	s16 =	simm.s32 $0x3;
	s26 =	simm.s32 $0x2;
	_ =	strace $0x8000004D  }
0x11: {  	s11 =	sadd.s32 s6, s5;
	s5 =	sadd.s32 s22, s3;
	s6 =	sadd.s32 s23, s3  }
0x12: {  	s22 =	sshll.u32 s14, $0x4;
	s23 =	sshll.u32 s15, $0x4;
	[dreg:$0x4] =	wrdreg s31  }
0x13: {  	s14 =	simm.s32 $0x5;
	s20 =	sadd.s32 s20, s24;
	s21 =	sadd.s32 s21, s24  }
0x14: {  	s10 =	sadd.s32 $0xC800, s11;
	s11 =	sadd.s32 $0x2800, s11;
	s22 =	sadd.s32 s22, s24  }
0x15: {  	v0 =	vimm.f32 $0.0e+00;
	s23 =	sadd.s32 s23, s24;
	s24 =	sadd.s32 s25, s24;
	s25 =	simm.s32 $0x1  }
.LBB2_1:
0x16: {  	s31 =	simm.s32 $0x0;
	s2 =	simm.s32 $0x200  }
.LBB2_2:
0x17: {  	p0 =	sne.s32 s2, $0xFE00;
	[tilespmem:s31+$0x2870] =	vst v0  }
0x18: {  	[tilespmem:s31+$0x2800] =	vst v0  }
0x19: {  	[tilespmem:s31+$0x2810] =	vst v0  }
.Ltmp0:
0x1a: {  	[tilespmem:s31+$0x2820] =	vst v0;
	(pc) =	sbr.rel @p0 .LBB2_2-.Ltmp0, $4  }
0x1b: {  	[tilespmem:s31+$0x2830] =	vst v0  }
0x1c: {  	[tilespmem:s31+$0x2840] =	vst v0  }
0x1d: {  	[tilespmem:s31+$0x2850] =	vst v0  }
0x1e: {  	[tilespmem:s31+$0x2860] =	vst v0;
	s31 =	sshra.s32 s2, $0x2;
	s2 =	sadd.s32 $0x200, s2  }
0x1f: {  	[tilespmem:s31+$0x2870] =	vst v0  }
0x20: {  	[tilespmem:s31+$0x2800] =	vst v0  }
0x21: {  	[tilespmem:s31+$0x2810] =	vst v0  }
0x22: {  	[tilespmem:s31+$0x2820] =	vst v0  }
0x23: {  	[tilespmem:s31+$0x2830] =	vst v0  }
0x24: {  	[tilespmem:s31+$0x2840] =	vst v0  }
0x25: {  	[tilespmem:s31+$0x2850] =	vst v0  }
0x26: {  	[tilespmem:s31+$0x2860] =	vst v0  }
0x27: {  	[spmem:s5] =	stream.linear.scatter [tilespmem:s13], [sflag:$0x5], $0x4000, $0x38;
	[tilespmem:$0x1E800] =	vst v63  }
0x28: {  	_ =	swait.ge [sflag:s14], $0x4000  }
0x29: {  	[sflag:s14] =	ssyncset.done $0x0  }
0x2a: {  	[sflag:s14] =	ssyncadd.s32 $0xFFFFC000  }
0x2b: {  	[spmem:s6] =	stream.linear.scatter [tilespmem:s13], [sflag:$0x5], $0x4000, $0x38;
	[tilespmem:$0x1E800] =	vst v63  }
0x2c: {  	_ =	swait.ge [sflag:s14], $0x4000  }
0x2d: {  	[sflag:s14] =	ssyncset.done $0x0  }
0x2e: {  	[sflag:s14] =	ssyncadd.s32 $0xFFFFC000  }
0x2f: {  	[spmem:s7] =	stream.linear.scatter [tilespmem:s13], [sflag:$0x5], $0x4000, $0x38;
	[tilespmem:$0x1E800] =	vst v63  }
0x30: {  	_ =	swait.ge [sflag:s14], $0x4000  }
0x31: {  	[sflag:s14] =	ssyncset.done $0x0  }
0x32: {  	[sflag:s14] =	ssyncadd.s32 $0xFFFFC000  }
0x33: {  	[spmem:s8] =	stream.linear.scatter [tilespmem:s13], [sflag:$0x5], $0x4000, $0x38;
	[tilespmem:$0x1E800] =	vst v63  }
0x34: {  	_ =	swait.ge [sflag:s14], $0x4000  }
0x35: {  	[sflag:s14] =	ssyncset.done $0x0  }
0x36: {  	[sflag:s14] =	ssyncadd.s32 $0xFFFFC000  }
0x37: {  	[spmem:s9] =	stream.linear.scatter [tilespmem:s13], [sflag:$0x5], $0x4000, $0x38;
	[tilespmem:$0x1E800] =	vst v63  }
0x38: {  	_ =	swait.ge [sflag:s14], $0x4000  }
0x39: {  	[sflag:s14] =	ssyncset.done $0x0  }
0x3a: {  	s2 =	simm.s32 $0x0;
	[sflag:s14] =	ssyncadd.s32 $0xFFFFC000  }
0x3b: {  	[tilespmem:s2], [sflag:$0x3] =	stream.linear.gather [hbm4b:s10+s2], $0x1400, $0x38;
	[tilespmem:$0x1E800] =	vst v63  }
0x3c: {  	s0 =	simm.s32 $0x1400  }
0x3d: {  	[tilespmem:s0], [sflag:$0x4] =	stream.linear.gather [hbm4b:s11+s2], $0x1400, $0x38;
	[tilespmem:$0x1E800] =	vst v63  }
0x3e: {  	_ =	swait.ge [sflag:s16], $0x1400  }
0x3f: {  	[sflag:s16] =	ssyncset.done $0x0  }
0x40: {  	[sflag:s16] =	ssyncadd.s32 $0xFFFFEC00  }
0x41: {  	_ =	swait.ge [sflag:s17], $0x1400  }
0x42: {  	[sflag:s17] =	ssyncset.done $0x0  }
0x43: {  	[sflag:s17] =	ssyncadd.s32 $0xFFFFEC00  }
0x44: {  	[bflag:$0x0] =	sbarrier.arrive $0xFFFF  }
0x45: {  	[tilespmem:s13], [sflag:$0x1] =	stream.indirect.gather [hbm4b:s1+s18], $0x80, s2, s18, $0xb8;
	[tilespmem:$0x1E800] =	vst v63  }
0x46: {  	s15 =	simm.s32 $0x80  }
0x47: {  	[tilespmem:s19], [sflag:$0x2] =	stream.indirect.gather [hbm4b:s1+s18], $0x80, s15, s18, $0xb8;
	[tilespmem:$0x1E800] =	vst v63  }
0x48: {  	_ =	swait.ge [sflag:s25], $0x4000  }
0x49: {  	[sflag:s25] =	ssyncset.done $0x0  }
0x4a: {  	s0 =	simm.s32 $0x1400;
	[sflag:s25] =	ssyncadd.s32 $0xFFFFC000  }
0x4b: {  	[spmem:s3] =	stream.indirect.scatter.add.f32 [tilespmem:s13], [sflag:$0x5], $0x80, s0, s18, $0xb8;
	[tilespmem:$0x1E800] =	vst v63  }
0x4c: {  	_ =	swait.ge [sflag:s14], $0x4000  }
0x4d: {  	[sflag:s14] =	ssyncset.done $0x0  }
0x4e: {  	s12 =	simm.s32 $0x100;
	[sflag:s14] =	ssyncadd.s32 $0xFFFFC000  }
0x4f: {  	[tilespmem:s13], [sflag:$0x1] =	stream.indirect.gather [hbm4b:s1+s18], $0x80, s12, s18, $0xb8;
	[tilespmem:$0x1E800] =	vst v63  }
0x50: {  	_ =	swait.ge [sflag:s26], $0x4000  }
0x51: {  	[sflag:s26] =	ssyncset.done $0x0  }
0x52: {  	s15 =	simm.s32 $0x1480;
	[sflag:s26] =	ssyncadd.s32 $0xFFFFC000  }
0x53: {  	[spmem:s3] =	stream.indirect.scatter.add.f32 [tilespmem:s19], [sflag:$0x5], $0x80, s15, s18, $0xb8;
	[tilespmem:$0x1E800] =	vst v63  }
0x54: {  	_ =	swait.ge [sflag:s14], $0x4000  }
0x55: {  	s31 =	simm.s32 $0x100;
	s2 =	simm.s32 $0x800;
	[sflag:s14] =	ssyncset.done $0x0  }
.LBB2_4:
0x56: {  	s0 =	sadd.s32 $0x80, s31  }
0x57: {  	[sflag:s14] =	ssyncadd.s32 $0xFFFFC000;
	s15 =	smov.u32 s2;
	s12 =	sadd.s32 $0x400, s2  }
0x58: {  	[tilespmem:s19], [sflag:$0x2] =	stream.indirect.gather [hbm4b:s1+s18], $0x80, s0, s18, $0xb8;
	[tilespmem:$0x1E800] =	vst v63  }
0x59: {  	p0 =	sne.s32 s2, $0x4800;
	_ =	swait.ge [sflag:s25], $0x4000  }
0x5a: {  	[sflag:s25] =	ssyncset.done $0x0  }
0x5b: {  	s0 =	sadd.s32 $0x1400, s31;
	[sflag:s25] =	ssyncadd.s32 $0xFFFFC000  }
0x5c: {  	[spmem:s3] =	stream.indirect.scatter.add.f32 [tilespmem:s13], [sflag:$0x5], $0x80, s0, s18, $0xb8;
	[tilespmem:$0x1E800] =	vst v63  }
0x5d: {  	_ =	swait.ge [sflag:s14], $0x4000  }
0x5e: {  	[sflag:s14] =	ssyncset.done $0x0  }
0x5f: {  	s0 =	sadd.s32 $0x100, s31;
	[sflag:s14] =	ssyncadd.s32 $0xFFFFC000  }
0x60: {  	[tilespmem:s13], [sflag:$0x1] =	stream.indirect.gather [hbm4b:s1+s18], $0x80, s0, s18, $0xb8;
	[tilespmem:$0x1E800] =	vst v63  }
0x61: {  	_ =	swait.ge [sflag:s26], $0x4000  }
.Ltmp1:
0x62: {  	[sflag:s26] =	ssyncset.done $0x0;
	(pc) =	sbr.rel @p0 .LBB2_4-.Ltmp1, $4  }
0x63: {  	s0 =	sadd.s32 $0x1480, s31;
	[sflag:s26] =	ssyncadd.s32 $0xFFFFC000  }
0x64: {  	[spmem:s3] =	stream.indirect.scatter.add.f32 [tilespmem:s19], [sflag:$0x5], $0x80, s0, s18, $0xb8;
	[tilespmem:$0x1E800] =	vst v63  }
0x65: {  	_ =	swait.ge [sflag:s14], $0x4000  }
0x66: {  	s2 =	smov.u32 s12;
	s31 =	sshra.s32 s15, $0x2;
	[sflag:s14] =	ssyncset.done $0x0  }
0x67: {  	s0 =	sadd.s32 $0x80, s31;
	[sflag:s14] =	ssyncadd.s32 $0xFFFFC000  }
0x68: {  	[tilespmem:s19], [sflag:$0x2] =	stream.indirect.gather [hbm4b:s1+s18], $0x80, s0, s18, $0xb8;
	[tilespmem:$0x1E800] =	vst v63  }
0x69: {  	_ =	swait.ge [sflag:s25], $0x4000  }
0x6a: {  	[sflag:s25] =	ssyncset.done $0x0  }
0x6b: {  	s12 =	sadd.s32 $0x1400, s31;
	[sflag:s25] =	ssyncadd.s32 $0xFFFFC000  }
0x6c: {  	[spmem:s3] =	stream.indirect.scatter.add.f32 [tilespmem:s13], [sflag:$0x5], $0x80, s12, s18, $0xb8;
	[tilespmem:$0x1E800] =	vst v63  }
0x6d: {  	_ =	swait.ge [sflag:s14], $0x4000  }
0x6e: {  	[sflag:s14] =	ssyncset.done $0x0  }
0x6f: {  	s15 =	sadd.s32 $0x100, s31;
	[sflag:s14] =	ssyncadd.s32 $0xFFFFC000  }
0x70: {  	[tilespmem:s13], [sflag:$0x1] =	stream.indirect.gather [hbm4b:s1+s18], $0x80, s15, s18, $0xb8;
	[tilespmem:$0x1E800] =	vst v63  }
0x71: {  	_ =	swait.ge [sflag:s26], $0x4000  }
0x72: {  	[sflag:s26] =	ssyncset.done $0x0  }
0x73: {  	s2 =	sadd.s32 $0x1480, s31;
	[sflag:s26] =	ssyncadd.s32 $0xFFFFC000  }
0x74: {  	[spmem:s3] =	stream.indirect.scatter.add.f32 [tilespmem:s19], [sflag:$0x5], $0x80, s2, s18, $0xb8;
	[tilespmem:$0x1E800] =	vst v63  }
0x75: {  	_ =	swait.ge [sflag:s14], $0x4000  }
0x76: {  	[sflag:s14] =	ssyncset.done $0x0  }
0x77: {  	[sflag:s14] =	ssyncadd.s32 $0xFFFFC000  }
0x78: {  	[tilespmem:s19], [sflag:$0x2] =	stream.indirect.gather [hbm4b:s1+s18], $0x80, s28, s18, $0xb8;
	[tilespmem:$0x1E800] =	vst v63  }
0x79: {  	_ =	swait.ge [sflag:s25], $0x4000  }
0x7a: {  	[sflag:s25] =	ssyncset.done $0x0  }
0x7b: {  	[sflag:s25] =	ssyncadd.s32 $0xFFFFC000  }
0x7c: {  	[spmem:s3] =	stream.indirect.scatter.add.f32 [tilespmem:s13], [sflag:$0x5], $0x80, s29, s18, $0xb8;
	[tilespmem:$0x1E800] =	vst v63  }
0x7d: {  	_ =	swait.ge [sflag:s14], $0x4000  }
0x7e: {  	[sflag:s14] =	ssyncset.done $0x0  }
0x7f: {  	[sflag:s14] =	ssyncadd.s32 $0xFFFFC000  }
0x80: {  	_ =	swait.ge [sflag:s26], $0x4000  }
0x81: {  	[sflag:s26] =	ssyncset.done $0x0  }
0x82: {  	[sflag:s26] =	ssyncadd.s32 $0xFFFFC000  }
0x83: {  	[spmem:s3] =	stream.indirect.scatter.add.f32 [tilespmem:s19], [sflag:$0x5], $0x80, s30, s18, $0xb8;
	[tilespmem:$0x1E800] =	vst v63  }
0x84: {  	_ =	swait.ge [sflag:s14], $0x4000  }
0x85: {  	[sflag:s14] =	ssyncset.done $0x0  }
0x86: {  	s12 =	sadd.s32 $0x280, s10;
	s2 =	simm.s32 $0x0;
	[sflag:s14] =	ssyncadd.s32 $0xFFFFC000  }
0x87: {  	[tilespmem:s2], [sflag:$0x3] =	stream.linear.gather [hbm4b:s12+s2], $0x1400, $0x38;
	[tilespmem:$0x1E800] =	vst v63  }
0x88: {  	s15 =	sadd.s32 $0x280, s11;
	s12 =	simm.s32 $0x1400  }
0x89: {  	[tilespmem:s12], [sflag:$0x4] =	stream.linear.gather [hbm4b:s15+s2], $0x1400, $0x38;
	[tilespmem:$0x1E800] =	vst v63  }
0x8a: {  	_ =	swait.ge [sflag:s16], $0x1400  }
0x8b: {  	[sflag:s16] =	ssyncset.done $0x0  }
0x8c: {  	[sflag:s16] =	ssyncadd.s32 $0xFFFFEC00  }
0x8d: {  	_ =	swait.ge [sflag:s17], $0x1400  }
0x8e: {  	[sflag:s17] =	ssyncset.done $0x0  }
0x8f: {  	[sflag:s17] =	ssyncadd.s32 $0xFFFFEC00  }
0x90: {  	[tilespmem:s13], [sflag:$0x1] =	stream.indirect.gather [hbm4b:s1+s18], $0x80, s2, s18, $0xb8;
	[tilespmem:$0x1E800] =	vst v63  }
0x91: {  	s15 =	simm.s32 $0x80  }
0x92: {  	[tilespmem:s19], [sflag:$0x2] =	stream.indirect.gather [hbm4b:s1+s18], $0x80, s15, s18, $0xb8;
	[tilespmem:$0x1E800] =	vst v63  }
0x93: {  	_ =	swait.ge [sflag:s25], $0x4000  }
0x94: {  	[sflag:s25] =	ssyncset.done $0x0  }
0x95: {  	s2 =	simm.s32 $0x1400;
	[sflag:s25] =	ssyncadd.s32 $0xFFFFC000  }
0x96: {  	[spmem:s3] =	stream.indirect.scatter.add.f32 [tilespmem:s13], [sflag:$0x5], $0x80, s2, s18, $0xb8;
	[tilespmem:$0x1E800] =	vst v63  }
0x97: {  	_ =	swait.ge [sflag:s14], $0x4000  }
0x98: {  	[sflag:s14] =	ssyncset.done $0x0  }
0x99: {  	s12 =	simm.s32 $0x100;
	[sflag:s14] =	ssyncadd.s32 $0xFFFFC000  }
0x9a: {  	[tilespmem:s13], [sflag:$0x1] =	stream.indirect.gather [hbm4b:s1+s18], $0x80, s12, s18, $0xb8;
	[tilespmem:$0x1E800] =	vst v63  }
0x9b: {  	_ =	swait.ge [sflag:s26], $0x4000  }
0x9c: {  	[sflag:s26] =	ssyncset.done $0x0  }
0x9d: {  	s15 =	simm.s32 $0x1480;
	[sflag:s26] =	ssyncadd.s32 $0xFFFFC000  }
0x9e: {  	[spmem:s3] =	stream.indirect.scatter.add.f32 [tilespmem:s19], [sflag:$0x5], $0x80, s15, s18, $0xb8;
	[tilespmem:$0x1E800] =	vst v63  }
0x9f: {  	_ =	swait.ge [sflag:s14], $0x4000  }
0xa0: {  	s31 =	simm.s32 $0x100;
	s2 =	simm.s32 $0x800;
	[sflag:s14] =	ssyncset.done $0x0  }
.LBB2_6:
0xa1: {  	s0 =	sadd.s32 $0x80, s31  }
0xa2: {  	[sflag:s14] =	ssyncadd.s32 $0xFFFFC000;
	s12 =	smov.u32 s2;
	s15 =	sadd.s32 $0x400, s2  }
0xa3: {  	[tilespmem:s19], [sflag:$0x2] =	stream.indirect.gather [hbm4b:s1+s18], $0x80, s0, s18, $0xb8;
	[tilespmem:$0x1E800] =	vst v63  }
0xa4: {  	p0 =	sne.s32 s2, $0x4800;
	_ =	swait.ge [sflag:s25], $0x4000  }
0xa5: {  	[sflag:s25] =	ssyncset.done $0x0  }
0xa6: {  	s0 =	sadd.s32 $0x1400, s31;
	[sflag:s25] =	ssyncadd.s32 $0xFFFFC000  }
0xa7: {  	[spmem:s3] =	stream.indirect.scatter.add.f32 [tilespmem:s13], [sflag:$0x5], $0x80, s0, s18, $0xb8;
	[tilespmem:$0x1E800] =	vst v63  }
0xa8: {  	_ =	swait.ge [sflag:s14], $0x4000  }
0xa9: {  	[sflag:s14] =	ssyncset.done $0x0  }
0xaa: {  	s0 =	sadd.s32 $0x100, s31;
	[sflag:s14] =	ssyncadd.s32 $0xFFFFC000  }
0xab: {  	[tilespmem:s13], [sflag:$0x1] =	stream.indirect.gather [hbm4b:s1+s18], $0x80, s0, s18, $0xb8;
	[tilespmem:$0x1E800] =	vst v63  }
0xac: {  	_ =	swait.ge [sflag:s26], $0x4000  }
.Ltmp2:
0xad: {  	[sflag:s26] =	ssyncset.done $0x0;
	(pc) =	sbr.rel @p0 .LBB2_6-.Ltmp2, $4  }
0xae: {  	s0 =	sadd.s32 $0x1480, s31;
	[sflag:s26] =	ssyncadd.s32 $0xFFFFC000  }
0xaf: {  	[spmem:s3] =	stream.indirect.scatter.add.f32 [tilespmem:s19], [sflag:$0x5], $0x80, s0, s18, $0xb8;
	[tilespmem:$0x1E800] =	vst v63  }
0xb0: {  	_ =	swait.ge [sflag:s14], $0x4000  }
0xb1: {  	s2 =	smov.u32 s15;
	s31 =	sshra.s32 s12, $0x2;
	[sflag:s14] =	ssyncset.done $0x0  }
0xb2: {  	s0 =	sadd.s32 $0x80, s31;
	[sflag:s14] =	ssyncadd.s32 $0xFFFFC000  }
0xb3: {  	[tilespmem:s19], [sflag:$0x2] =	stream.indirect.gather [hbm4b:s1+s18], $0x80, s0, s18, $0xb8;
	[tilespmem:$0x1E800] =	vst v63  }
0xb4: {  	_ =	swait.ge [sflag:s25], $0x4000  }
0xb5: {  	[sflag:s25] =	ssyncset.done $0x0  }
0xb6: {  	s12 =	sadd.s32 $0x1400, s31;
	[sflag:s25] =	ssyncadd.s32 $0xFFFFC000  }
0xb7: {  	[spmem:s3] =	stream.indirect.scatter.add.f32 [tilespmem:s13], [sflag:$0x5], $0x80, s12, s18, $0xb8;
	[tilespmem:$0x1E800] =	vst v63  }
0xb8: {  	_ =	swait.ge [sflag:s14], $0x4000  }
0xb9: {  	[sflag:s14] =	ssyncset.done $0x0  }
0xba: {  	s15 =	sadd.s32 $0x100, s31;
	[sflag:s14] =	ssyncadd.s32 $0xFFFFC000  }
0xbb: {  	[tilespmem:s13], [sflag:$0x1] =	stream.indirect.gather [hbm4b:s1+s18], $0x80, s15, s18, $0xb8;
	[tilespmem:$0x1E800] =	vst v63  }
0xbc: {  	_ =	swait.ge [sflag:s26], $0x4000  }
0xbd: {  	[sflag:s26] =	ssyncset.done $0x0  }
0xbe: {  	s2 =	sadd.s32 $0x1480, s31;
	[sflag:s26] =	ssyncadd.s32 $0xFFFFC000  }
0xbf: {  	[spmem:s3] =	stream.indirect.scatter.add.f32 [tilespmem:s19], [sflag:$0x5], $0x80, s2, s18, $0xb8;
	[tilespmem:$0x1E800] =	vst v63  }
0xc0: {  	_ =	swait.ge [sflag:s14], $0x4000  }
0xc1: {  	[sflag:s14] =	ssyncset.done $0x0  }
0xc2: {  	[sflag:s14] =	ssyncadd.s32 $0xFFFFC000  }
0xc3: {  	[tilespmem:s19], [sflag:$0x2] =	stream.indirect.gather [hbm4b:s1+s18], $0x80, s28, s18, $0xb8;
	[tilespmem:$0x1E800] =	vst v63  }
0xc4: {  	_ =	swait.ge [sflag:s25], $0x4000  }
0xc5: {  	[sflag:s25] =	ssyncset.done $0x0  }
0xc6: {  	[sflag:s25] =	ssyncadd.s32 $0xFFFFC000  }
0xc7: {  	[spmem:s3] =	stream.indirect.scatter.add.f32 [tilespmem:s13], [sflag:$0x5], $0x80, s29, s18, $0xb8;
	[tilespmem:$0x1E800] =	vst v63  }
0xc8: {  	_ =	swait.ge [sflag:s14], $0x4000  }
0xc9: {  	[sflag:s14] =	ssyncset.done $0x0  }
0xca: {  	[sflag:s14] =	ssyncadd.s32 $0xFFFFC000  }
0xcb: {  	_ =	swait.ge [sflag:s26], $0x4000  }
0xcc: {  	[sflag:s26] =	ssyncset.done $0x0  }
0xcd: {  	[sflag:s26] =	ssyncadd.s32 $0xFFFFC000  }
0xce: {  	[spmem:s3] =	stream.indirect.scatter.add.f32 [tilespmem:s19], [sflag:$0x5], $0x80, s30, s18, $0xb8;
	[tilespmem:$0x1E800] =	vst v63  }
0xcf: {  	_ =	swait.ge [sflag:s14], $0x4000  }
0xd0: {  	s12 =	stileid.u32;
	[sflag:s14] =	ssyncset.done $0x0  }
0xd1: {  	s0 =	sshll.u32 s12, $0x6;
	[sflag:s14] =	ssyncadd.s32 $0xFFFFC000  }
0xd2: {  	s0 =	sor.u32 $0x1C05, s0;
	s2 =	sshrl.u32 s5, $0x3;
	[bflag:$0x0] =	sbarrier.arrive $0xFFFF  }
0xd3: {  	[hbm:s20], [sflag:s0] =	dma.local [spmem:s2], $0x800  }
0xd4: {  	_ =	swait.ge [sflag:s14], $0x800  }
0xd5: {  	[sflag:s14] =	ssyncset.done $0x0  }
0xd6: {  	s15 =	sshrl.u32 s6, $0x3;
	[sflag:s14] =	ssyncadd.s32 $0xFFFFF800  }
0xd7: {  	[hbm:s21], [sflag:s0] =	dma.local [spmem:s15], $0x800  }
0xd8: {  	_ =	swait.ge [sflag:s14], $0x800  }
0xd9: {  	[sflag:s14] =	ssyncset.done $0x0  }
0xda: {  	s31 =	sshrl.u32 s7, $0x3;
	[sflag:s14] =	ssyncadd.s32 $0xFFFFF800  }
0xdb: {  	[hbm:s22], [sflag:s0] =	dma.local [spmem:s31], $0x800  }
0xdc: {  	_ =	swait.ge [sflag:s14], $0x800  }
0xdd: {  	[sflag:s14] =	ssyncset.done $0x0  }
0xde: {  	s12 =	sshrl.u32 s8, $0x3;
	[sflag:s14] =	ssyncadd.s32 $0xFFFFF800  }
0xdf: {  	[hbm:s23], [sflag:s0] =	dma.local [spmem:s12], $0x800  }
0xe0: {  	_ =	swait.ge [sflag:s14], $0x800  }
0xe1: {  	[sflag:s14] =	ssyncset.done $0x0  }
0xe2: {  	s15 =	sshrl.u32 s9, $0x3;
	[sflag:s14] =	ssyncadd.s32 $0xFFFFF800  }
0xe3: {  	[hbm:s24], [sflag:s0] =	dma.local [spmem:s15], $0x800  }
0xe4: {  	_ =	swait.ge [sflag:s14], $0x800  }
0xe5: {  	s4 =	sadd.s32 $0x1, s4;
	s31 =	rddreg [dreg:$0x4]  }
0xe6: {  	p0 =	sne.s32 s4, s31  }
.Ltmp3:
0xe7: {  	_ = 	snop;
	(pc) =	sbr.rel @p0 .LBB2_1-.Ltmp3, $3  }
0xe8: {  	_ =	sdelay $0x1  }
0xe9: {  	[sflag:s14] =	ssyncset.done $0x0  }
0xea: {  	[sflag:s14] =	ssyncadd.s32 $0xFFFFF800  }
0xeb: {  	_ =	sfence.sel $0x180000  }
0xec: {  	[bflag:$0x0] =	sbarrier.arrive $0xFFFF  }
0xed: {  	_ =	strace $0x9000004D  }
0xee: {  	s0 =	stileid.u32;
	[bflag:$0x2] =	sbarrier.arrive $0xFFFF  }
0xef: {  	p0 =	sne.s32 s0, $0x0;
	s0 =	rddreg [dreg:$0x3]  }
0xf0: {  	s0 =	sadd.s32 @!p0 $0x100000, s0  }
0xf1: {  	[sflag:s0] =	ssyncadd.tile.s32 @!p0 $0x1;
	_ =	shalt  }
.Lfunc_end2:
_tile_overlayer_lowered:
.L_overlay_start_2:
0xf2: {  	(tag) =	ssettag $0x2  }
0xf3: {  	s0 =	rddreg [dreg:$0x0];
	s2 =	stileid.u32  }
0xf4: {  	s1 =	rddreg [dreg:$0x1];
	p0 =	sne.s32 s2, $0x0  }
0xf5: {  	s3 =	rddreg [dreg:$0x2];
	[bflag:$0x3] =	sbarrier.arrive $0xFFFF;
	s2 =	simm.s32 @!p0 $0x1C05  }
0xf6: {  	[timem:s3], [sflag:s2] =	dma.local @!p0 [hbm:s0], s1  }
0xf7: {  	s0 =	simm.s32 @!p0 $0x5  }
0xf8: {  	_ =	swait.ge @!p0 [sflag:s0], s1  }
0xf9: {  	s1 =	ssub.s32 @!p0 $0x0, s1;
	[sflag:s0] =	ssyncset.done @!p0 $0x0  }
0xfa: {  	[sflag:s0] =	ssyncadd.s32 @!p0 s1  }
0xfb: {  	[bflag:$0x3] =	sbarrier.arrive $0xFFFF  }
0xfc: {  	_ =	shalt  }

// kernel: kernel.9.cloned.1.call-start
scs
__scs_entry_jumppad:
0x0: {  	(pc) =	sbr.rel $0x88, $3  }
0x1: {  	(tag) =	ssettag $0x0;
	lr =	simm.s32 $0x1  }
0x2: {  	[smem:$0x3F98] =	sst lr;
	_ =	strace $0xD0000000  }
0x3: {  	_ = 	snop  }
0x4: {  	_ = 	snop  }
0x5: {  	_ = 	snop  }
0x6: {  	_ = 	snop  }
0x7: {  	_ = 	snop  }
__scs_overlays_trampoline_lowered:
0x8: {  	[smem:$0x3FA7] =	sst s0  }
0x9: {  	[smem:$0x3FA8] =	sst s1  }
0xa: {  	[smem:$0x3FA9] =	sst s2  }
0xb: {  	[smem:$0x3FAA] =	sst s3  }
0xc: {  	[smem:$0x3FAB] =	sst s4  }
0xd: {  	[smem:$0x3FAC] =	sst s5  }
0xe: {  	[smem:$0x3FAD] =	sst s6  }
0xf: {  	[smem:$0x3FAE] =	sst s7  }
0x10: {  	[smem:$0x3FAF] =	sst s8  }
0x11: {  	[smem:$0x3FB0] =	sst s9;
	s0 =	simm.s32 @!p0 $0x0  }
0x12: {  	s1 =	sld [smem:$0x3F96];
	s0 =	simm.s32 @p0 $0x1  }
0x13: {  	[smem:$0x3FB1] =	sst s0;
	s0 =	simm.s32 @!p1 $0x0  }
0x14: {  	s2 =	sld [smem:$0x3F95];
	s0 =	simm.s32 @p1 $0x1  }
0x15: {  	[smem:$0x3FB2] =	sst s0;
	s0 =	simm.s32 @!p2 $0x0  }
0x16: {  	s3 =	sld [smem:$0x3FDB];
	s0 =	simm.s32 @p2 $0x1  }
0x17: {  	s4 =	simm.s32 $0x1BF5;
	[smem:$0x3FB4] =	sst s0  }
0x18: {  	s0 =	sld [smem:$0x3F97];
	_ =	swait.ge [sflag:s4], $0x0  }
0x19: {  	s7 =	sld [smem:$0x3F98]  }
0x1a: {  	s8 =	sadd.s32 $0xFFFFE003, lr  }
0x1b: {  	s9 =	sadd.s32 $0xFFFFFEF7, lr;
	s5 =	simm.s32 $0xFFFFFFFF;
	p2 =	slt.u32 s8, $0xFFFFF086  }
0x1c: {  	p1 =	slt.u32 s9, $0xF7A;
	s5 =	simm.s32 @!p2 $0x0  }
0x1d: {  	s5 =	simm.s32 @p1 $0x1;
	p0 =	seq.s32 s7, s2  }
0x1e: {  	s7 =	smul.u32 @!p0 $0xF7A, s2;
	p2 =	seq.s32 @!p0 s5, $0x0  }
0x1f: {  	s9 =	smul.u32 $0xF7A, s1;
	s8 =	simm.s32 @!p0 $0x1BF5;
	p2 =	por !p2, p0  }
0x20: {  	[sflag:s8] =	ssyncset.s32 @!p0 $0xFFFFF086;
	s6 =	sadd.s32 @!p0 s3, s7;
	s7 =	simm.s32 @!p0 $0x108  }
0x21: {  	s3 =	sadd.s32 s3, s9;
	s6 =	sadd.s32 @!p0 $0x88, s6;
	s7 =	simm.s32 @p2 $0x1082  }
0x22: {  	[simem:s7], [sflag:s8] =	dma.local @!p0 [hbm:s6], $0xF7A  }
0x23: {  	s9 =	sor.u32 $0xD0000000, s2;
	s6 =	simm.s32 $0x108;
	_ =	swait.ge @!p0 [sflag:s8], $0x0  }
0x24: {  	s3 =	sadd.s32 $0x88, s3;
	s6 =	simm.s32 @!p1 $0x1082;
	[sflag:s4] =	ssyncset.s32 $0xFFFFF086  }
0x25: {  	[simem:s6], [sflag:s4] =	dma.local [hbm:s3], $0xF7A  }
0x26: {  	[smem:$0x3F98] =	sst s1;
	(tag) =	ssettag s2;
	_ =	strace s9  }
0x27: {  	s1 =	sld [smem:$0x3FA8]  }
0x28: {  	s2 =	sld [smem:$0x3FA9]  }
0x29: {  	s4 =	sld [smem:$0x3FAB]  }
0x2a: {  	p0 =	seq.s32 s5, $0x0;
	s5 =	sld [smem:$0x3FAC]  }
0x2b: {  	s6 =	sld [smem:$0x3FAD]  }
0x2c: {  	s7 =	sld [smem:$0x3FAE]  }
0x2d: {  	s3 =	simm.s32 $0x108;
	s8 =	sld [smem:$0x3FAF]  }
0x2e: {  	s3 =	simm.s32 @!p0 $0x1082;
	s9 =	sld [smem:$0x3FB0]  }
0x2f: {  	lr =	sadd.s32 s0, s3;
	s0 =	sld [smem:$0x3FA7]  }
0x30: {  	s3 =	sld [smem:$0x3FAA]  }
0x31: {  	[smem:$0x3FB3] =	sst s10  }
0x32: {  	s10 =	sld [smem:$0x3FB1];
	_ =	sdelay $0x3  }
0x33: {  	p0 =	seq.s32 s10, $0x1;
	s10 =	sld [smem:$0x3FB3];
	_ =	sdelay $0x3  }
0x34: {  	[smem:$0x3FB3] =	sst s10  }
0x35: {  	s10 =	sld [smem:$0x3FB2];
	_ =	sdelay $0x3  }
0x36: {  	p1 =	seq.s32 s10, $0x1;
	s10 =	sld [smem:$0x3FB3];
	_ =	sdelay $0x3  }
0x37: {  	[smem:$0x3FB3] =	sst s10  }
0x38: {  	s10 =	sld [smem:$0x3FB4]  }
0x39: {  	_ = 	snop;
	(pc) =	sbr.ind lr, $3  }
0x3a: {  	_ = 	snop  }
0x3b: {  	_ = 	snop  }
0x3c: {  	p2 =	seq.s32 s10, $0x1;
	s10 =	sld [smem:$0x3FB3]  }
0x3d: {  	_ =	shalt  }
0x3e: {  	_ =	shalt  }
0x3f: {  	_ =	shalt  }
0x40: {  	_ =	shalt  }
0x41: {  	_ =	shalt  }
0x42: {  	_ =	shalt  }
0x43: {  	_ =	shalt  }
0x44: {  	_ =	shalt  }
0x45: {  	_ =	shalt  }
0x46: {  	_ =	shalt  }
0x47: {  	_ =	shalt  }
0x48: {  	_ =	shalt  }
0x49: {  	_ =	shalt  }
0x4a: {  	_ =	shalt  }
0x4b: {  	_ =	shalt  }
0x4c: {  	_ =	shalt  }
0x4d: {  	_ =	shalt  }
0x4e: {  	_ =	shalt  }
0x4f: {  	_ =	shalt  }
0x50: {  	_ =	shalt  }
0x51: {  	_ =	shalt  }
0x52: {  	_ =	shalt  }
0x53: {  	_ =	shalt  }
0x54: {  	_ =	shalt  }
0x55: {  	_ =	shalt  }
0x56: {  	_ =	shalt  }
0x57: {  	_ =	shalt  }
0x58: {  	_ =	shalt  }
0x59: {  	_ =	shalt  }
0x5a: {  	_ =	shalt  }
0x5b: {  	_ =	shalt  }
0x5c: {  	_ =	shalt  }
0x5d: {  	_ =	shalt  }
0x5e: {  	_ =	shalt  }
0x5f: {  	_ =	shalt  }
0x60: {  	_ =	shalt  }
0x61: {  	_ =	shalt  }
0x62: {  	_ =	shalt  }
0x63: {  	_ =	shalt  }
0x64: {  	_ =	shalt  }
0x65: {  	_ =	shalt  }
0x66: {  	_ =	shalt  }
0x67: {  	_ =	shalt  }
0x68: {  	_ =	shalt  }
0x69: {  	_ =	shalt  }
0x6a: {  	_ =	shalt  }
0x6b: {  	_ =	shalt  }
0x6c: {  	_ =	shalt  }
0x6d: {  	_ =	shalt  }
0x6e: {  	_ =	shalt  }
0x6f: {  	_ =	shalt  }
0x70: {  	_ =	shalt  }
0x71: {  	_ =	shalt  }
0x72: {  	_ =	shalt  }
0x73: {  	_ =	shalt  }
0x74: {  	_ =	shalt  }
0x75: {  	_ =	shalt  }
0x76: {  	_ =	shalt  }
0x77: {  	_ =	shalt  }
0x78: {  	_ =	shalt  }
0x79: {  	_ =	shalt  }
0x7a: {  	_ =	shalt  }
0x7b: {  	_ =	shalt  }
0x7c: {  	_ =	shalt  }
0x7d: {  	_ =	shalt  }
0x7e: {  	_ =	shalt  }
0x7f: {  	_ =	shalt  }
0x80: {  	_ =	shalt  }
0x81: {  	_ =	shalt  }
0x82: {  	_ =	shalt  }
0x83: {  	_ =	shalt  }
0x84: {  	_ =	shalt  }
0x85: {  	_ =	shalt  }
0x86: {  	_ =	shalt  }
0x87: {  	_ =	shalt  }
.Lfunc_end0:
.L_simem_size_0:
called_computation_lowered:
.L_overlay_start_0:
0x88: {  	s2 =	sld [smem:$0x3FD9]  }
0x89: {  	s3 =	sld [smem:$0x3FFE];
	_ =	sdelay $0x1  }
0x8a: {  	s1 =	srdreg.scid  }
0x8b: {  	s0 =	sand.u32 $0x1, s1  }
0x8c: {  	s17 =	sshll.u32 s0, $0xA;
	s2 =	sadd.s32 s3, s2  }
0x8d: {  	s2 =	sadd.s32 s2, s17  }
0x8e: {  	[smem:$0x3FBF] =	sst s2  }
0x8f: {  	_ = 	snop  }
0x90: {  	s2 =	sld [smem:$0x3FD0];
	(tm) =	ssettm $0x1  }
0x91: {  	s18 =	sld [smem:$0x3FFB];
	_ =	sdelay $0x3  }
0x92: {  	_ =	strace s18  }
0x93: {  	s3 =	sld [smem:$0x3FFC];
	_ =	sdelay $0x3  }
0x94: {  	_ =	strace s3  }
0x95: {  	s3 =	sld [smem:$0x3FFD];
	_ =	sdelay $0x3  }
0x96: {  	_ =	strace s3  }
0x97: {  	_ =	strace $0x8FFFFFFF  }
0x98: {  	s19 =	sld [smem:$0x3FDB];
	_ =	sdelay $0x1  }
0x99: {  	s4 =	simm.s32 $_scs_section_size  }
0x9a: {  	s5 =	simm.s32 $_size__tile_overlayer_lowered;
	s6 =	simm.s32 $_tile_overlayer_lowered  }
0x9b: {  	s22 =	simm.s32 $0x1BFF;
	s21 =	sshll.u32 s6, $0x1;
	s3 =	sadd.s32 s4, s19  }
0x9c: {  	s7 =	simm.s32 $0x0;
	s20 =	sshll.u32 s5, $0x1;
	s5 =	sadd.s32 s21, s3  }
0x9d: {  	[timem:s7], [sflag:s22] =	dma.local [hbm:s5], s20  }
0x9e: {  	_ =	swait.ge [sflag:s22], s20  }
0x9f: {  	s4 =	ssub.s32 $0x0, s20;
	[sflag:s22] =	ssyncset.done $0x0  }
0xa0: {  	[sflag:s22] =	ssyncadd.s32 s4;
	_ =	sdelay $0x1  }
0xa1: {  	s23 =	simm.s32 $0x1B8B  }
0xa2: {  	_ =	swait.ge [sflag:s23], $0x1  }
0xa3: {  	[sflag:s23] =	ssyncset.done $0x0  }
0xa4: {  	s25 =	simm.s32 $0x1B8E;
	s24 =	sld [smem:$0x3FFE];
	[sflag:s23] =	ssyncadd.s32 $0xFFFFFFFF  }
0xa5: {  	s26 =	simm.s32 $execute0_lowered;
	[smem:$0x3FD2] =	sst s25  }
0xa6: {  	s5 =	sshll.u32 s26, $0x1;
	_ =	strace $0x80000046;
	[dreg:$0x1] =	wrdreg $0xFFFFFFFF  }
0xa7: {  	s28 =	simm.s32 $_size_execute0_lowered;
	s3 =	sadd.s32 s3, s5;
	[dreg:$0x0] =	wrdreg $0x0  }
0xa8: {  	s5 =	sshll.u32 s28, $0x1;
	[dreg:$0x2] =	wrdreg s3  }
0xa9: {  	[dreg:$0x3] =	wrdreg s5  }
0xaa: {  	[dreg:$0x4] =	wrdreg $0xC0  }
0xab: {  	_ =	task [dreg:s7], $0x5FFFF  }
0xac: {  	[dreg:$0x1] =	wrdreg $0xFFFFFFFF  }
0xad: {  	[dreg:$0x0] =	wrdreg $0x60  }
0xae: {  	[dreg:$0x2] =	wrdreg s2  }
0xaf: {  	[dreg:$0x3] =	wrdreg s24  }
0xb0: {  	[dreg:$0x4] =	wrdreg $0xA8000  }
0xb1: {  	[dreg:$0x5] =	wrdreg $0x9  }
0xb2: {  	_ =	task.clear_ibuf [dreg:s7], $0x6FFFF;
	_ =	strace $0x90000046  }
0xb3: {  	s29 =	simm.s32 $0x9;
	_ =	strace $0x80000048  }
0xb4: {  	_ =	swait.ge [sflag:s29], $0x1  }
0xb5: {  	[sflag:s29] =	ssyncadd.s32 $0xFFFFFFFF  }
0xb6: {  	_ =	strace $0x90000048  }
0xb7: {  	_ =	sfence  }
0xb8: {  	s30 =	sld [smem:$0x0];
	_ =	sdelay $0x2  }
0xb9: {  	s31 =	sshll.u32 s1, $0xD;
	s1 =	sshrl.u32 s1, $0x2  }
0xba: {  	s3 =	sand.u32 $0x4000, s31;
	s1 =	sadd.s32 s1, s30  }
0xbb: {  	s0 =	sor.u32 s3, s0;
	s1 =	sshll.u32 s1, $0x11  }
0xbc: {  	s0 =	sor.u32 s1, s0  }
0xbd: {  	s0 =	sadd.s32 $0x8F2B, s0  }
0xbe: {  	[sflag:s0] =	ssyncadd.remote.s32 $0x1  }
0xbf: {  	_ =	sfence.sel $0xFFFF  }
0xc0: {  	[dreg:$0x0] =	wrdreg $0xFFFFFFFF;
	(pc) =	sbr.abs _section_cstart, $3  }
0xc1: {  	[dreg:$0x1] =	wrdreg $0xFFFFFFFF  }
0xc2: {  	_ =	task.clear_ibuf [dreg:s7], $0x2FFFF;
	_ =	strace $0x9FFFFFFF  }
0xc3: {  	(tm) =	ssettm $0x7FFFFFFF  }
tec
execute0_lowered:
.L_overlay_start_1:
0x0: {  	(tag) =	ssettag $0x1  }
0x1: {  	s0 =	srdreg.scid  }
0x2: {  	s1 =	rddreg [dreg:$0x0];
	s20 =	stileid.u32  }
0x3: {  	s5 =	rddreg [dreg:$0x1];
	s17 =	simm.s32 $0x4;
	s18 =	simm.s32 $0x80  }
0x4: {  	s19 =	simm.s32 $0x6800;
	s28 =	simm.s32 $0x1380;
	s8 =	smul.u32 $0x280, s20  }
0x5: {  	s29 =	simm.s32 $0x2700;
	s2 =	sand.u32 $0x1, s0;
	s9 =	smul.u32 $0x50000, s20  }
0x6: {  	s30 =	simm.s32 $0x2780;
	s3 =	sshll.u32 s2, $0x4;
	s7 =	smul.u32 $0x28000, s2  }
0x7: {  	s2 =	ssub.s32 $0x2, s2;
	s4 =	sor.u32 s20, s3;
	s3 =	rddreg [dreg:$0x2]  }
0x8: {  	s21 =	sshrl.u32 s2, $0x1;
	s22 =	sshrl.u32 s9, $0x2;
	s13 =	sadd.s32 $0x80, s8  }
0x9: {  	s14 =	sadd.s32 $0x100, s8;
	s15 =	sadd.s32 $0x180, s8;
	s20 =	smul.u32 $0x2800, s20  }
0xa: {  	s16 =	sadd.s32 $0x200, s8;
	s6 =	smul.u32 $0x500, s4;
	s4 =	simm.s32 $0x0  }
0xb: {  	s12 =	sadd.s32 s7, s5;
	s2 =	ssub.s32 s2, s21;
	s23 =	sshll.u32 s13, $0x7  }
0xc: {  	s24 =	sshll.u32 s14, $0x7;
	s25 =	sshll.u32 s15, $0x7;
	s26 =	sshll.u32 s16, $0x7  }
0xd: {  	s21 =	sshll.u32 s13, $0x4;
	s13 =	simm.s32 $0x2800;
	[smem:$0x7FF] =	sst s4  }
0xe: {  	s7 =	sadd.s32 s24, s3;
	s8 =	sadd.s32 s25, s3;
	s9 =	sadd.s32 s26, s3  }
0xf: {  	s24 =	sadd.s32 $0x16800, s12;
	s25 =	sshll.u32 s16, $0x4;
	s31 =	smax.u32 s2, $0x1  }
0x10: {  	s16 =	simm.s32 $0x3;
	s26 =	simm.s32 $0x2;
	_ =	strace $0x80000047  }
0x11: {  	s11 =	sadd.s32 s6, s5;
	s5 =	sadd.s32 s22, s3;
	s6 =	sadd.s32 s23, s3  }
0x12: {  	s22 =	sshll.u32 s14, $0x4;
	s23 =	sshll.u32 s15, $0x4;
	[dreg:$0x4] =	wrdreg s31  }
0x13: {  	s14 =	simm.s32 $0x5;
	s20 =	sadd.s32 s20, s24;
	s21 =	sadd.s32 s21, s24  }
0x14: {  	s10 =	sadd.s32 $0xC800, s11;
	s11 =	sadd.s32 $0x2800, s11;
	s22 =	sadd.s32 s22, s24  }
0x15: {  	v0 =	vimm.f32 $0.0e+00;
	s23 =	sadd.s32 s23, s24;
	s24 =	sadd.s32 s25, s24;
	s25 =	simm.s32 $0x1  }
.LBB2_1:
0x16: {  	s31 =	simm.s32 $0x0;
	s2 =	simm.s32 $0x200  }
.LBB2_2:
0x17: {  	p0 =	sne.s32 s2, $0xFE00;
	[tilespmem:s31+$0x2870] =	vst v0  }
0x18: {  	[tilespmem:s31+$0x2800] =	vst v0  }
0x19: {  	[tilespmem:s31+$0x2810] =	vst v0  }
.Ltmp0:
0x1a: {  	[tilespmem:s31+$0x2820] =	vst v0;
	(pc) =	sbr.rel @p0 .LBB2_2-.Ltmp0, $4  }
0x1b: {  	[tilespmem:s31+$0x2830] =	vst v0  }
0x1c: {  	[tilespmem:s31+$0x2840] =	vst v0  }
0x1d: {  	[tilespmem:s31+$0x2850] =	vst v0  }
0x1e: {  	[tilespmem:s31+$0x2860] =	vst v0;
	s31 =	sshra.s32 s2, $0x2;
	s2 =	sadd.s32 $0x200, s2  }
0x1f: {  	[tilespmem:s31+$0x2870] =	vst v0  }
0x20: {  	[tilespmem:s31+$0x2800] =	vst v0  }
0x21: {  	[tilespmem:s31+$0x2810] =	vst v0  }
0x22: {  	[tilespmem:s31+$0x2820] =	vst v0  }
0x23: {  	[tilespmem:s31+$0x2830] =	vst v0  }
0x24: {  	[tilespmem:s31+$0x2840] =	vst v0  }
0x25: {  	[tilespmem:s31+$0x2850] =	vst v0  }
0x26: {  	[tilespmem:s31+$0x2860] =	vst v0  }
0x27: {  	[spmem:s5] =	stream.linear.scatter [tilespmem:s13], [sflag:$0x5], $0x4000, $0x38;
	[tilespmem:$0x1E800] =	vst v63  }
0x28: {  	_ =	swait.ge [sflag:s14], $0x4000  }
0x29: {  	[sflag:s14] =	ssyncset.done $0x0  }
0x2a: {  	[sflag:s14] =	ssyncadd.s32 $0xFFFFC000  }
0x2b: {  	[spmem:s6] =	stream.linear.scatter [tilespmem:s13], [sflag:$0x5], $0x4000, $0x38;
	[tilespmem:$0x1E800] =	vst v63  }
0x2c: {  	_ =	swait.ge [sflag:s14], $0x4000  }
0x2d: {  	[sflag:s14] =	ssyncset.done $0x0  }
0x2e: {  	[sflag:s14] =	ssyncadd.s32 $0xFFFFC000  }
0x2f: {  	[spmem:s7] =	stream.linear.scatter [tilespmem:s13], [sflag:$0x5], $0x4000, $0x38;
	[tilespmem:$0x1E800] =	vst v63  }
0x30: {  	_ =	swait.ge [sflag:s14], $0x4000  }
0x31: {  	[sflag:s14] =	ssyncset.done $0x0  }
0x32: {  	[sflag:s14] =	ssyncadd.s32 $0xFFFFC000  }
0x33: {  	[spmem:s8] =	stream.linear.scatter [tilespmem:s13], [sflag:$0x5], $0x4000, $0x38;
	[tilespmem:$0x1E800] =	vst v63  }
0x34: {  	_ =	swait.ge [sflag:s14], $0x4000  }
0x35: {  	[sflag:s14] =	ssyncset.done $0x0  }
0x36: {  	[sflag:s14] =	ssyncadd.s32 $0xFFFFC000  }
0x37: {  	[spmem:s9] =	stream.linear.scatter [tilespmem:s13], [sflag:$0x5], $0x4000, $0x38;
	[tilespmem:$0x1E800] =	vst v63  }
0x38: {  	_ =	swait.ge [sflag:s14], $0x4000  }
0x39: {  	[sflag:s14] =	ssyncset.done $0x0  }
0x3a: {  	s2 =	simm.s32 $0x0;
	[sflag:s14] =	ssyncadd.s32 $0xFFFFC000  }
0x3b: {  	[tilespmem:s2], [sflag:$0x3] =	stream.linear.gather [hbm4b:s10+s2], $0x1400, $0x38;
	[tilespmem:$0x1E800] =	vst v63  }
0x3c: {  	s0 =	simm.s32 $0x1400  }
0x3d: {  	[tilespmem:s0], [sflag:$0x4] =	stream.linear.gather [hbm4b:s11+s2], $0x1400, $0x38;
	[tilespmem:$0x1E800] =	vst v63  }
0x3e: {  	_ =	swait.ge [sflag:s16], $0x1400  }
0x3f: {  	[sflag:s16] =	ssyncset.done $0x0  }
0x40: {  	[sflag:s16] =	ssyncadd.s32 $0xFFFFEC00  }
0x41: {  	_ =	swait.ge [sflag:s17], $0x1400  }
0x42: {  	[sflag:s17] =	ssyncset.done $0x0  }
0x43: {  	[sflag:s17] =	ssyncadd.s32 $0xFFFFEC00  }
0x44: {  	[bflag:$0x0] =	sbarrier.arrive $0xFFFF  }
0x45: {  	[tilespmem:s13], [sflag:$0x1] =	stream.indirect.gather [hbm4b:s1+s18], $0x80, s2, s18, $0xb8;
	[tilespmem:$0x1E800] =	vst v63  }
0x46: {  	s15 =	simm.s32 $0x80  }
0x47: {  	[tilespmem:s19], [sflag:$0x2] =	stream.indirect.gather [hbm4b:s1+s18], $0x80, s15, s18, $0xb8;
	[tilespmem:$0x1E800] =	vst v63  }
0x48: {  	_ =	swait.ge [sflag:s25], $0x4000  }
0x49: {  	[sflag:s25] =	ssyncset.done $0x0  }
0x4a: {  	s0 =	simm.s32 $0x1400;
	[sflag:s25] =	ssyncadd.s32 $0xFFFFC000  }
0x4b: {  	[spmem:s3] =	stream.indirect.scatter.add.f32 [tilespmem:s13], [sflag:$0x5], $0x80, s0, s18, $0xb8;
	[tilespmem:$0x1E800] =	vst v63  }
0x4c: {  	_ =	swait.ge [sflag:s14], $0x4000  }
0x4d: {  	[sflag:s14] =	ssyncset.done $0x0  }
0x4e: {  	s12 =	simm.s32 $0x100;
	[sflag:s14] =	ssyncadd.s32 $0xFFFFC000  }
0x4f: {  	[tilespmem:s13], [sflag:$0x1] =	stream.indirect.gather [hbm4b:s1+s18], $0x80, s12, s18, $0xb8;
	[tilespmem:$0x1E800] =	vst v63  }
0x50: {  	_ =	swait.ge [sflag:s26], $0x4000  }
0x51: {  	[sflag:s26] =	ssyncset.done $0x0  }
0x52: {  	s15 =	simm.s32 $0x1480;
	[sflag:s26] =	ssyncadd.s32 $0xFFFFC000  }
0x53: {  	[spmem:s3] =	stream.indirect.scatter.add.f32 [tilespmem:s19], [sflag:$0x5], $0x80, s15, s18, $0xb8;
	[tilespmem:$0x1E800] =	vst v63  }
0x54: {  	_ =	swait.ge [sflag:s14], $0x4000  }
0x55: {  	s31 =	simm.s32 $0x100;
	s2 =	simm.s32 $0x800;
	[sflag:s14] =	ssyncset.done $0x0  }
.LBB2_4:
0x56: {  	s0 =	sadd.s32 $0x80, s31  }
0x57: {  	[sflag:s14] =	ssyncadd.s32 $0xFFFFC000;
	s15 =	smov.u32 s2;
	s12 =	sadd.s32 $0x400, s2  }
0x58: {  	[tilespmem:s19], [sflag:$0x2] =	stream.indirect.gather [hbm4b:s1+s18], $0x80, s0, s18, $0xb8;
	[tilespmem:$0x1E800] =	vst v63  }
0x59: {  	p0 =	sne.s32 s2, $0x4800;
	_ =	swait.ge [sflag:s25], $0x4000  }
0x5a: {  	[sflag:s25] =	ssyncset.done $0x0  }
0x5b: {  	s0 =	sadd.s32 $0x1400, s31;
	[sflag:s25] =	ssyncadd.s32 $0xFFFFC000  }
0x5c: {  	[spmem:s3] =	stream.indirect.scatter.add.f32 [tilespmem:s13], [sflag:$0x5], $0x80, s0, s18, $0xb8;
	[tilespmem:$0x1E800] =	vst v63  }
0x5d: {  	_ =	swait.ge [sflag:s14], $0x4000  }
0x5e: {  	[sflag:s14] =	ssyncset.done $0x0  }
0x5f: {  	s0 =	sadd.s32 $0x100, s31;
	[sflag:s14] =	ssyncadd.s32 $0xFFFFC000  }
0x60: {  	[tilespmem:s13], [sflag:$0x1] =	stream.indirect.gather [hbm4b:s1+s18], $0x80, s0, s18, $0xb8;
	[tilespmem:$0x1E800] =	vst v63  }
0x61: {  	_ =	swait.ge [sflag:s26], $0x4000  }
.Ltmp1:
0x62: {  	[sflag:s26] =	ssyncset.done $0x0;
	(pc) =	sbr.rel @p0 .LBB2_4-.Ltmp1, $4  }
0x63: {  	s0 =	sadd.s32 $0x1480, s31;
	[sflag:s26] =	ssyncadd.s32 $0xFFFFC000  }
0x64: {  	[spmem:s3] =	stream.indirect.scatter.add.f32 [tilespmem:s19], [sflag:$0x5], $0x80, s0, s18, $0xb8;
	[tilespmem:$0x1E800] =	vst v63  }
0x65: {  	_ =	swait.ge [sflag:s14], $0x4000  }
0x66: {  	s2 =	smov.u32 s12;
	s31 =	sshra.s32 s15, $0x2;
	[sflag:s14] =	ssyncset.done $0x0  }
0x67: {  	s0 =	sadd.s32 $0x80, s31;
	[sflag:s14] =	ssyncadd.s32 $0xFFFFC000  }
0x68: {  	[tilespmem:s19], [sflag:$0x2] =	stream.indirect.gather [hbm4b:s1+s18], $0x80, s0, s18, $0xb8;
	[tilespmem:$0x1E800] =	vst v63  }
0x69: {  	_ =	swait.ge [sflag:s25], $0x4000  }
0x6a: {  	[sflag:s25] =	ssyncset.done $0x0  }
0x6b: {  	s12 =	sadd.s32 $0x1400, s31;
	[sflag:s25] =	ssyncadd.s32 $0xFFFFC000  }
0x6c: {  	[spmem:s3] =	stream.indirect.scatter.add.f32 [tilespmem:s13], [sflag:$0x5], $0x80, s12, s18, $0xb8;
	[tilespmem:$0x1E800] =	vst v63  }
0x6d: {  	_ =	swait.ge [sflag:s14], $0x4000  }
0x6e: {  	[sflag:s14] =	ssyncset.done $0x0  }
0x6f: {  	s15 =	sadd.s32 $0x100, s31;
	[sflag:s14] =	ssyncadd.s32 $0xFFFFC000  }
0x70: {  	[tilespmem:s13], [sflag:$0x1] =	stream.indirect.gather [hbm4b:s1+s18], $0x80, s15, s18, $0xb8;
	[tilespmem:$0x1E800] =	vst v63  }
0x71: {  	_ =	swait.ge [sflag:s26], $0x4000  }
0x72: {  	[sflag:s26] =	ssyncset.done $0x0  }
0x73: {  	s2 =	sadd.s32 $0x1480, s31;
	[sflag:s26] =	ssyncadd.s32 $0xFFFFC000  }
0x74: {  	[spmem:s3] =	stream.indirect.scatter.add.f32 [tilespmem:s19], [sflag:$0x5], $0x80, s2, s18, $0xb8;
	[tilespmem:$0x1E800] =	vst v63  }
0x75: {  	_ =	swait.ge [sflag:s14], $0x4000  }
0x76: {  	[sflag:s14] =	ssyncset.done $0x0  }
0x77: {  	[sflag:s14] =	ssyncadd.s32 $0xFFFFC000  }
0x78: {  	[tilespmem:s19], [sflag:$0x2] =	stream.indirect.gather [hbm4b:s1+s18], $0x80, s28, s18, $0xb8;
	[tilespmem:$0x1E800] =	vst v63  }
0x79: {  	_ =	swait.ge [sflag:s25], $0x4000  }
0x7a: {  	[sflag:s25] =	ssyncset.done $0x0  }
0x7b: {  	[sflag:s25] =	ssyncadd.s32 $0xFFFFC000  }
0x7c: {  	[spmem:s3] =	stream.indirect.scatter.add.f32 [tilespmem:s13], [sflag:$0x5], $0x80, s29, s18, $0xb8;
	[tilespmem:$0x1E800] =	vst v63  }
0x7d: {  	_ =	swait.ge [sflag:s14], $0x4000  }
0x7e: {  	[sflag:s14] =	ssyncset.done $0x0  }
0x7f: {  	[sflag:s14] =	ssyncadd.s32 $0xFFFFC000  }
0x80: {  	_ =	swait.ge [sflag:s26], $0x4000  }
0x81: {  	[sflag:s26] =	ssyncset.done $0x0  }
0x82: {  	[sflag:s26] =	ssyncadd.s32 $0xFFFFC000  }
0x83: {  	[spmem:s3] =	stream.indirect.scatter.add.f32 [tilespmem:s19], [sflag:$0x5], $0x80, s30, s18, $0xb8;
	[tilespmem:$0x1E800] =	vst v63  }
0x84: {  	_ =	swait.ge [sflag:s14], $0x4000  }
0x85: {  	[sflag:s14] =	ssyncset.done $0x0  }
0x86: {  	s12 =	sadd.s32 $0x280, s10;
	s2 =	simm.s32 $0x0;
	[sflag:s14] =	ssyncadd.s32 $0xFFFFC000  }
0x87: {  	[tilespmem:s2], [sflag:$0x3] =	stream.linear.gather [hbm4b:s12+s2], $0x1400, $0x38;
	[tilespmem:$0x1E800] =	vst v63  }
0x88: {  	s15 =	sadd.s32 $0x280, s11;
	s12 =	simm.s32 $0x1400  }
0x89: {  	[tilespmem:s12], [sflag:$0x4] =	stream.linear.gather [hbm4b:s15+s2], $0x1400, $0x38;
	[tilespmem:$0x1E800] =	vst v63  }
0x8a: {  	_ =	swait.ge [sflag:s16], $0x1400  }
0x8b: {  	[sflag:s16] =	ssyncset.done $0x0  }
0x8c: {  	[sflag:s16] =	ssyncadd.s32 $0xFFFFEC00  }
0x8d: {  	_ =	swait.ge [sflag:s17], $0x1400  }
0x8e: {  	[sflag:s17] =	ssyncset.done $0x0  }
0x8f: {  	[sflag:s17] =	ssyncadd.s32 $0xFFFFEC00  }
0x90: {  	[tilespmem:s13], [sflag:$0x1] =	stream.indirect.gather [hbm4b:s1+s18], $0x80, s2, s18, $0xb8;
	[tilespmem:$0x1E800] =	vst v63  }
0x91: {  	s15 =	simm.s32 $0x80  }
0x92: {  	[tilespmem:s19], [sflag:$0x2] =	stream.indirect.gather [hbm4b:s1+s18], $0x80, s15, s18, $0xb8;
	[tilespmem:$0x1E800] =	vst v63  }
0x93: {  	_ =	swait.ge [sflag:s25], $0x4000  }
0x94: {  	[sflag:s25] =	ssyncset.done $0x0  }
0x95: {  	s2 =	simm.s32 $0x1400;
	[sflag:s25] =	ssyncadd.s32 $0xFFFFC000  }
0x96: {  	[spmem:s3] =	stream.indirect.scatter.add.f32 [tilespmem:s13], [sflag:$0x5], $0x80, s2, s18, $0xb8;
	[tilespmem:$0x1E800] =	vst v63  }
0x97: {  	_ =	swait.ge [sflag:s14], $0x4000  }
0x98: {  	[sflag:s14] =	ssyncset.done $0x0  }
0x99: {  	s12 =	simm.s32 $0x100;
	[sflag:s14] =	ssyncadd.s32 $0xFFFFC000  }
0x9a: {  	[tilespmem:s13], [sflag:$0x1] =	stream.indirect.gather [hbm4b:s1+s18], $0x80, s12, s18, $0xb8;
	[tilespmem:$0x1E800] =	vst v63  }
0x9b: {  	_ =	swait.ge [sflag:s26], $0x4000  }
0x9c: {  	[sflag:s26] =	ssyncset.done $0x0  }
0x9d: {  	s15 =	simm.s32 $0x1480;
	[sflag:s26] =	ssyncadd.s32 $0xFFFFC000  }
0x9e: {  	[spmem:s3] =	stream.indirect.scatter.add.f32 [tilespmem:s19], [sflag:$0x5], $0x80, s15, s18, $0xb8;
	[tilespmem:$0x1E800] =	vst v63  }
0x9f: {  	_ =	swait.ge [sflag:s14], $0x4000  }
0xa0: {  	s31 =	simm.s32 $0x100;
	s2 =	simm.s32 $0x800;
	[sflag:s14] =	ssyncset.done $0x0  }
.LBB2_6:
0xa1: {  	s0 =	sadd.s32 $0x80, s31  }
0xa2: {  	[sflag:s14] =	ssyncadd.s32 $0xFFFFC000;
	s12 =	smov.u32 s2;
	s15 =	sadd.s32 $0x400, s2  }
0xa3: {  	[tilespmem:s19], [sflag:$0x2] =	stream.indirect.gather [hbm4b:s1+s18], $0x80, s0, s18, $0xb8;
	[tilespmem:$0x1E800] =	vst v63  }
0xa4: {  	p0 =	sne.s32 s2, $0x4800;
	_ =	swait.ge [sflag:s25], $0x4000  }
0xa5: {  	[sflag:s25] =	ssyncset.done $0x0  }
0xa6: {  	s0 =	sadd.s32 $0x1400, s31;
	[sflag:s25] =	ssyncadd.s32 $0xFFFFC000  }
0xa7: {  	[spmem:s3] =	stream.indirect.scatter.add.f32 [tilespmem:s13], [sflag:$0x5], $0x80, s0, s18, $0xb8;
	[tilespmem:$0x1E800] =	vst v63  }
0xa8: {  	_ =	swait.ge [sflag:s14], $0x4000  }
0xa9: {  	[sflag:s14] =	ssyncset.done $0x0  }
0xaa: {  	s0 =	sadd.s32 $0x100, s31;
	[sflag:s14] =	ssyncadd.s32 $0xFFFFC000  }
0xab: {  	[tilespmem:s13], [sflag:$0x1] =	stream.indirect.gather [hbm4b:s1+s18], $0x80, s0, s18, $0xb8;
	[tilespmem:$0x1E800] =	vst v63  }
0xac: {  	_ =	swait.ge [sflag:s26], $0x4000  }
.Ltmp2:
0xad: {  	[sflag:s26] =	ssyncset.done $0x0;
	(pc) =	sbr.rel @p0 .LBB2_6-.Ltmp2, $4  }
0xae: {  	s0 =	sadd.s32 $0x1480, s31;
	[sflag:s26] =	ssyncadd.s32 $0xFFFFC000  }
0xaf: {  	[spmem:s3] =	stream.indirect.scatter.add.f32 [tilespmem:s19], [sflag:$0x5], $0x80, s0, s18, $0xb8;
	[tilespmem:$0x1E800] =	vst v63  }
0xb0: {  	_ =	swait.ge [sflag:s14], $0x4000  }
0xb1: {  	s2 =	smov.u32 s15;
	s31 =	sshra.s32 s12, $0x2;
	[sflag:s14] =	ssyncset.done $0x0  }
0xb2: {  	s0 =	sadd.s32 $0x80, s31;
	[sflag:s14] =	ssyncadd.s32 $0xFFFFC000  }
0xb3: {  	[tilespmem:s19], [sflag:$0x2] =	stream.indirect.gather [hbm4b:s1+s18], $0x80, s0, s18, $0xb8;
	[tilespmem:$0x1E800] =	vst v63  }
0xb4: {  	_ =	swait.ge [sflag:s25], $0x4000  }
0xb5: {  	[sflag:s25] =	ssyncset.done $0x0  }
0xb6: {  	s12 =	sadd.s32 $0x1400, s31;
	[sflag:s25] =	ssyncadd.s32 $0xFFFFC000  }
0xb7: {  	[spmem:s3] =	stream.indirect.scatter.add.f32 [tilespmem:s13], [sflag:$0x5], $0x80, s12, s18, $0xb8;
	[tilespmem:$0x1E800] =	vst v63  }
0xb8: {  	_ =	swait.ge [sflag:s14], $0x4000  }
0xb9: {  	[sflag:s14] =	ssyncset.done $0x0  }
0xba: {  	s15 =	sadd.s32 $0x100, s31;
	[sflag:s14] =	ssyncadd.s32 $0xFFFFC000  }
0xbb: {  	[tilespmem:s13], [sflag:$0x1] =	stream.indirect.gather [hbm4b:s1+s18], $0x80, s15, s18, $0xb8;
	[tilespmem:$0x1E800] =	vst v63  }
0xbc: {  	_ =	swait.ge [sflag:s26], $0x4000  }
0xbd: {  	[sflag:s26] =	ssyncset.done $0x0  }
0xbe: {  	s2 =	sadd.s32 $0x1480, s31;
	[sflag:s26] =	ssyncadd.s32 $0xFFFFC000  }
0xbf: {  	[spmem:s3] =	stream.indirect.scatter.add.f32 [tilespmem:s19], [sflag:$0x5], $0x80, s2, s18, $0xb8;
	[tilespmem:$0x1E800] =	vst v63  }
0xc0: {  	_ =	swait.ge [sflag:s14], $0x4000  }
0xc1: {  	[sflag:s14] =	ssyncset.done $0x0  }
0xc2: {  	[sflag:s14] =	ssyncadd.s32 $0xFFFFC000  }
0xc3: {  	[tilespmem:s19], [sflag:$0x2] =	stream.indirect.gather [hbm4b:s1+s18], $0x80, s28, s18, $0xb8;
	[tilespmem:$0x1E800] =	vst v63  }
0xc4: {  	_ =	swait.ge [sflag:s25], $0x4000  }
0xc5: {  	[sflag:s25] =	ssyncset.done $0x0  }
0xc6: {  	[sflag:s25] =	ssyncadd.s32 $0xFFFFC000  }
0xc7: {  	[spmem:s3] =	stream.indirect.scatter.add.f32 [tilespmem:s13], [sflag:$0x5], $0x80, s29, s18, $0xb8;
	[tilespmem:$0x1E800] =	vst v63  }
0xc8: {  	_ =	swait.ge [sflag:s14], $0x4000  }
0xc9: {  	[sflag:s14] =	ssyncset.done $0x0  }
0xca: {  	[sflag:s14] =	ssyncadd.s32 $0xFFFFC000  }
0xcb: {  	_ =	swait.ge [sflag:s26], $0x4000  }
0xcc: {  	[sflag:s26] =	ssyncset.done $0x0  }
0xcd: {  	[sflag:s26] =	ssyncadd.s32 $0xFFFFC000  }
0xce: {  	[spmem:s3] =	stream.indirect.scatter.add.f32 [tilespmem:s19], [sflag:$0x5], $0x80, s30, s18, $0xb8;
	[tilespmem:$0x1E800] =	vst v63  }
0xcf: {  	_ =	swait.ge [sflag:s14], $0x4000  }
0xd0: {  	s12 =	stileid.u32;
	[sflag:s14] =	ssyncset.done $0x0  }
0xd1: {  	s0 =	sshll.u32 s12, $0x6;
	[sflag:s14] =	ssyncadd.s32 $0xFFFFC000  }
0xd2: {  	s0 =	sor.u32 $0x1C05, s0;
	s2 =	sshrl.u32 s5, $0x3;
	[bflag:$0x0] =	sbarrier.arrive $0xFFFF  }
0xd3: {  	[hbm:s20], [sflag:s0] =	dma.local [spmem:s2], $0x800  }
0xd4: {  	_ =	swait.ge [sflag:s14], $0x800  }
0xd5: {  	[sflag:s14] =	ssyncset.done $0x0  }
0xd6: {  	s15 =	sshrl.u32 s6, $0x3;
	[sflag:s14] =	ssyncadd.s32 $0xFFFFF800  }
0xd7: {  	[hbm:s21], [sflag:s0] =	dma.local [spmem:s15], $0x800  }
0xd8: {  	_ =	swait.ge [sflag:s14], $0x800  }
0xd9: {  	[sflag:s14] =	ssyncset.done $0x0  }
0xda: {  	s31 =	sshrl.u32 s7, $0x3;
	[sflag:s14] =	ssyncadd.s32 $0xFFFFF800  }
0xdb: {  	[hbm:s22], [sflag:s0] =	dma.local [spmem:s31], $0x800  }
0xdc: {  	_ =	swait.ge [sflag:s14], $0x800  }
0xdd: {  	[sflag:s14] =	ssyncset.done $0x0  }
0xde: {  	s12 =	sshrl.u32 s8, $0x3;
	[sflag:s14] =	ssyncadd.s32 $0xFFFFF800  }
0xdf: {  	[hbm:s23], [sflag:s0] =	dma.local [spmem:s12], $0x800  }
0xe0: {  	_ =	swait.ge [sflag:s14], $0x800  }
0xe1: {  	[sflag:s14] =	ssyncset.done $0x0  }
0xe2: {  	s15 =	sshrl.u32 s9, $0x3;
	[sflag:s14] =	ssyncadd.s32 $0xFFFFF800  }
0xe3: {  	[hbm:s24], [sflag:s0] =	dma.local [spmem:s15], $0x800  }
0xe4: {  	_ =	swait.ge [sflag:s14], $0x800  }
0xe5: {  	s4 =	sadd.s32 $0x1, s4;
	s31 =	rddreg [dreg:$0x4]  }
0xe6: {  	p0 =	sne.s32 s4, s31  }
.Ltmp3:
0xe7: {  	_ = 	snop;
	(pc) =	sbr.rel @p0 .LBB2_1-.Ltmp3, $3  }
0xe8: {  	_ =	sdelay $0x1  }
0xe9: {  	[sflag:s14] =	ssyncset.done $0x0  }
0xea: {  	[sflag:s14] =	ssyncadd.s32 $0xFFFFF800  }
0xeb: {  	_ =	sfence.sel $0x180000  }
0xec: {  	[bflag:$0x0] =	sbarrier.arrive $0xFFFF  }
0xed: {  	_ =	strace $0x90000047  }
0xee: {  	s0 =	stileid.u32;
	[bflag:$0x2] =	sbarrier.arrive $0xFFFF  }
0xef: {  	p0 =	sne.s32 s0, $0x0;
	s0 =	rddreg [dreg:$0x3]  }
0xf0: {  	s0 =	sadd.s32 @!p0 $0x100000, s0  }
0xf1: {  	[sflag:s0] =	ssyncadd.tile.s32 @!p0 $0x1;
	_ =	shalt  }
.Lfunc_end2:
_tile_overlayer_lowered:
.L_overlay_start_2:
0xf2: {  	(tag) =	ssettag $0x2  }
0xf3: {  	s0 =	rddreg [dreg:$0x0];
	s2 =	stileid.u32  }
0xf4: {  	s1 =	rddreg [dreg:$0x1];
	p0 =	sne.s32 s2, $0x0  }
0xf5: {  	s3 =	rddreg [dreg:$0x2];
	[bflag:$0x3] =	sbarrier.arrive $0xFFFF;
	s2 =	simm.s32 @!p0 $0x1C05  }
0xf6: {  	[timem:s3], [sflag:s2] =	dma.local @!p0 [hbm:s0], s1  }
0xf7: {  	s0 =	simm.s32 @!p0 $0x5  }
0xf8: {  	_ =	swait.ge @!p0 [sflag:s0], s1  }
0xf9: {  	s1 =	ssub.s32 @!p0 $0x0, s1;
	[sflag:s0] =	ssyncset.done @!p0 $0x0  }
0xfa: {  	[sflag:s0] =	ssyncadd.s32 @!p0 s1  }
0xfb: {  	[bflag:$0x3] =	sbarrier.arrive $0xFFFF  }
0xfc: {  	_ =	shalt  }

</sc_bundles>
